<compile_context>
chip_gen: v7x
topology: tpu7x:2x2x1
jax: 0.10.2.dev20260603
libtpu: 0.0.44.dev20260713+nightly
codegen_flags: <defaults>
</compile_context>

<pallas_src>
import jax
import jax.numpy as jnp
from jax import lax
from jax.experimental import pallas as pl
from jax.experimental.pallas import tpu as pltpu
from jax.experimental.pallas import tpu_sc as plsc

N = 10000
E = 160000
D = 256
H = 256
C = 64

NC = 2
NS = 16
QW = H // 4
DW = 16

BM = 1000
RPT = 624
TAIL = N - NS * RPT
B = 125
K1 = (E // NS) // B
K2 = (E // (NC * NS)) // B

_F32 = jnp.float32


def _fill(ref, rows, cols, value):
    def row(i, carry):
        def col(k, carry2):
            ref[i, pl.ds(k * 16, 16)] = jnp.full((16,), value, _F32)
            return carry2
        lax.fori_loop(0, cols // 16, col, 0)
        return carry
    lax.fori_loop(0, rows, row, 0)


def _zero_slices(zbuf, brows, acc, base):
    nfull = RPT // brows
    rem = RPT - nfull * brows
    def blk(k, carry):
        pltpu.sync_copy(zbuf, acc.at[pl.ds(base + k * brows, brows)])
        return carry
    lax.fori_loop(0, nfull, blk, 0)
    if rem:
        pltpu.sync_copy(zbuf.at[pl.ds(0, rem)],
                        acc.at[pl.ds(base + nfull * brows, rem)])


def _edge_loop(p_ref, src_v, dst_v, acc_s, K, bufs, gsems, ssems, deg=None):
    nb = 4
    pltpu.async_copy(p_ref.at[src_v.at[0]], bufs[0], gsems[0])
    pltpu.async_copy(p_ref.at[src_v.at[1]], bufs[1], gsems[1])

    def step(t, carry):
        j0 = t * nb
        for b in range(nb):
            j = j0 + b
            bn = (b + 2) % nb
            nxt = j + 2

            @pl.when(nxt < K)
            def _():
                @pl.when(nxt >= nb)
                def _():
                    pltpu.make_async_copy(bufs[bn], acc_s.at[dst_v.at[j]],
                                          ssems[bn]).wait()
                pltpu.async_copy(p_ref.at[src_v.at[nxt]], bufs[bn], gsems[bn])

            pltpu.make_async_copy(p_ref.at[src_v.at[j]], bufs[b],
                                  gsems[b]).wait()
            pltpu.async_copy(bufs[b], acc_s.at[dst_v.at[j]], ssems[b],
                             add=True)
            if deg is not None:
                ones_v, deg_s, dsem = deg
                pltpu.async_copy(ones_v, deg_s.at[dst_v.at[j]], dsem, add=True)
        return carry
    lax.fori_loop(0, K // nb, step, 0)

    for b in range(nb):
        pltpu.make_async_copy(bufs[b], acc_s.at[dst_v.at[0]], ssems[b]).wait()
    if deg is not None:
        ones_v, deg_s, dsem = deg

        def drain(j, carry):
            pltpu.make_async_copy(ones_v, deg_s.at[dst_v.at[0]], dsem).wait()
            return carry
        lax.fori_loop(0, K, drain, 0)


def _sc_l1(p1q0, p1q1, p1q2, p1q3, ei,
           agg_out, deg_out,
           src_v, dst_v, bf0, bf1, bf2, bf3, ones_v, zdeg_v, acc_s, deg_s,
           g0, g1, g2, g3, s0, s1, s2, s3, dsem):
    c = lax.axis_index("c")
    s = lax.axis_index("s")
    bufs = (bf0, bf1, bf2, bf3)
    gsems = (g0, g1, g2, g3)
    ssems = (s0, s1, s2, s3)

    @pl.when(c == 0)
    def _():
        _fill(ones_v, B, DW, 1.0)
        _fill(zdeg_v, B, DW, 0.0)
        _zero_slices(zdeg_v, B, deg_s, s * RPT)

    @pl.when(jnp.logical_and(c == 0, s == 0))
    def _():
        pltpu.sync_copy(zdeg_v.at[pl.ds(0, TAIL)],
                        deg_s.at[pl.ds(NS * RPT, TAIL)])

    pltpu.sync_copy(ei.at[0, pl.ds(s * K1, K1)], src_v)
    pltpu.sync_copy(ei.at[1, pl.ds(s * K1, K1)], dst_v)

    def one_pass(p_ref, q, add_deg):
        _fill(bf0, B, QW, 0.0)
        _zero_slices(bf0, B, acc_s, s * RPT)

        @pl.when(s == 0)
        def _():
            pltpu.sync_copy(bf0.at[pl.ds(0, TAIL)],
                            acc_s.at[pl.ds(NS * RPT, TAIL)])

        plsc.subcore_barrier()
        _edge_loop(p_ref, src_v, dst_v, acc_s, K1, bufs, gsems, ssems,
                   deg=(ones_v, deg_s, dsem) if add_deg else None)

        plsc.subcore_barrier()
        pltpu.sync_copy(acc_s.at[pl.ds(s * RPT, RPT)],
                        agg_out.at[pl.ds(q * N + s * RPT, RPT)])

        @pl.when(s == 0)
        def _():
            pltpu.sync_copy(acc_s.at[pl.ds(NS * RPT, TAIL)],
                            agg_out.at[pl.ds(q * N + NS * RPT, TAIL)])

        plsc.subcore_barrier()

    @pl.when(c == 0)
    def _():
        one_pass(p1q0, 0, True)
        one_pass(p1q1, 1, False)

    @pl.when(c == 1)
    def _():
        one_pass(p1q2, 2, False)
        one_pass(p1q3, 3, False)

    @pl.when(c == 0)
    def _():
        pltpu.sync_copy(deg_s.at[pl.ds(s * RPT, RPT)],
                        deg_out.at[pl.ds(s * RPT, RPT)])

    @pl.when(jnp.logical_and(c == 0, s == 0))
    def _():
        pltpu.sync_copy(deg_s.at[pl.ds(NS * RPT, TAIL)],
                        deg_out.at[pl.ds(NS * RPT, TAIL)])


def _sc_l2(p2, ei,
           agg_out,
           src_v, dst_v, bf0, bf1, bf2, bf3, acc_s,
           g0, g1, g2, g3, s0, s1, s2, s3):
    c = lax.axis_index("c")
    s = lax.axis_index("s")
    wid = s * NC + c
    bufs = (bf0, bf1, bf2, bf3)
    _fill(bf0, B, C, 0.0)
    _zero_slices(bf0, B, acc_s, s * RPT)

    @pl.when(s == 0)
    def _():
        pltpu.sync_copy(bf0.at[pl.ds(0, TAIL)],
                        acc_s.at[pl.ds(NS * RPT, TAIL)])

    pltpu.sync_copy(ei.at[0, pl.ds(wid * K2, K2)], src_v)
    pltpu.sync_copy(ei.at[1, pl.ds(wid * K2, K2)], dst_v)
    plsc.subcore_barrier()
    _edge_loop(p2, src_v, dst_v, acc_s, K2, bufs,
               (g0, g1, g2, g3), (s0, s1, s2, s3))

    plsc.subcore_barrier()
    pltpu.sync_copy(acc_s.at[pl.ds(s * RPT, RPT)],
                    agg_out.at[pl.ds(c * N + s * RPT, RPT)])

    @pl.when(s == 0)
    def _():
        pltpu.sync_copy(acc_s.at[pl.ds(NS * RPT, TAIL)],
                        agg_out.at[pl.ds(c * N + NS * RPT, TAIL)])


def _tc1(x_ref, wl_ref, wr_ref, q0_ref, q1_ref, q2_ref, q3_ref, xr_ref):
    xb = x_ref[...]
    p = jnp.dot(xb, wl_ref[...], preferred_element_type=_F32)
    q0_ref[...] = p[:, 0 * QW:1 * QW]
    q1_ref[...] = p[:, 1 * QW:2 * QW]
    q2_ref[...] = p[:, 2 * QW:3 * QW]
    q3_ref[...] = p[:, 3 * QW:4 * QW]
    xr_ref[...] = jnp.dot(xb, wr_ref[...], preferred_element_type=_F32)


def _tc2(a_ref, b_ref, c_ref, d_ref, deg_ref, xr_ref, b1_ref, wl2_ref, wr2_ref,
         b2_ref, p2_ref, hr_ref):
    agg = jnp.concatenate([a_ref[...], b_ref[...], c_ref[...], d_ref[...]],
                          axis=1)
    deg = jnp.maximum(deg_ref[...][:, 0:1], 1.0)
    h = jnp.maximum(agg / deg + xr_ref[...] + b1_ref[...], 0.0)
    p2_ref[...] = jnp.dot(h, wl2_ref[...], preferred_element_type=_F32)
    hr_ref[...] = jnp.dot(h, wr2_ref[...], preferred_element_type=_F32) + b2_ref[...]


def _tc3(a_ref, b_ref, deg_ref, hr_ref, out_ref):
    deg = jnp.maximum(deg_ref[...][:, 0:1], 1.0)
    v = (a_ref[...] + b_ref[...]) / deg + hr_ref[...]
    m = jnp.max(v, axis=1, keepdims=True)
    z = v - m
    lse = jnp.log(jnp.sum(jnp.exp(z), axis=1, keepdims=True))
    out_ref[...] = z - lse


def kernel(x, G2_edge_attr, G1_edge_attr_matrix, G3_edge_index, G3_edge_attr,
           W_l1, W_r1, b1, W_l2, W_r2, b2):
    ei = G3_edge_index.reshape(2, E // B, B)
    b1r = b1.reshape(1, H)
    b2r = b2.reshape(1, C)

    grid = (N // BM,)
    full = lambda i: (0, 0)
    rows = lambda i: (i, 0)
    rows_hi = lambda i: (N // BM + i, 0)

    p1q0, p1q1, p1q2, p1q3, xr1 = pl.pallas_call(
        _tc1,
        grid=grid,
        in_specs=[pl.BlockSpec((BM, D), rows),
                  pl.BlockSpec((D, H), full),
                  pl.BlockSpec((D, H), full)],
        out_specs=[pl.BlockSpec((BM, QW), rows),
                   pl.BlockSpec((BM, QW), rows),
                   pl.BlockSpec((BM, QW), rows),
                   pl.BlockSpec((BM, QW), rows),
                   pl.BlockSpec((BM, H), rows)],
        out_shape=[jax.ShapeDtypeStruct((N, QW), _F32),
                   jax.ShapeDtypeStruct((N, QW), _F32),
                   jax.ShapeDtypeStruct((N, QW), _F32),
                   jax.ShapeDtypeStruct((N, QW), _F32),
                   jax.ShapeDtypeStruct((N, H), _F32)],
    )(x, W_l1, W_r1)

    mesh = plsc.VectorSubcoreMesh(core_axis_name="c", subcore_axis_name="s")
    sc_params = pltpu.CompilerParams(use_tc_tiling_on_sc=False)
    dma = pltpu.SemaphoreType.DMA
    agg1, deg8 = pl.kernel(
        _sc_l1,
        compiler_params=sc_params,
        out_type=(jax.ShapeDtypeStruct((4 * N, QW), _F32),
                  jax.ShapeDtypeStruct((N, DW), _F32)),
        mesh=mesh,
        scratch_types=(
            (pltpu.VMEM((K1, B), jnp.int32),) * 2
            + (pltpu.VMEM((B, QW), _F32),) * 4
            + (pltpu.VMEM((B, DW), _F32),) * 2
            + (pltpu.VMEM_SHARED((N, QW), _F32),
               pltpu.VMEM_SHARED((N, DW), _F32))
            + (dma,) * 9
        ),
    )(p1q0, p1q1, p1q2, p1q3, ei)

    qrows = [lambda i, q=q: (q * (N // BM) + i, 0) for q in range(4)]
    p2, hr2 = pl.pallas_call(
        _tc2,
        grid=grid,
        in_specs=[pl.BlockSpec((BM, QW), qrows[0]),
                  pl.BlockSpec((BM, QW), qrows[1]),
                  pl.BlockSpec((BM, QW), qrows[2]),
                  pl.BlockSpec((BM, QW), qrows[3]),
                  pl.BlockSpec((BM, DW), rows),
                  pl.BlockSpec((BM, H), rows),
                  pl.BlockSpec((1, H), full),
                  pl.BlockSpec((H, C), full),
                  pl.BlockSpec((H, C), full),
                  pl.BlockSpec((1, C), full)],
        out_specs=[pl.BlockSpec((BM, C), rows),
                   pl.BlockSpec((BM, C), rows)],
        out_shape=[jax.ShapeDtypeStruct((N, C), _F32),
                   jax.ShapeDtypeStruct((N, C), _F32)],
    )(agg1, agg1, agg1, agg1, deg8, xr1, b1r, W_l2, W_r2, b2r)

    agg2 = pl.kernel(
        _sc_l2,
        compiler_params=sc_params,
        out_type=jax.ShapeDtypeStruct((2 * N, C), _F32),
        mesh=mesh,
        scratch_types=(
            (pltpu.VMEM((K2, B), jnp.int32),) * 2
            + (pltpu.VMEM((B, C), _F32),) * 4
            + (pltpu.VMEM_SHARED((N, C), _F32),)
            + (dma,) * 8
        ),
    )(p2, ei)

    out = pl.pallas_call(
        _tc3,
        grid=grid,
        in_specs=[pl.BlockSpec((BM, C), rows),
                  pl.BlockSpec((BM, C), rows_hi),
                  pl.BlockSpec((BM, DW), rows),
                  pl.BlockSpec((BM, C), rows)],
        out_specs=pl.BlockSpec((BM, C), rows),
        out_shape=jax.ShapeDtypeStruct((N, C), _F32),
    )(agg2, agg2, deg8, hr2)

    return out

# --- scband reference (transcript-rebuilt; emitter-appended) ---
"""Pipeline reference for scband-graph-sage-net-8890582303264 (READ-ONLY COPY).

The authoritative reference and input builder live on the scoring server;
editing this copy changes nothing except your own understanding.
"""

import jax, jax.numpy as jnp
import numpy as np

N = 10000
E = 160000
D = 256
H = 256
C = 64


def setup_inputs(seed: int = 0) -> dict:
    key = jax.random.key(seed)
    ks = jax.random.split(key, 12)
    x = jax.random.normal(ks[0], (N, D), dtype=jnp.float32)
    G3_edge_index = jax.random.randint(ks[1], (2, E), 0, N, dtype=jnp.int32)
    G2_edge_attr = jax.random.normal(ks[2], (E, 4), dtype=jnp.float32)
    G1_edge_attr_matrix = jax.random.normal(ks[3], (E, 4), dtype=jnp.float32)
    G3_edge_attr = jax.random.normal(ks[4], (E, 4), dtype=jnp.float32)
    # SAGEConv layer 1: lin_l (aggregated neighbors) + lin_r (root), bias on lin_l
    W_l1 = jax.random.normal(ks[5], (D, H), dtype=jnp.float32) * (1.0 / np.sqrt(D))
    W_r1 = jax.random.normal(ks[6], (D, H), dtype=jnp.float32) * (1.0 / np.sqrt(D))
    b1 = jnp.zeros((H,), dtype=jnp.float32)
    # SAGEConv layer 2
    W_l2 = jax.random.normal(ks[7], (H, C), dtype=jnp.float32) * (1.0 / np.sqrt(H))
    W_r2 = jax.random.normal(ks[8], (H, C), dtype=jnp.float32) * (1.0 / np.sqrt(H))
    b2 = jnp.zeros((C,), dtype=jnp.float32)
    return {
        "x": x,
        "G2_edge_attr": G2_edge_attr,
        "G1_edge_attr_matrix": G1_edge_attr_matrix,
        "G3_edge_index": G3_edge_index,
        "G3_edge_attr": G3_edge_attr,
        "W_l1": W_l1,
        "W_r1": W_r1,
        "b1": b1,
        "W_l2": W_l2,
        "W_r2": W_r2,
        "b2": b2,
    }


def _sage_conv(h, src, dst, deg, W_l, W_r, b):
    # mean aggregation of source features at destination nodes
    agg = jax.ops.segment_sum(h[src], dst, num_segments=N)
    agg = agg / deg[:, None]
    return agg @ W_l + h @ W_r + b


def reference(x, G2_edge_attr, G1_edge_attr_matrix, G3_edge_index, G3_edge_attr,
              W_l1, W_r1, b1, W_l2, W_r2, b2):
    # G2_edge_attr, G1_edge_attr_matrix, G3_edge_attr are unused (matches torch forward)
    src = G3_edge_index[0]
    dst = G3_edge_index[1]
    deg = jax.ops.segment_sum(jnp.ones((src.shape[0],), dtype=jnp.float32), dst, num_segments=N)
    deg = jnp.clip(deg, 1.0, None)
    h = _sage_conv(x, src, dst, deg, W_l1, W_r1, b1)
    h = jax.nn.relu(h)
    # dropout is identity in eval mode
    out = _sage_conv(h, src, dst, deg, W_l2, W_r2, b2)
    return jax.nn.log_softmax(out, axis=1)

if __name__ == "__main__":
    import jax
    _d = setup_inputs()
    print(jax.jit(kernel)(*tuple(_d.values())))

</pallas_src>

<mosaic_0001>
#map = affine_map<(d0, d1) -> (0, 0)>
#map1 = affine_map<(d0, d1) -> (0, 0, 0)>
module attributes {stable_mosaic.version = 14 : i64} {
  func.func @_sc_l1(%arg0: i32, %arg1: i32, %arg2: memref<10000x64xf32, #tpu.memory_space<hbm>>, %arg3: memref<10000x64xf32, #tpu.memory_space<hbm>>, %arg4: memref<10000x64xf32, #tpu.memory_space<hbm>>, %arg5: memref<10000x64xf32, #tpu.memory_space<hbm>>, %arg6: memref<2x1280x125xi32, #tpu.memory_space<hbm>>, %arg7: memref<40000x64xf32, #tpu.memory_space<hbm>>, %arg8: memref<10000x16xf32, #tpu.memory_space<hbm>>, %arg9: memref<80x125xi32, #tpu.memory_space<vmem>>, %arg10: memref<80x125xi32, #tpu.memory_space<vmem>>, %arg11: memref<125x64xf32, #tpu.memory_space<vmem>>, %arg12: memref<125x64xf32, #tpu.memory_space<vmem>>, %arg13: memref<125x64xf32, #tpu.memory_space<vmem>>, %arg14: memref<125x64xf32, #tpu.memory_space<vmem>>, %arg15: memref<125x16xf32, #tpu.memory_space<vmem>>, %arg16: memref<125x16xf32, #tpu.memory_space<vmem>>, %arg17: memref<10000x64xf32, #tpu.memory_space<vmem_shared>>, %arg18: memref<10000x16xf32, #tpu.memory_space<vmem_shared>>, %arg19: memref<!tpu.dma_semaphore, #tpu.memory_space<semaphore_mem>>, %arg20: memref<!tpu.dma_semaphore, #tpu.memory_space<semaphore_mem>>, %arg21: memref<!tpu.dma_semaphore, #tpu.memory_space<semaphore_mem>>, %arg22: memref<!tpu.dma_semaphore, #tpu.memory_space<semaphore_mem>>, %arg23: memref<!tpu.dma_semaphore, #tpu.memory_space<semaphore_mem>>, %arg24: memref<!tpu.dma_semaphore, #tpu.memory_space<semaphore_mem>>, %arg25: memref<!tpu.dma_semaphore, #tpu.memory_space<semaphore_mem>>, %arg26: memref<!tpu.dma_semaphore, #tpu.memory_space<semaphore_mem>>, %arg27: memref<!tpu.dma_semaphore, #tpu.memory_space<semaphore_mem>>) attributes {dimension_semantics = [#tpu.dimension_semantics<core_parallel>, #tpu.dimension_semantics<subcore_parallel>], iteration_bounds = array<i64: 2, 16>, scalar_prefetch = 0 : i64, scratch_operands = 19 : i64, tpu.core_type = #tpu.core_type<sc_vector_subcore>, window_params = [{transform_indices = #map}, {transform_indices = #map}, {transform_indices = #map}, {transform_indices = #map}, {transform_indices = #map1}, {transform_indices = #map}, {transform_indices = #map}]} {
    %eq3A = arith.constant 0 : i32
    %eq3A_0 = arith.cmpi eq, %arg0, %eq3A : i32
    %convert_element_type3A = arith.extui %eq3A_0 : i1 to i32
    %cond3A = arith.constant 0 : i32
    %cond3A_1 = arith.cmpi ne, %convert_element_type3A, %cond3A : i32
    scf.if %cond3A_1 {
      %scan3A = arith.constant 0 : i32
      %scan3A_36 = arith.constant 0 : i32
      %scan3A_37 = arith.constant 125 : i32
      %scan3A_38 = arith.addi %scan3A_36, %scan3A_37 : i32
      %scan3A_39 = arith.constant 1 : i32
      scf.for %scan3A_56 = %scan3A_36 to %scan3A_38 step %scan3A_39  : i32 {
        %scan3A_57 = arith.constant 0 : i32
        %scan3A_58 = arith.constant 0 : i32
        %broadcast_in_dim3A = arith.constant 1.000000e+00 : f32
        %broadcast_in_dim3A_59 = vector.broadcast %broadcast_in_dim3A : f32 to vector<16xf32>
        %mul3A_60 = arith.constant 16 : i32
        %mul3A_61 = arith.muli %scan3A_58, %mul3A_60 : i32
        %swap3A = arith.index_cast %scan3A_56 : i32 to index
        %swap3A_62 = arith.index_cast %mul3A_61 : i32 to index
        %swap3A_63 = tpu.vector_load %arg15[%swap3A, %swap3A_62] {strides = array<i32>} : memref<125x16xf32, #tpu.memory_space<vmem>>, vector<1x16xf32>,
        %swap3A_64 = vector.shape_cast %swap3A_63 : vector<1x16xf32> to vector<16xf32>
        %swap3A_65 = vector.shape_cast %broadcast_in_dim3A_59 : vector<16xf32> to vector<1x16xf32>
        tpu.vector_store %arg15[%swap3A, %swap3A_62], %swap3A_65 {strides = array<i32>} : memref<125x16xf32, #tpu.memory_space<vmem>>, vector<1x16xf32>,
        %scan3A_66 = arith.constant 1 : i32
      }
      %scan3A_40 = arith.constant 125 : i32
      %scan3A_41 = arith.constant 0 : i32
      %scan3A_42 = arith.constant 0 : i32
      %scan3A_43 = arith.constant 125 : i32
      %scan3A_44 = arith.addi %scan3A_42, %scan3A_43 : i32
      %scan3A_45 = arith.constant 1 : i32
      scf.for %scan3A_56 = %scan3A_42 to %scan3A_44 step %scan3A_45  : i32 {
        %scan3A_57 = arith.constant 0 : i32
        %scan3A_58 = arith.constant 0 : i32
        %broadcast_in_dim3A = arith.constant 0.000000e+00 : f32
        %broadcast_in_dim3A_59 = vector.broadcast %broadcast_in_dim3A : f32 to vector<16xf32>
        %mul3A_60 = arith.constant 16 : i32
        %mul3A_61 = arith.muli %scan3A_58, %mul3A_60 : i32
        %swap3A = arith.index_cast %scan3A_56 : i32 to index
        %swap3A_62 = arith.index_cast %mul3A_61 : i32 to index
        %swap3A_63 = tpu.vector_load %arg16[%swap3A, %swap3A_62] {strides = array<i32>} : memref<125x16xf32, #tpu.memory_space<vmem>>, vector<1x16xf32>,
        %swap3A_64 = vector.shape_cast %swap3A_63 : vector<1x16xf32> to vector<16xf32>
        %swap3A_65 = vector.shape_cast %broadcast_in_dim3A_59 : vector<16xf32> to vector<1x16xf32>
        tpu.vector_store %arg16[%swap3A, %swap3A_62], %swap3A_65 {strides = array<i32>} : memref<125x16xf32, #tpu.memory_space<vmem>>, vector<1x16xf32>,
        %scan3A_66 = arith.constant 1 : i32
      }
      %scan3A_46 = arith.constant 125 : i32
      %mul3A_47 = arith.constant 624 : i32
      %mul3A_48 = arith.muli %arg1, %mul3A_47 : i32
      %scan3A_49 = arith.constant 0 : i32
      %scan3A_50 = arith.constant 0 : i32
      %scan3A_51 = arith.constant 4 : i32
      %scan3A_52 = arith.addi %scan3A_50, %scan3A_51 : i32
      %scan3A_53 = arith.constant 1 : i32
      scf.for %scan3A_56 = %scan3A_50 to %scan3A_52 step %scan3A_53  : i32 {
        %mul3A_57 = arith.constant 125 : i32
        %mul3A_58 = arith.muli %scan3A_56, %mul3A_57 : i32
        %add3A_59 = arith.addi %mul3A_48, %mul3A_58 : i32
        "tpu.region"() ({
          %run_scoped3A_60 = tpu.sem_alloc : memref<!tpu.dma_semaphore, #tpu.memory_space<semaphore_mem>>
          %dma_start3A = arith.constant 0 : i32
          %dma_start3A_61 = tpu.memref_slice %arg18[%add3A_59, %dma_start3A] : memref<10000x16xf32, #tpu.memory_space<vmem_shared>> -> memref<125x16xf32, #tpu.memory_space<vmem_shared>>
          %dma_start3A_62 = arith.constant 0 : i32
          %dma_start3A_63 = tpu.memref_slice %arg18[%add3A_59, %dma_start3A_62] : memref<10000x16xf32, #tpu.memory_space<vmem_shared>> -> memref<125x16xf32, #tpu.memory_space<vmem_shared>>
          tpu.enqueue_dma source(%arg16 : memref<125x16xf32, #tpu.memory_space<vmem>>) target(%dma_start3A_63 : memref<125x16xf32, #tpu.memory_space<vmem_shared>>) target_semaphore(%run_scoped3A_60 : memref<!tpu.dma_semaphore, #tpu.memory_space<semaphore_mem>>)
          %dma_wait3A = arith.constant 0 : i32
          %dma_wait3A_64 = tpu.memref_slice %arg18[%add3A_59, %dma_wait3A] : memref<10000x16xf32, #tpu.memory_space<vmem_shared>> -> memref<125x16xf32, #tpu.memory_space<vmem_shared>>
          %dma_wait3A_65 = arith.constant 0 : i32
          %dma_wait3A_66 = tpu.memref_slice %arg18[%add3A_59, %dma_wait3A_65] : memref<10000x16xf32, #tpu.memory_space<vmem_shared>> -> memref<125x16xf32, #tpu.memory_space<vmem_shared>>
          tpu.wait_dma2 semaphore(%run_scoped3A_60 : memref<!tpu.dma_semaphore, #tpu.memory_space<semaphore_mem>>) src(%arg16 : memref<125x16xf32, #tpu.memory_space<vmem>>) dst(%dma_wait3A_66 : memref<125x16xf32, #tpu.memory_space<vmem_shared>>)
          tpu.yield
        }) : () -> ()
      }
      %scan3A_54 = arith.constant 4 : i32
      %add3A = arith.constant 500 : i32
      %add3A_55 = arith.addi %mul3A_48, %add3A : i32
      "tpu.region"() ({
        %run_scoped3A_56 = tpu.sem_alloc : memref<!tpu.dma_semaphore, #tpu.memory_space<semaphore_mem>>
        %dma_start3A = arith.constant 0 : i32
        %dma_start3A_57 = arith.constant 0 : i32
        %dma_start3A_58 = tpu.memref_slice %arg16[%dma_start3A, %dma_start3A_57] : memref<125x16xf32, #tpu.memory_space<vmem>> -> memref<124x16xf32, #tpu.memory_space<vmem>>
        %dma_start3A_59 = arith.constant 0 : i32
        %dma_start3A_60 = tpu.memref_slice %arg18[%add3A_55, %dma_start3A_59] : memref<10000x16xf32, #tpu.memory_space<vmem_shared>> -> memref<124x16xf32, #tpu.memory_space<vmem_shared>>
        %dma_start3A_61 = arith.constant 0 : i32
        %dma_start3A_62 = tpu.memref_slice %arg18[%add3A_55, %dma_start3A_61] : memref<10000x16xf32, #tpu.memory_space<vmem_shared>> -> memref<124x16xf32, #tpu.memory_space<vmem_shared>>
        %dma_start3A_63 = arith.constant 0 : i32
        %dma_start3A_64 = arith.constant 0 : i32
        %dma_start3A_65 = tpu.memref_slice %arg16[%dma_start3A_63, %dma_start3A_64] : memref<125x16xf32, #tpu.memory_space<vmem>> -> memref<124x16xf32, #tpu.memory_space<vmem>>
        tpu.enqueue_dma source(%dma_start3A_65 : memref<124x16xf32, #tpu.memory_space<vmem>>) target(%dma_start3A_62 : memref<124x16xf32, #tpu.memory_space<vmem_shared>>) target_semaphore(%run_scoped3A_56 : memref<!tpu.dma_semaphore, #tpu.memory_space<semaphore_mem>>)
        %dma_wait3A = arith.constant 0 : i32
        %dma_wait3A_66 = arith.constant 0 : i32
        %dma_wait3A_67 = tpu.memref_slice %arg16[%dma_wait3A, %dma_wait3A_66] : memref<125x16xf32, #tpu.memory_space<vmem>> -> memref<124x16xf32, #tpu.memory_space<vmem>>
        %dma_wait3A_68 = arith.constant 0 : i32
        %dma_wait3A_69 = tpu.memref_slice %arg18[%add3A_55, %dma_wait3A_68] : memref<10000x16xf32, #tpu.memory_space<vmem_shared>> -> memref<124x16xf32, #tpu.memory_space<vmem_shared>>
        %dma_wait3A_70 = arith.constant 0 : i32
        %dma_wait3A_71 = tpu.memref_slice %arg18[%add3A_55, %dma_wait3A_70] : memref<10000x16xf32, #tpu.memory_space<vmem_shared>> -> memref<124x16xf32, #tpu.memory_space<vmem_shared>>
        %dma_wait3A_72 = arith.constant 0 : i32
        %dma_wait3A_73 = arith.constant 0 : i32
        %dma_wait3A_74 = tpu.memref_slice %arg16[%dma_wait3A_72, %dma_wait3A_73] : memref<125x16xf32, #tpu.memory_space<vmem>> -> memref<124x16xf32, #tpu.memory_space<vmem>>
        tpu.wait_dma2 semaphore(%run_scoped3A_56 : memref<!tpu.dma_semaphore, #tpu.memory_space<semaphore_mem>>) src(%dma_wait3A_74 : memref<124x16xf32, #tpu.memory_space<vmem>>) dst(%dma_wait3A_71 : memref<124x16xf32, #tpu.memory_space<vmem_shared>>)
        tpu.yield
      }) : () -> ()
    } else {
    }
    %eq3A_2 = arith.constant 0 : i32
    %eq3A_3 = arith.cmpi eq, %arg0, %eq3A_2 : i32
    %eq3A_4 = arith.constant 0 : i32
    %eq3A_5 = arith.cmpi eq, %arg1, %eq3A_4 : i32
    %and3A = arith.andi %eq3A_3, %eq3A_5 : i1
    %convert_element_type3A_6 = arith.extui %and3A : i1 to i32
    %cond3A_7 = arith.constant 0 : i32
    %cond3A_8 = arith.cmpi ne, %convert_element_type3A_6, %cond3A_7 : i32
    scf.if %cond3A_8 {
      "tpu.region"() ({
        %run_scoped3A_36 = tpu.sem_alloc : memref<!tpu.dma_semaphore, #tpu.memory_space<semaphore_mem>>
        %dma_start3A = arith.constant 0 : i32
        %dma_start3A_37 = arith.constant 0 : i32
        %dma_start3A_38 = tpu.memref_slice %arg16[%dma_start3A, %dma_start3A_37] : memref<125x16xf32, #tpu.memory_space<vmem>> -> memref<16x16xf32, #tpu.memory_space<vmem>>
        %dma_start3A_39 = arith.constant 9984 : i32
        %dma_start3A_40 = arith.constant 0 : i32
        %dma_start3A_41 = tpu.memref_slice %arg18[%dma_start3A_39, %dma_start3A_40] : memref<10000x16xf32, #tpu.memory_space<vmem_shared>> -> memref<16x16xf32, #tpu.memory_space<vmem_shared>>
        %dma_start3A_42 = arith.constant 9984 : i32
        %dma_start3A_43 = arith.constant 0 : i32
        %dma_start3A_44 = tpu.memref_slice %arg18[%dma_start3A_42, %dma_start3A_43] : memref<10000x16xf32, #tpu.memory_space<vmem_shared>> -> memref<16x16xf32, #tpu.memory_space<vmem_shared>>
        %dma_start3A_45 = arith.constant 0 : i32
        %dma_start3A_46 = arith.constant 0 : i32
        %dma_start3A_47 = tpu.memref_slice %arg16[%dma_start3A_45, %dma_start3A_46] : memref<125x16xf32, #tpu.memory_space<vmem>> -> memref<16x16xf32, #tpu.memory_space<vmem>>
        tpu.enqueue_dma source(%dma_start3A_47 : memref<16x16xf32, #tpu.memory_space<vmem>>) target(%dma_start3A_44 : memref<16x16xf32, #tpu.memory_space<vmem_shared>>) target_semaphore(%run_scoped3A_36 : memref<!tpu.dma_semaphore, #tpu.memory_space<semaphore_mem>>)
        %dma_wait3A = arith.constant 0 : i32
        %dma_wait3A_48 = arith.constant 0 : i32
        %dma_wait3A_49 = tpu.memref_slice %arg16[%dma_wait3A, %dma_wait3A_48] : memref<125x16xf32, #tpu.memory_space<vmem>> -> memref<16x16xf32, #tpu.memory_space<vmem>>
        %dma_wait3A_50 = arith.constant 9984 : i32
        %dma_wait3A_51 = arith.constant 0 : i32
        %dma_wait3A_52 = tpu.memref_slice %arg18[%dma_wait3A_50, %dma_wait3A_51] : memref<10000x16xf32, #tpu.memory_space<vmem_shared>> -> memref<16x16xf32, #tpu.memory_space<vmem_shared>>
        %dma_wait3A_53 = arith.constant 9984 : i32
        %dma_wait3A_54 = arith.constant 0 : i32
        %dma_wait3A_55 = tpu.memref_slice %arg18[%dma_wait3A_53, %dma_wait3A_54] : memref<10000x16xf32, #tpu.memory_space<vmem_shared>> -> memref<16x16xf32, #tpu.memory_space<vmem_shared>>
        %dma_wait3A_56 = arith.constant 0 : i32
        %dma_wait3A_57 = arith.constant 0 : i32
        %dma_wait3A_58 = tpu.memref_slice %arg16[%dma_wait3A_56, %dma_wait3A_57] : memref<125x16xf32, #tpu.memory_space<vmem>> -> memref<16x16xf32, #tpu.memory_space<vmem>>
        tpu.wait_dma2 semaphore(%run_scoped3A_36 : memref<!tpu.dma_semaphore, #tpu.memory_space<semaphore_mem>>) src(%dma_wait3A_58 : memref<16x16xf32, #tpu.memory_space<vmem>>) dst(%dma_wait3A_55 : memref<16x16xf32, #tpu.memory_space<vmem_shared>>)
        tpu.yield
      }) : () -> ()
    } else {
    }
    %mul3A = arith.constant 80 : i32
    %mul3A_9 = arith.muli %arg1, %mul3A : i32
    %run_scoped3A = arith.constant 0 : i32
    "tpu.region"() ({
      %run_scoped3A_36 = tpu.sem_alloc : memref<!tpu.dma_semaphore, #tpu.memory_space<semaphore_mem>>
      %dma_start3A = arith.constant 0 : i32
      %dma_start3A_37 = tpu.memref_slice %arg6[%run_scoped3A, %mul3A_9, %dma_start3A] : memref<2x1280x125xi32, #tpu.memory_space<hbm>> -> memref<1x80x125xi32, #tpu.memory_space<hbm>>
      %dma_start3A_38 = tpu.memref_squeeze %dma_start3A_37 : memref<1x80x125xi32, #tpu.memory_space<hbm>> -> memref<80x125xi32, #tpu.memory_space<hbm>>
      %dma_start3A_39 = arith.constant 0 : i32
      %dma_start3A_40 = tpu.memref_slice %arg6[%run_scoped3A, %mul3A_9, %dma_start3A_39] : memref<2x1280x125xi32, #tpu.memory_space<hbm>> -> memref<1x80x125xi32, #tpu.memory_space<hbm>>
      %dma_start3A_41 = tpu.memref_squeeze %dma_start3A_40 : memref<1x80x125xi32, #tpu.memory_space<hbm>> -> memref<80x125xi32, #tpu.memory_space<hbm>>
      tpu.enqueue_dma source(%dma_start3A_41 : memref<80x125xi32, #tpu.memory_space<hbm>>) target(%arg9 : memref<80x125xi32, #tpu.memory_space<vmem>>) target_semaphore(%run_scoped3A_36 : memref<!tpu.dma_semaphore, #tpu.memory_space<semaphore_mem>>)
      %dma_wait3A = arith.constant 0 : i32
      %dma_wait3A_42 = tpu.memref_slice %arg6[%run_scoped3A, %mul3A_9, %dma_wait3A] : memref<2x1280x125xi32, #tpu.memory_space<hbm>> -> memref<1x80x125xi32, #tpu.memory_space<hbm>>
      %dma_wait3A_43 = tpu.memref_squeeze %dma_wait3A_42 : memref<1x80x125xi32, #tpu.memory_space<hbm>> -> memref<80x125xi32, #tpu.memory_space<hbm>>
      %dma_wait3A_44 = arith.constant 0 : i32
      %dma_wait3A_45 = tpu.memref_slice %arg6[%run_scoped3A, %mul3A_9, %dma_wait3A_44] : memref<2x1280x125xi32, #tpu.memory_space<hbm>> -> memref<1x80x125xi32, #tpu.memory_space<hbm>>
      %dma_wait3A_46 = tpu.memref_squeeze %dma_wait3A_45 : memref<1x80x125xi32, #tpu.memory_space<hbm>> -> memref<80x125xi32, #tpu.memory_space<hbm>>
      tpu.wait_dma2 semaphore(%run_scoped3A_36 : memref<!tpu.dma_semaphore, #tpu.memory_space<semaphore_mem>>) src(%dma_wait3A_46 : memref<80x125xi32, #tpu.memory_space<hbm>>) dst(%arg9 : memref<80x125xi32, #tpu.memory_space<vmem>>)
      tpu.yield
    }) : () -> ()
    %mul3A_10 = arith.constant 80 : i32
    %mul3A_11 = arith.muli %arg1, %mul3A_10 : i32
    %run_scoped3A_12 = arith.constant 1 : i32
    "tpu.region"() ({
      %run_scoped3A_36 = tpu.sem_alloc : memref<!tpu.dma_semaphore, #tpu.memory_space<semaphore_mem>>
      %dma_start3A = arith.constant 0 : i32
      %dma_start3A_37 = tpu.memref_slice %arg6[%run_scoped3A_12, %mul3A_11, %dma_start3A] : memref<2x1280x125xi32, #tpu.memory_space<hbm>> -> memref<1x80x125xi32, #tpu.memory_space<hbm>>
      %dma_start3A_38 = tpu.memref_squeeze %dma_start3A_37 : memref<1x80x125xi32, #tpu.memory_space<hbm>> -> memref<80x125xi32, #tpu.memory_space<hbm>>
      %dma_start3A_39 = arith.constant 0 : i32
      %dma_start3A_40 = tpu.memref_slice %arg6[%run_scoped3A_12, %mul3A_11, %dma_start3A_39] : memref<2x1280x125xi32, #tpu.memory_space<hbm>> -> memref<1x80x125xi32, #tpu.memory_space<hbm>>
      %dma_start3A_41 = tpu.memref_squeeze %dma_start3A_40 : memref<1x80x125xi32, #tpu.memory_space<hbm>> -> memref<80x125xi32, #tpu.memory_space<hbm>>
      tpu.enqueue_dma source(%dma_start3A_41 : memref<80x125xi32, #tpu.memory_space<hbm>>) target(%arg10 : memref<80x125xi32, #tpu.memory_space<vmem>>) target_semaphore(%run_scoped3A_36 : memref<!tpu.dma_semaphore, #tpu.memory_space<semaphore_mem>>)
      %dma_wait3A = arith.constant 0 : i32
      %dma_wait3A_42 = tpu.memref_slice %arg6[%run_scoped3A_12, %mul3A_11, %dma_wait3A] : memref<2x1280x125xi32, #tpu.memory_space<hbm>> -> memref<1x80x125xi32, #tpu.memory_space<hbm>>
      %dma_wait3A_43 = tpu.memref_squeeze %dma_wait3A_42 : memref<1x80x125xi32, #tpu.memory_space<hbm>> -> memref<80x125xi32, #tpu.memory_space<hbm>>
      %dma_wait3A_44 = arith.constant 0 : i32
      %dma_wait3A_45 = tpu.memref_slice %arg6[%run_scoped3A_12, %mul3A_11, %dma_wait3A_44] : memref<2x1280x125xi32, #tpu.memory_space<hbm>> -> memref<1x80x125xi32, #tpu.memory_space<hbm>>
      %dma_wait3A_46 = tpu.memref_squeeze %dma_wait3A_45 : memref<1x80x125xi32, #tpu.memory_space<hbm>> -> memref<80x125xi32, #tpu.memory_space<hbm>>
      tpu.wait_dma2 semaphore(%run_scoped3A_36 : memref<!tpu.dma_semaphore, #tpu.memory_space<semaphore_mem>>) src(%dma_wait3A_46 : memref<80x125xi32, #tpu.memory_space<hbm>>) dst(%arg10 : memref<80x125xi32, #tpu.memory_space<vmem>>)
      tpu.yield
    }) : () -> ()
    %eq3A_13 = arith.constant 0 : i32
    %eq3A_14 = arith.cmpi eq, %arg0, %eq3A_13 : i32
    %convert_element_type3A_15 = arith.extui %eq3A_14 : i1 to i32
    %cond3A_16 = arith.constant 0 : i32
    %cond3A_17 = arith.cmpi ne, %convert_element_type3A_15, %cond3A_16 : i32
    scf.if %cond3A_17 {
      %scan3A = arith.constant 0 : i32
      %scan3A_36 = arith.constant 0 : i32
      %scan3A_37 = arith.constant 125 : i32
      %scan3A_38 = arith.addi %scan3A_36, %scan3A_37 : i32
      %scan3A_39 = arith.constant 1 : i32
      scf.for %scan3A_203 = %scan3A_36 to %scan3A_38 step %scan3A_39  : i32 {
        %scan3A_204 = arith.constant 0 : i32
        %scan3A_205 = arith.constant 0 : i32
        %scan3A_206 = arith.constant 4 : i32
        %scan3A_207 = arith.addi %scan3A_205, %scan3A_206 : i32
        %scan3A_208 = arith.constant 1 : i32
        scf.for %scan3A_210 = %scan3A_205 to %scan3A_207 step %scan3A_208  : i32 {
          %broadcast_in_dim3A = arith.constant 0.000000e+00 : f32
          %broadcast_in_dim3A_211 = vector.broadcast %broadcast_in_dim3A : f32 to vector<16xf32>
          %mul3A_212 = arith.constant 16 : i32
          %mul3A_213 = arith.muli %scan3A_210, %mul3A_212 : i32
          %swap3A = arith.index_cast %scan3A_203 : i32 to index
          %swap3A_214 = arith.index_cast %mul3A_213 : i32 to index
          %swap3A_215 = tpu.vector_load %arg11[%swap3A, %swap3A_214] {strides = array<i32>} : memref<125x64xf32, #tpu.memory_space<vmem>>, vector<1x16xf32>,
          %swap3A_216 = vector.shape_cast %swap3A_215 : vector<1x16xf32> to vector<16xf32>
          %swap3A_217 = vector.shape_cast %broadcast_in_dim3A_211 : vector<16xf32> to vector<1x16xf32>
          tpu.vector_store %arg11[%swap3A, %swap3A_214], %swap3A_217 {strides = array<i32>} : memref<125x64xf32, #tpu.memory_space<vmem>>, vector<1x16xf32>,
        }
        %scan3A_209 = arith.constant 4 : i32
      }
      %scan3A_40 = arith.constant 125 : i32
      %mul3A_41 = arith.constant 624 : i32
      %mul3A_42 = arith.muli %arg1, %mul3A_41 : i32
      %scan3A_43 = arith.constant 0 : i32
      %scan3A_44 = arith.constant 0 : i32
      %scan3A_45 = arith.constant 4 : i32
      %scan3A_46 = arith.addi %scan3A_44, %scan3A_45 : i32
      %scan3A_47 = arith.constant 1 : i32
      scf.for %scan3A_203 = %scan3A_44 to %scan3A_46 step %scan3A_47  : i32 {
        %mul3A_204 = arith.constant 125 : i32
        %mul3A_205 = arith.muli %scan3A_203, %mul3A_204 : i32
        %add3A_206 = arith.addi %mul3A_42, %mul3A_205 : i32
        "tpu.region"() ({
          %run_scoped3A_207 = tpu.sem_alloc : memref<!tpu.dma_semaphore, #tpu.memory_space<semaphore_mem>>
          %dma_start3A_208 = arith.constant 0 : i32
          %dma_start3A_209 = tpu.memref_slice %arg17[%add3A_206, %dma_start3A_208] : memref<10000x64xf32, #tpu.memory_space<vmem_shared>> -> memref<125x64xf32, #tpu.memory_space<vmem_shared>>
          %dma_start3A_210 = arith.constant 0 : i32
          %dma_start3A_211 = tpu.memref_slice %arg17[%add3A_206, %dma_start3A_210] : memref<10000x64xf32, #tpu.memory_space<vmem_shared>> -> memref<125x64xf32, #tpu.memory_space<vmem_shared>>
          tpu.enqueue_dma source(%arg11 : memref<125x64xf32, #tpu.memory_space<vmem>>) target(%dma_start3A_211 : memref<125x64xf32, #tpu.memory_space<vmem_shared>>) target_semaphore(%run_scoped3A_207 : memref<!tpu.dma_semaphore, #tpu.memory_space<semaphore_mem>>)
          %dma_wait3A_212 = arith.constant 0 : i32
          %dma_wait3A_213 = tpu.memref_slice %arg17[%add3A_206, %dma_wait3A_212] : memref<10000x64xf32, #tpu.memory_space<vmem_shared>> -> memref<125x64xf32, #tpu.memory_space<vmem_shared>>
          %dma_wait3A_214 = arith.constant 0 : i32
          %dma_wait3A_215 = tpu.memref_slice %arg17[%add3A_206, %dma_wait3A_214] : memref<10000x64xf32, #tpu.memory_space<vmem_shared>> -> memref<125x64xf32, #tpu.memory_space<vmem_shared>>
          tpu.wait_dma2 semaphore(%run_scoped3A_207 : memref<!tpu.dma_semaphore, #tpu.memory_space<semaphore_mem>>) src(%arg11 : memref<125x64xf32, #tpu.memory_space<vmem>>) dst(%dma_wait3A_215 : memref<125x64xf32, #tpu.memory_space<vmem_shared>>)
          tpu.yield
        }) : () -> ()
      }
      %scan3A_48 = arith.constant 4 : i32
      %add3A = arith.constant 500 : i32
      %add3A_49 = arith.addi %mul3A_42, %add3A : i32
      "tpu.region"() ({
        %run_scoped3A_203 = tpu.sem_alloc : memref<!tpu.dma_semaphore, #tpu.memory_space<semaphore_mem>>
        %dma_start3A_204 = arith.constant 0 : i32
        %dma_start3A_205 = arith.constant 0 : i32
        %dma_start3A_206 = tpu.memref_slice %arg11[%dma_start3A_204, %dma_start3A_205] : memref<125x64xf32, #tpu.memory_space<vmem>> -> memref<124x64xf32, #tpu.memory_space<vmem>>
        %dma_start3A_207 = arith.constant 0 : i32
        %dma_start3A_208 = tpu.memref_slice %arg17[%add3A_49, %dma_start3A_207] : memref<10000x64xf32, #tpu.memory_space<vmem_shared>> -> memref<124x64xf32, #tpu.memory_space<vmem_shared>>
        %dma_start3A_209 = arith.constant 0 : i32
        %dma_start3A_210 = tpu.memref_slice %arg17[%add3A_49, %dma_start3A_209] : memref<10000x64xf32, #tpu.memory_space<vmem_shared>> -> memref<124x64xf32, #tpu.memory_space<vmem_shared>>
        %dma_start3A_211 = arith.constant 0 : i32
        %dma_start3A_212 = arith.constant 0 : i32
        %dma_start3A_213 = tpu.memref_slice %arg11[%dma_start3A_211, %dma_start3A_212] : memref<125x64xf32, #tpu.memory_space<vmem>> -> memref<124x64xf32, #tpu.memory_space<vmem>>
        tpu.enqueue_dma source(%dma_start3A_213 : memref<124x64xf32, #tpu.memory_space<vmem>>) target(%dma_start3A_210 : memref<124x64xf32, #tpu.memory_space<vmem_shared>>) target_semaphore(%run_scoped3A_203 : memref<!tpu.dma_semaphore, #tpu.memory_space<semaphore_mem>>)
        %dma_wait3A_214 = arith.constant 0 : i32
        %dma_wait3A_215 = arith.constant 0 : i32
        %dma_wait3A_216 = tpu.memref_slice %arg11[%dma_wait3A_214, %dma_wait3A_215] : memref<125x64xf32, #tpu.memory_space<vmem>> -> memref<124x64xf32, #tpu.memory_space<vmem>>
        %dma_wait3A_217 = arith.constant 0 : i32
        %dma_wait3A_218 = tpu.memref_slice %arg17[%add3A_49, %dma_wait3A_217] : memref<10000x64xf32, #tpu.memory_space<vmem_shared>> -> memref<124x64xf32, #tpu.memory_space<vmem_shared>>
        %dma_wait3A_219 = arith.constant 0 : i32
        %dma_wait3A_220 = tpu.memref_slice %arg17[%add3A_49, %dma_wait3A_219] : memref<10000x64xf32, #tpu.memory_space<vmem_shared>> -> memref<124x64xf32, #tpu.memory_space<vmem_shared>>
        %dma_wait3A_221 = arith.constant 0 : i32
        %dma_wait3A_222 = arith.constant 0 : i32
        %dma_wait3A_223 = tpu.memref_slice %arg11[%dma_wait3A_221, %dma_wait3A_222] : memref<125x64xf32, #tpu.memory_space<vmem>> -> memref<124x64xf32, #tpu.memory_space<vmem>>
        tpu.wait_dma2 semaphore(%run_scoped3A_203 : memref<!tpu.dma_semaphore, #tpu.memory_space<semaphore_mem>>) src(%dma_wait3A_223 : memref<124x64xf32, #tpu.memory_space<vmem>>) dst(%dma_wait3A_220 : memref<124x64xf32, #tpu.memory_space<vmem_shared>>)
        tpu.yield
      }) : () -> ()
      %eq3A_50 = arith.constant 0 : i32
      %eq3A_51 = arith.cmpi eq, %arg1, %eq3A_50 : i32
      %convert_element_type3A_52 = arith.extui %eq3A_51 : i1 to i32
      %cond3A_53 = arith.constant 0 : i32
      %cond3A_54 = arith.cmpi ne, %convert_element_type3A_52, %cond3A_53 : i32
      scf.if %cond3A_54 {
        "tpu.region"() ({
          %run_scoped3A_203 = tpu.sem_alloc : memref<!tpu.dma_semaphore, #tpu.memory_space<semaphore_mem>>
          %dma_start3A_204 = arith.constant 0 : i32
          %dma_start3A_205 = arith.constant 0 : i32
          %dma_start3A_206 = tpu.memref_slice %arg11[%dma_start3A_204, %dma_start3A_205] : memref<125x64xf32, #tpu.memory_space<vmem>> -> memref<16x64xf32, #tpu.memory_space<vmem>>
          %dma_start3A_207 = arith.constant 9984 : i32
          %dma_start3A_208 = arith.constant 0 : i32
          %dma_start3A_209 = tpu.memref_slice %arg17[%dma_start3A_207, %dma_start3A_208] : memref<10000x64xf32, #tpu.memory_space<vmem_shared>> -> memref<16x64xf32, #tpu.memory_space<vmem_shared>>
          %dma_start3A_210 = arith.constant 9984 : i32
          %dma_start3A_211 = arith.constant 0 : i32
          %dma_start3A_212 = tpu.memref_slice %arg17[%dma_start3A_210, %dma_start3A_211] : memref<10000x64xf32, #tpu.memory_space<vmem_shared>> -> memref<16x64xf32, #tpu.memory_space<vmem_shared>>
          %dma_start3A_213 = arith.constant 0 : i32
          %dma_start3A_214 = arith.constant 0 : i32
          %dma_start3A_215 = tpu.memref_slice %arg11[%dma_start3A_213, %dma_start3A_214] : memref<125x64xf32, #tpu.memory_space<vmem>> -> memref<16x64xf32, #tpu.memory_space<vmem>>
          tpu.enqueue_dma source(%dma_start3A_215 : memref<16x64xf32, #tpu.memory_space<vmem>>) target(%dma_start3A_212 : memref<16x64xf32, #tpu.memory_space<vmem_shared>>) target_semaphore(%run_scoped3A_203 : memref<!tpu.dma_semaphore, #tpu.memory_space<semaphore_mem>>)
          %dma_wait3A_216 = arith.constant 0 : i32
          %dma_wait3A_217 = arith.constant 0 : i32
          %dma_wait3A_218 = tpu.memref_slice %arg11[%dma_wait3A_216, %dma_wait3A_217] : memref<125x64xf32, #tpu.memory_space<vmem>> -> memref<16x64xf32, #tpu.memory_space<vmem>>
          %dma_wait3A_219 = arith.constant 9984 : i32
          %dma_wait3A_220 = arith.constant 0 : i32
          %dma_wait3A_221 = tpu.memref_slice %arg17[%dma_wait3A_219, %dma_wait3A_220] : memref<10000x64xf32, #tpu.memory_space<vmem_shared>> -> memref<16x64xf32, #tpu.memory_space<vmem_shared>>
          %dma_wait3A_222 = arith.constant 9984 : i32
          %dma_wait3A_223 = arith.constant 0 : i32
          %dma_wait3A_224 = tpu.memref_slice %arg17[%dma_wait3A_222, %dma_wait3A_223] : memref<10000x64xf32, #tpu.memory_space<vmem_shared>> -> memref<16x64xf32, #tpu.memory_space<vmem_shared>>
          %dma_wait3A_225 = arith.constant 0 : i32
          %dma_wait3A_226 = arith.constant 0 : i32
          %dma_wait3A_227 = tpu.memref_slice %arg11[%dma_wait3A_225, %dma_wait3A_226] : memref<125x64xf32, #tpu.memory_space<vmem>> -> memref<16x64xf32, #tpu.memory_space<vmem>>
          tpu.wait_dma2 semaphore(%run_scoped3A_203 : memref<!tpu.dma_semaphore, #tpu.memory_space<semaphore_mem>>) src(%dma_wait3A_227 : memref<16x64xf32, #tpu.memory_space<vmem>>) dst(%dma_wait3A_224 : memref<16x64xf32, #tpu.memory_space<vmem_shared>>)
          tpu.yield
        }) : () -> ()
      } else {
      }
      %barrier3A = arith.constant 0 : index
      tpu.barrier barrier_id(%barrier3A)
      %dma_start3A = arith.constant 0 : i32
      %dma_start3A_55 = arith.constant 0 : i32
      %dma_start3A_56 = tpu.memref_slice %arg9[%dma_start3A, %dma_start3A_55] : memref<80x125xi32, #tpu.memory_space<vmem>> -> memref<1x125xi32, #tpu.memory_space<vmem>>
      %dma_start3A_57 = tpu.memref_squeeze %dma_start3A_56 : memref<1x125xi32, #tpu.memory_space<vmem>> -> memref<125xi32, #tpu.memory_space<vmem>>
      %dma_start3A_58 = arith.constant 0 : i32
      %dma_start3A_59 = arith.constant 0 : i32
      %dma_start3A_60 = tpu.memref_slice %arg2[%dma_start3A_58, %dma_start3A_59] : memref<10000x64xf32, #tpu.memory_space<hbm>> -> memref<10000x64xf32, #tpu.memory_space<hbm>>
      tpu.enqueue_indirect_dma source(%dma_start3A_60 : memref<10000x64xf32, #tpu.memory_space<hbm>>) target(%arg11 : memref<125x64xf32, #tpu.memory_space<vmem>>) offsets(%dma_start3A_57 : memref<125xi32, #tpu.memory_space<vmem>>) semaphore(%arg19 : memref<!tpu.dma_semaphore, #tpu.memory_space<semaphore_mem>>)
      %dma_start3A_61 = arith.constant 1 : i32
      %dma_start3A_62 = arith.constant 0 : i32
      %dma_start3A_63 = tpu.memref_slice %arg9[%dma_start3A_61, %dma_start3A_62] : memref<80x125xi32, #tpu.memory_space<vmem>> -> memref<1x125xi32, #tpu.memory_space<vmem>>
      %dma_start3A_64 = tpu.memref_squeeze %dma_start3A_63 : memref<1x125xi32, #tpu.memory_space<vmem>> -> memref<125xi32, #tpu.memory_space<vmem>>
      %dma_start3A_65 = arith.constant 0 : i32
      %dma_start3A_66 = arith.constant 0 : i32
      %dma_start3A_67 = tpu.memref_slice %arg2[%dma_start3A_65, %dma_start3A_66] : memref<10000x64xf32, #tpu.memory_space<hbm>> -> memref<10000x64xf32, #tpu.memory_space<hbm>>
      tpu.enqueue_indirect_dma source(%dma_start3A_67 : memref<10000x64xf32, #tpu.memory_space<hbm>>) target(%arg12 : memref<125x64xf32, #tpu.memory_space<vmem>>) offsets(%dma_start3A_64 : memref<125xi32, #tpu.memory_space<vmem>>) semaphore(%arg20 : memref<!tpu.dma_semaphore, #tpu.memory_space<semaphore_mem>>)
      %scan3A_68 = arith.constant 0 : i32
      %scan3A_69 = arith.constant 0 : i32
      %scan3A_70 = arith.constant 20 : i32
      %scan3A_71 = arith.addi %scan3A_69, %scan3A_70 : i32
      %scan3A_72 = arith.constant 1 : i32
      scf.for %scan3A_203 = %scan3A_69 to %scan3A_71 step %scan3A_72  : i32 {
        %mul3A_204 = arith.constant 4 : i32
        %mul3A_205 = arith.muli %scan3A_203, %mul3A_204 : i32
        %add3A_206 = arith.constant 0 : i32
        %add3A_207 = arith.addi %mul3A_205, %add3A_206 : i32
        %add3A_208 = arith.constant 2 : i32
        %add3A_209 = arith.addi %add3A_207, %add3A_208 : i32
        %lt3A = arith.constant 80 : i32
        %lt3A_210 = arith.cmpi slt, %add3A_209, %lt3A : i32
        %convert_element_type3A_211 = arith.extui %lt3A_210 : i1 to i32
        %cond3A_212 = arith.constant 0 : i32
        %cond3A_213 = arith.cmpi ne, %convert_element_type3A_211, %cond3A_212 : i32
        scf.if %cond3A_213 {
          %ge3A = arith.constant 4 : i32
          %ge3A_313 = arith.cmpi sge, %add3A_209, %ge3A : i32
          %convert_element_type3A_314 = arith.extui %ge3A_313 : i1 to i32
          %cond3A_315 = arith.constant 0 : i32
          %cond3A_316 = arith.cmpi ne, %convert_element_type3A_314, %cond3A_315 : i32
          scf.if %cond3A_316 {
            %dma_wait3A_323 = arith.constant 0 : i32
            %dma_wait3A_324 = tpu.memref_slice %arg10[%add3A_207, %dma_wait3A_323] : memref<80x125xi32, #tpu.memory_space<vmem>> -> memref<1x125xi32, #tpu.memory_space<vmem>>
            %dma_wait3A_325 = tpu.memref_squeeze %dma_wait3A_324 : memref<1x125xi32, #tpu.memory_space<vmem>> -> memref<125xi32, #tpu.memory_space<vmem>>
            %dma_wait3A_326 = arith.constant 0 : i32
            %dma_wait3A_327 = arith.constant 0 : i32
            %dma_wait3A_328 = tpu.memref_slice %arg17[%dma_wait3A_326, %dma_wait3A_327] : memref<10000x64xf32, #tpu.memory_space<vmem_shared>> -> memref<10000x64xf32, #tpu.memory_space<vmem_shared>>
            tpu.wait_indirect_dma semaphore(%arg25 : memref<!tpu.dma_semaphore, #tpu.memory_space<semaphore_mem>>) src(%arg13 : memref<125x64xf32, #tpu.memory_space<vmem>>) dst(%dma_wait3A_328 : memref<10000x64xf32, #tpu.memory_space<vmem_shared>>)
          } else {
          }
          %dma_start3A_317 = arith.constant 0 : i32
          %dma_start3A_318 = tpu.memref_slice %arg9[%add3A_209, %dma_start3A_317] : memref<80x125xi32, #tpu.memory_space<vmem>> -> memref<1x125xi32, #tpu.memory_space<vmem>>
          %dma_start3A_319 = tpu.memref_squeeze %dma_start3A_318 : memref<1x125xi32, #tpu.memory_space<vmem>> -> memref<125xi32, #tpu.memory_space<vmem>>
          %dma_start3A_320 = arith.constant 0 : i32
          %dma_start3A_321 = arith.constant 0 : i32
          %dma_start3A_322 = tpu.memref_slice %arg2[%dma_start3A_320, %dma_start3A_321] : memref<10000x64xf32, #tpu.memory_space<hbm>> -> memref<10000x64xf32, #tpu.memory_space<hbm>>
          tpu.enqueue_indirect_dma source(%dma_start3A_322 : memref<10000x64xf32, #tpu.memory_space<hbm>>) target(%arg13 : memref<125x64xf32, #tpu.memory_space<vmem>>) offsets(%dma_start3A_319 : memref<125xi32, #tpu.memory_space<vmem>>) semaphore(%arg21 : memref<!tpu.dma_semaphore, #tpu.memory_space<semaphore_mem>>)
        } else {
        }
        %dma_wait3A_214 = arith.constant 0 : i32
        %dma_wait3A_215 = tpu.memref_slice %arg9[%add3A_207, %dma_wait3A_214] : memref<80x125xi32, #tpu.memory_space<vmem>> -> memref<1x125xi32, #tpu.memory_space<vmem>>
        %dma_wait3A_216 = tpu.memref_squeeze %dma_wait3A_215 : memref<1x125xi32, #tpu.memory_space<vmem>> -> memref<125xi32, #tpu.memory_space<vmem>>
        %dma_wait3A_217 = arith.constant 0 : i32
        %dma_wait3A_218 = arith.constant 0 : i32
        %dma_wait3A_219 = tpu.memref_slice %arg2[%dma_wait3A_217, %dma_wait3A_218] : memref<10000x64xf32, #tpu.memory_space<hbm>> -> memref<10000x64xf32, #tpu.memory_space<hbm>>
        tpu.wait_indirect_dma semaphore(%arg19 : memref<!tpu.dma_semaphore, #tpu.memory_space<semaphore_mem>>) src(%dma_wait3A_219 : memref<10000x64xf32, #tpu.memory_space<hbm>>) dst(%arg11 : memref<125x64xf32, #tpu.memory_space<vmem>>)
        %dma_start3A_220 = arith.constant 0 : i32
        %dma_start3A_221 = tpu.memref_slice %arg10[%add3A_207, %dma_start3A_220] : memref<80x125xi32, #tpu.memory_space<vmem>> -> memref<1x125xi32, #tpu.memory_space<vmem>>
        %dma_start3A_222 = tpu.memref_squeeze %dma_start3A_221 : memref<1x125xi32, #tpu.memory_space<vmem>> -> memref<125xi32, #tpu.memory_space<vmem>>
        %dma_start3A_223 = arith.constant 0 : i32
        %dma_start3A_224 = arith.constant 0 : i32
        %dma_start3A_225 = tpu.memref_slice %arg17[%dma_start3A_223, %dma_start3A_224] : memref<10000x64xf32, #tpu.memory_space<vmem_shared>> -> memref<10000x64xf32, #tpu.memory_space<vmem_shared>>
        tpu.enqueue_indirect_dma source(%arg11 : memref<125x64xf32, #tpu.memory_space<vmem>>) target(%dma_start3A_225 : memref<10000x64xf32, #tpu.memory_space<vmem_shared>>) offsets(%dma_start3A_222 : memref<125xi32, #tpu.memory_space<vmem>>) semaphore(%arg23 : memref<!tpu.dma_semaphore, #tpu.memory_space<semaphore_mem>>) {add = true}
        %dma_start3A_226 = arith.constant 0 : i32
        %dma_start3A_227 = tpu.memref_slice %arg10[%add3A_207, %dma_start3A_226] : memref<80x125xi32, #tpu.memory_space<vmem>> -> memref<1x125xi32, #tpu.memory_space<vmem>>
        %dma_start3A_228 = tpu.memref_squeeze %dma_start3A_227 : memref<1x125xi32, #tpu.memory_space<vmem>> -> memref<125xi32, #tpu.memory_space<vmem>>
        %dma_start3A_229 = arith.constant 0 : i32
        %dma_start3A_230 = arith.constant 0 : i32
        %dma_start3A_231 = tpu.memref_slice %arg18[%dma_start3A_229, %dma_start3A_230] : memref<10000x16xf32, #tpu.memory_space<vmem_shared>> -> memref<10000x16xf32, #tpu.memory_space<vmem_shared>>
        tpu.enqueue_indirect_dma source(%arg15 : memref<125x16xf32, #tpu.memory_space<vmem>>) target(%dma_start3A_231 : memref<10000x16xf32, #tpu.memory_space<vmem_shared>>) offsets(%dma_start3A_228 : memref<125xi32, #tpu.memory_space<vmem>>) semaphore(%arg27 : memref<!tpu.dma_semaphore, #tpu.memory_space<semaphore_mem>>) {add = true}
        %add3A_232 = arith.constant 1 : i32
        %add3A_233 = arith.addi %mul3A_205, %add3A_232 : i32
        %add3A_234 = arith.constant 2 : i32
        %add3A_235 = arith.addi %add3A_233, %add3A_234 : i32
        %lt3A_236 = arith.constant 80 : i32
        %lt3A_237 = arith.cmpi slt, %add3A_235, %lt3A_236 : i32
        %convert_element_type3A_238 = arith.extui %lt3A_237 : i1 to i32
        %cond3A_239 = arith.constant 0 : i32
        %cond3A_240 = arith.cmpi ne, %convert_element_type3A_238, %cond3A_239 : i32
        scf.if %cond3A_240 {
          %ge3A = arith.constant 4 : i32
          %ge3A_313 = arith.cmpi sge, %add3A_235, %ge3A : i32
          %convert_element_type3A_314 = arith.extui %ge3A_313 : i1 to i32
          %cond3A_315 = arith.constant 0 : i32
          %cond3A_316 = arith.cmpi ne, %convert_element_type3A_314, %cond3A_315 : i32
          scf.if %cond3A_316 {
            %dma_wait3A_323 = arith.constant 0 : i32
            %dma_wait3A_324 = tpu.memref_slice %arg10[%add3A_233, %dma_wait3A_323] : memref<80x125xi32, #tpu.memory_space<vmem>> -> memref<1x125xi32, #tpu.memory_space<vmem>>
            %dma_wait3A_325 = tpu.memref_squeeze %dma_wait3A_324 : memref<1x125xi32, #tpu.memory_space<vmem>> -> memref<125xi32, #tpu.memory_space<vmem>>
            %dma_wait3A_326 = arith.constant 0 : i32
            %dma_wait3A_327 = arith.constant 0 : i32
            %dma_wait3A_328 = tpu.memref_slice %arg17[%dma_wait3A_326, %dma_wait3A_327] : memref<10000x64xf32, #tpu.memory_space<vmem_shared>> -> memref<10000x64xf32, #tpu.memory_space<vmem_shared>>
            tpu.wait_indirect_dma semaphore(%arg26 : memref<!tpu.dma_semaphore, #tpu.memory_space<semaphore_mem>>) src(%arg14 : memref<125x64xf32, #tpu.memory_space<vmem>>) dst(%dma_wait3A_328 : memref<10000x64xf32, #tpu.memory_space<vmem_shared>>)
          } else {
          }
          %dma_start3A_317 = arith.constant 0 : i32
          %dma_start3A_318 = tpu.memref_slice %arg9[%add3A_235, %dma_start3A_317] : memref<80x125xi32, #tpu.memory_space<vmem>> -> memref<1x125xi32, #tpu.memory_space<vmem>>
          %dma_start3A_319 = tpu.memref_squeeze %dma_start3A_318 : memref<1x125xi32, #tpu.memory_space<vmem>> -> memref<125xi32, #tpu.memory_space<vmem>>
          %dma_start3A_320 = arith.constant 0 : i32
          %dma_start3A_321 = arith.constant 0 : i32
          %dma_start3A_322 = tpu.memref_slice %arg2[%dma_start3A_320, %dma_start3A_321] : memref<10000x64xf32, #tpu.memory_space<hbm>> -> memref<10000x64xf32, #tpu.memory_space<hbm>>
          tpu.enqueue_indirect_dma source(%dma_start3A_322 : memref<10000x64xf32, #tpu.memory_space<hbm>>) target(%arg14 : memref<125x64xf32, #tpu.memory_space<vmem>>) offsets(%dma_start3A_319 : memref<125xi32, #tpu.memory_space<vmem>>) semaphore(%arg22 : memref<!tpu.dma_semaphore, #tpu.memory_space<semaphore_mem>>)
        } else {
        }
        %dma_wait3A_241 = arith.constant 0 : i32
        %dma_wait3A_242 = tpu.memref_slice %arg9[%add3A_233, %dma_wait3A_241] : memref<80x125xi32, #tpu.memory_space<vmem>> -> memref<1x125xi32, #tpu.memory_space<vmem>>
        %dma_wait3A_243 = tpu.memref_squeeze %dma_wait3A_242 : memref<1x125xi32, #tpu.memory_space<vmem>> -> memref<125xi32, #tpu.memory_space<vmem>>
        %dma_wait3A_244 = arith.constant 0 : i32
        %dma_wait3A_245 = arith.constant 0 : i32
        %dma_wait3A_246 = tpu.memref_slice %arg2[%dma_wait3A_244, %dma_wait3A_245] : memref<10000x64xf32, #tpu.memory_space<hbm>> -> memref<10000x64xf32, #tpu.memory_space<hbm>>
        tpu.wait_indirect_dma semaphore(%arg20 : memref<!tpu.dma_semaphore, #tpu.memory_space<semaphore_mem>>) src(%dma_wait3A_246 : memref<10000x64xf32, #tpu.memory_space<hbm>>) dst(%arg12 : memref<125x64xf32, #tpu.memory_space<vmem>>)
        %dma_start3A_247 = arith.constant 0 : i32
        %dma_start3A_248 = tpu.memref_slice %arg10[%add3A_233, %dma_start3A_247] : memref<80x125xi32, #tpu.memory_space<vmem>> -> memref<1x125xi32, #tpu.memory_space<vmem>>
        %dma_start3A_249 = tpu.memref_squeeze %dma_start3A_248 : memref<1x125xi32, #tpu.memory_space<vmem>> -> memref<125xi32, #tpu.memory_space<vmem>>
        %dma_start3A_250 = arith.constant 0 : i32
        %dma_start3A_251 = arith.constant 0 : i32
        %dma_start3A_252 = tpu.memref_slice %arg17[%dma_start3A_250, %dma_start3A_251] : memref<10000x64xf32, #tpu.memory_space<vmem_shared>> -> memref<10000x64xf32, #tpu.memory_space<vmem_shared>>
        tpu.enqueue_indirect_dma source(%arg12 : memref<125x64xf32, #tpu.memory_space<vmem>>) target(%dma_start3A_252 : memref<10000x64xf32, #tpu.memory_space<vmem_shared>>) offsets(%dma_start3A_249 : memref<125xi32, #tpu.memory_space<vmem>>) semaphore(%arg24 : memref<!tpu.dma_semaphore, #tpu.memory_space<semaphore_mem>>) {add = true}
        %dma_start3A_253 = arith.constant 0 : i32
        %dma_start3A_254 = tpu.memref_slice %arg10[%add3A_233, %dma_start3A_253] : memref<80x125xi32, #tpu.memory_space<vmem>> -> memref<1x125xi32, #tpu.memory_space<vmem>>
        %dma_start3A_255 = tpu.memref_squeeze %dma_start3A_254 : memref<1x125xi32, #tpu.memory_space<vmem>> -> memref<125xi32, #tpu.memory_space<vmem>>
        %dma_start3A_256 = arith.constant 0 : i32
        %dma_start3A_257 = arith.constant 0 : i32
        %dma_start3A_258 = tpu.memref_slice %arg18[%dma_start3A_256, %dma_start3A_257] : memref<10000x16xf32, #tpu.memory_space<vmem_shared>> -> memref<10000x16xf32, #tpu.memory_space<vmem_shared>>
        tpu.enqueue_indirect_dma source(%arg15 : memref<125x16xf32, #tpu.memory_space<vmem>>) target(%dma_start3A_258 : memref<10000x16xf32, #tpu.memory_space<vmem_shared>>) offsets(%dma_start3A_255 : memref<125xi32, #tpu.memory_space<vmem>>) semaphore(%arg27 : memref<!tpu.dma_semaphore, #tpu.memory_space<semaphore_mem>>) {add = true}
        %add3A_259 = arith.constant 2 : i32
        %add3A_260 = arith.addi %mul3A_205, %add3A_259 : i32
        %add3A_261 = arith.constant 2 : i32
        %add3A_262 = arith.addi %add3A_260, %add3A_261 : i32
        %lt3A_263 = arith.constant 80 : i32
        %lt3A_264 = arith.cmpi slt, %add3A_262, %lt3A_263 : i32
        %convert_element_type3A_265 = arith.extui %lt3A_264 : i1 to i32
        %cond3A_266 = arith.constant 0 : i32
        %cond3A_267 = arith.cmpi ne, %convert_element_type3A_265, %cond3A_266 : i32
        scf.if %cond3A_267 {
          %ge3A = arith.constant 4 : i32
          %ge3A_313 = arith.cmpi sge, %add3A_262, %ge3A : i32
          %convert_element_type3A_314 = arith.extui %ge3A_313 : i1 to i32
          %cond3A_315 = arith.constant 0 : i32
          %cond3A_316 = arith.cmpi ne, %convert_element_type3A_314, %cond3A_315 : i32
          scf.if %cond3A_316 {
            %dma_wait3A_323 = arith.constant 0 : i32
            %dma_wait3A_324 = tpu.memref_slice %arg10[%add3A_260, %dma_wait3A_323] : memref<80x125xi32, #tpu.memory_space<vmem>> -> memref<1x125xi32, #tpu.memory_space<vmem>>
            %dma_wait3A_325 = tpu.memref_squeeze %dma_wait3A_324 : memref<1x125xi32, #tpu.memory_space<vmem>> -> memref<125xi32, #tpu.memory_space<vmem>>
            %dma_wait3A_326 = arith.constant 0 : i32
            %dma_wait3A_327 = arith.constant 0 : i32
            %dma_wait3A_328 = tpu.memref_slice %arg17[%dma_wait3A_326, %dma_wait3A_327] : memref<10000x64xf32, #tpu.memory_space<vmem_shared>> -> memref<10000x64xf32, #tpu.memory_space<vmem_shared>>
            tpu.wait_indirect_dma semaphore(%arg23 : memref<!tpu.dma_semaphore, #tpu.memory_space<semaphore_mem>>) src(%arg11 : memref<125x64xf32, #tpu.memory_space<vmem>>) dst(%dma_wait3A_328 : memref<10000x64xf32, #tpu.memory_space<vmem_shared>>)
          } else {
          }
          %dma_start3A_317 = arith.constant 0 : i32
          %dma_start3A_318 = tpu.memref_slice %arg9[%add3A_262, %dma_start3A_317] : memref<80x125xi32, #tpu.memory_space<vmem>> -> memref<1x125xi32, #tpu.memory_space<vmem>>
          %dma_start3A_319 = tpu.memref_squeeze %dma_start3A_318 : memref<1x125xi32, #tpu.memory_space<vmem>> -> memref<125xi32, #tpu.memory_space<vmem>>
          %dma_start3A_320 = arith.constant 0 : i32
          %dma_start3A_321 = arith.constant 0 : i32
          %dma_start3A_322 = tpu.memref_slice %arg2[%dma_start3A_320, %dma_start3A_321] : memref<10000x64xf32, #tpu.memory_space<hbm>> -> memref<10000x64xf32, #tpu.memory_space<hbm>>
          tpu.enqueue_indirect_dma source(%dma_start3A_322 : memref<10000x64xf32, #tpu.memory_space<hbm>>) target(%arg11 : memref<125x64xf32, #tpu.memory_space<vmem>>) offsets(%dma_start3A_319 : memref<125xi32, #tpu.memory_space<vmem>>) semaphore(%arg19 : memref<!tpu.dma_semaphore, #tpu.memory_space<semaphore_mem>>)
        } else {
        }
        %dma_wait3A_268 = arith.constant 0 : i32
        %dma_wait3A_269 = tpu.memref_slice %arg9[%add3A_260, %dma_wait3A_268] : memref<80x125xi32, #tpu.memory_space<vmem>> -> memref<1x125xi32, #tpu.memory_space<vmem>>
        %dma_wait3A_270 = tpu.memref_squeeze %dma_wait3A_269 : memref<1x125xi32, #tpu.memory_space<vmem>> -> memref<125xi32, #tpu.memory_space<vmem>>
        %dma_wait3A_271 = arith.constant 0 : i32
        %dma_wait3A_272 = arith.constant 0 : i32
        %dma_wait3A_273 = tpu.memref_slice %arg2[%dma_wait3A_271, %dma_wait3A_272] : memref<10000x64xf32, #tpu.memory_space<hbm>> -> memref<10000x64xf32, #tpu.memory_space<hbm>>
        tpu.wait_indirect_dma semaphore(%arg21 : memref<!tpu.dma_semaphore, #tpu.memory_space<semaphore_mem>>) src(%dma_wait3A_273 : memref<10000x64xf32, #tpu.memory_space<hbm>>) dst(%arg13 : memref<125x64xf32, #tpu.memory_space<vmem>>)
        %dma_start3A_274 = arith.constant 0 : i32
        %dma_start3A_275 = tpu.memref_slice %arg10[%add3A_260, %dma_start3A_274] : memref<80x125xi32, #tpu.memory_space<vmem>> -> memref<1x125xi32, #tpu.memory_space<vmem>>
        %dma_start3A_276 = tpu.memref_squeeze %dma_start3A_275 : memref<1x125xi32, #tpu.memory_space<vmem>> -> memref<125xi32, #tpu.memory_space<vmem>>
        %dma_start3A_277 = arith.constant 0 : i32
        %dma_start3A_278 = arith.constant 0 : i32
        %dma_start3A_279 = tpu.memref_slice %arg17[%dma_start3A_277, %dma_start3A_278] : memref<10000x64xf32, #tpu.memory_space<vmem_shared>> -> memref<10000x64xf32, #tpu.memory_space<vmem_shared>>
        tpu.enqueue_indirect_dma source(%arg13 : memref<125x64xf32, #tpu.memory_space<vmem>>) target(%dma_start3A_279 : memref<10000x64xf32, #tpu.memory_space<vmem_shared>>) offsets(%dma_start3A_276 : memref<125xi32, #tpu.memory_space<vmem>>) semaphore(%arg25 : memref<!tpu.dma_semaphore, #tpu.memory_space<semaphore_mem>>) {add = true}
        %dma_start3A_280 = arith.constant 0 : i32
        %dma_start3A_281 = tpu.memref_slice %arg10[%add3A_260, %dma_start3A_280] : memref<80x125xi32, #tpu.memory_space<vmem>> -> memref<1x125xi32, #tpu.memory_space<vmem>>
        %dma_start3A_282 = tpu.memref_squeeze %dma_start3A_281 : memref<1x125xi32, #tpu.memory_space<vmem>> -> memref<125xi32, #tpu.memory_space<vmem>>
        %dma_start3A_283 = arith.constant 0 : i32
        %dma_start3A_284 = arith.constant 0 : i32
        %dma_start3A_285 = tpu.memref_slice %arg18[%dma_start3A_283, %dma_start3A_284] : memref<10000x16xf32, #tpu.memory_space<vmem_shared>> -> memref<10000x16xf32, #tpu.memory_space<vmem_shared>>
        tpu.enqueue_indirect_dma source(%arg15 : memref<125x16xf32, #tpu.memory_space<vmem>>) target(%dma_start3A_285 : memref<10000x16xf32, #tpu.memory_space<vmem_shared>>) offsets(%dma_start3A_282 : memref<125xi32, #tpu.memory_space<vmem>>) semaphore(%arg27 : memref<!tpu.dma_semaphore, #tpu.memory_space<semaphore_mem>>) {add = true}
        %add3A_286 = arith.constant 3 : i32
        %add3A_287 = arith.addi %mul3A_205, %add3A_286 : i32
        %add3A_288 = arith.constant 2 : i32
        %add3A_289 = arith.addi %add3A_287, %add3A_288 : i32
        %lt3A_290 = arith.constant 80 : i32
        %lt3A_291 = arith.cmpi slt, %add3A_289, %lt3A_290 : i32
        %convert_element_type3A_292 = arith.extui %lt3A_291 : i1 to i32
        %cond3A_293 = arith.constant 0 : i32
        %cond3A_294 = arith.cmpi ne, %convert_element_type3A_292, %cond3A_293 : i32
        scf.if %cond3A_294 {
          %ge3A = arith.constant 4 : i32
          %ge3A_313 = arith.cmpi sge, %add3A_289, %ge3A : i32
          %convert_element_type3A_314 = arith.extui %ge3A_313 : i1 to i32
          %cond3A_315 = arith.constant 0 : i32
          %cond3A_316 = arith.cmpi ne, %convert_element_type3A_314, %cond3A_315 : i32
          scf.if %cond3A_316 {
            %dma_wait3A_323 = arith.constant 0 : i32
            %dma_wait3A_324 = tpu.memref_slice %arg10[%add3A_287, %dma_wait3A_323] : memref<80x125xi32, #tpu.memory_space<vmem>> -> memref<1x125xi32, #tpu.memory_space<vmem>>
            %dma_wait3A_325 = tpu.memref_squeeze %dma_wait3A_324 : memref<1x125xi32, #tpu.memory_space<vmem>> -> memref<125xi32, #tpu.memory_space<vmem>>
            %dma_wait3A_326 = arith.constant 0 : i32
            %dma_wait3A_327 = arith.constant 0 : i32
            %dma_wait3A_328 = tpu.memref_slice %arg17[%dma_wait3A_326, %dma_wait3A_327] : memref<10000x64xf32, #tpu.memory_space<vmem_shared>> -> memref<10000x64xf32, #tpu.memory_space<vmem_shared>>
            tpu.wait_indirect_dma semaphore(%arg24 : memref<!tpu.dma_semaphore, #tpu.memory_space<semaphore_mem>>) src(%arg12 : memref<125x64xf32, #tpu.memory_space<vmem>>) dst(%dma_wait3A_328 : memref<10000x64xf32, #tpu.memory_space<vmem_shared>>)
          } else {
          }
          %dma_start3A_317 = arith.constant 0 : i32
          %dma_start3A_318 = tpu.memref_slice %arg9[%add3A_289, %dma_start3A_317] : memref<80x125xi32, #tpu.memory_space<vmem>> -> memref<1x125xi32, #tpu.memory_space<vmem>>
          %dma_start3A_319 = tpu.memref_squeeze %dma_start3A_318 : memref<1x125xi32, #tpu.memory_space<vmem>> -> memref<125xi32, #tpu.memory_space<vmem>>
          %dma_start3A_320 = arith.constant 0 : i32
          %dma_start3A_321 = arith.constant 0 : i32
          %dma_start3A_322 = tpu.memref_slice %arg2[%dma_start3A_320, %dma_start3A_321] : memref<10000x64xf32, #tpu.memory_space<hbm>> -> memref<10000x64xf32, #tpu.memory_space<hbm>>
          tpu.enqueue_indirect_dma source(%dma_start3A_322 : memref<10000x64xf32, #tpu.memory_space<hbm>>) target(%arg12 : memref<125x64xf32, #tpu.memory_space<vmem>>) offsets(%dma_start3A_319 : memref<125xi32, #tpu.memory_space<vmem>>) semaphore(%arg20 : memref<!tpu.dma_semaphore, #tpu.memory_space<semaphore_mem>>)
        } else {
        }
        %dma_wait3A_295 = arith.constant 0 : i32
        %dma_wait3A_296 = tpu.memref_slice %arg9[%add3A_287, %dma_wait3A_295] : memref<80x125xi32, #tpu.memory_space<vmem>> -> memref<1x125xi32, #tpu.memory_space<vmem>>
        %dma_wait3A_297 = tpu.memref_squeeze %dma_wait3A_296 : memref<1x125xi32, #tpu.memory_space<vmem>> -> memref<125xi32, #tpu.memory_space<vmem>>
        %dma_wait3A_298 = arith.constant 0 : i32
        %dma_wait3A_299 = arith.constant 0 : i32
        %dma_wait3A_300 = tpu.memref_slice %arg2[%dma_wait3A_298, %dma_wait3A_299] : memref<10000x64xf32, #tpu.memory_space<hbm>> -> memref<10000x64xf32, #tpu.memory_space<hbm>>
        tpu.wait_indirect_dma semaphore(%arg22 : memref<!tpu.dma_semaphore, #tpu.memory_space<semaphore_mem>>) src(%dma_wait3A_300 : memref<10000x64xf32, #tpu.memory_space<hbm>>) dst(%arg14 : memref<125x64xf32, #tpu.memory_space<vmem>>)
        %dma_start3A_301 = arith.constant 0 : i32
        %dma_start3A_302 = tpu.memref_slice %arg10[%add3A_287, %dma_start3A_301] : memref<80x125xi32, #tpu.memory_space<vmem>> -> memref<1x125xi32, #tpu.memory_space<vmem>>
        %dma_start3A_303 = tpu.memref_squeeze %dma_start3A_302 : memref<1x125xi32, #tpu.memory_space<vmem>> -> memref<125xi32, #tpu.memory_space<vmem>>
        %dma_start3A_304 = arith.constant 0 : i32
        %dma_start3A_305 = arith.constant 0 : i32
        %dma_start3A_306 = tpu.memref_slice %arg17[%dma_start3A_304, %dma_start3A_305] : memref<10000x64xf32, #tpu.memory_space<vmem_shared>> -> memref<10000x64xf32, #tpu.memory_space<vmem_shared>>
        tpu.enqueue_indirect_dma source(%arg14 : memref<125x64xf32, #tpu.memory_space<vmem>>) target(%dma_start3A_306 : memref<10000x64xf32, #tpu.memory_space<vmem_shared>>) offsets(%dma_start3A_303 : memref<125xi32, #tpu.memory_space<vmem>>) semaphore(%arg26 : memref<!tpu.dma_semaphore, #tpu.memory_space<semaphore_mem>>) {add = true}
        %dma_start3A_307 = arith.constant 0 : i32
        %dma_start3A_308 = tpu.memref_slice %arg10[%add3A_287, %dma_start3A_307] : memref<80x125xi32, #tpu.memory_space<vmem>> -> memref<1x125xi32, #tpu.memory_space<vmem>>
        %dma_start3A_309 = tpu.memref_squeeze %dma_start3A_308 : memref<1x125xi32, #tpu.memory_space<vmem>> -> memref<125xi32, #tpu.memory_space<vmem>>
        %dma_start3A_310 = arith.constant 0 : i32
        %dma_start3A_311 = arith.constant 0 : i32
        %dma_start3A_312 = tpu.memref_slice %arg18[%dma_start3A_310, %dma_start3A_311] : memref<10000x16xf32, #tpu.memory_space<vmem_shared>> -> memref<10000x16xf32, #tpu.memory_space<vmem_shared>>
        tpu.enqueue_indirect_dma source(%arg15 : memref<125x16xf32, #tpu.memory_space<vmem>>) target(%dma_start3A_312 : memref<10000x16xf32, #tpu.memory_space<vmem_shared>>) offsets(%dma_start3A_309 : memref<125xi32, #tpu.memory_space<vmem>>) semaphore(%arg27 : memref<!tpu.dma_semaphore, #tpu.memory_space<semaphore_mem>>) {add = true}
      }
      %scan3A_73 = arith.constant 20 : i32
      %dma_wait3A = arith.constant 0 : i32
      %dma_wait3A_74 = arith.constant 0 : i32
      %dma_wait3A_75 = tpu.memref_slice %arg10[%dma_wait3A, %dma_wait3A_74] : memref<80x125xi32, #tpu.memory_space<vmem>> -> memref<1x125xi32, #tpu.memory_space<vmem>>
      %dma_wait3A_76 = tpu.memref_squeeze %dma_wait3A_75 : memref<1x125xi32, #tpu.memory_space<vmem>> -> memref<125xi32, #tpu.memory_space<vmem>>
      %dma_wait3A_77 = arith.constant 0 : i32
      %dma_wait3A_78 = arith.constant 0 : i32
      %dma_wait3A_79 = tpu.memref_slice %arg17[%dma_wait3A_77, %dma_wait3A_78] : memref<10000x64xf32, #tpu.memory_space<vmem_shared>> -> memref<10000x64xf32, #tpu.memory_space<vmem_shared>>
      tpu.wait_indirect_dma semaphore(%arg23 : memref<!tpu.dma_semaphore, #tpu.memory_space<semaphore_mem>>) src(%arg11 : memref<125x64xf32, #tpu.memory_space<vmem>>) dst(%dma_wait3A_79 : memref<10000x64xf32, #tpu.memory_space<vmem_shared>>)
      %dma_wait3A_80 = arith.constant 0 : i32
      %dma_wait3A_81 = arith.constant 0 : i32
      %dma_wait3A_82 = tpu.memref_slice %arg10[%dma_wait3A_80, %dma_wait3A_81] : memref<80x125xi32, #tpu.memory_space<vmem>> -> memref<1x125xi32, #tpu.memory_space<vmem>>
      %dma_wait3A_83 = tpu.memref_squeeze %dma_wait3A_82 : memref<1x125xi32, #tpu.memory_space<vmem>> -> memref<125xi32, #tpu.memory_space<vmem>>
      %dma_wait3A_84 = arith.constant 0 : i32
      %dma_wait3A_85 = arith.constant 0 : i32
      %dma_wait3A_86 = tpu.memref_slice %arg17[%dma_wait3A_84, %dma_wait3A_85] : memref<10000x64xf32, #tpu.memory_space<vmem_shared>> -> memref<10000x64xf32, #tpu.memory_space<vmem_shared>>
      tpu.wait_indirect_dma semaphore(%arg24 : memref<!tpu.dma_semaphore, #tpu.memory_space<semaphore_mem>>) src(%arg12 : memref<125x64xf32, #tpu.memory_space<vmem>>) dst(%dma_wait3A_86 : memref<10000x64xf32, #tpu.memory_space<vmem_shared>>)
      %dma_wait3A_87 = arith.constant 0 : i32
      %dma_wait3A_88 = arith.constant 0 : i32
      %dma_wait3A_89 = tpu.memref_slice %arg10[%dma_wait3A_87, %dma_wait3A_88] : memref<80x125xi32, #tpu.memory_space<vmem>> -> memref<1x125xi32, #tpu.memory_space<vmem>>
      %dma_wait3A_90 = tpu.memref_squeeze %dma_wait3A_89 : memref<1x125xi32, #tpu.memory_space<vmem>> -> memref<125xi32, #tpu.memory_space<vmem>>
      %dma_wait3A_91 = arith.constant 0 : i32
      %dma_wait3A_92 = arith.constant 0 : i32
      %dma_wait3A_93 = tpu.memref_slice %arg17[%dma_wait3A_91, %dma_wait3A_92] : memref<10000x64xf32, #tpu.memory_space<vmem_shared>> -> memref<10000x64xf32, #tpu.memory_space<vmem_shared>>
      tpu.wait_indirect_dma semaphore(%arg25 : memref<!tpu.dma_semaphore, #tpu.memory_space<semaphore_mem>>) src(%arg13 : memref<125x64xf32, #tpu.memory_space<vmem>>) dst(%dma_wait3A_93 : memref<10000x64xf32, #tpu.memory_space<vmem_shared>>)
      %dma_wait3A_94 = arith.constant 0 : i32
      %dma_wait3A_95 = arith.constant 0 : i32
      %dma_wait3A_96 = tpu.memref_slice %arg10[%dma_wait3A_94, %dma_wait3A_95] : memref<80x125xi32, #tpu.memory_space<vmem>> -> memref<1x125xi32, #tpu.memory_space<vmem>>
      %dma_wait3A_97 = tpu.memref_squeeze %dma_wait3A_96 : memref<1x125xi32, #tpu.memory_space<vmem>> -> memref<125xi32, #tpu.memory_space<vmem>>
      %dma_wait3A_98 = arith.constant 0 : i32
      %dma_wait3A_99 = arith.constant 0 : i32
      %dma_wait3A_100 = tpu.memref_slice %arg17[%dma_wait3A_98, %dma_wait3A_99] : memref<10000x64xf32, #tpu.memory_space<vmem_shared>> -> memref<10000x64xf32, #tpu.memory_space<vmem_shared>>
      tpu.wait_indirect_dma semaphore(%arg26 : memref<!tpu.dma_semaphore, #tpu.memory_space<semaphore_mem>>) src(%arg14 : memref<125x64xf32, #tpu.memory_space<vmem>>) dst(%dma_wait3A_100 : memref<10000x64xf32, #tpu.memory_space<vmem_shared>>)
      %scan3A_101 = arith.constant 0 : i32
      %scan3A_102 = arith.constant 0 : i32
      %scan3A_103 = arith.constant 80 : i32
      %scan3A_104 = arith.addi %scan3A_102, %scan3A_103 : i32
      %scan3A_105 = arith.constant 1 : i32
      scf.for %scan3A_203 = %scan3A_102 to %scan3A_104 step %scan3A_105  : i32 {
        %dma_wait3A_204 = arith.constant 0 : i32
        %dma_wait3A_205 = arith.constant 0 : i32
        %dma_wait3A_206 = tpu.memref_slice %arg10[%dma_wait3A_204, %dma_wait3A_205] : memref<80x125xi32, #tpu.memory_space<vmem>> -> memref<1x125xi32, #tpu.memory_space<vmem>>
        %dma_wait3A_207 = tpu.memref_squeeze %dma_wait3A_206 : memref<1x125xi32, #tpu.memory_space<vmem>> -> memref<125xi32, #tpu.memory_space<vmem>>
        %dma_wait3A_208 = arith.constant 0 : i32
        %dma_wait3A_209 = arith.constant 0 : i32
        %dma_wait3A_210 = tpu.memref_slice %arg18[%dma_wait3A_208, %dma_wait3A_209] : memref<10000x16xf32, #tpu.memory_space<vmem_shared>> -> memref<10000x16xf32, #tpu.memory_space<vmem_shared>>
        tpu.wait_indirect_dma semaphore(%arg27 : memref<!tpu.dma_semaphore, #tpu.memory_space<semaphore_mem>>) src(%arg15 : memref<125x16xf32, #tpu.memory_space<vmem>>) dst(%dma_wait3A_210 : memref<10000x16xf32, #tpu.memory_space<vmem_shared>>)
      }
      %scan3A_106 = arith.constant 80 : i32
      %barrier3A_107 = arith.constant 0 : index
      tpu.barrier barrier_id(%barrier3A_107)
      %mul3A_108 = arith.constant 624 : i32
      %mul3A_109 = arith.muli %arg1, %mul3A_108 : i32
      %mul3A_110 = arith.constant 624 : i32
      %mul3A_111 = arith.muli %arg1, %mul3A_110 : i32
      %add3A_112 = arith.constant 0 : i32
      %add3A_113 = arith.addi %add3A_112, %mul3A_111 : i32
      "tpu.region"() ({
        %run_scoped3A_203 = tpu.sem_alloc : memref<!tpu.dma_semaphore, #tpu.memory_space<semaphore_mem>>
        %dma_start3A_204 = arith.constant 0 : i32
        %dma_start3A_205 = tpu.memref_slice %arg7[%add3A_113, %dma_start3A_204] : memref<40000x64xf32, #tpu.memory_space<hbm>> -> memref<624x64xf32, #tpu.memory_space<hbm>>
        %dma_start3A_206 = arith.constant 0 : i32
        %dma_start3A_207 = tpu.memref_slice %arg17[%mul3A_109, %dma_start3A_206] : memref<10000x64xf32, #tpu.memory_space<vmem_shared>> -> memref<624x64xf32, #tpu.memory_space<vmem_shared>>
        tpu.enqueue_dma source(%dma_start3A_207 : memref<624x64xf32, #tpu.memory_space<vmem_shared>>) target(%dma_start3A_205 : memref<624x64xf32, #tpu.memory_space<hbm>>) target_semaphore(%run_scoped3A_203 : memref<!tpu.dma_semaphore, #tpu.memory_space<semaphore_mem>>)
        %dma_wait3A_208 = arith.constant 0 : i32
        %dma_wait3A_209 = tpu.memref_slice %arg7[%add3A_113, %dma_wait3A_208] : memref<40000x64xf32, #tpu.memory_space<hbm>> -> memref<624x64xf32, #tpu.memory_space<hbm>>
        %dma_wait3A_210 = arith.constant 0 : i32
        %dma_wait3A_211 = tpu.memref_slice %arg17[%mul3A_109, %dma_wait3A_210] : memref<10000x64xf32, #tpu.memory_space<vmem_shared>> -> memref<624x64xf32, #tpu.memory_space<vmem_shared>>
        tpu.wait_dma2 semaphore(%run_scoped3A_203 : memref<!tpu.dma_semaphore, #tpu.memory_space<semaphore_mem>>) src(%dma_wait3A_211 : memref<624x64xf32, #tpu.memory_space<vmem_shared>>) dst(%dma_wait3A_209 : memref<624x64xf32, #tpu.memory_space<hbm>>)
        tpu.yield
      }) : () -> ()
      %eq3A_114 = arith.constant 0 : i32
      %eq3A_115 = arith.cmpi eq, %arg1, %eq3A_114 : i32
      %convert_element_type3A_116 = arith.extui %eq3A_115 : i1 to i32
      %cond3A_117 = arith.constant 0 : i32
      %cond3A_118 = arith.cmpi ne, %convert_element_type3A_116, %cond3A_117 : i32
      scf.if %cond3A_118 {
        "tpu.region"() ({
          %run_scoped3A_203 = tpu.sem_alloc : memref<!tpu.dma_semaphore, #tpu.memory_space<semaphore_mem>>
          %dma_start3A_204 = arith.constant 9984 : i32
          %dma_start3A_205 = arith.constant 0 : i32
          %dma_start3A_206 = tpu.memref_slice %arg7[%dma_start3A_204, %dma_start3A_205] : memref<40000x64xf32, #tpu.memory_space<hbm>> -> memref<16x64xf32, #tpu.memory_space<hbm>>
          %dma_start3A_207 = arith.constant 9984 : i32
          %dma_start3A_208 = arith.constant 0 : i32
          %dma_start3A_209 = tpu.memref_slice %arg17[%dma_start3A_207, %dma_start3A_208] : memref<10000x64xf32, #tpu.memory_space<vmem_shared>> -> memref<16x64xf32, #tpu.memory_space<vmem_shared>>
          tpu.enqueue_dma source(%dma_start3A_209 : memref<16x64xf32, #tpu.memory_space<vmem_shared>>) target(%dma_start3A_206 : memref<16x64xf32, #tpu.memory_space<hbm>>) target_semaphore(%run_scoped3A_203 : memref<!tpu.dma_semaphore, #tpu.memory_space<semaphore_mem>>)
          %dma_wait3A_210 = arith.constant 9984 : i32
          %dma_wait3A_211 = arith.constant 0 : i32
          %dma_wait3A_212 = tpu.memref_slice %arg7[%dma_wait3A_210, %dma_wait3A_211] : memref<40000x64xf32, #tpu.memory_space<hbm>> -> memref<16x64xf32, #tpu.memory_space<hbm>>
          %dma_wait3A_213 = arith.constant 9984 : i32
          %dma_wait3A_214 = arith.constant 0 : i32
          %dma_wait3A_215 = tpu.memref_slice %arg17[%dma_wait3A_213, %dma_wait3A_214] : memref<10000x64xf32, #tpu.memory_space<vmem_shared>> -> memref<16x64xf32, #tpu.memory_space<vmem_shared>>
          tpu.wait_dma2 semaphore(%run_scoped3A_203 : memref<!tpu.dma_semaphore, #tpu.memory_space<semaphore_mem>>) src(%dma_wait3A_215 : memref<16x64xf32, #tpu.memory_space<vmem_shared>>) dst(%dma_wait3A_212 : memref<16x64xf32, #tpu.memory_space<hbm>>)
          tpu.yield
        }) : () -> ()
      } else {
      }
      %barrier3A_119 = arith.constant 0 : index
      tpu.barrier barrier_id(%barrier3A_119)
      %scan3A_120 = arith.constant 0 : i32
      %scan3A_121 = arith.constant 0 : i32
      %scan3A_122 = arith.constant 125 : i32
      %scan3A_123 = arith.addi %scan3A_121, %scan3A_122 : i32
      %scan3A_124 = arith.constant 1 : i32
      scf.for %scan3A_203 = %scan3A_121 to %scan3A_123 step %scan3A_124  : i32 {
        %scan3A_204 = arith.constant 0 : i32
        %scan3A_205 = arith.constant 0 : i32
        %scan3A_206 = arith.constant 4 : i32
        %scan3A_207 = arith.addi %scan3A_205, %scan3A_206 : i32
        %scan3A_208 = arith.constant 1 : i32
        scf.for %scan3A_210 = %scan3A_205 to %scan3A_207 step %scan3A_208  : i32 {
          %broadcast_in_dim3A = arith.constant 0.000000e+00 : f32
          %broadcast_in_dim3A_211 = vector.broadcast %broadcast_in_dim3A : f32 to vector<16xf32>
          %mul3A_212 = arith.constant 16 : i32
          %mul3A_213 = arith.muli %scan3A_210, %mul3A_212 : i32
          %swap3A = arith.index_cast %scan3A_203 : i32 to index
          %swap3A_214 = arith.index_cast %mul3A_213 : i32 to index
          %swap3A_215 = tpu.vector_load %arg11[%swap3A, %swap3A_214] {strides = array<i32>} : memref<125x64xf32, #tpu.memory_space<vmem>>, vector<1x16xf32>,
          %swap3A_216 = vector.shape_cast %swap3A_215 : vector<1x16xf32> to vector<16xf32>
          %swap3A_217 = vector.shape_cast %broadcast_in_dim3A_211 : vector<16xf32> to vector<1x16xf32>
          tpu.vector_store %arg11[%swap3A, %swap3A_214], %swap3A_217 {strides = array<i32>} : memref<125x64xf32, #tpu.memory_space<vmem>>, vector<1x16xf32>,
        }
        %scan3A_209 = arith.constant 4 : i32
      }
      %scan3A_125 = arith.constant 125 : i32
      %mul3A_126 = arith.constant 624 : i32
      %mul3A_127 = arith.muli %arg1, %mul3A_126 : i32
      %scan3A_128 = arith.constant 0 : i32
      %scan3A_129 = arith.constant 0 : i32
      %scan3A_130 = arith.constant 4 : i32
      %scan3A_131 = arith.addi %scan3A_129, %scan3A_130 : i32
      %scan3A_132 = arith.constant 1 : i32
      scf.for %scan3A_203 = %scan3A_129 to %scan3A_131 step %scan3A_132  : i32 {
        %mul3A_204 = arith.constant 125 : i32
        %mul3A_205 = arith.muli %scan3A_203, %mul3A_204 : i32
        %add3A_206 = arith.addi %mul3A_127, %mul3A_205 : i32
        "tpu.region"() ({
          %run_scoped3A_207 = tpu.sem_alloc : memref<!tpu.dma_semaphore, #tpu.memory_space<semaphore_mem>>
          %dma_start3A_208 = arith.constant 0 : i32
          %dma_start3A_209 = tpu.memref_slice %arg17[%add3A_206, %dma_start3A_208] : memref<10000x64xf32, #tpu.memory_space<vmem_shared>> -> memref<125x64xf32, #tpu.memory_space<vmem_shared>>
          %dma_start3A_210 = arith.constant 0 : i32
          %dma_start3A_211 = tpu.memref_slice %arg17[%add3A_206, %dma_start3A_210] : memref<10000x64xf32, #tpu.memory_space<vmem_shared>> -> memref<125x64xf32, #tpu.memory_space<vmem_shared>>
          tpu.enqueue_dma source(%arg11 : memref<125x64xf32, #tpu.memory_space<vmem>>) target(%dma_start3A_211 : memref<125x64xf32, #tpu.memory_space<vmem_shared>>) target_semaphore(%run_scoped3A_207 : memref<!tpu.dma_semaphore, #tpu.memory_space<semaphore_mem>>)
          %dma_wait3A_212 = arith.constant 0 : i32
          %dma_wait3A_213 = tpu.memref_slice %arg17[%add3A_206, %dma_wait3A_212] : memref<10000x64xf32, #tpu.memory_space<vmem_shared>> -> memref<125x64xf32, #tpu.memory_space<vmem_shared>>
          %dma_wait3A_214 = arith.constant 0 : i32
          %dma_wait3A_215 = tpu.memref_slice %arg17[%add3A_206, %dma_wait3A_214] : memref<10000x64xf32, #tpu.memory_space<vmem_shared>> -> memref<125x64xf32, #tpu.memory_space<vmem_shared>>
          tpu.wait_dma2 semaphore(%run_scoped3A_207 : memref<!tpu.dma_semaphore, #tpu.memory_space<semaphore_mem>>) src(%arg11 : memref<125x64xf32, #tpu.memory_space<vmem>>) dst(%dma_wait3A_215 : memref<125x64xf32, #tpu.memory_space<vmem_shared>>)
          tpu.yield
        }) : () -> ()
      }
      %scan3A_133 = arith.constant 4 : i32
      %add3A_134 = arith.constant 500 : i32
      %add3A_135 = arith.addi %mul3A_127, %add3A_134 : i32
      "tpu.region"() ({
        %run_scoped3A_203 = tpu.sem_alloc : memref<!tpu.dma_semaphore, #tpu.memory_space<semaphore_mem>>
        %dma_start3A_204 = arith.constant 0 : i32
        %dma_start3A_205 = arith.constant 0 : i32
        %dma_start3A_206 = tpu.memref_slice %arg11[%dma_start3A_204, %dma_start3A_205] : memref<125x64xf32, #tpu.memory_space<vmem>> -> memref<124x64xf32, #tpu.memory_space<vmem>>
        %dma_start3A_207 = arith.constant 0 : i32
        %dma_start3A_208 = tpu.memref_slice %arg17[%add3A_135, %dma_start3A_207] : memref<10000x64xf32, #tpu.memory_space<vmem_shared>> -> memref<124x64xf32, #tpu.memory_space<vmem_shared>>
        %dma_start3A_209 = arith.constant 0 : i32
        %dma_start3A_210 = tpu.memref_slice %arg17[%add3A_135, %dma_start3A_209] : memref<10000x64xf32, #tpu.memory_space<vmem_shared>> -> memref<124x64xf32, #tpu.memory_space<vmem_shared>>
        %dma_start3A_211 = arith.constant 0 : i32
        %dma_start3A_212 = arith.constant 0 : i32
        %dma_start3A_213 = tpu.memref_slice %arg11[%dma_start3A_211, %dma_start3A_212] : memref<125x64xf32, #tpu.memory_space<vmem>> -> memref<124x64xf32, #tpu.memory_space<vmem>>
        tpu.enqueue_dma source(%dma_start3A_213 : memref<124x64xf32, #tpu.memory_space<vmem>>) target(%dma_start3A_210 : memref<124x64xf32, #tpu.memory_space<vmem_shared>>) target_semaphore(%run_scoped3A_203 : memref<!tpu.dma_semaphore, #tpu.memory_space<semaphore_mem>>)
        %dma_wait3A_214 = arith.constant 0 : i32
        %dma_wait3A_215 = arith.constant 0 : i32
        %dma_wait3A_216 = tpu.memref_slice %arg11[%dma_wait3A_214, %dma_wait3A_215] : memref<125x64xf32, #tpu.memory_space<vmem>> -> memref<124x64xf32, #tpu.memory_space<vmem>>
        %dma_wait3A_217 = arith.constant 0 : i32
        %dma_wait3A_218 = tpu.memref_slice %arg17[%add3A_135, %dma_wait3A_217] : memref<10000x64xf32, #tpu.memory_space<vmem_shared>> -> memref<124x64xf32, #tpu.memory_space<vmem_shared>>
        %dma_wait3A_219 = arith.constant 0 : i32
        %dma_wait3A_220 = tpu.memref_slice %arg17[%add3A_135, %dma_wait3A_219] : memref<10000x64xf32, #tpu.memory_space<vmem_shared>> -> memref<124x64xf32, #tpu.memory_space<vmem_shared>>
        %dma_wait3A_221 = arith.constant 0 : i32
        %dma_wait3A_222 = arith.constant 0 : i32
        %dma_wait3A_223 = tpu.memref_slice %arg11[%dma_wait3A_221, %dma_wait3A_222] : memref<125x64xf32, #tpu.memory_space<vmem>> -> memref<124x64xf32, #tpu.memory_space<vmem>>
        tpu.wait_dma2 semaphore(%run_scoped3A_203 : memref<!tpu.dma_semaphore, #tpu.memory_space<semaphore_mem>>) src(%dma_wait3A_223 : memref<124x64xf32, #tpu.memory_space<vmem>>) dst(%dma_wait3A_220 : memref<124x64xf32, #tpu.memory_space<vmem_shared>>)
        tpu.yield
      }) : () -> ()
      %eq3A_136 = arith.constant 0 : i32
      %eq3A_137 = arith.cmpi eq, %arg1, %eq3A_136 : i32
      %convert_element_type3A_138 = arith.extui %eq3A_137 : i1 to i32
      %cond3A_139 = arith.constant 0 : i32
      %cond3A_140 = arith.cmpi ne, %convert_element_type3A_138, %cond3A_139 : i32
      scf.if %cond3A_140 {
        "tpu.region"() ({
          %run_scoped3A_203 = tpu.sem_alloc : memref<!tpu.dma_semaphore, #tpu.memory_space<semaphore_mem>>
          %dma_start3A_204 = arith.constant 0 : i32
          %dma_start3A_205 = arith.constant 0 : i32
          %dma_start3A_206 = tpu.memref_slice %arg11[%dma_start3A_204, %dma_start3A_205] : memref<125x64xf32, #tpu.memory_space<vmem>> -> memref<16x64xf32, #tpu.memory_space<vmem>>
          %dma_start3A_207 = arith.constant 9984 : i32
          %dma_start3A_208 = arith.constant 0 : i32
          %dma_start3A_209 = tpu.memref_slice %arg17[%dma_start3A_207, %dma_start3A_208] : memref<10000x64xf32, #tpu.memory_space<vmem_shared>> -> memref<16x64xf32, #tpu.memory_space<vmem_shared>>
          %dma_start3A_210 = arith.constant 9984 : i32
          %dma_start3A_211 = arith.constant 0 : i32
          %dma_start3A_212 = tpu.memref_slice %arg17[%dma_start3A_210, %dma_start3A_211] : memref<10000x64xf32, #tpu.memory_space<vmem_shared>> -> memref<16x64xf32, #tpu.memory_space<vmem_shared>>
          %dma_start3A_213 = arith.constant 0 : i32
          %dma_start3A_214 = arith.constant 0 : i32
          %dma_start3A_215 = tpu.memref_slice %arg11[%dma_start3A_213, %dma_start3A_214] : memref<125x64xf32, #tpu.memory_space<vmem>> -> memref<16x64xf32, #tpu.memory_space<vmem>>
          tpu.enqueue_dma source(%dma_start3A_215 : memref<16x64xf32, #tpu.memory_space<vmem>>) target(%dma_start3A_212 : memref<16x64xf32, #tpu.memory_space<vmem_shared>>) target_semaphore(%run_scoped3A_203 : memref<!tpu.dma_semaphore, #tpu.memory_space<semaphore_mem>>)
          %dma_wait3A_216 = arith.constant 0 : i32
          %dma_wait3A_217 = arith.constant 0 : i32
          %dma_wait3A_218 = tpu.memref_slice %arg11[%dma_wait3A_216, %dma_wait3A_217] : memref<125x64xf32, #tpu.memory_space<vmem>> -> memref<16x64xf32, #tpu.memory_space<vmem>>
          %dma_wait3A_219 = arith.constant 9984 : i32
          %dma_wait3A_220 = arith.constant 0 : i32
          %dma_wait3A_221 = tpu.memref_slice %arg17[%dma_wait3A_219, %dma_wait3A_220] : memref<10000x64xf32, #tpu.memory_space<vmem_shared>> -> memref<16x64xf32, #tpu.memory_space<vmem_shared>>
          %dma_wait3A_222 = arith.constant 9984 : i32
          %dma_wait3A_223 = arith.constant 0 : i32
          %dma_wait3A_224 = tpu.memref_slice %arg17[%dma_wait3A_222, %dma_wait3A_223] : memref<10000x64xf32, #tpu.memory_space<vmem_shared>> -> memref<16x64xf32, #tpu.memory_space<vmem_shared>>
          %dma_wait3A_225 = arith.constant 0 : i32
          %dma_wait3A_226 = arith.constant 0 : i32
          %dma_wait3A_227 = tpu.memref_slice %arg11[%dma_wait3A_225, %dma_wait3A_226] : memref<125x64xf32, #tpu.memory_space<vmem>> -> memref<16x64xf32, #tpu.memory_space<vmem>>
          tpu.wait_dma2 semaphore(%run_scoped3A_203 : memref<!tpu.dma_semaphore, #tpu.memory_space<semaphore_mem>>) src(%dma_wait3A_227 : memref<16x64xf32, #tpu.memory_space<vmem>>) dst(%dma_wait3A_224 : memref<16x64xf32, #tpu.memory_space<vmem_shared>>)
          tpu.yield
        }) : () -> ()
      } else {
      }
      %barrier3A_141 = arith.constant 0 : index
      tpu.barrier barrier_id(%barrier3A_141)
      %dma_start3A_142 = arith.constant 0 : i32
      %dma_start3A_143 = arith.constant 0 : i32
      %dma_start3A_144 = tpu.memref_slice %arg9[%dma_start3A_142, %dma_start3A_143] : memref<80x125xi32, #tpu.memory_space<vmem>> -> memref<1x125xi32, #tpu.memory_space<vmem>>
      %dma_start3A_145 = tpu.memref_squeeze %dma_start3A_144 : memref<1x125xi32, #tpu.memory_space<vmem>> -> memref<125xi32, #tpu.memory_space<vmem>>
      %dma_start3A_146 = arith.constant 0 : i32
      %dma_start3A_147 = arith.constant 0 : i32
      %dma_start3A_148 = tpu.memref_slice %arg3[%dma_start3A_146, %dma_start3A_147] : memref<10000x64xf32, #tpu.memory_space<hbm>> -> memref<10000x64xf32, #tpu.memory_space<hbm>>
      tpu.enqueue_indirect_dma source(%dma_start3A_148 : memref<10000x64xf32, #tpu.memory_space<hbm>>) target(%arg11 : memref<125x64xf32, #tpu.memory_space<vmem>>) offsets(%dma_start3A_145 : memref<125xi32, #tpu.memory_space<vmem>>) semaphore(%arg19 : memref<!tpu.dma_semaphore, #tpu.memory_space<semaphore_mem>>)
      %dma_start3A_149 = arith.constant 1 : i32
      %dma_start3A_150 = arith.constant 0 : i32
      %dma_start3A_151 = tpu.memref_slice %arg9[%dma_start3A_149, %dma_start3A_150] : memref<80x125xi32, #tpu.memory_space<vmem>> -> memref<1x125xi32, #tpu.memory_space<vmem>>
      %dma_start3A_152 = tpu.memref_squeeze %dma_start3A_151 : memref<1x125xi32, #tpu.memory_space<vmem>> -> memref<125xi32, #tpu.memory_space<vmem>>
      %dma_start3A_153 = arith.constant 0 : i32
      %dma_start3A_154 = arith.constant 0 : i32
      %dma_start3A_155 = tpu.memref_slice %arg3[%dma_start3A_153, %dma_start3A_154] : memref<10000x64xf32, #tpu.memory_space<hbm>> -> memref<10000x64xf32, #tpu.memory_space<hbm>>
      tpu.enqueue_indirect_dma source(%dma_start3A_155 : memref<10000x64xf32, #tpu.memory_space<hbm>>) target(%arg12 : memref<125x64xf32, #tpu.memory_space<vmem>>) offsets(%dma_start3A_152 : memref<125xi32, #tpu.memory_space<vmem>>) semaphore(%arg20 : memref<!tpu.dma_semaphore, #tpu.memory_space<semaphore_mem>>)
      %scan3A_156 = arith.constant 0 : i32
      %scan3A_157 = arith.constant 0 : i32
      %scan3A_158 = arith.constant 20 : i32
      %scan3A_159 = arith.addi %scan3A_157, %scan3A_158 : i32
      %scan3A_160 = arith.constant 1 : i32
      scf.for %scan3A_203 = %scan3A_157 to %scan3A_159 step %scan3A_160  : i32 {
        %mul3A_204 = arith.constant 4 : i32
        %mul3A_205 = arith.muli %scan3A_203, %mul3A_204 : i32
        %add3A_206 = arith.constant 0 : i32
        %add3A_207 = arith.addi %mul3A_205, %add3A_206 : i32
        %add3A_208 = arith.constant 2 : i32
        %add3A_209 = arith.addi %add3A_207, %add3A_208 : i32
        %lt3A = arith.constant 80 : i32
        %lt3A_210 = arith.cmpi slt, %add3A_209, %lt3A : i32
        %convert_element_type3A_211 = arith.extui %lt3A_210 : i1 to i32
        %cond3A_212 = arith.constant 0 : i32
        %cond3A_213 = arith.cmpi ne, %convert_element_type3A_211, %cond3A_212 : i32
        scf.if %cond3A_213 {
          %ge3A = arith.constant 4 : i32
          %ge3A_289 = arith.cmpi sge, %add3A_209, %ge3A : i32
          %convert_element_type3A_290 = arith.extui %ge3A_289 : i1 to i32
          %cond3A_291 = arith.constant 0 : i32
          %cond3A_292 = arith.cmpi ne, %convert_element_type3A_290, %cond3A_291 : i32
          scf.if %cond3A_292 {
            %dma_wait3A_299 = arith.constant 0 : i32
            %dma_wait3A_300 = tpu.memref_slice %arg10[%add3A_207, %dma_wait3A_299] : memref<80x125xi32, #tpu.memory_space<vmem>> -> memref<1x125xi32, #tpu.memory_space<vmem>>
            %dma_wait3A_301 = tpu.memref_squeeze %dma_wait3A_300 : memref<1x125xi32, #tpu.memory_space<vmem>> -> memref<125xi32, #tpu.memory_space<vmem>>
            %dma_wait3A_302 = arith.constant 0 : i32
            %dma_wait3A_303 = arith.constant 0 : i32
            %dma_wait3A_304 = tpu.memref_slice %arg17[%dma_wait3A_302, %dma_wait3A_303] : memref<10000x64xf32, #tpu.memory_space<vmem_shared>> -> memref<10000x64xf32, #tpu.memory_space<vmem_shared>>
            tpu.wait_indirect_dma semaphore(%arg25 : memref<!tpu.dma_semaphore, #tpu.memory_space<semaphore_mem>>) src(%arg13 : memref<125x64xf32, #tpu.memory_space<vmem>>) dst(%dma_wait3A_304 : memref<10000x64xf32, #tpu.memory_space<vmem_shared>>)
          } else {
          }
          %dma_start3A_293 = arith.constant 0 : i32
          %dma_start3A_294 = tpu.memref_slice %arg9[%add3A_209, %dma_start3A_293] : memref<80x125xi32, #tpu.memory_space<vmem>> -> memref<1x125xi32, #tpu.memory_space<vmem>>
          %dma_start3A_295 = tpu.memref_squeeze %dma_start3A_294 : memref<1x125xi32, #tpu.memory_space<vmem>> -> memref<125xi32, #tpu.memory_space<vmem>>
          %dma_start3A_296 = arith.constant 0 : i32
          %dma_start3A_297 = arith.constant 0 : i32
          %dma_start3A_298 = tpu.memref_slice %arg3[%dma_start3A_296, %dma_start3A_297] : memref<10000x64xf32, #tpu.memory_space<hbm>> -> memref<10000x64xf32, #tpu.memory_space<hbm>>
          tpu.enqueue_indirect_dma source(%dma_start3A_298 : memref<10000x64xf32, #tpu.memory_space<hbm>>) target(%arg13 : memref<125x64xf32, #tpu.memory_space<vmem>>) offsets(%dma_start3A_295 : memref<125xi32, #tpu.memory_space<vmem>>) semaphore(%arg21 : memref<!tpu.dma_semaphore, #tpu.memory_space<semaphore_mem>>)
        } else {
        }
        %dma_wait3A_214 = arith.constant 0 : i32
        %dma_wait3A_215 = tpu.memref_slice %arg9[%add3A_207, %dma_wait3A_214] : memref<80x125xi32, #tpu.memory_space<vmem>> -> memref<1x125xi32, #tpu.memory_space<vmem>>
        %dma_wait3A_216 = tpu.memref_squeeze %dma_wait3A_215 : memref<1x125xi32, #tpu.memory_space<vmem>> -> memref<125xi32, #tpu.memory_space<vmem>>
        %dma_wait3A_217 = arith.constant 0 : i32
        %dma_wait3A_218 = arith.constant 0 : i32
        %dma_wait3A_219 = tpu.memref_slice %arg3[%dma_wait3A_217, %dma_wait3A_218] : memref<10000x64xf32, #tpu.memory_space<hbm>> -> memref<10000x64xf32, #tpu.memory_space<hbm>>
        tpu.wait_indirect_dma semaphore(%arg19 : memref<!tpu.dma_semaphore, #tpu.memory_space<semaphore_mem>>) src(%dma_wait3A_219 : memref<10000x64xf32, #tpu.memory_space<hbm>>) dst(%arg11 : memref<125x64xf32, #tpu.memory_space<vmem>>)
        %dma_start3A_220 = arith.constant 0 : i32
        %dma_start3A_221 = tpu.memref_slice %arg10[%add3A_207, %dma_start3A_220] : memref<80x125xi32, #tpu.memory_space<vmem>> -> memref<1x125xi32, #tpu.memory_space<vmem>>
        %dma_start3A_222 = tpu.memref_squeeze %dma_start3A_221 : memref<1x125xi32, #tpu.memory_space<vmem>> -> memref<125xi32, #tpu.memory_space<vmem>>
        %dma_start3A_223 = arith.constant 0 : i32
        %dma_start3A_224 = arith.constant 0 : i32
        %dma_start3A_225 = tpu.memref_slice %arg17[%dma_start3A_223, %dma_start3A_224] : memref<10000x64xf32, #tpu.memory_space<vmem_shared>> -> memref<10000x64xf32, #tpu.memory_space<vmem_shared>>
        tpu.enqueue_indirect_dma source(%arg11 : memref<125x64xf32, #tpu.memory_space<vmem>>) target(%dma_start3A_225 : memref<10000x64xf32, #tpu.memory_space<vmem_shared>>) offsets(%dma_start3A_222 : memref<125xi32, #tpu.memory_space<vmem>>) semaphore(%arg23 : memref<!tpu.dma_semaphore, #tpu.memory_space<semaphore_mem>>) {add = true}
        %add3A_226 = arith.constant 1 : i32
        %add3A_227 = arith.addi %mul3A_205, %add3A_226 : i32
        %add3A_228 = arith.constant 2 : i32
        %add3A_229 = arith.addi %add3A_227, %add3A_228 : i32
        %lt3A_230 = arith.constant 80 : i32
        %lt3A_231 = arith.cmpi slt, %add3A_229, %lt3A_230 : i32
        %convert_element_type3A_232 = arith.extui %lt3A_231 : i1 to i32
        %cond3A_233 = arith.constant 0 : i32
        %cond3A_234 = arith.cmpi ne, %convert_element_type3A_232, %cond3A_233 : i32
        scf.if %cond3A_234 {
          %ge3A = arith.constant 4 : i32
          %ge3A_289 = arith.cmpi sge, %add3A_229, %ge3A : i32
          %convert_element_type3A_290 = arith.extui %ge3A_289 : i1 to i32
          %cond3A_291 = arith.constant 0 : i32
          %cond3A_292 = arith.cmpi ne, %convert_element_type3A_290, %cond3A_291 : i32
          scf.if %cond3A_292 {
            %dma_wait3A_299 = arith.constant 0 : i32
            %dma_wait3A_300 = tpu.memref_slice %arg10[%add3A_227, %dma_wait3A_299] : memref<80x125xi32, #tpu.memory_space<vmem>> -> memref<1x125xi32, #tpu.memory_space<vmem>>
            %dma_wait3A_301 = tpu.memref_squeeze %dma_wait3A_300 : memref<1x125xi32, #tpu.memory_space<vmem>> -> memref<125xi32, #tpu.memory_space<vmem>>
            %dma_wait3A_302 = arith.constant 0 : i32
            %dma_wait3A_303 = arith.constant 0 : i32
            %dma_wait3A_304 = tpu.memref_slice %arg17[%dma_wait3A_302, %dma_wait3A_303] : memref<10000x64xf32, #tpu.memory_space<vmem_shared>> -> memref<10000x64xf32, #tpu.memory_space<vmem_shared>>
            tpu.wait_indirect_dma semaphore(%arg26 : memref<!tpu.dma_semaphore, #tpu.memory_space<semaphore_mem>>) src(%arg14 : memref<125x64xf32, #tpu.memory_space<vmem>>) dst(%dma_wait3A_304 : memref<10000x64xf32, #tpu.memory_space<vmem_shared>>)
          } else {
          }
          %dma_start3A_293 = arith.constant 0 : i32
          %dma_start3A_294 = tpu.memref_slice %arg9[%add3A_229, %dma_start3A_293] : memref<80x125xi32, #tpu.memory_space<vmem>> -> memref<1x125xi32, #tpu.memory_space<vmem>>
          %dma_start3A_295 = tpu.memref_squeeze %dma_start3A_294 : memref<1x125xi32, #tpu.memory_space<vmem>> -> memref<125xi32, #tpu.memory_space<vmem>>
          %dma_start3A_296 = arith.constant 0 : i32
          %dma_start3A_297 = arith.constant 0 : i32
          %dma_start3A_298 = tpu.memref_slice %arg3[%dma_start3A_296, %dma_start3A_297] : memref<10000x64xf32, #tpu.memory_space<hbm>> -> memref<10000x64xf32, #tpu.memory_space<hbm>>
          tpu.enqueue_indirect_dma source(%dma_start3A_298 : memref<10000x64xf32, #tpu.memory_space<hbm>>) target(%arg14 : memref<125x64xf32, #tpu.memory_space<vmem>>) offsets(%dma_start3A_295 : memref<125xi32, #tpu.memory_space<vmem>>) semaphore(%arg22 : memref<!tpu.dma_semaphore, #tpu.memory_space<semaphore_mem>>)
        } else {
        }
        %dma_wait3A_235 = arith.constant 0 : i32
        %dma_wait3A_236 = tpu.memref_slice %arg9[%add3A_227, %dma_wait3A_235] : memref<80x125xi32, #tpu.memory_space<vmem>> -> memref<1x125xi32, #tpu.memory_space<vmem>>
        %dma_wait3A_237 = tpu.memref_squeeze %dma_wait3A_236 : memref<1x125xi32, #tpu.memory_space<vmem>> -> memref<125xi32, #tpu.memory_space<vmem>>
        %dma_wait3A_238 = arith.constant 0 : i32
        %dma_wait3A_239 = arith.constant 0 : i32
        %dma_wait3A_240 = tpu.memref_slice %arg3[%dma_wait3A_238, %dma_wait3A_239] : memref<10000x64xf32, #tpu.memory_space<hbm>> -> memref<10000x64xf32, #tpu.memory_space<hbm>>
        tpu.wait_indirect_dma semaphore(%arg20 : memref<!tpu.dma_semaphore, #tpu.memory_space<semaphore_mem>>) src(%dma_wait3A_240 : memref<10000x64xf32, #tpu.memory_space<hbm>>) dst(%arg12 : memref<125x64xf32, #tpu.memory_space<vmem>>)
        %dma_start3A_241 = arith.constant 0 : i32
        %dma_start3A_242 = tpu.memref_slice %arg10[%add3A_227, %dma_start3A_241] : memref<80x125xi32, #tpu.memory_space<vmem>> -> memref<1x125xi32, #tpu.memory_space<vmem>>
        %dma_start3A_243 = tpu.memref_squeeze %dma_start3A_242 : memref<1x125xi32, #tpu.memory_space<vmem>> -> memref<125xi32, #tpu.memory_space<vmem>>
        %dma_start3A_244 = arith.constant 0 : i32
        %dma_start3A_245 = arith.constant 0 : i32
        %dma_start3A_246 = tpu.memref_slice %arg17[%dma_start3A_244, %dma_start3A_245] : memref<10000x64xf32, #tpu.memory_space<vmem_shared>> -> memref<10000x64xf32, #tpu.memory_space<vmem_shared>>
        tpu.enqueue_indirect_dma source(%arg12 : memref<125x64xf32, #tpu.memory_space<vmem>>) target(%dma_start3A_246 : memref<10000x64xf32, #tpu.memory_space<vmem_shared>>) offsets(%dma_start3A_243 : memref<125xi32, #tpu.memory_space<vmem>>) semaphore(%arg24 : memref<!tpu.dma_semaphore, #tpu.memory_space<semaphore_mem>>) {add = true}
        %add3A_247 = arith.constant 2 : i32
        %add3A_248 = arith.addi %mul3A_205, %add3A_247 : i32
        %add3A_249 = arith.constant 2 : i32
        %add3A_250 = arith.addi %add3A_248, %add3A_249 : i32
        %lt3A_251 = arith.constant 80 : i32
        %lt3A_252 = arith.cmpi slt, %add3A_250, %lt3A_251 : i32
        %convert_element_type3A_253 = arith.extui %lt3A_252 : i1 to i32
        %cond3A_254 = arith.constant 0 : i32
        %cond3A_255 = arith.cmpi ne, %convert_element_type3A_253, %cond3A_254 : i32
        scf.if %cond3A_255 {
          %ge3A = arith.constant 4 : i32
          %ge3A_289 = arith.cmpi sge, %add3A_250, %ge3A : i32
          %convert_element_type3A_290 = arith.extui %ge3A_289 : i1 to i32
          %cond3A_291 = arith.constant 0 : i32
          %cond3A_292 = arith.cmpi ne, %convert_element_type3A_290, %cond3A_291 : i32
          scf.if %cond3A_292 {
            %dma_wait3A_299 = arith.constant 0 : i32
            %dma_wait3A_300 = tpu.memref_slice %arg10[%add3A_248, %dma_wait3A_299] : memref<80x125xi32, #tpu.memory_space<vmem>> -> memref<1x125xi32, #tpu.memory_space<vmem>>
            %dma_wait3A_301 = tpu.memref_squeeze %dma_wait3A_300 : memref<1x125xi32, #tpu.memory_space<vmem>> -> memref<125xi32, #tpu.memory_space<vmem>>
            %dma_wait3A_302 = arith.constant 0 : i32
            %dma_wait3A_303 = arith.constant 0 : i32
            %dma_wait3A_304 = tpu.memref_slice %arg17[%dma_wait3A_302, %dma_wait3A_303] : memref<10000x64xf32, #tpu.memory_space<vmem_shared>> -> memref<10000x64xf32, #tpu.memory_space<vmem_shared>>
            tpu.wait_indirect_dma semaphore(%arg23 : memref<!tpu.dma_semaphore, #tpu.memory_space<semaphore_mem>>) src(%arg11 : memref<125x64xf32, #tpu.memory_space<vmem>>) dst(%dma_wait3A_304 : memref<10000x64xf32, #tpu.memory_space<vmem_shared>>)
          } else {
          }
          %dma_start3A_293 = arith.constant 0 : i32
          %dma_start3A_294 = tpu.memref_slice %arg9[%add3A_250, %dma_start3A_293] : memref<80x125xi32, #tpu.memory_space<vmem>> -> memref<1x125xi32, #tpu.memory_space<vmem>>
          %dma_start3A_295 = tpu.memref_squeeze %dma_start3A_294 : memref<1x125xi32, #tpu.memory_space<vmem>> -> memref<125xi32, #tpu.memory_space<vmem>>
          %dma_start3A_296 = arith.constant 0 : i32
          %dma_start3A_297 = arith.constant 0 : i32
          %dma_start3A_298 = tpu.memref_slice %arg3[%dma_start3A_296, %dma_start3A_297] : memref<10000x64xf32, #tpu.memory_space<hbm>> -> memref<10000x64xf32, #tpu.memory_space<hbm>>
          tpu.enqueue_indirect_dma source(%dma_start3A_298 : memref<10000x64xf32, #tpu.memory_space<hbm>>) target(%arg11 : memref<125x64xf32, #tpu.memory_space<vmem>>) offsets(%dma_start3A_295 : memref<125xi32, #tpu.memory_space<vmem>>) semaphore(%arg19 : memref<!tpu.dma_semaphore, #tpu.memory_space<semaphore_mem>>)
        } else {
        }
        %dma_wait3A_256 = arith.constant 0 : i32
        %dma_wait3A_257 = tpu.memref_slice %arg9[%add3A_248, %dma_wait3A_256] : memref<80x125xi32, #tpu.memory_space<vmem>> -> memref<1x125xi32, #tpu.memory_space<vmem>>
        %dma_wait3A_258 = tpu.memref_squeeze %dma_wait3A_257 : memref<1x125xi32, #tpu.memory_space<vmem>> -> memref<125xi32, #tpu.memory_space<vmem>>
        %dma_wait3A_259 = arith.constant 0 : i32
        %dma_wait3A_260 = arith.constant 0 : i32
        %dma_wait3A_261 = tpu.memref_slice %arg3[%dma_wait3A_259, %dma_wait3A_260] : memref<10000x64xf32, #tpu.memory_space<hbm>> -> memref<10000x64xf32, #tpu.memory_space<hbm>>
        tpu.wait_indirect_dma semaphore(%arg21 : memref<!tpu.dma_semaphore, #tpu.memory_space<semaphore_mem>>) src(%dma_wait3A_261 : memref<10000x64xf32, #tpu.memory_space<hbm>>) dst(%arg13 : memref<125x64xf32, #tpu.memory_space<vmem>>)
        %dma_start3A_262 = arith.constant 0 : i32
        %dma_start3A_263 = tpu.memref_slice %arg10[%add3A_248, %dma_start3A_262] : memref<80x125xi32, #tpu.memory_space<vmem>> -> memref<1x125xi32, #tpu.memory_space<vmem>>
        %dma_start3A_264 = tpu.memref_squeeze %dma_start3A_263 : memref<1x125xi32, #tpu.memory_space<vmem>> -> memref<125xi32, #tpu.memory_space<vmem>>
        %dma_start3A_265 = arith.constant 0 : i32
        %dma_start3A_266 = arith.constant 0 : i32
        %dma_start3A_267 = tpu.memref_slice %arg17[%dma_start3A_265, %dma_start3A_266] : memref<10000x64xf32, #tpu.memory_space<vmem_shared>> -> memref<10000x64xf32, #tpu.memory_space<vmem_shared>>
        tpu.enqueue_indirect_dma source(%arg13 : memref<125x64xf32, #tpu.memory_space<vmem>>) target(%dma_start3A_267 : memref<10000x64xf32, #tpu.memory_space<vmem_shared>>) offsets(%dma_start3A_264 : memref<125xi32, #tpu.memory_space<vmem>>) semaphore(%arg25 : memref<!tpu.dma_semaphore, #tpu.memory_space<semaphore_mem>>) {add = true}
        %add3A_268 = arith.constant 3 : i32
        %add3A_269 = arith.addi %mul3A_205, %add3A_268 : i32
        %add3A_270 = arith.constant 2 : i32
        %add3A_271 = arith.addi %add3A_269, %add3A_270 : i32
        %lt3A_272 = arith.constant 80 : i32
        %lt3A_273 = arith.cmpi slt, %add3A_271, %lt3A_272 : i32
        %convert_element_type3A_274 = arith.extui %lt3A_273 : i1 to i32
        %cond3A_275 = arith.constant 0 : i32
        %cond3A_276 = arith.cmpi ne, %convert_element_type3A_274, %cond3A_275 : i32
        scf.if %cond3A_276 {
          %ge3A = arith.constant 4 : i32
          %ge3A_289 = arith.cmpi sge, %add3A_271, %ge3A : i32
          %convert_element_type3A_290 = arith.extui %ge3A_289 : i1 to i32
          %cond3A_291 = arith.constant 0 : i32
          %cond3A_292 = arith.cmpi ne, %convert_element_type3A_290, %cond3A_291 : i32
          scf.if %cond3A_292 {
            %dma_wait3A_299 = arith.constant 0 : i32
            %dma_wait3A_300 = tpu.memref_slice %arg10[%add3A_269, %dma_wait3A_299] : memref<80x125xi32, #tpu.memory_space<vmem>> -> memref<1x125xi32, #tpu.memory_space<vmem>>
            %dma_wait3A_301 = tpu.memref_squeeze %dma_wait3A_300 : memref<1x125xi32, #tpu.memory_space<vmem>> -> memref<125xi32, #tpu.memory_space<vmem>>
            %dma_wait3A_302 = arith.constant 0 : i32
            %dma_wait3A_303 = arith.constant 0 : i32
            %dma_wait3A_304 = tpu.memref_slice %arg17[%dma_wait3A_302, %dma_wait3A_303] : memref<10000x64xf32, #tpu.memory_space<vmem_shared>> -> memref<10000x64xf32, #tpu.memory_space<vmem_shared>>
            tpu.wait_indirect_dma semaphore(%arg24 : memref<!tpu.dma_semaphore, #tpu.memory_space<semaphore_mem>>) src(%arg12 : memref<125x64xf32, #tpu.memory_space<vmem>>) dst(%dma_wait3A_304 : memref<10000x64xf32, #tpu.memory_space<vmem_shared>>)
          } else {
          }
          %dma_start3A_293 = arith.constant 0 : i32
          %dma_start3A_294 = tpu.memref_slice %arg9[%add3A_271, %dma_start3A_293] : memref<80x125xi32, #tpu.memory_space<vmem>> -> memref<1x125xi32, #tpu.memory_space<vmem>>
          %dma_start3A_295 = tpu.memref_squeeze %dma_start3A_294 : memref<1x125xi32, #tpu.memory_space<vmem>> -> memref<125xi32, #tpu.memory_space<vmem>>
          %dma_start3A_296 = arith.constant 0 : i32
          %dma_start3A_297 = arith.constant 0 : i32
          %dma_start3A_298 = tpu.memref_slice %arg3[%dma_start3A_296, %dma_start3A_297] : memref<10000x64xf32, #tpu.memory_space<hbm>> -> memref<10000x64xf32, #tpu.memory_space<hbm>>
          tpu.enqueue_indirect_dma source(%dma_start3A_298 : memref<10000x64xf32, #tpu.memory_space<hbm>>) target(%arg12 : memref<125x64xf32, #tpu.memory_space<vmem>>) offsets(%dma_start3A_295 : memref<125xi32, #tpu.memory_space<vmem>>) semaphore(%arg20 : memref<!tpu.dma_semaphore, #tpu.memory_space<semaphore_mem>>)
        } else {
        }
        %dma_wait3A_277 = arith.constant 0 : i32
        %dma_wait3A_278 = tpu.memref_slice %arg9[%add3A_269, %dma_wait3A_277] : memref<80x125xi32, #tpu.memory_space<vmem>> -> memref<1x125xi32, #tpu.memory_space<vmem>>
        %dma_wait3A_279 = tpu.memref_squeeze %dma_wait3A_278 : memref<1x125xi32, #tpu.memory_space<vmem>> -> memref<125xi32, #tpu.memory_space<vmem>>
        %dma_wait3A_280 = arith.constant 0 : i32
        %dma_wait3A_281 = arith.constant 0 : i32
        %dma_wait3A_282 = tpu.memref_slice %arg3[%dma_wait3A_280, %dma_wait3A_281] : memref<10000x64xf32, #tpu.memory_space<hbm>> -> memref<10000x64xf32, #tpu.memory_space<hbm>>
        tpu.wait_indirect_dma semaphore(%arg22 : memref<!tpu.dma_semaphore, #tpu.memory_space<semaphore_mem>>) src(%dma_wait3A_282 : memref<10000x64xf32, #tpu.memory_space<hbm>>) dst(%arg14 : memref<125x64xf32, #tpu.memory_space<vmem>>)
        %dma_start3A_283 = arith.constant 0 : i32
        %dma_start3A_284 = tpu.memref_slice %arg10[%add3A_269, %dma_start3A_283] : memref<80x125xi32, #tpu.memory_space<vmem>> -> memref<1x125xi32, #tpu.memory_space<vmem>>
        %dma_start3A_285 = tpu.memref_squeeze %dma_start3A_284 : memref<1x125xi32, #tpu.memory_space<vmem>> -> memref<125xi32, #tpu.memory_space<vmem>>
        %dma_start3A_286 = arith.constant 0 : i32
        %dma_start3A_287 = arith.constant 0 : i32
        %dma_start3A_288 = tpu.memref_slice %arg17[%dma_start3A_286, %dma_start3A_287] : memref<10000x64xf32, #tpu.memory_space<vmem_shared>> -> memref<10000x64xf32, #tpu.memory_space<vmem_shared>>
        tpu.enqueue_indirect_dma source(%arg14 : memref<125x64xf32, #tpu.memory_space<vmem>>) target(%dma_start3A_288 : memref<10000x64xf32, #tpu.memory_space<vmem_shared>>) offsets(%dma_start3A_285 : memref<125xi32, #tpu.memory_space<vmem>>) semaphore(%arg26 : memref<!tpu.dma_semaphore, #tpu.memory_space<semaphore_mem>>) {add = true}
      }
      %scan3A_161 = arith.constant 20 : i32
      %dma_wait3A_162 = arith.constant 0 : i32
      %dma_wait3A_163 = arith.constant 0 : i32
      %dma_wait3A_164 = tpu.memref_slice %arg10[%dma_wait3A_162, %dma_wait3A_163] : memref<80x125xi32, #tpu.memory_space<vmem>> -> memref<1x125xi32, #tpu.memory_space<vmem>>
      %dma_wait3A_165 = tpu.memref_squeeze %dma_wait3A_164 : memref<1x125xi32, #tpu.memory_space<vmem>> -> memref<125xi32, #tpu.memory_space<vmem>>
      %dma_wait3A_166 = arith.constant 0 : i32
      %dma_wait3A_167 = arith.constant 0 : i32
      %dma_wait3A_168 = tpu.memref_slice %arg17[%dma_wait3A_166, %dma_wait3A_167] : memref<10000x64xf32, #tpu.memory_space<vmem_shared>> -> memref<10000x64xf32, #tpu.memory_space<vmem_shared>>
      tpu.wait_indirect_dma semaphore(%arg23 : memref<!tpu.dma_semaphore, #tpu.memory_space<semaphore_mem>>) src(%arg11 : memref<125x64xf32, #tpu.memory_space<vmem>>) dst(%dma_wait3A_168 : memref<10000x64xf32, #tpu.memory_space<vmem_shared>>)
      %dma_wait3A_169 = arith.constant 0 : i32
      %dma_wait3A_170 = arith.constant 0 : i32
      %dma_wait3A_171 = tpu.memref_slice %arg10[%dma_wait3A_169, %dma_wait3A_170] : memref<80x125xi32, #tpu.memory_space<vmem>> -> memref<1x125xi32, #tpu.memory_space<vmem>>
      %dma_wait3A_172 = tpu.memref_squeeze %dma_wait3A_171 : memref<1x125xi32, #tpu.memory_space<vmem>> -> memref<125xi32, #tpu.memory_space<vmem>>
      %dma_wait3A_173 = arith.constant 0 : i32
      %dma_wait3A_174 = arith.constant 0 : i32
      %dma_wait3A_175 = tpu.memref_slice %arg17[%dma_wait3A_173, %dma_wait3A_174] : memref<10000x64xf32, #tpu.memory_space<vmem_shared>> -> memref<10000x64xf32, #tpu.memory_space<vmem_shared>>
      tpu.wait_indirect_dma semaphore(%arg24 : memref<!tpu.dma_semaphore, #tpu.memory_space<semaphore_mem>>) src(%arg12 : memref<125x64xf32, #tpu.memory_space<vmem>>) dst(%dma_wait3A_175 : memref<10000x64xf32, #tpu.memory_space<vmem_shared>>)
      %dma_wait3A_176 = arith.constant 0 : i32
      %dma_wait3A_177 = arith.constant 0 : i32
      %dma_wait3A_178 = tpu.memref_slice %arg10[%dma_wait3A_176, %dma_wait3A_177] : memref<80x125xi32, #tpu.memory_space<vmem>> -> memref<1x125xi32, #tpu.memory_space<vmem>>
      %dma_wait3A_179 = tpu.memref_squeeze %dma_wait3A_178 : memref<1x125xi32, #tpu.memory_space<vmem>> -> memref<125xi32, #tpu.memory_space<vmem>>
      %dma_wait3A_180 = arith.constant 0 : i32
      %dma_wait3A_181 = arith.constant 0 : i32
      %dma_wait3A_182 = tpu.memref_slice %arg17[%dma_wait3A_180, %dma_wait3A_181] : memref<10000x64xf32, #tpu.memory_space<vmem_shared>> -> memref<10000x64xf32, #tpu.memory_space<vmem_shared>>
      tpu.wait_indirect_dma semaphore(%arg25 : memref<!tpu.dma_semaphore, #tpu.memory_space<semaphore_mem>>) src(%arg13 : memref<125x64xf32, #tpu.memory_space<vmem>>) dst(%dma_wait3A_182 : memref<10000x64xf32, #tpu.memory_space<vmem_shared>>)
      %dma_wait3A_183 = arith.constant 0 : i32
      %dma_wait3A_184 = arith.constant 0 : i32
      %dma_wait3A_185 = tpu.memref_slice %arg10[%dma_wait3A_183, %dma_wait3A_184] : memref<80x125xi32, #tpu.memory_space<vmem>> -> memref<1x125xi32, #tpu.memory_space<vmem>>
      %dma_wait3A_186 = tpu.memref_squeeze %dma_wait3A_185 : memref<1x125xi32, #tpu.memory_space<vmem>> -> memref<125xi32, #tpu.memory_space<vmem>>
      %dma_wait3A_187 = arith.constant 0 : i32
      %dma_wait3A_188 = arith.constant 0 : i32
      %dma_wait3A_189 = tpu.memref_slice %arg17[%dma_wait3A_187, %dma_wait3A_188] : memref<10000x64xf32, #tpu.memory_space<vmem_shared>> -> memref<10000x64xf32, #tpu.memory_space<vmem_shared>>
      tpu.wait_indirect_dma semaphore(%arg26 : memref<!tpu.dma_semaphore, #tpu.memory_space<semaphore_mem>>) src(%arg14 : memref<125x64xf32, #tpu.memory_space<vmem>>) dst(%dma_wait3A_189 : memref<10000x64xf32, #tpu.memory_space<vmem_shared>>)
      %barrier3A_190 = arith.constant 0 : index
      tpu.barrier barrier_id(%barrier3A_190)
      %mul3A_191 = arith.constant 624 : i32
      %mul3A_192 = arith.muli %arg1, %mul3A_191 : i32
      %mul3A_193 = arith.constant 624 : i32
      %mul3A_194 = arith.muli %arg1, %mul3A_193 : i32
      %add3A_195 = arith.constant 10000 : i32
      %add3A_196 = arith.addi %add3A_195, %mul3A_194 : i32
      "tpu.region"() ({
        %run_scoped3A_203 = tpu.sem_alloc : memref<!tpu.dma_semaphore, #tpu.memory_space<semaphore_mem>>
        %dma_start3A_204 = arith.constant 0 : i32
        %dma_start3A_205 = tpu.memref_slice %arg7[%add3A_196, %dma_start3A_204] : memref<40000x64xf32, #tpu.memory_space<hbm>> -> memref<624x64xf32, #tpu.memory_space<hbm>>
        %dma_start3A_206 = arith.constant 0 : i32
        %dma_start3A_207 = tpu.memref_slice %arg17[%mul3A_192, %dma_start3A_206] : memref<10000x64xf32, #tpu.memory_space<vmem_shared>> -> memref<624x64xf32, #tpu.memory_space<vmem_shared>>
        tpu.enqueue_dma source(%dma_start3A_207 : memref<624x64xf32, #tpu.memory_space<vmem_shared>>) target(%dma_start3A_205 : memref<624x64xf32, #tpu.memory_space<hbm>>) target_semaphore(%run_scoped3A_203 : memref<!tpu.dma_semaphore, #tpu.memory_space<semaphore_mem>>)
        %dma_wait3A_208 = arith.constant 0 : i32
        %dma_wait3A_209 = tpu.memref_slice %arg7[%add3A_196, %dma_wait3A_208] : memref<40000x64xf32, #tpu.memory_space<hbm>> -> memref<624x64xf32, #tpu.memory_space<hbm>>
        %dma_wait3A_210 = arith.constant 0 : i32
        %dma_wait3A_211 = tpu.memref_slice %arg17[%mul3A_192, %dma_wait3A_210] : memref<10000x64xf32, #tpu.memory_space<vmem_shared>> -> memref<624x64xf32, #tpu.memory_space<vmem_shared>>
        tpu.wait_dma2 semaphore(%run_scoped3A_203 : memref<!tpu.dma_semaphore, #tpu.memory_space<semaphore_mem>>) src(%dma_wait3A_211 : memref<624x64xf32, #tpu.memory_space<vmem_shared>>) dst(%dma_wait3A_209 : memref<624x64xf32, #tpu.memory_space<hbm>>)
        tpu.yield
      }) : () -> ()
      %eq3A_197 = arith.constant 0 : i32
      %eq3A_198 = arith.cmpi eq, %arg1, %eq3A_197 : i32
      %convert_element_type3A_199 = arith.extui %eq3A_198 : i1 to i32
      %cond3A_200 = arith.constant 0 : i32
      %cond3A_201 = arith.cmpi ne, %convert_element_type3A_199, %cond3A_200 : i32
      scf.if %cond3A_201 {
        "tpu.region"() ({
          %run_scoped3A_203 = tpu.sem_alloc : memref<!tpu.dma_semaphore, #tpu.memory_space<semaphore_mem>>
          %dma_start3A_204 = arith.constant 19984 : i32
          %dma_start3A_205 = arith.constant 0 : i32
          %dma_start3A_206 = tpu.memref_slice %arg7[%dma_start3A_204, %dma_start3A_205] : memref<40000x64xf32, #tpu.memory_space<hbm>> -> memref<16x64xf32, #tpu.memory_space<hbm>>
          %dma_start3A_207 = arith.constant 9984 : i32
          %dma_start3A_208 = arith.constant 0 : i32
          %dma_start3A_209 = tpu.memref_slice %arg17[%dma_start3A_207, %dma_start3A_208] : memref<10000x64xf32, #tpu.memory_space<vmem_shared>> -> memref<16x64xf32, #tpu.memory_space<vmem_shared>>
          tpu.enqueue_dma source(%dma_start3A_209 : memref<16x64xf32, #tpu.memory_space<vmem_shared>>) target(%dma_start3A_206 : memref<16x64xf32, #tpu.memory_space<hbm>>) target_semaphore(%run_scoped3A_203 : memref<!tpu.dma_semaphore, #tpu.memory_space<semaphore_mem>>)
          %dma_wait3A_210 = arith.constant 19984 : i32
          %dma_wait3A_211 = arith.constant 0 : i32
          %dma_wait3A_212 = tpu.memref_slice %arg7[%dma_wait3A_210, %dma_wait3A_211] : memref<40000x64xf32, #tpu.memory_space<hbm>> -> memref<16x64xf32, #tpu.memory_space<hbm>>
          %dma_wait3A_213 = arith.constant 9984 : i32
          %dma_wait3A_214 = arith.constant 0 : i32
          %dma_wait3A_215 = tpu.memref_slice %arg17[%dma_wait3A_213, %dma_wait3A_214] : memref<10000x64xf32, #tpu.memory_space<vmem_shared>> -> memref<16x64xf32, #tpu.memory_space<vmem_shared>>
          tpu.wait_dma2 semaphore(%run_scoped3A_203 : memref<!tpu.dma_semaphore, #tpu.memory_space<semaphore_mem>>) src(%dma_wait3A_215 : memref<16x64xf32, #tpu.memory_space<vmem_shared>>) dst(%dma_wait3A_212 : memref<16x64xf32, #tpu.memory_space<hbm>>)
          tpu.yield
        }) : () -> ()
      } else {
      }
      %barrier3A_202 = arith.constant 0 : index
      tpu.barrier barrier_id(%barrier3A_202)
    } else {
    }
    %eq3A_18 = arith.constant 1 : i32
    %eq3A_19 = arith.cmpi eq, %arg0, %eq3A_18 : i32
    %convert_element_type3A_20 = arith.extui %eq3A_19 : i1 to i32
    %cond3A_21 = arith.constant 0 : i32
    %cond3A_22 = arith.cmpi ne, %convert_element_type3A_20, %cond3A_21 : i32
    scf.if %cond3A_22 {
      %scan3A = arith.constant 0 : i32
      %scan3A_36 = arith.constant 0 : i32
      %scan3A_37 = arith.constant 125 : i32
      %scan3A_38 = arith.addi %scan3A_36, %scan3A_37 : i32
      %scan3A_39 = arith.constant 1 : i32
      scf.for %scan3A_197 = %scan3A_36 to %scan3A_38 step %scan3A_39  : i32 {
        %scan3A_198 = arith.constant 0 : i32
        %scan3A_199 = arith.constant 0 : i32
        %scan3A_200 = arith.constant 4 : i32
        %scan3A_201 = arith.addi %scan3A_199, %scan3A_200 : i32
        %scan3A_202 = arith.constant 1 : i32
        scf.for %scan3A_204 = %scan3A_199 to %scan3A_201 step %scan3A_202  : i32 {
          %broadcast_in_dim3A = arith.constant 0.000000e+00 : f32
          %broadcast_in_dim3A_205 = vector.broadcast %broadcast_in_dim3A : f32 to vector<16xf32>
          %mul3A_206 = arith.constant 16 : i32
          %mul3A_207 = arith.muli %scan3A_204, %mul3A_206 : i32
          %swap3A = arith.index_cast %scan3A_197 : i32 to index
          %swap3A_208 = arith.index_cast %mul3A_207 : i32 to index
          %swap3A_209 = tpu.vector_load %arg11[%swap3A, %swap3A_208] {strides = array<i32>} : memref<125x64xf32, #tpu.memory_space<vmem>>, vector<1x16xf32>,
          %swap3A_210 = vector.shape_cast %swap3A_209 : vector<1x16xf32> to vector<16xf32>
          %swap3A_211 = vector.shape_cast %broadcast_in_dim3A_205 : vector<16xf32> to vector<1x16xf32>
          tpu.vector_store %arg11[%swap3A, %swap3A_208], %swap3A_211 {strides = array<i32>} : memref<125x64xf32, #tpu.memory_space<vmem>>, vector<1x16xf32>,
        }
        %scan3A_203 = arith.constant 4 : i32
      }
      %scan3A_40 = arith.constant 125 : i32
      %mul3A_41 = arith.constant 624 : i32
      %mul3A_42 = arith.muli %arg1, %mul3A_41 : i32
      %scan3A_43 = arith.constant 0 : i32
      %scan3A_44 = arith.constant 0 : i32
      %scan3A_45 = arith.constant 4 : i32
      %scan3A_46 = arith.addi %scan3A_44, %scan3A_45 : i32
      %scan3A_47 = arith.constant 1 : i32
      scf.for %scan3A_197 = %scan3A_44 to %scan3A_46 step %scan3A_47  : i32 {
        %mul3A_198 = arith.constant 125 : i32
        %mul3A_199 = arith.muli %scan3A_197, %mul3A_198 : i32
        %add3A_200 = arith.addi %mul3A_42, %mul3A_199 : i32
        "tpu.region"() ({
          %run_scoped3A_201 = tpu.sem_alloc : memref<!tpu.dma_semaphore, #tpu.memory_space<semaphore_mem>>
          %dma_start3A_202 = arith.constant 0 : i32
          %dma_start3A_203 = tpu.memref_slice %arg17[%add3A_200, %dma_start3A_202] : memref<10000x64xf32, #tpu.memory_space<vmem_shared>> -> memref<125x64xf32, #tpu.memory_space<vmem_shared>>
          %dma_start3A_204 = arith.constant 0 : i32
          %dma_start3A_205 = tpu.memref_slice %arg17[%add3A_200, %dma_start3A_204] : memref<10000x64xf32, #tpu.memory_space<vmem_shared>> -> memref<125x64xf32, #tpu.memory_space<vmem_shared>>
          tpu.enqueue_dma source(%arg11 : memref<125x64xf32, #tpu.memory_space<vmem>>) target(%dma_start3A_205 : memref<125x64xf32, #tpu.memory_space<vmem_shared>>) target_semaphore(%run_scoped3A_201 : memref<!tpu.dma_semaphore, #tpu.memory_space<semaphore_mem>>)
          %dma_wait3A_206 = arith.constant 0 : i32
          %dma_wait3A_207 = tpu.memref_slice %arg17[%add3A_200, %dma_wait3A_206] : memref<10000x64xf32, #tpu.memory_space<vmem_shared>> -> memref<125x64xf32, #tpu.memory_space<vmem_shared>>
          %dma_wait3A_208 = arith.constant 0 : i32
          %dma_wait3A_209 = tpu.memref_slice %arg17[%add3A_200, %dma_wait3A_208] : memref<10000x64xf32, #tpu.memory_space<vmem_shared>> -> memref<125x64xf32, #tpu.memory_space<vmem_shared>>
          tpu.wait_dma2 semaphore(%run_scoped3A_201 : memref<!tpu.dma_semaphore, #tpu.memory_space<semaphore_mem>>) src(%arg11 : memref<125x64xf32, #tpu.memory_space<vmem>>) dst(%dma_wait3A_209 : memref<125x64xf32, #tpu.memory_space<vmem_shared>>)
          tpu.yield
        }) : () -> ()
      }
      %scan3A_48 = arith.constant 4 : i32
      %add3A = arith.constant 500 : i32
      %add3A_49 = arith.addi %mul3A_42, %add3A : i32
      "tpu.region"() ({
        %run_scoped3A_197 = tpu.sem_alloc : memref<!tpu.dma_semaphore, #tpu.memory_space<semaphore_mem>>
        %dma_start3A_198 = arith.constant 0 : i32
        %dma_start3A_199 = arith.constant 0 : i32
        %dma_start3A_200 = tpu.memref_slice %arg11[%dma_start3A_198, %dma_start3A_199] : memref<125x64xf32, #tpu.memory_space<vmem>> -> memref<124x64xf32, #tpu.memory_space<vmem>>
        %dma_start3A_201 = arith.constant 0 : i32
        %dma_start3A_202 = tpu.memref_slice %arg17[%add3A_49, %dma_start3A_201] : memref<10000x64xf32, #tpu.memory_space<vmem_shared>> -> memref<124x64xf32, #tpu.memory_space<vmem_shared>>
        %dma_start3A_203 = arith.constant 0 : i32
        %dma_start3A_204 = tpu.memref_slice %arg17[%add3A_49, %dma_start3A_203] : memref<10000x64xf32, #tpu.memory_space<vmem_shared>> -> memref<124x64xf32, #tpu.memory_space<vmem_shared>>
        %dma_start3A_205 = arith.constant 0 : i32
        %dma_start3A_206 = arith.constant 0 : i32
        %dma_start3A_207 = tpu.memref_slice %arg11[%dma_start3A_205, %dma_start3A_206] : memref<125x64xf32, #tpu.memory_space<vmem>> -> memref<124x64xf32, #tpu.memory_space<vmem>>
        tpu.enqueue_dma source(%dma_start3A_207 : memref<124x64xf32, #tpu.memory_space<vmem>>) target(%dma_start3A_204 : memref<124x64xf32, #tpu.memory_space<vmem_shared>>) target_semaphore(%run_scoped3A_197 : memref<!tpu.dma_semaphore, #tpu.memory_space<semaphore_mem>>)
        %dma_wait3A_208 = arith.constant 0 : i32
        %dma_wait3A_209 = arith.constant 0 : i32
        %dma_wait3A_210 = tpu.memref_slice %arg11[%dma_wait3A_208, %dma_wait3A_209] : memref<125x64xf32, #tpu.memory_space<vmem>> -> memref<124x64xf32, #tpu.memory_space<vmem>>
        %dma_wait3A_211 = arith.constant 0 : i32
        %dma_wait3A_212 = tpu.memref_slice %arg17[%add3A_49, %dma_wait3A_211] : memref<10000x64xf32, #tpu.memory_space<vmem_shared>> -> memref<124x64xf32, #tpu.memory_space<vmem_shared>>
        %dma_wait3A_213 = arith.constant 0 : i32
        %dma_wait3A_214 = tpu.memref_slice %arg17[%add3A_49, %dma_wait3A_213] : memref<10000x64xf32, #tpu.memory_space<vmem_shared>> -> memref<124x64xf32, #tpu.memory_space<vmem_shared>>
        %dma_wait3A_215 = arith.constant 0 : i32
        %dma_wait3A_216 = arith.constant 0 : i32
        %dma_wait3A_217 = tpu.memref_slice %arg11[%dma_wait3A_215, %dma_wait3A_216] : memref<125x64xf32, #tpu.memory_space<vmem>> -> memref<124x64xf32, #tpu.memory_space<vmem>>
        tpu.wait_dma2 semaphore(%run_scoped3A_197 : memref<!tpu.dma_semaphore, #tpu.memory_space<semaphore_mem>>) src(%dma_wait3A_217 : memref<124x64xf32, #tpu.memory_space<vmem>>) dst(%dma_wait3A_214 : memref<124x64xf32, #tpu.memory_space<vmem_shared>>)
        tpu.yield
      }) : () -> ()
      %eq3A_50 = arith.constant 0 : i32
      %eq3A_51 = arith.cmpi eq, %arg1, %eq3A_50 : i32
      %convert_element_type3A_52 = arith.extui %eq3A_51 : i1 to i32
      %cond3A_53 = arith.constant 0 : i32
      %cond3A_54 = arith.cmpi ne, %convert_element_type3A_52, %cond3A_53 : i32
      scf.if %cond3A_54 {
        "tpu.region"() ({
          %run_scoped3A_197 = tpu.sem_alloc : memref<!tpu.dma_semaphore, #tpu.memory_space<semaphore_mem>>
          %dma_start3A_198 = arith.constant 0 : i32
          %dma_start3A_199 = arith.constant 0 : i32
          %dma_start3A_200 = tpu.memref_slice %arg11[%dma_start3A_198, %dma_start3A_199] : memref<125x64xf32, #tpu.memory_space<vmem>> -> memref<16x64xf32, #tpu.memory_space<vmem>>
          %dma_start3A_201 = arith.constant 9984 : i32
          %dma_start3A_202 = arith.constant 0 : i32
          %dma_start3A_203 = tpu.memref_slice %arg17[%dma_start3A_201, %dma_start3A_202] : memref<10000x64xf32, #tpu.memory_space<vmem_shared>> -> memref<16x64xf32, #tpu.memory_space<vmem_shared>>
          %dma_start3A_204 = arith.constant 9984 : i32
          %dma_start3A_205 = arith.constant 0 : i32
          %dma_start3A_206 = tpu.memref_slice %arg17[%dma_start3A_204, %dma_start3A_205] : memref<10000x64xf32, #tpu.memory_space<vmem_shared>> -> memref<16x64xf32, #tpu.memory_space<vmem_shared>>
          %dma_start3A_207 = arith.constant 0 : i32
          %dma_start3A_208 = arith.constant 0 : i32
          %dma_start3A_209 = tpu.memref_slice %arg11[%dma_start3A_207, %dma_start3A_208] : memref<125x64xf32, #tpu.memory_space<vmem>> -> memref<16x64xf32, #tpu.memory_space<vmem>>
          tpu.enqueue_dma source(%dma_start3A_209 : memref<16x64xf32, #tpu.memory_space<vmem>>) target(%dma_start3A_206 : memref<16x64xf32, #tpu.memory_space<vmem_shared>>) target_semaphore(%run_scoped3A_197 : memref<!tpu.dma_semaphore, #tpu.memory_space<semaphore_mem>>)
          %dma_wait3A_210 = arith.constant 0 : i32
          %dma_wait3A_211 = arith.constant 0 : i32
          %dma_wait3A_212 = tpu.memref_slice %arg11[%dma_wait3A_210, %dma_wait3A_211] : memref<125x64xf32, #tpu.memory_space<vmem>> -> memref<16x64xf32, #tpu.memory_space<vmem>>
          %dma_wait3A_213 = arith.constant 9984 : i32
          %dma_wait3A_214 = arith.constant 0 : i32
          %dma_wait3A_215 = tpu.memref_slice %arg17[%dma_wait3A_213, %dma_wait3A_214] : memref<10000x64xf32, #tpu.memory_space<vmem_shared>> -> memref<16x64xf32, #tpu.memory_space<vmem_shared>>
          %dma_wait3A_216 = arith.constant 9984 : i32
          %dma_wait3A_217 = arith.constant 0 : i32
          %dma_wait3A_218 = tpu.memref_slice %arg17[%dma_wait3A_216, %dma_wait3A_217] : memref<10000x64xf32, #tpu.memory_space<vmem_shared>> -> memref<16x64xf32, #tpu.memory_space<vmem_shared>>
          %dma_wait3A_219 = arith.constant 0 : i32
          %dma_wait3A_220 = arith.constant 0 : i32
          %dma_wait3A_221 = tpu.memref_slice %arg11[%dma_wait3A_219, %dma_wait3A_220] : memref<125x64xf32, #tpu.memory_space<vmem>> -> memref<16x64xf32, #tpu.memory_space<vmem>>
          tpu.wait_dma2 semaphore(%run_scoped3A_197 : memref<!tpu.dma_semaphore, #tpu.memory_space<semaphore_mem>>) src(%dma_wait3A_221 : memref<16x64xf32, #tpu.memory_space<vmem>>) dst(%dma_wait3A_218 : memref<16x64xf32, #tpu.memory_space<vmem_shared>>)
          tpu.yield
        }) : () -> ()
      } else {
      }
      %barrier3A = arith.constant 0 : index
      tpu.barrier barrier_id(%barrier3A)
      %dma_start3A = arith.constant 0 : i32
      %dma_start3A_55 = arith.constant 0 : i32
      %dma_start3A_56 = tpu.memref_slice %arg9[%dma_start3A, %dma_start3A_55] : memref<80x125xi32, #tpu.memory_space<vmem>> -> memref<1x125xi32, #tpu.memory_space<vmem>>
      %dma_start3A_57 = tpu.memref_squeeze %dma_start3A_56 : memref<1x125xi32, #tpu.memory_space<vmem>> -> memref<125xi32, #tpu.memory_space<vmem>>
      %dma_start3A_58 = arith.constant 0 : i32
      %dma_start3A_59 = arith.constant 0 : i32
      %dma_start3A_60 = tpu.memref_slice %arg4[%dma_start3A_58, %dma_start3A_59] : memref<10000x64xf32, #tpu.memory_space<hbm>> -> memref<10000x64xf32, #tpu.memory_space<hbm>>
      tpu.enqueue_indirect_dma source(%dma_start3A_60 : memref<10000x64xf32, #tpu.memory_space<hbm>>) target(%arg11 : memref<125x64xf32, #tpu.memory_space<vmem>>) offsets(%dma_start3A_57 : memref<125xi32, #tpu.memory_space<vmem>>) semaphore(%arg19 : memref<!tpu.dma_semaphore, #tpu.memory_space<semaphore_mem>>)
      %dma_start3A_61 = arith.constant 1 : i32
      %dma_start3A_62 = arith.constant 0 : i32
      %dma_start3A_63 = tpu.memref_slice %arg9[%dma_start3A_61, %dma_start3A_62] : memref<80x125xi32, #tpu.memory_space<vmem>> -> memref<1x125xi32, #tpu.memory_space<vmem>>
      %dma_start3A_64 = tpu.memref_squeeze %dma_start3A_63 : memref<1x125xi32, #tpu.memory_space<vmem>> -> memref<125xi32, #tpu.memory_space<vmem>>
      %dma_start3A_65 = arith.constant 0 : i32
      %dma_start3A_66 = arith.constant 0 : i32
      %dma_start3A_67 = tpu.memref_slice %arg4[%dma_start3A_65, %dma_start3A_66] : memref<10000x64xf32, #tpu.memory_space<hbm>> -> memref<10000x64xf32, #tpu.memory_space<hbm>>
      tpu.enqueue_indirect_dma source(%dma_start3A_67 : memref<10000x64xf32, #tpu.memory_space<hbm>>) target(%arg12 : memref<125x64xf32, #tpu.memory_space<vmem>>) offsets(%dma_start3A_64 : memref<125xi32, #tpu.memory_space<vmem>>) semaphore(%arg20 : memref<!tpu.dma_semaphore, #tpu.memory_space<semaphore_mem>>)
      %scan3A_68 = arith.constant 0 : i32
      %scan3A_69 = arith.constant 0 : i32
      %scan3A_70 = arith.constant 20 : i32
      %scan3A_71 = arith.addi %scan3A_69, %scan3A_70 : i32
      %scan3A_72 = arith.constant 1 : i32
      scf.for %scan3A_197 = %scan3A_69 to %scan3A_71 step %scan3A_72  : i32 {
        %mul3A_198 = arith.constant 4 : i32
        %mul3A_199 = arith.muli %scan3A_197, %mul3A_198 : i32
        %add3A_200 = arith.constant 0 : i32
        %add3A_201 = arith.addi %mul3A_199, %add3A_200 : i32
        %add3A_202 = arith.constant 2 : i32
        %add3A_203 = arith.addi %add3A_201, %add3A_202 : i32
        %lt3A = arith.constant 80 : i32
        %lt3A_204 = arith.cmpi slt, %add3A_203, %lt3A : i32
        %convert_element_type3A_205 = arith.extui %lt3A_204 : i1 to i32
        %cond3A_206 = arith.constant 0 : i32
        %cond3A_207 = arith.cmpi ne, %convert_element_type3A_205, %cond3A_206 : i32
        scf.if %cond3A_207 {
          %ge3A = arith.constant 4 : i32
          %ge3A_283 = arith.cmpi sge, %add3A_203, %ge3A : i32
          %convert_element_type3A_284 = arith.extui %ge3A_283 : i1 to i32
          %cond3A_285 = arith.constant 0 : i32
          %cond3A_286 = arith.cmpi ne, %convert_element_type3A_284, %cond3A_285 : i32
          scf.if %cond3A_286 {
            %dma_wait3A_293 = arith.constant 0 : i32
            %dma_wait3A_294 = tpu.memref_slice %arg10[%add3A_201, %dma_wait3A_293] : memref<80x125xi32, #tpu.memory_space<vmem>> -> memref<1x125xi32, #tpu.memory_space<vmem>>
            %dma_wait3A_295 = tpu.memref_squeeze %dma_wait3A_294 : memref<1x125xi32, #tpu.memory_space<vmem>> -> memref<125xi32, #tpu.memory_space<vmem>>
            %dma_wait3A_296 = arith.constant 0 : i32
            %dma_wait3A_297 = arith.constant 0 : i32
            %dma_wait3A_298 = tpu.memref_slice %arg17[%dma_wait3A_296, %dma_wait3A_297] : memref<10000x64xf32, #tpu.memory_space<vmem_shared>> -> memref<10000x64xf32, #tpu.memory_space<vmem_shared>>
            tpu.wait_indirect_dma semaphore(%arg25 : memref<!tpu.dma_semaphore, #tpu.memory_space<semaphore_mem>>) src(%arg13 : memref<125x64xf32, #tpu.memory_space<vmem>>) dst(%dma_wait3A_298 : memref<10000x64xf32, #tpu.memory_space<vmem_shared>>)
          } else {
          }
          %dma_start3A_287 = arith.constant 0 : i32
          %dma_start3A_288 = tpu.memref_slice %arg9[%add3A_203, %dma_start3A_287] : memref<80x125xi32, #tpu.memory_space<vmem>> -> memref<1x125xi32, #tpu.memory_space<vmem>>
          %dma_start3A_289 = tpu.memref_squeeze %dma_start3A_288 : memref<1x125xi32, #tpu.memory_space<vmem>> -> memref<125xi32, #tpu.memory_space<vmem>>
          %dma_start3A_290 = arith.constant 0 : i32
          %dma_start3A_291 = arith.constant 0 : i32
          %dma_start3A_292 = tpu.memref_slice %arg4[%dma_start3A_290, %dma_start3A_291] : memref<10000x64xf32, #tpu.memory_space<hbm>> -> memref<10000x64xf32, #tpu.memory_space<hbm>>
          tpu.enqueue_indirect_dma source(%dma_start3A_292 : memref<10000x64xf32, #tpu.memory_space<hbm>>) target(%arg13 : memref<125x64xf32, #tpu.memory_space<vmem>>) offsets(%dma_start3A_289 : memref<125xi32, #tpu.memory_space<vmem>>) semaphore(%arg21 : memref<!tpu.dma_semaphore, #tpu.memory_space<semaphore_mem>>)
        } else {
        }
        %dma_wait3A_208 = arith.constant 0 : i32
        %dma_wait3A_209 = tpu.memref_slice %arg9[%add3A_201, %dma_wait3A_208] : memref<80x125xi32, #tpu.memory_space<vmem>> -> memref<1x125xi32, #tpu.memory_space<vmem>>
        %dma_wait3A_210 = tpu.memref_squeeze %dma_wait3A_209 : memref<1x125xi32, #tpu.memory_space<vmem>> -> memref<125xi32, #tpu.memory_space<vmem>>
        %dma_wait3A_211 = arith.constant 0 : i32
        %dma_wait3A_212 = arith.constant 0 : i32
        %dma_wait3A_213 = tpu.memref_slice %arg4[%dma_wait3A_211, %dma_wait3A_212] : memref<10000x64xf32, #tpu.memory_space<hbm>> -> memref<10000x64xf32, #tpu.memory_space<hbm>>
        tpu.wait_indirect_dma semaphore(%arg19 : memref<!tpu.dma_semaphore, #tpu.memory_space<semaphore_mem>>) src(%dma_wait3A_213 : memref<10000x64xf32, #tpu.memory_space<hbm>>) dst(%arg11 : memref<125x64xf32, #tpu.memory_space<vmem>>)
        %dma_start3A_214 = arith.constant 0 : i32
        %dma_start3A_215 = tpu.memref_slice %arg10[%add3A_201, %dma_start3A_214] : memref<80x125xi32, #tpu.memory_space<vmem>> -> memref<1x125xi32, #tpu.memory_space<vmem>>
        %dma_start3A_216 = tpu.memref_squeeze %dma_start3A_215 : memref<1x125xi32, #tpu.memory_space<vmem>> -> memref<125xi32, #tpu.memory_space<vmem>>
        %dma_start3A_217 = arith.constant 0 : i32
        %dma_start3A_218 = arith.constant 0 : i32
        %dma_start3A_219 = tpu.memref_slice %arg17[%dma_start3A_217, %dma_start3A_218] : memref<10000x64xf32, #tpu.memory_space<vmem_shared>> -> memref<10000x64xf32, #tpu.memory_space<vmem_shared>>
        tpu.enqueue_indirect_dma source(%arg11 : memref<125x64xf32, #tpu.memory_space<vmem>>) target(%dma_start3A_219 : memref<10000x64xf32, #tpu.memory_space<vmem_shared>>) offsets(%dma_start3A_216 : memref<125xi32, #tpu.memory_space<vmem>>) semaphore(%arg23 : memref<!tpu.dma_semaphore, #tpu.memory_space<semaphore_mem>>) {add = true}
        %add3A_220 = arith.constant 1 : i32
        %add3A_221 = arith.addi %mul3A_199, %add3A_220 : i32
        %add3A_222 = arith.constant 2 : i32
        %add3A_223 = arith.addi %add3A_221, %add3A_222 : i32
        %lt3A_224 = arith.constant 80 : i32
        %lt3A_225 = arith.cmpi slt, %add3A_223, %lt3A_224 : i32
        %convert_element_type3A_226 = arith.extui %lt3A_225 : i1 to i32
        %cond3A_227 = arith.constant 0 : i32
        %cond3A_228 = arith.cmpi ne, %convert_element_type3A_226, %cond3A_227 : i32
        scf.if %cond3A_228 {
          %ge3A = arith.constant 4 : i32
          %ge3A_283 = arith.cmpi sge, %add3A_223, %ge3A : i32
          %convert_element_type3A_284 = arith.extui %ge3A_283 : i1 to i32
          %cond3A_285 = arith.constant 0 : i32
          %cond3A_286 = arith.cmpi ne, %convert_element_type3A_284, %cond3A_285 : i32
          scf.if %cond3A_286 {
            %dma_wait3A_293 = arith.constant 0 : i32
            %dma_wait3A_294 = tpu.memref_slice %arg10[%add3A_221, %dma_wait3A_293] : memref<80x125xi32, #tpu.memory_space<vmem>> -> memref<1x125xi32, #tpu.memory_space<vmem>>
            %dma_wait3A_295 = tpu.memref_squeeze %dma_wait3A_294 : memref<1x125xi32, #tpu.memory_space<vmem>> -> memref<125xi32, #tpu.memory_space<vmem>>
            %dma_wait3A_296 = arith.constant 0 : i32
            %dma_wait3A_297 = arith.constant 0 : i32
            %dma_wait3A_298 = tpu.memref_slice %arg17[%dma_wait3A_296, %dma_wait3A_297] : memref<10000x64xf32, #tpu.memory_space<vmem_shared>> -> memref<10000x64xf32, #tpu.memory_space<vmem_shared>>
            tpu.wait_indirect_dma semaphore(%arg26 : memref<!tpu.dma_semaphore, #tpu.memory_space<semaphore_mem>>) src(%arg14 : memref<125x64xf32, #tpu.memory_space<vmem>>) dst(%dma_wait3A_298 : memref<10000x64xf32, #tpu.memory_space<vmem_shared>>)
          } else {
          }
          %dma_start3A_287 = arith.constant 0 : i32
          %dma_start3A_288 = tpu.memref_slice %arg9[%add3A_223, %dma_start3A_287] : memref<80x125xi32, #tpu.memory_space<vmem>> -> memref<1x125xi32, #tpu.memory_space<vmem>>
          %dma_start3A_289 = tpu.memref_squeeze %dma_start3A_288 : memref<1x125xi32, #tpu.memory_space<vmem>> -> memref<125xi32, #tpu.memory_space<vmem>>
          %dma_start3A_290 = arith.constant 0 : i32
          %dma_start3A_291 = arith.constant 0 : i32
          %dma_start3A_292 = tpu.memref_slice %arg4[%dma_start3A_290, %dma_start3A_291] : memref<10000x64xf32, #tpu.memory_space<hbm>> -> memref<10000x64xf32, #tpu.memory_space<hbm>>
          tpu.enqueue_indirect_dma source(%dma_start3A_292 : memref<10000x64xf32, #tpu.memory_space<hbm>>) target(%arg14 : memref<125x64xf32, #tpu.memory_space<vmem>>) offsets(%dma_start3A_289 : memref<125xi32, #tpu.memory_space<vmem>>) semaphore(%arg22 : memref<!tpu.dma_semaphore, #tpu.memory_space<semaphore_mem>>)
        } else {
        }
        %dma_wait3A_229 = arith.constant 0 : i32
        %dma_wait3A_230 = tpu.memref_slice %arg9[%add3A_221, %dma_wait3A_229] : memref<80x125xi32, #tpu.memory_space<vmem>> -> memref<1x125xi32, #tpu.memory_space<vmem>>
        %dma_wait3A_231 = tpu.memref_squeeze %dma_wait3A_230 : memref<1x125xi32, #tpu.memory_space<vmem>> -> memref<125xi32, #tpu.memory_space<vmem>>
        %dma_wait3A_232 = arith.constant 0 : i32
        %dma_wait3A_233 = arith.constant 0 : i32
        %dma_wait3A_234 = tpu.memref_slice %arg4[%dma_wait3A_232, %dma_wait3A_233] : memref<10000x64xf32, #tpu.memory_space<hbm>> -> memref<10000x64xf32, #tpu.memory_space<hbm>>
        tpu.wait_indirect_dma semaphore(%arg20 : memref<!tpu.dma_semaphore, #tpu.memory_space<semaphore_mem>>) src(%dma_wait3A_234 : memref<10000x64xf32, #tpu.memory_space<hbm>>) dst(%arg12 : memref<125x64xf32, #tpu.memory_space<vmem>>)
        %dma_start3A_235 = arith.constant 0 : i32
        %dma_start3A_236 = tpu.memref_slice %arg10[%add3A_221, %dma_start3A_235] : memref<80x125xi32, #tpu.memory_space<vmem>> -> memref<1x125xi32, #tpu.memory_space<vmem>>
        %dma_start3A_237 = tpu.memref_squeeze %dma_start3A_236 : memref<1x125xi32, #tpu.memory_space<vmem>> -> memref<125xi32, #tpu.memory_space<vmem>>
        %dma_start3A_238 = arith.constant 0 : i32
        %dma_start3A_239 = arith.constant 0 : i32
        %dma_start3A_240 = tpu.memref_slice %arg17[%dma_start3A_238, %dma_start3A_239] : memref<10000x64xf32, #tpu.memory_space<vmem_shared>> -> memref<10000x64xf32, #tpu.memory_space<vmem_shared>>
        tpu.enqueue_indirect_dma source(%arg12 : memref<125x64xf32, #tpu.memory_space<vmem>>) target(%dma_start3A_240 : memref<10000x64xf32, #tpu.memory_space<vmem_shared>>) offsets(%dma_start3A_237 : memref<125xi32, #tpu.memory_space<vmem>>) semaphore(%arg24 : memref<!tpu.dma_semaphore, #tpu.memory_space<semaphore_mem>>) {add = true}
        %add3A_241 = arith.constant 2 : i32
        %add3A_242 = arith.addi %mul3A_199, %add3A_241 : i32
        %add3A_243 = arith.constant 2 : i32
        %add3A_244 = arith.addi %add3A_242, %add3A_243 : i32
        %lt3A_245 = arith.constant 80 : i32
        %lt3A_246 = arith.cmpi slt, %add3A_244, %lt3A_245 : i32
        %convert_element_type3A_247 = arith.extui %lt3A_246 : i1 to i32
        %cond3A_248 = arith.constant 0 : i32
        %cond3A_249 = arith.cmpi ne, %convert_element_type3A_247, %cond3A_248 : i32
        scf.if %cond3A_249 {
          %ge3A = arith.constant 4 : i32
          %ge3A_283 = arith.cmpi sge, %add3A_244, %ge3A : i32
          %convert_element_type3A_284 = arith.extui %ge3A_283 : i1 to i32
          %cond3A_285 = arith.constant 0 : i32
          %cond3A_286 = arith.cmpi ne, %convert_element_type3A_284, %cond3A_285 : i32
          scf.if %cond3A_286 {
            %dma_wait3A_293 = arith.constant 0 : i32
            %dma_wait3A_294 = tpu.memref_slice %arg10[%add3A_242, %dma_wait3A_293] : memref<80x125xi32, #tpu.memory_space<vmem>> -> memref<1x125xi32, #tpu.memory_space<vmem>>
            %dma_wait3A_295 = tpu.memref_squeeze %dma_wait3A_294 : memref<1x125xi32, #tpu.memory_space<vmem>> -> memref<125xi32, #tpu.memory_space<vmem>>
            %dma_wait3A_296 = arith.constant 0 : i32
            %dma_wait3A_297 = arith.constant 0 : i32
            %dma_wait3A_298 = tpu.memref_slice %arg17[%dma_wait3A_296, %dma_wait3A_297] : memref<10000x64xf32, #tpu.memory_space<vmem_shared>> -> memref<10000x64xf32, #tpu.memory_space<vmem_shared>>
            tpu.wait_indirect_dma semaphore(%arg23 : memref<!tpu.dma_semaphore, #tpu.memory_space<semaphore_mem>>) src(%arg11 : memref<125x64xf32, #tpu.memory_space<vmem>>) dst(%dma_wait3A_298 : memref<10000x64xf32, #tpu.memory_space<vmem_shared>>)
          } else {
          }
          %dma_start3A_287 = arith.constant 0 : i32
          %dma_start3A_288 = tpu.memref_slice %arg9[%add3A_244, %dma_start3A_287] : memref<80x125xi32, #tpu.memory_space<vmem>> -> memref<1x125xi32, #tpu.memory_space<vmem>>
          %dma_start3A_289 = tpu.memref_squeeze %dma_start3A_288 : memref<1x125xi32, #tpu.memory_space<vmem>> -> memref<125xi32, #tpu.memory_space<vmem>>
          %dma_start3A_290 = arith.constant 0 : i32
          %dma_start3A_291 = arith.constant 0 : i32
          %dma_start3A_292 = tpu.memref_slice %arg4[%dma_start3A_290, %dma_start3A_291] : memref<10000x64xf32, #tpu.memory_space<hbm>> -> memref<10000x64xf32, #tpu.memory_space<hbm>>
          tpu.enqueue_indirect_dma source(%dma_start3A_292 : memref<10000x64xf32, #tpu.memory_space<hbm>>) target(%arg11 : memref<125x64xf32, #tpu.memory_space<vmem>>) offsets(%dma_start3A_289 : memref<125xi32, #tpu.memory_space<vmem>>) semaphore(%arg19 : memref<!tpu.dma_semaphore, #tpu.memory_space<semaphore_mem>>)
        } else {
        }
        %dma_wait3A_250 = arith.constant 0 : i32
        %dma_wait3A_251 = tpu.memref_slice %arg9[%add3A_242, %dma_wait3A_250] : memref<80x125xi32, #tpu.memory_space<vmem>> -> memref<1x125xi32, #tpu.memory_space<vmem>>
        %dma_wait3A_252 = tpu.memref_squeeze %dma_wait3A_251 : memref<1x125xi32, #tpu.memory_space<vmem>> -> memref<125xi32, #tpu.memory_space<vmem>>
        %dma_wait3A_253 = arith.constant 0 : i32
        %dma_wait3A_254 = arith.constant 0 : i32
        %dma_wait3A_255 = tpu.memref_slice %arg4[%dma_wait3A_253, %dma_wait3A_254] : memref<10000x64xf32, #tpu.memory_space<hbm>> -> memref<10000x64xf32, #tpu.memory_space<hbm>>
        tpu.wait_indirect_dma semaphore(%arg21 : memref<!tpu.dma_semaphore, #tpu.memory_space<semaphore_mem>>) src(%dma_wait3A_255 : memref<10000x64xf32, #tpu.memory_space<hbm>>) dst(%arg13 : memref<125x64xf32, #tpu.memory_space<vmem>>)
        %dma_start3A_256 = arith.constant 0 : i32
        %dma_start3A_257 = tpu.memref_slice %arg10[%add3A_242, %dma_start3A_256] : memref<80x125xi32, #tpu.memory_space<vmem>> -> memref<1x125xi32, #tpu.memory_space<vmem>>
        %dma_start3A_258 = tpu.memref_squeeze %dma_start3A_257 : memref<1x125xi32, #tpu.memory_space<vmem>> -> memref<125xi32, #tpu.memory_space<vmem>>
        %dma_start3A_259 = arith.constant 0 : i32
        %dma_start3A_260 = arith.constant 0 : i32
        %dma_start3A_261 = tpu.memref_slice %arg17[%dma_start3A_259, %dma_start3A_260] : memref<10000x64xf32, #tpu.memory_space<vmem_shared>> -> memref<10000x64xf32, #tpu.memory_space<vmem_shared>>
        tpu.enqueue_indirect_dma source(%arg13 : memref<125x64xf32, #tpu.memory_space<vmem>>) target(%dma_start3A_261 : memref<10000x64xf32, #tpu.memory_space<vmem_shared>>) offsets(%dma_start3A_258 : memref<125xi32, #tpu.memory_space<vmem>>) semaphore(%arg25 : memref<!tpu.dma_semaphore, #tpu.memory_space<semaphore_mem>>) {add = true}
        %add3A_262 = arith.constant 3 : i32
        %add3A_263 = arith.addi %mul3A_199, %add3A_262 : i32
        %add3A_264 = arith.constant 2 : i32
        %add3A_265 = arith.addi %add3A_263, %add3A_264 : i32
        %lt3A_266 = arith.constant 80 : i32
        %lt3A_267 = arith.cmpi slt, %add3A_265, %lt3A_266 : i32
        %convert_element_type3A_268 = arith.extui %lt3A_267 : i1 to i32
        %cond3A_269 = arith.constant 0 : i32
        %cond3A_270 = arith.cmpi ne, %convert_element_type3A_268, %cond3A_269 : i32
        scf.if %cond3A_270 {
          %ge3A = arith.constant 4 : i32
          %ge3A_283 = arith.cmpi sge, %add3A_265, %ge3A : i32
          %convert_element_type3A_284 = arith.extui %ge3A_283 : i1 to i32
          %cond3A_285 = arith.constant 0 : i32
          %cond3A_286 = arith.cmpi ne, %convert_element_type3A_284, %cond3A_285 : i32
          scf.if %cond3A_286 {
            %dma_wait3A_293 = arith.constant 0 : i32
            %dma_wait3A_294 = tpu.memref_slice %arg10[%add3A_263, %dma_wait3A_293] : memref<80x125xi32, #tpu.memory_space<vmem>> -> memref<1x125xi32, #tpu.memory_space<vmem>>
            %dma_wait3A_295 = tpu.memref_squeeze %dma_wait3A_294 : memref<1x125xi32, #tpu.memory_space<vmem>> -> memref<125xi32, #tpu.memory_space<vmem>>
            %dma_wait3A_296 = arith.constant 0 : i32
            %dma_wait3A_297 = arith.constant 0 : i32
            %dma_wait3A_298 = tpu.memref_slice %arg17[%dma_wait3A_296, %dma_wait3A_297] : memref<10000x64xf32, #tpu.memory_space<vmem_shared>> -> memref<10000x64xf32, #tpu.memory_space<vmem_shared>>
            tpu.wait_indirect_dma semaphore(%arg24 : memref<!tpu.dma_semaphore, #tpu.memory_space<semaphore_mem>>) src(%arg12 : memref<125x64xf32, #tpu.memory_space<vmem>>) dst(%dma_wait3A_298 : memref<10000x64xf32, #tpu.memory_space<vmem_shared>>)
          } else {
          }
          %dma_start3A_287 = arith.constant 0 : i32
          %dma_start3A_288 = tpu.memref_slice %arg9[%add3A_265, %dma_start3A_287] : memref<80x125xi32, #tpu.memory_space<vmem>> -> memref<1x125xi32, #tpu.memory_space<vmem>>
          %dma_start3A_289 = tpu.memref_squeeze %dma_start3A_288 : memref<1x125xi32, #tpu.memory_space<vmem>> -> memref<125xi32, #tpu.memory_space<vmem>>
          %dma_start3A_290 = arith.constant 0 : i32
          %dma_start3A_291 = arith.constant 0 : i32
          %dma_start3A_292 = tpu.memref_slice %arg4[%dma_start3A_290, %dma_start3A_291] : memref<10000x64xf32, #tpu.memory_space<hbm>> -> memref<10000x64xf32, #tpu.memory_space<hbm>>
          tpu.enqueue_indirect_dma source(%dma_start3A_292 : memref<10000x64xf32, #tpu.memory_space<hbm>>) target(%arg12 : memref<125x64xf32, #tpu.memory_space<vmem>>) offsets(%dma_start3A_289 : memref<125xi32, #tpu.memory_space<vmem>>) semaphore(%arg20 : memref<!tpu.dma_semaphore, #tpu.memory_space<semaphore_mem>>)
        } else {
        }
        %dma_wait3A_271 = arith.constant 0 : i32
        %dma_wait3A_272 = tpu.memref_slice %arg9[%add3A_263, %dma_wait3A_271] : memref<80x125xi32, #tpu.memory_space<vmem>> -> memref<1x125xi32, #tpu.memory_space<vmem>>
        %dma_wait3A_273 = tpu.memref_squeeze %dma_wait3A_272 : memref<1x125xi32, #tpu.memory_space<vmem>> -> memref<125xi32, #tpu.memory_space<vmem>>
        %dma_wait3A_274 = arith.constant 0 : i32
        %dma_wait3A_275 = arith.constant 0 : i32
        %dma_wait3A_276 = tpu.memref_slice %arg4[%dma_wait3A_274, %dma_wait3A_275] : memref<10000x64xf32, #tpu.memory_space<hbm>> -> memref<10000x64xf32, #tpu.memory_space<hbm>>
        tpu.wait_indirect_dma semaphore(%arg22 : memref<!tpu.dma_semaphore, #tpu.memory_space<semaphore_mem>>) src(%dma_wait3A_276 : memref<10000x64xf32, #tpu.memory_space<hbm>>) dst(%arg14 : memref<125x64xf32, #tpu.memory_space<vmem>>)
        %dma_start3A_277 = arith.constant 0 : i32
        %dma_start3A_278 = tpu.memref_slice %arg10[%add3A_263, %dma_start3A_277] : memref<80x125xi32, #tpu.memory_space<vmem>> -> memref<1x125xi32, #tpu.memory_space<vmem>>
        %dma_start3A_279 = tpu.memref_squeeze %dma_start3A_278 : memref<1x125xi32, #tpu.memory_space<vmem>> -> memref<125xi32, #tpu.memory_space<vmem>>
        %dma_start3A_280 = arith.constant 0 : i32
        %dma_start3A_281 = arith.constant 0 : i32
        %dma_start3A_282 = tpu.memref_slice %arg17[%dma_start3A_280, %dma_start3A_281] : memref<10000x64xf32, #tpu.memory_space<vmem_shared>> -> memref<10000x64xf32, #tpu.memory_space<vmem_shared>>
        tpu.enqueue_indirect_dma source(%arg14 : memref<125x64xf32, #tpu.memory_space<vmem>>) target(%dma_start3A_282 : memref<10000x64xf32, #tpu.memory_space<vmem_shared>>) offsets(%dma_start3A_279 : memref<125xi32, #tpu.memory_space<vmem>>) semaphore(%arg26 : memref<!tpu.dma_semaphore, #tpu.memory_space<semaphore_mem>>) {add = true}
      }
      %scan3A_73 = arith.constant 20 : i32
      %dma_wait3A = arith.constant 0 : i32
      %dma_wait3A_74 = arith.constant 0 : i32
      %dma_wait3A_75 = tpu.memref_slice %arg10[%dma_wait3A, %dma_wait3A_74] : memref<80x125xi32, #tpu.memory_space<vmem>> -> memref<1x125xi32, #tpu.memory_space<vmem>>
      %dma_wait3A_76 = tpu.memref_squeeze %dma_wait3A_75 : memref<1x125xi32, #tpu.memory_space<vmem>> -> memref<125xi32, #tpu.memory_space<vmem>>
      %dma_wait3A_77 = arith.constant 0 : i32
      %dma_wait3A_78 = arith.constant 0 : i32
      %dma_wait3A_79 = tpu.memref_slice %arg17[%dma_wait3A_77, %dma_wait3A_78] : memref<10000x64xf32, #tpu.memory_space<vmem_shared>> -> memref<10000x64xf32, #tpu.memory_space<vmem_shared>>
      tpu.wait_indirect_dma semaphore(%arg23 : memref<!tpu.dma_semaphore, #tpu.memory_space<semaphore_mem>>) src(%arg11 : memref<125x64xf32, #tpu.memory_space<vmem>>) dst(%dma_wait3A_79 : memref<10000x64xf32, #tpu.memory_space<vmem_shared>>)
      %dma_wait3A_80 = arith.constant 0 : i32
      %dma_wait3A_81 = arith.constant 0 : i32
      %dma_wait3A_82 = tpu.memref_slice %arg10[%dma_wait3A_80, %dma_wait3A_81] : memref<80x125xi32, #tpu.memory_space<vmem>> -> memref<1x125xi32, #tpu.memory_space<vmem>>
      %dma_wait3A_83 = tpu.memref_squeeze %dma_wait3A_82 : memref<1x125xi32, #tpu.memory_space<vmem>> -> memref<125xi32, #tpu.memory_space<vmem>>
      %dma_wait3A_84 = arith.constant 0 : i32
      %dma_wait3A_85 = arith.constant 0 : i32
      %dma_wait3A_86 = tpu.memref_slice %arg17[%dma_wait3A_84, %dma_wait3A_85] : memref<10000x64xf32, #tpu.memory_space<vmem_shared>> -> memref<10000x64xf32, #tpu.memory_space<vmem_shared>>
      tpu.wait_indirect_dma semaphore(%arg24 : memref<!tpu.dma_semaphore, #tpu.memory_space<semaphore_mem>>) src(%arg12 : memref<125x64xf32, #tpu.memory_space<vmem>>) dst(%dma_wait3A_86 : memref<10000x64xf32, #tpu.memory_space<vmem_shared>>)
      %dma_wait3A_87 = arith.constant 0 : i32
      %dma_wait3A_88 = arith.constant 0 : i32
      %dma_wait3A_89 = tpu.memref_slice %arg10[%dma_wait3A_87, %dma_wait3A_88] : memref<80x125xi32, #tpu.memory_space<vmem>> -> memref<1x125xi32, #tpu.memory_space<vmem>>
      %dma_wait3A_90 = tpu.memref_squeeze %dma_wait3A_89 : memref<1x125xi32, #tpu.memory_space<vmem>> -> memref<125xi32, #tpu.memory_space<vmem>>
      %dma_wait3A_91 = arith.constant 0 : i32
      %dma_wait3A_92 = arith.constant 0 : i32
      %dma_wait3A_93 = tpu.memref_slice %arg17[%dma_wait3A_91, %dma_wait3A_92] : memref<10000x64xf32, #tpu.memory_space<vmem_shared>> -> memref<10000x64xf32, #tpu.memory_space<vmem_shared>>
      tpu.wait_indirect_dma semaphore(%arg25 : memref<!tpu.dma_semaphore, #tpu.memory_space<semaphore_mem>>) src(%arg13 : memref<125x64xf32, #tpu.memory_space<vmem>>) dst(%dma_wait3A_93 : memref<10000x64xf32, #tpu.memory_space<vmem_shared>>)
      %dma_wait3A_94 = arith.constant 0 : i32
      %dma_wait3A_95 = arith.constant 0 : i32
      %dma_wait3A_96 = tpu.memref_slice %arg10[%dma_wait3A_94, %dma_wait3A_95] : memref<80x125xi32, #tpu.memory_space<vmem>> -> memref<1x125xi32, #tpu.memory_space<vmem>>
      %dma_wait3A_97 = tpu.memref_squeeze %dma_wait3A_96 : memref<1x125xi32, #tpu.memory_space<vmem>> -> memref<125xi32, #tpu.memory_space<vmem>>
      %dma_wait3A_98 = arith.constant 0 : i32
      %dma_wait3A_99 = arith.constant 0 : i32
      %dma_wait3A_100 = tpu.memref_slice %arg17[%dma_wait3A_98, %dma_wait3A_99] : memref<10000x64xf32, #tpu.memory_space<vmem_shared>> -> memref<10000x64xf32, #tpu.memory_space<vmem_shared>>
      tpu.wait_indirect_dma semaphore(%arg26 : memref<!tpu.dma_semaphore, #tpu.memory_space<semaphore_mem>>) src(%arg14 : memref<125x64xf32, #tpu.memory_space<vmem>>) dst(%dma_wait3A_100 : memref<10000x64xf32, #tpu.memory_space<vmem_shared>>)
      %barrier3A_101 = arith.constant 0 : index
      tpu.barrier barrier_id(%barrier3A_101)
      %mul3A_102 = arith.constant 624 : i32
      %mul3A_103 = arith.muli %arg1, %mul3A_102 : i32
      %mul3A_104 = arith.constant 624 : i32
      %mul3A_105 = arith.muli %arg1, %mul3A_104 : i32
      %add3A_106 = arith.constant 20000 : i32
      %add3A_107 = arith.addi %add3A_106, %mul3A_105 : i32
      "tpu.region"() ({
        %run_scoped3A_197 = tpu.sem_alloc : memref<!tpu.dma_semaphore, #tpu.memory_space<semaphore_mem>>
        %dma_start3A_198 = arith.constant 0 : i32
        %dma_start3A_199 = tpu.memref_slice %arg7[%add3A_107, %dma_start3A_198] : memref<40000x64xf32, #tpu.memory_space<hbm>> -> memref<624x64xf32, #tpu.memory_space<hbm>>
        %dma_start3A_200 = arith.constant 0 : i32
        %dma_start3A_201 = tpu.memref_slice %arg17[%mul3A_103, %dma_start3A_200] : memref<10000x64xf32, #tpu.memory_space<vmem_shared>> -> memref<624x64xf32, #tpu.memory_space<vmem_shared>>
        tpu.enqueue_dma source(%dma_start3A_201 : memref<624x64xf32, #tpu.memory_space<vmem_shared>>) target(%dma_start3A_199 : memref<624x64xf32, #tpu.memory_space<hbm>>) target_semaphore(%run_scoped3A_197 : memref<!tpu.dma_semaphore, #tpu.memory_space<semaphore_mem>>)
        %dma_wait3A_202 = arith.constant 0 : i32
        %dma_wait3A_203 = tpu.memref_slice %arg7[%add3A_107, %dma_wait3A_202] : memref<40000x64xf32, #tpu.memory_space<hbm>> -> memref<624x64xf32, #tpu.memory_space<hbm>>
        %dma_wait3A_204 = arith.constant 0 : i32
        %dma_wait3A_205 = tpu.memref_slice %arg17[%mul3A_103, %dma_wait3A_204] : memref<10000x64xf32, #tpu.memory_space<vmem_shared>> -> memref<624x64xf32, #tpu.memory_space<vmem_shared>>
        tpu.wait_dma2 semaphore(%run_scoped3A_197 : memref<!tpu.dma_semaphore, #tpu.memory_space<semaphore_mem>>) src(%dma_wait3A_205 : memref<624x64xf32, #tpu.memory_space<vmem_shared>>) dst(%dma_wait3A_203 : memref<624x64xf32, #tpu.memory_space<hbm>>)
        tpu.yield
      }) : () -> ()
      %eq3A_108 = arith.constant 0 : i32
      %eq3A_109 = arith.cmpi eq, %arg1, %eq3A_108 : i32
      %convert_element_type3A_110 = arith.extui %eq3A_109 : i1 to i32
      %cond3A_111 = arith.constant 0 : i32
      %cond3A_112 = arith.cmpi ne, %convert_element_type3A_110, %cond3A_111 : i32
      scf.if %cond3A_112 {
        "tpu.region"() ({
          %run_scoped3A_197 = tpu.sem_alloc : memref<!tpu.dma_semaphore, #tpu.memory_space<semaphore_mem>>
          %dma_start3A_198 = arith.constant 29984 : i32
          %dma_start3A_199 = arith.constant 0 : i32
          %dma_start3A_200 = tpu.memref_slice %arg7[%dma_start3A_198, %dma_start3A_199] : memref<40000x64xf32, #tpu.memory_space<hbm>> -> memref<16x64xf32, #tpu.memory_space<hbm>>
          %dma_start3A_201 = arith.constant 9984 : i32
          %dma_start3A_202 = arith.constant 0 : i32
          %dma_start3A_203 = tpu.memref_slice %arg17[%dma_start3A_201, %dma_start3A_202] : memref<10000x64xf32, #tpu.memory_space<vmem_shared>> -> memref<16x64xf32, #tpu.memory_space<vmem_shared>>
          tpu.enqueue_dma source(%dma_start3A_203 : memref<16x64xf32, #tpu.memory_space<vmem_shared>>) target(%dma_start3A_200 : memref<16x64xf32, #tpu.memory_space<hbm>>) target_semaphore(%run_scoped3A_197 : memref<!tpu.dma_semaphore, #tpu.memory_space<semaphore_mem>>)
          %dma_wait3A_204 = arith.constant 29984 : i32
          %dma_wait3A_205 = arith.constant 0 : i32
          %dma_wait3A_206 = tpu.memref_slice %arg7[%dma_wait3A_204, %dma_wait3A_205] : memref<40000x64xf32, #tpu.memory_space<hbm>> -> memref<16x64xf32, #tpu.memory_space<hbm>>
          %dma_wait3A_207 = arith.constant 9984 : i32
          %dma_wait3A_208 = arith.constant 0 : i32
          %dma_wait3A_209 = tpu.memref_slice %arg17[%dma_wait3A_207, %dma_wait3A_208] : memref<10000x64xf32, #tpu.memory_space<vmem_shared>> -> memref<16x64xf32, #tpu.memory_space<vmem_shared>>
          tpu.wait_dma2 semaphore(%run_scoped3A_197 : memref<!tpu.dma_semaphore, #tpu.memory_space<semaphore_mem>>) src(%dma_wait3A_209 : memref<16x64xf32, #tpu.memory_space<vmem_shared>>) dst(%dma_wait3A_206 : memref<16x64xf32, #tpu.memory_space<hbm>>)
          tpu.yield
        }) : () -> ()
      } else {
      }
      %barrier3A_113 = arith.constant 0 : index
      tpu.barrier barrier_id(%barrier3A_113)
      %scan3A_114 = arith.constant 0 : i32
      %scan3A_115 = arith.constant 0 : i32
      %scan3A_116 = arith.constant 125 : i32
      %scan3A_117 = arith.addi %scan3A_115, %scan3A_116 : i32
      %scan3A_118 = arith.constant 1 : i32
      scf.for %scan3A_197 = %scan3A_115 to %scan3A_117 step %scan3A_118  : i32 {
        %scan3A_198 = arith.constant 0 : i32
        %scan3A_199 = arith.constant 0 : i32
        %scan3A_200 = arith.constant 4 : i32
        %scan3A_201 = arith.addi %scan3A_199, %scan3A_200 : i32
        %scan3A_202 = arith.constant 1 : i32
        scf.for %scan3A_204 = %scan3A_199 to %scan3A_201 step %scan3A_202  : i32 {
          %broadcast_in_dim3A = arith.constant 0.000000e+00 : f32
          %broadcast_in_dim3A_205 = vector.broadcast %broadcast_in_dim3A : f32 to vector<16xf32>
          %mul3A_206 = arith.constant 16 : i32
          %mul3A_207 = arith.muli %scan3A_204, %mul3A_206 : i32
          %swap3A = arith.index_cast %scan3A_197 : i32 to index
          %swap3A_208 = arith.index_cast %mul3A_207 : i32 to index
          %swap3A_209 = tpu.vector_load %arg11[%swap3A, %swap3A_208] {strides = array<i32>} : memref<125x64xf32, #tpu.memory_space<vmem>>, vector<1x16xf32>,
          %swap3A_210 = vector.shape_cast %swap3A_209 : vector<1x16xf32> to vector<16xf32>
          %swap3A_211 = vector.shape_cast %broadcast_in_dim3A_205 : vector<16xf32> to vector<1x16xf32>
          tpu.vector_store %arg11[%swap3A, %swap3A_208], %swap3A_211 {strides = array<i32>} : memref<125x64xf32, #tpu.memory_space<vmem>>, vector<1x16xf32>,
        }
        %scan3A_203 = arith.constant 4 : i32
      }
      %scan3A_119 = arith.constant 125 : i32
      %mul3A_120 = arith.constant 624 : i32
      %mul3A_121 = arith.muli %arg1, %mul3A_120 : i32
      %scan3A_122 = arith.constant 0 : i32
      %scan3A_123 = arith.constant 0 : i32
      %scan3A_124 = arith.constant 4 : i32
      %scan3A_125 = arith.addi %scan3A_123, %scan3A_124 : i32
      %scan3A_126 = arith.constant 1 : i32
      scf.for %scan3A_197 = %scan3A_123 to %scan3A_125 step %scan3A_126  : i32 {
        %mul3A_198 = arith.constant 125 : i32
        %mul3A_199 = arith.muli %scan3A_197, %mul3A_198 : i32
        %add3A_200 = arith.addi %mul3A_121, %mul3A_199 : i32
        "tpu.region"() ({
          %run_scoped3A_201 = tpu.sem_alloc : memref<!tpu.dma_semaphore, #tpu.memory_space<semaphore_mem>>
          %dma_start3A_202 = arith.constant 0 : i32
          %dma_start3A_203 = tpu.memref_slice %arg17[%add3A_200, %dma_start3A_202] : memref<10000x64xf32, #tpu.memory_space<vmem_shared>> -> memref<125x64xf32, #tpu.memory_space<vmem_shared>>
          %dma_start3A_204 = arith.constant 0 : i32
          %dma_start3A_205 = tpu.memref_slice %arg17[%add3A_200, %dma_start3A_204] : memref<10000x64xf32, #tpu.memory_space<vmem_shared>> -> memref<125x64xf32, #tpu.memory_space<vmem_shared>>
          tpu.enqueue_dma source(%arg11 : memref<125x64xf32, #tpu.memory_space<vmem>>) target(%dma_start3A_205 : memref<125x64xf32, #tpu.memory_space<vmem_shared>>) target_semaphore(%run_scoped3A_201 : memref<!tpu.dma_semaphore, #tpu.memory_space<semaphore_mem>>)
          %dma_wait3A_206 = arith.constant 0 : i32
          %dma_wait3A_207 = tpu.memref_slice %arg17[%add3A_200, %dma_wait3A_206] : memref<10000x64xf32, #tpu.memory_space<vmem_shared>> -> memref<125x64xf32, #tpu.memory_space<vmem_shared>>
          %dma_wait3A_208 = arith.constant 0 : i32
          %dma_wait3A_209 = tpu.memref_slice %arg17[%add3A_200, %dma_wait3A_208] : memref<10000x64xf32, #tpu.memory_space<vmem_shared>> -> memref<125x64xf32, #tpu.memory_space<vmem_shared>>
          tpu.wait_dma2 semaphore(%run_scoped3A_201 : memref<!tpu.dma_semaphore, #tpu.memory_space<semaphore_mem>>) src(%arg11 : memref<125x64xf32, #tpu.memory_space<vmem>>) dst(%dma_wait3A_209 : memref<125x64xf32, #tpu.memory_space<vmem_shared>>)
          tpu.yield
        }) : () -> ()
      }
      %scan3A_127 = arith.constant 4 : i32
      %add3A_128 = arith.constant 500 : i32
      %add3A_129 = arith.addi %mul3A_121, %add3A_128 : i32
      "tpu.region"() ({
        %run_scoped3A_197 = tpu.sem_alloc : memref<!tpu.dma_semaphore, #tpu.memory_space<semaphore_mem>>
        %dma_start3A_198 = arith.constant 0 : i32
        %dma_start3A_199 = arith.constant 0 : i32
        %dma_start3A_200 = tpu.memref_slice %arg11[%dma_start3A_198, %dma_start3A_199] : memref<125x64xf32, #tpu.memory_space<vmem>> -> memref<124x64xf32, #tpu.memory_space<vmem>>
        %dma_start3A_201 = arith.constant 0 : i32
        %dma_start3A_202 = tpu.memref_slice %arg17[%add3A_129, %dma_start3A_201] : memref<10000x64xf32, #tpu.memory_space<vmem_shared>> -> memref<124x64xf32, #tpu.memory_space<vmem_shared>>
        %dma_start3A_203 = arith.constant 0 : i32
        %dma_start3A_204 = tpu.memref_slice %arg17[%add3A_129, %dma_start3A_203] : memref<10000x64xf32, #tpu.memory_space<vmem_shared>> -> memref<124x64xf32, #tpu.memory_space<vmem_shared>>
        %dma_start3A_205 = arith.constant 0 : i32
        %dma_start3A_206 = arith.constant 0 : i32
        %dma_start3A_207 = tpu.memref_slice %arg11[%dma_start3A_205, %dma_start3A_206] : memref<125x64xf32, #tpu.memory_space<vmem>> -> memref<124x64xf32, #tpu.memory_space<vmem>>
        tpu.enqueue_dma source(%dma_start3A_207 : memref<124x64xf32, #tpu.memory_space<vmem>>) target(%dma_start3A_204 : memref<124x64xf32, #tpu.memory_space<vmem_shared>>) target_semaphore(%run_scoped3A_197 : memref<!tpu.dma_semaphore, #tpu.memory_space<semaphore_mem>>)
        %dma_wait3A_208 = arith.constant 0 : i32
        %dma_wait3A_209 = arith.constant 0 : i32
        %dma_wait3A_210 = tpu.memref_slice %arg11[%dma_wait3A_208, %dma_wait3A_209] : memref<125x64xf32, #tpu.memory_space<vmem>> -> memref<124x64xf32, #tpu.memory_space<vmem>>
        %dma_wait3A_211 = arith.constant 0 : i32
        %dma_wait3A_212 = tpu.memref_slice %arg17[%add3A_129, %dma_wait3A_211] : memref<10000x64xf32, #tpu.memory_space<vmem_shared>> -> memref<124x64xf32, #tpu.memory_space<vmem_shared>>
        %dma_wait3A_213 = arith.constant 0 : i32
        %dma_wait3A_214 = tpu.memref_slice %arg17[%add3A_129, %dma_wait3A_213] : memref<10000x64xf32, #tpu.memory_space<vmem_shared>> -> memref<124x64xf32, #tpu.memory_space<vmem_shared>>
        %dma_wait3A_215 = arith.constant 0 : i32
        %dma_wait3A_216 = arith.constant 0 : i32
        %dma_wait3A_217 = tpu.memref_slice %arg11[%dma_wait3A_215, %dma_wait3A_216] : memref<125x64xf32, #tpu.memory_space<vmem>> -> memref<124x64xf32, #tpu.memory_space<vmem>>
        tpu.wait_dma2 semaphore(%run_scoped3A_197 : memref<!tpu.dma_semaphore, #tpu.memory_space<semaphore_mem>>) src(%dma_wait3A_217 : memref<124x64xf32, #tpu.memory_space<vmem>>) dst(%dma_wait3A_214 : memref<124x64xf32, #tpu.memory_space<vmem_shared>>)
        tpu.yield
      }) : () -> ()
      %eq3A_130 = arith.constant 0 : i32
      %eq3A_131 = arith.cmpi eq, %arg1, %eq3A_130 : i32
      %convert_element_type3A_132 = arith.extui %eq3A_131 : i1 to i32
      %cond3A_133 = arith.constant 0 : i32
      %cond3A_134 = arith.cmpi ne, %convert_element_type3A_132, %cond3A_133 : i32
      scf.if %cond3A_134 {
        "tpu.region"() ({
          %run_scoped3A_197 = tpu.sem_alloc : memref<!tpu.dma_semaphore, #tpu.memory_space<semaphore_mem>>
          %dma_start3A_198 = arith.constant 0 : i32
          %dma_start3A_199 = arith.constant 0 : i32
          %dma_start3A_200 = tpu.memref_slice %arg11[%dma_start3A_198, %dma_start3A_199] : memref<125x64xf32, #tpu.memory_space<vmem>> -> memref<16x64xf32, #tpu.memory_space<vmem>>
          %dma_start3A_201 = arith.constant 9984 : i32
          %dma_start3A_202 = arith.constant 0 : i32
          %dma_start3A_203 = tpu.memref_slice %arg17[%dma_start3A_201, %dma_start3A_202] : memref<10000x64xf32, #tpu.memory_space<vmem_shared>> -> memref<16x64xf32, #tpu.memory_space<vmem_shared>>
          %dma_start3A_204 = arith.constant 9984 : i32
          %dma_start3A_205 = arith.constant 0 : i32
          %dma_start3A_206 = tpu.memref_slice %arg17[%dma_start3A_204, %dma_start3A_205] : memref<10000x64xf32, #tpu.memory_space<vmem_shared>> -> memref<16x64xf32, #tpu.memory_space<vmem_shared>>
          %dma_start3A_207 = arith.constant 0 : i32
          %dma_start3A_208 = arith.constant 0 : i32
          %dma_start3A_209 = tpu.memref_slice %arg11[%dma_start3A_207, %dma_start3A_208] : memref<125x64xf32, #tpu.memory_space<vmem>> -> memref<16x64xf32, #tpu.memory_space<vmem>>
          tpu.enqueue_dma source(%dma_start3A_209 : memref<16x64xf32, #tpu.memory_space<vmem>>) target(%dma_start3A_206 : memref<16x64xf32, #tpu.memory_space<vmem_shared>>) target_semaphore(%run_scoped3A_197 : memref<!tpu.dma_semaphore, #tpu.memory_space<semaphore_mem>>)
          %dma_wait3A_210 = arith.constant 0 : i32
          %dma_wait3A_211 = arith.constant 0 : i32
          %dma_wait3A_212 = tpu.memref_slice %arg11[%dma_wait3A_210, %dma_wait3A_211] : memref<125x64xf32, #tpu.memory_space<vmem>> -> memref<16x64xf32, #tpu.memory_space<vmem>>
          %dma_wait3A_213 = arith.constant 9984 : i32
          %dma_wait3A_214 = arith.constant 0 : i32
          %dma_wait3A_215 = tpu.memref_slice %arg17[%dma_wait3A_213, %dma_wait3A_214] : memref<10000x64xf32, #tpu.memory_space<vmem_shared>> -> memref<16x64xf32, #tpu.memory_space<vmem_shared>>
          %dma_wait3A_216 = arith.constant 9984 : i32
          %dma_wait3A_217 = arith.constant 0 : i32
          %dma_wait3A_218 = tpu.memref_slice %arg17[%dma_wait3A_216, %dma_wait3A_217] : memref<10000x64xf32, #tpu.memory_space<vmem_shared>> -> memref<16x64xf32, #tpu.memory_space<vmem_shared>>
          %dma_wait3A_219 = arith.constant 0 : i32
          %dma_wait3A_220 = arith.constant 0 : i32
          %dma_wait3A_221 = tpu.memref_slice %arg11[%dma_wait3A_219, %dma_wait3A_220] : memref<125x64xf32, #tpu.memory_space<vmem>> -> memref<16x64xf32, #tpu.memory_space<vmem>>
          tpu.wait_dma2 semaphore(%run_scoped3A_197 : memref<!tpu.dma_semaphore, #tpu.memory_space<semaphore_mem>>) src(%dma_wait3A_221 : memref<16x64xf32, #tpu.memory_space<vmem>>) dst(%dma_wait3A_218 : memref<16x64xf32, #tpu.memory_space<vmem_shared>>)
          tpu.yield
        }) : () -> ()
      } else {
      }
      %barrier3A_135 = arith.constant 0 : index
      tpu.barrier barrier_id(%barrier3A_135)
      %dma_start3A_136 = arith.constant 0 : i32
      %dma_start3A_137 = arith.constant 0 : i32
      %dma_start3A_138 = tpu.memref_slice %arg9[%dma_start3A_136, %dma_start3A_137] : memref<80x125xi32, #tpu.memory_space<vmem>> -> memref<1x125xi32, #tpu.memory_space<vmem>>
      %dma_start3A_139 = tpu.memref_squeeze %dma_start3A_138 : memref<1x125xi32, #tpu.memory_space<vmem>> -> memref<125xi32, #tpu.memory_space<vmem>>
      %dma_start3A_140 = arith.constant 0 : i32
      %dma_start3A_141 = arith.constant 0 : i32
      %dma_start3A_142 = tpu.memref_slice %arg5[%dma_start3A_140, %dma_start3A_141] : memref<10000x64xf32, #tpu.memory_space<hbm>> -> memref<10000x64xf32, #tpu.memory_space<hbm>>
      tpu.enqueue_indirect_dma source(%dma_start3A_142 : memref<10000x64xf32, #tpu.memory_space<hbm>>) target(%arg11 : memref<125x64xf32, #tpu.memory_space<vmem>>) offsets(%dma_start3A_139 : memref<125xi32, #tpu.memory_space<vmem>>) semaphore(%arg19 : memref<!tpu.dma_semaphore, #tpu.memory_space<semaphore_mem>>)
      %dma_start3A_143 = arith.constant 1 : i32
      %dma_start3A_144 = arith.constant 0 : i32
      %dma_start3A_145 = tpu.memref_slice %arg9[%dma_start3A_143, %dma_start3A_144] : memref<80x125xi32, #tpu.memory_space<vmem>> -> memref<1x125xi32, #tpu.memory_space<vmem>>
      %dma_start3A_146 = tpu.memref_squeeze %dma_start3A_145 : memref<1x125xi32, #tpu.memory_space<vmem>> -> memref<125xi32, #tpu.memory_space<vmem>>
      %dma_start3A_147 = arith.constant 0 : i32
      %dma_start3A_148 = arith.constant 0 : i32
      %dma_start3A_149 = tpu.memref_slice %arg5[%dma_start3A_147, %dma_start3A_148] : memref<10000x64xf32, #tpu.memory_space<hbm>> -> memref<10000x64xf32, #tpu.memory_space<hbm>>
      tpu.enqueue_indirect_dma source(%dma_start3A_149 : memref<10000x64xf32, #tpu.memory_space<hbm>>) target(%arg12 : memref<125x64xf32, #tpu.memory_space<vmem>>) offsets(%dma_start3A_146 : memref<125xi32, #tpu.memory_space<vmem>>) semaphore(%arg20 : memref<!tpu.dma_semaphore, #tpu.memory_space<semaphore_mem>>)
      %scan3A_150 = arith.constant 0 : i32
      %scan3A_151 = arith.constant 0 : i32
      %scan3A_152 = arith.constant 20 : i32
      %scan3A_153 = arith.addi %scan3A_151, %scan3A_152 : i32
      %scan3A_154 = arith.constant 1 : i32
      scf.for %scan3A_197 = %scan3A_151 to %scan3A_153 step %scan3A_154  : i32 {
        %mul3A_198 = arith.constant 4 : i32
        %mul3A_199 = arith.muli %scan3A_197, %mul3A_198 : i32
        %add3A_200 = arith.constant 0 : i32
        %add3A_201 = arith.addi %mul3A_199, %add3A_200 : i32
        %add3A_202 = arith.constant 2 : i32
        %add3A_203 = arith.addi %add3A_201, %add3A_202 : i32
        %lt3A = arith.constant 80 : i32
        %lt3A_204 = arith.cmpi slt, %add3A_203, %lt3A : i32
        %convert_element_type3A_205 = arith.extui %lt3A_204 : i1 to i32
        %cond3A_206 = arith.constant 0 : i32
        %cond3A_207 = arith.cmpi ne, %convert_element_type3A_205, %cond3A_206 : i32
        scf.if %cond3A_207 {
          %ge3A = arith.constant 4 : i32
          %ge3A_283 = arith.cmpi sge, %add3A_203, %ge3A : i32
          %convert_element_type3A_284 = arith.extui %ge3A_283 : i1 to i32
          %cond3A_285 = arith.constant 0 : i32
          %cond3A_286 = arith.cmpi ne, %convert_element_type3A_284, %cond3A_285 : i32
          scf.if %cond3A_286 {
            %dma_wait3A_293 = arith.constant 0 : i32
            %dma_wait3A_294 = tpu.memref_slice %arg10[%add3A_201, %dma_wait3A_293] : memref<80x125xi32, #tpu.memory_space<vmem>> -> memref<1x125xi32, #tpu.memory_space<vmem>>
            %dma_wait3A_295 = tpu.memref_squeeze %dma_wait3A_294 : memref<1x125xi32, #tpu.memory_space<vmem>> -> memref<125xi32, #tpu.memory_space<vmem>>
            %dma_wait3A_296 = arith.constant 0 : i32
            %dma_wait3A_297 = arith.constant 0 : i32
            %dma_wait3A_298 = tpu.memref_slice %arg17[%dma_wait3A_296, %dma_wait3A_297] : memref<10000x64xf32, #tpu.memory_space<vmem_shared>> -> memref<10000x64xf32, #tpu.memory_space<vmem_shared>>
            tpu.wait_indirect_dma semaphore(%arg25 : memref<!tpu.dma_semaphore, #tpu.memory_space<semaphore_mem>>) src(%arg13 : memref<125x64xf32, #tpu.memory_space<vmem>>) dst(%dma_wait3A_298 : memref<10000x64xf32, #tpu.memory_space<vmem_shared>>)
          } else {
          }
          %dma_start3A_287 = arith.constant 0 : i32
          %dma_start3A_288 = tpu.memref_slice %arg9[%add3A_203, %dma_start3A_287] : memref<80x125xi32, #tpu.memory_space<vmem>> -> memref<1x125xi32, #tpu.memory_space<vmem>>
          %dma_start3A_289 = tpu.memref_squeeze %dma_start3A_288 : memref<1x125xi32, #tpu.memory_space<vmem>> -> memref<125xi32, #tpu.memory_space<vmem>>
          %dma_start3A_290 = arith.constant 0 : i32
          %dma_start3A_291 = arith.constant 0 : i32
          %dma_start3A_292 = tpu.memref_slice %arg5[%dma_start3A_290, %dma_start3A_291] : memref<10000x64xf32, #tpu.memory_space<hbm>> -> memref<10000x64xf32, #tpu.memory_space<hbm>>
          tpu.enqueue_indirect_dma source(%dma_start3A_292 : memref<10000x64xf32, #tpu.memory_space<hbm>>) target(%arg13 : memref<125x64xf32, #tpu.memory_space<vmem>>) offsets(%dma_start3A_289 : memref<125xi32, #tpu.memory_space<vmem>>) semaphore(%arg21 : memref<!tpu.dma_semaphore, #tpu.memory_space<semaphore_mem>>)
        } else {
        }
        %dma_wait3A_208 = arith.constant 0 : i32
        %dma_wait3A_209 = tpu.memref_slice %arg9[%add3A_201, %dma_wait3A_208] : memref<80x125xi32, #tpu.memory_space<vmem>> -> memref<1x125xi32, #tpu.memory_space<vmem>>
        %dma_wait3A_210 = tpu.memref_squeeze %dma_wait3A_209 : memref<1x125xi32, #tpu.memory_space<vmem>> -> memref<125xi32, #tpu.memory_space<vmem>>
        %dma_wait3A_211 = arith.constant 0 : i32
        %dma_wait3A_212 = arith.constant 0 : i32
        %dma_wait3A_213 = tpu.memref_slice %arg5[%dma_wait3A_211, %dma_wait3A_212] : memref<10000x64xf32, #tpu.memory_space<hbm>> -> memref<10000x64xf32, #tpu.memory_space<hbm>>
        tpu.wait_indirect_dma semaphore(%arg19 : memref<!tpu.dma_semaphore, #tpu.memory_space<semaphore_mem>>) src(%dma_wait3A_213 : memref<10000x64xf32, #tpu.memory_space<hbm>>) dst(%arg11 : memref<125x64xf32, #tpu.memory_space<vmem>>)
        %dma_start3A_214 = arith.constant 0 : i32
        %dma_start3A_215 = tpu.memref_slice %arg10[%add3A_201, %dma_start3A_214] : memref<80x125xi32, #tpu.memory_space<vmem>> -> memref<1x125xi32, #tpu.memory_space<vmem>>
        %dma_start3A_216 = tpu.memref_squeeze %dma_start3A_215 : memref<1x125xi32, #tpu.memory_space<vmem>> -> memref<125xi32, #tpu.memory_space<vmem>>
        %dma_start3A_217 = arith.constant 0 : i32
        %dma_start3A_218 = arith.constant 0 : i32
        %dma_start3A_219 = tpu.memref_slice %arg17[%dma_start3A_217, %dma_start3A_218] : memref<10000x64xf32, #tpu.memory_space<vmem_shared>> -> memref<10000x64xf32, #tpu.memory_space<vmem_shared>>
        tpu.enqueue_indirect_dma source(%arg11 : memref<125x64xf32, #tpu.memory_space<vmem>>) target(%dma_start3A_219 : memref<10000x64xf32, #tpu.memory_space<vmem_shared>>) offsets(%dma_start3A_216 : memref<125xi32, #tpu.memory_space<vmem>>) semaphore(%arg23 : memref<!tpu.dma_semaphore, #tpu.memory_space<semaphore_mem>>) {add = true}
        %add3A_220 = arith.constant 1 : i32
        %add3A_221 = arith.addi %mul3A_199, %add3A_220 : i32
        %add3A_222 = arith.constant 2 : i32
        %add3A_223 = arith.addi %add3A_221, %add3A_222 : i32
        %lt3A_224 = arith.constant 80 : i32
        %lt3A_225 = arith.cmpi slt, %add3A_223, %lt3A_224 : i32
        %convert_element_type3A_226 = arith.extui %lt3A_225 : i1 to i32
        %cond3A_227 = arith.constant 0 : i32
        %cond3A_228 = arith.cmpi ne, %convert_element_type3A_226, %cond3A_227 : i32
        scf.if %cond3A_228 {
          %ge3A = arith.constant 4 : i32
          %ge3A_283 = arith.cmpi sge, %add3A_223, %ge3A : i32
          %convert_element_type3A_284 = arith.extui %ge3A_283 : i1 to i32
          %cond3A_285 = arith.constant 0 : i32
          %cond3A_286 = arith.cmpi ne, %convert_element_type3A_284, %cond3A_285 : i32
          scf.if %cond3A_286 {
            %dma_wait3A_293 = arith.constant 0 : i32
            %dma_wait3A_294 = tpu.memref_slice %arg10[%add3A_221, %dma_wait3A_293] : memref<80x125xi32, #tpu.memory_space<vmem>> -> memref<1x125xi32, #tpu.memory_space<vmem>>
            %dma_wait3A_295 = tpu.memref_squeeze %dma_wait3A_294 : memref<1x125xi32, #tpu.memory_space<vmem>> -> memref<125xi32, #tpu.memory_space<vmem>>
            %dma_wait3A_296 = arith.constant 0 : i32
            %dma_wait3A_297 = arith.constant 0 : i32
            %dma_wait3A_298 = tpu.memref_slice %arg17[%dma_wait3A_296, %dma_wait3A_297] : memref<10000x64xf32, #tpu.memory_space<vmem_shared>> -> memref<10000x64xf32, #tpu.memory_space<vmem_shared>>
            tpu.wait_indirect_dma semaphore(%arg26 : memref<!tpu.dma_semaphore, #tpu.memory_space<semaphore_mem>>) src(%arg14 : memref<125x64xf32, #tpu.memory_space<vmem>>) dst(%dma_wait3A_298 : memref<10000x64xf32, #tpu.memory_space<vmem_shared>>)
          } else {
          }
          %dma_start3A_287 = arith.constant 0 : i32
          %dma_start3A_288 = tpu.memref_slice %arg9[%add3A_223, %dma_start3A_287] : memref<80x125xi32, #tpu.memory_space<vmem>> -> memref<1x125xi32, #tpu.memory_space<vmem>>
          %dma_start3A_289 = tpu.memref_squeeze %dma_start3A_288 : memref<1x125xi32, #tpu.memory_space<vmem>> -> memref<125xi32, #tpu.memory_space<vmem>>
          %dma_start3A_290 = arith.constant 0 : i32
          %dma_start3A_291 = arith.constant 0 : i32
          %dma_start3A_292 = tpu.memref_slice %arg5[%dma_start3A_290, %dma_start3A_291] : memref<10000x64xf32, #tpu.memory_space<hbm>> -> memref<10000x64xf32, #tpu.memory_space<hbm>>
          tpu.enqueue_indirect_dma source(%dma_start3A_292 : memref<10000x64xf32, #tpu.memory_space<hbm>>) target(%arg14 : memref<125x64xf32, #tpu.memory_space<vmem>>) offsets(%dma_start3A_289 : memref<125xi32, #tpu.memory_space<vmem>>) semaphore(%arg22 : memref<!tpu.dma_semaphore, #tpu.memory_space<semaphore_mem>>)
        } else {
        }
        %dma_wait3A_229 = arith.constant 0 : i32
        %dma_wait3A_230 = tpu.memref_slice %arg9[%add3A_221, %dma_wait3A_229] : memref<80x125xi32, #tpu.memory_space<vmem>> -> memref<1x125xi32, #tpu.memory_space<vmem>>
        %dma_wait3A_231 = tpu.memref_squeeze %dma_wait3A_230 : memref<1x125xi32, #tpu.memory_space<vmem>> -> memref<125xi32, #tpu.memory_space<vmem>>
        %dma_wait3A_232 = arith.constant 0 : i32
        %dma_wait3A_233 = arith.constant 0 : i32
        %dma_wait3A_234 = tpu.memref_slice %arg5[%dma_wait3A_232, %dma_wait3A_233] : memref<10000x64xf32, #tpu.memory_space<hbm>> -> memref<10000x64xf32, #tpu.memory_space<hbm>>
        tpu.wait_indirect_dma semaphore(%arg20 : memref<!tpu.dma_semaphore, #tpu.memory_space<semaphore_mem>>) src(%dma_wait3A_234 : memref<10000x64xf32, #tpu.memory_space<hbm>>) dst(%arg12 : memref<125x64xf32, #tpu.memory_space<vmem>>)
        %dma_start3A_235 = arith.constant 0 : i32
        %dma_start3A_236 = tpu.memref_slice %arg10[%add3A_221, %dma_start3A_235] : memref<80x125xi32, #tpu.memory_space<vmem>> -> memref<1x125xi32, #tpu.memory_space<vmem>>
        %dma_start3A_237 = tpu.memref_squeeze %dma_start3A_236 : memref<1x125xi32, #tpu.memory_space<vmem>> -> memref<125xi32, #tpu.memory_space<vmem>>
        %dma_start3A_238 = arith.constant 0 : i32
        %dma_start3A_239 = arith.constant 0 : i32
        %dma_start3A_240 = tpu.memref_slice %arg17[%dma_start3A_238, %dma_start3A_239] : memref<10000x64xf32, #tpu.memory_space<vmem_shared>> -> memref<10000x64xf32, #tpu.memory_space<vmem_shared>>
        tpu.enqueue_indirect_dma source(%arg12 : memref<125x64xf32, #tpu.memory_space<vmem>>) target(%dma_start3A_240 : memref<10000x64xf32, #tpu.memory_space<vmem_shared>>) offsets(%dma_start3A_237 : memref<125xi32, #tpu.memory_space<vmem>>) semaphore(%arg24 : memref<!tpu.dma_semaphore, #tpu.memory_space<semaphore_mem>>) {add = true}
        %add3A_241 = arith.constant 2 : i32
        %add3A_242 = arith.addi %mul3A_199, %add3A_241 : i32
        %add3A_243 = arith.constant 2 : i32
        %add3A_244 = arith.addi %add3A_242, %add3A_243 : i32
        %lt3A_245 = arith.constant 80 : i32
        %lt3A_246 = arith.cmpi slt, %add3A_244, %lt3A_245 : i32
        %convert_element_type3A_247 = arith.extui %lt3A_246 : i1 to i32
        %cond3A_248 = arith.constant 0 : i32
        %cond3A_249 = arith.cmpi ne, %convert_element_type3A_247, %cond3A_248 : i32
        scf.if %cond3A_249 {
          %ge3A = arith.constant 4 : i32
          %ge3A_283 = arith.cmpi sge, %add3A_244, %ge3A : i32
          %convert_element_type3A_284 = arith.extui %ge3A_283 : i1 to i32
          %cond3A_285 = arith.constant 0 : i32
          %cond3A_286 = arith.cmpi ne, %convert_element_type3A_284, %cond3A_285 : i32
          scf.if %cond3A_286 {
            %dma_wait3A_293 = arith.constant 0 : i32
            %dma_wait3A_294 = tpu.memref_slice %arg10[%add3A_242, %dma_wait3A_293] : memref<80x125xi32, #tpu.memory_space<vmem>> -> memref<1x125xi32, #tpu.memory_space<vmem>>
            %dma_wait3A_295 = tpu.memref_squeeze %dma_wait3A_294 : memref<1x125xi32, #tpu.memory_space<vmem>> -> memref<125xi32, #tpu.memory_space<vmem>>
            %dma_wait3A_296 = arith.constant 0 : i32
            %dma_wait3A_297 = arith.constant 0 : i32
            %dma_wait3A_298 = tpu.memref_slice %arg17[%dma_wait3A_296, %dma_wait3A_297] : memref<10000x64xf32, #tpu.memory_space<vmem_shared>> -> memref<10000x64xf32, #tpu.memory_space<vmem_shared>>
            tpu.wait_indirect_dma semaphore(%arg23 : memref<!tpu.dma_semaphore, #tpu.memory_space<semaphore_mem>>) src(%arg11 : memref<125x64xf32, #tpu.memory_space<vmem>>) dst(%dma_wait3A_298 : memref<10000x64xf32, #tpu.memory_space<vmem_shared>>)
          } else {
          }
          %dma_start3A_287 = arith.constant 0 : i32
          %dma_start3A_288 = tpu.memref_slice %arg9[%add3A_244, %dma_start3A_287] : memref<80x125xi32, #tpu.memory_space<vmem>> -> memref<1x125xi32, #tpu.memory_space<vmem>>
          %dma_start3A_289 = tpu.memref_squeeze %dma_start3A_288 : memref<1x125xi32, #tpu.memory_space<vmem>> -> memref<125xi32, #tpu.memory_space<vmem>>
          %dma_start3A_290 = arith.constant 0 : i32
          %dma_start3A_291 = arith.constant 0 : i32
          %dma_start3A_292 = tpu.memref_slice %arg5[%dma_start3A_290, %dma_start3A_291] : memref<10000x64xf32, #tpu.memory_space<hbm>> -> memref<10000x64xf32, #tpu.memory_space<hbm>>
          tpu.enqueue_indirect_dma source(%dma_start3A_292 : memref<10000x64xf32, #tpu.memory_space<hbm>>) target(%arg11 : memref<125x64xf32, #tpu.memory_space<vmem>>) offsets(%dma_start3A_289 : memref<125xi32, #tpu.memory_space<vmem>>) semaphore(%arg19 : memref<!tpu.dma_semaphore, #tpu.memory_space<semaphore_mem>>)
        } else {
        }
        %dma_wait3A_250 = arith.constant 0 : i32
        %dma_wait3A_251 = tpu.memref_slice %arg9[%add3A_242, %dma_wait3A_250] : memref<80x125xi32, #tpu.memory_space<vmem>> -> memref<1x125xi32, #tpu.memory_space<vmem>>
        %dma_wait3A_252 = tpu.memref_squeeze %dma_wait3A_251 : memref<1x125xi32, #tpu.memory_space<vmem>> -> memref<125xi32, #tpu.memory_space<vmem>>
        %dma_wait3A_253 = arith.constant 0 : i32
        %dma_wait3A_254 = arith.constant 0 : i32
        %dma_wait3A_255 = tpu.memref_slice %arg5[%dma_wait3A_253, %dma_wait3A_254] : memref<10000x64xf32, #tpu.memory_space<hbm>> -> memref<10000x64xf32, #tpu.memory_space<hbm>>
        tpu.wait_indirect_dma semaphore(%arg21 : memref<!tpu.dma_semaphore, #tpu.memory_space<semaphore_mem>>) src(%dma_wait3A_255 : memref<10000x64xf32, #tpu.memory_space<hbm>>) dst(%arg13 : memref<125x64xf32, #tpu.memory_space<vmem>>)
        %dma_start3A_256 = arith.constant 0 : i32
        %dma_start3A_257 = tpu.memref_slice %arg10[%add3A_242, %dma_start3A_256] : memref<80x125xi32, #tpu.memory_space<vmem>> -> memref<1x125xi32, #tpu.memory_space<vmem>>
        %dma_start3A_258 = tpu.memref_squeeze %dma_start3A_257 : memref<1x125xi32, #tpu.memory_space<vmem>> -> memref<125xi32, #tpu.memory_space<vmem>>
        %dma_start3A_259 = arith.constant 0 : i32
        %dma_start3A_260 = arith.constant 0 : i32
        %dma_start3A_261 = tpu.memref_slice %arg17[%dma_start3A_259, %dma_start3A_260] : memref<10000x64xf32, #tpu.memory_space<vmem_shared>> -> memref<10000x64xf32, #tpu.memory_space<vmem_shared>>
        tpu.enqueue_indirect_dma source(%arg13 : memref<125x64xf32, #tpu.memory_space<vmem>>) target(%dma_start3A_261 : memref<10000x64xf32, #tpu.memory_space<vmem_shared>>) offsets(%dma_start3A_258 : memref<125xi32, #tpu.memory_space<vmem>>) semaphore(%arg25 : memref<!tpu.dma_semaphore, #tpu.memory_space<semaphore_mem>>) {add = true}
        %add3A_262 = arith.constant 3 : i32
        %add3A_263 = arith.addi %mul3A_199, %add3A_262 : i32
        %add3A_264 = arith.constant 2 : i32
        %add3A_265 = arith.addi %add3A_263, %add3A_264 : i32
        %lt3A_266 = arith.constant 80 : i32
        %lt3A_267 = arith.cmpi slt, %add3A_265, %lt3A_266 : i32
        %convert_element_type3A_268 = arith.extui %lt3A_267 : i1 to i32
        %cond3A_269 = arith.constant 0 : i32
        %cond3A_270 = arith.cmpi ne, %convert_element_type3A_268, %cond3A_269 : i32
        scf.if %cond3A_270 {
          %ge3A = arith.constant 4 : i32
          %ge3A_283 = arith.cmpi sge, %add3A_265, %ge3A : i32
          %convert_element_type3A_284 = arith.extui %ge3A_283 : i1 to i32
          %cond3A_285 = arith.constant 0 : i32
          %cond3A_286 = arith.cmpi ne, %convert_element_type3A_284, %cond3A_285 : i32
          scf.if %cond3A_286 {
            %dma_wait3A_293 = arith.constant 0 : i32
            %dma_wait3A_294 = tpu.memref_slice %arg10[%add3A_263, %dma_wait3A_293] : memref<80x125xi32, #tpu.memory_space<vmem>> -> memref<1x125xi32, #tpu.memory_space<vmem>>
            %dma_wait3A_295 = tpu.memref_squeeze %dma_wait3A_294 : memref<1x125xi32, #tpu.memory_space<vmem>> -> memref<125xi32, #tpu.memory_space<vmem>>
            %dma_wait3A_296 = arith.constant 0 : i32
            %dma_wait3A_297 = arith.constant 0 : i32
            %dma_wait3A_298 = tpu.memref_slice %arg17[%dma_wait3A_296, %dma_wait3A_297] : memref<10000x64xf32, #tpu.memory_space<vmem_shared>> -> memref<10000x64xf32, #tpu.memory_space<vmem_shared>>
            tpu.wait_indirect_dma semaphore(%arg24 : memref<!tpu.dma_semaphore, #tpu.memory_space<semaphore_mem>>) src(%arg12 : memref<125x64xf32, #tpu.memory_space<vmem>>) dst(%dma_wait3A_298 : memref<10000x64xf32, #tpu.memory_space<vmem_shared>>)
          } else {
          }
          %dma_start3A_287 = arith.constant 0 : i32
          %dma_start3A_288 = tpu.memref_slice %arg9[%add3A_265, %dma_start3A_287] : memref<80x125xi32, #tpu.memory_space<vmem>> -> memref<1x125xi32, #tpu.memory_space<vmem>>
          %dma_start3A_289 = tpu.memref_squeeze %dma_start3A_288 : memref<1x125xi32, #tpu.memory_space<vmem>> -> memref<125xi32, #tpu.memory_space<vmem>>
          %dma_start3A_290 = arith.constant 0 : i32
          %dma_start3A_291 = arith.constant 0 : i32
          %dma_start3A_292 = tpu.memref_slice %arg5[%dma_start3A_290, %dma_start3A_291] : memref<10000x64xf32, #tpu.memory_space<hbm>> -> memref<10000x64xf32, #tpu.memory_space<hbm>>
          tpu.enqueue_indirect_dma source(%dma_start3A_292 : memref<10000x64xf32, #tpu.memory_space<hbm>>) target(%arg12 : memref<125x64xf32, #tpu.memory_space<vmem>>) offsets(%dma_start3A_289 : memref<125xi32, #tpu.memory_space<vmem>>) semaphore(%arg20 : memref<!tpu.dma_semaphore, #tpu.memory_space<semaphore_mem>>)
        } else {
        }
        %dma_wait3A_271 = arith.constant 0 : i32
        %dma_wait3A_272 = tpu.memref_slice %arg9[%add3A_263, %dma_wait3A_271] : memref<80x125xi32, #tpu.memory_space<vmem>> -> memref<1x125xi32, #tpu.memory_space<vmem>>
        %dma_wait3A_273 = tpu.memref_squeeze %dma_wait3A_272 : memref<1x125xi32, #tpu.memory_space<vmem>> -> memref<125xi32, #tpu.memory_space<vmem>>
        %dma_wait3A_274 = arith.constant 0 : i32
        %dma_wait3A_275 = arith.constant 0 : i32
        %dma_wait3A_276 = tpu.memref_slice %arg5[%dma_wait3A_274, %dma_wait3A_275] : memref<10000x64xf32, #tpu.memory_space<hbm>> -> memref<10000x64xf32, #tpu.memory_space<hbm>>
        tpu.wait_indirect_dma semaphore(%arg22 : memref<!tpu.dma_semaphore, #tpu.memory_space<semaphore_mem>>) src(%dma_wait3A_276 : memref<10000x64xf32, #tpu.memory_space<hbm>>) dst(%arg14 : memref<125x64xf32, #tpu.memory_space<vmem>>)
        %dma_start3A_277 = arith.constant 0 : i32
        %dma_start3A_278 = tpu.memref_slice %arg10[%add3A_263, %dma_start3A_277] : memref<80x125xi32, #tpu.memory_space<vmem>> -> memref<1x125xi32, #tpu.memory_space<vmem>>
        %dma_start3A_279 = tpu.memref_squeeze %dma_start3A_278 : memref<1x125xi32, #tpu.memory_space<vmem>> -> memref<125xi32, #tpu.memory_space<vmem>>
        %dma_start3A_280 = arith.constant 0 : i32
        %dma_start3A_281 = arith.constant 0 : i32
        %dma_start3A_282 = tpu.memref_slice %arg17[%dma_start3A_280, %dma_start3A_281] : memref<10000x64xf32, #tpu.memory_space<vmem_shared>> -> memref<10000x64xf32, #tpu.memory_space<vmem_shared>>
        tpu.enqueue_indirect_dma source(%arg14 : memref<125x64xf32, #tpu.memory_space<vmem>>) target(%dma_start3A_282 : memref<10000x64xf32, #tpu.memory_space<vmem_shared>>) offsets(%dma_start3A_279 : memref<125xi32, #tpu.memory_space<vmem>>) semaphore(%arg26 : memref<!tpu.dma_semaphore, #tpu.memory_space<semaphore_mem>>) {add = true}
      }
      %scan3A_155 = arith.constant 20 : i32
      %dma_wait3A_156 = arith.constant 0 : i32
      %dma_wait3A_157 = arith.constant 0 : i32
      %dma_wait3A_158 = tpu.memref_slice %arg10[%dma_wait3A_156, %dma_wait3A_157] : memref<80x125xi32, #tpu.memory_space<vmem>> -> memref<1x125xi32, #tpu.memory_space<vmem>>
      %dma_wait3A_159 = tpu.memref_squeeze %dma_wait3A_158 : memref<1x125xi32, #tpu.memory_space<vmem>> -> memref<125xi32, #tpu.memory_space<vmem>>
      %dma_wait3A_160 = arith.constant 0 : i32
      %dma_wait3A_161 = arith.constant 0 : i32
      %dma_wait3A_162 = tpu.memref_slice %arg17[%dma_wait3A_160, %dma_wait3A_161] : memref<10000x64xf32, #tpu.memory_space<vmem_shared>> -> memref<10000x64xf32, #tpu.memory_space<vmem_shared>>
      tpu.wait_indirect_dma semaphore(%arg23 : memref<!tpu.dma_semaphore, #tpu.memory_space<semaphore_mem>>) src(%arg11 : memref<125x64xf32, #tpu.memory_space<vmem>>) dst(%dma_wait3A_162 : memref<10000x64xf32, #tpu.memory_space<vmem_shared>>)
      %dma_wait3A_163 = arith.constant 0 : i32
      %dma_wait3A_164 = arith.constant 0 : i32
      %dma_wait3A_165 = tpu.memref_slice %arg10[%dma_wait3A_163, %dma_wait3A_164] : memref<80x125xi32, #tpu.memory_space<vmem>> -> memref<1x125xi32, #tpu.memory_space<vmem>>
      %dma_wait3A_166 = tpu.memref_squeeze %dma_wait3A_165 : memref<1x125xi32, #tpu.memory_space<vmem>> -> memref<125xi32, #tpu.memory_space<vmem>>
      %dma_wait3A_167 = arith.constant 0 : i32
      %dma_wait3A_168 = arith.constant 0 : i32
      %dma_wait3A_169 = tpu.memref_slice %arg17[%dma_wait3A_167, %dma_wait3A_168] : memref<10000x64xf32, #tpu.memory_space<vmem_shared>> -> memref<10000x64xf32, #tpu.memory_space<vmem_shared>>
      tpu.wait_indirect_dma semaphore(%arg24 : memref<!tpu.dma_semaphore, #tpu.memory_space<semaphore_mem>>) src(%arg12 : memref<125x64xf32, #tpu.memory_space<vmem>>) dst(%dma_wait3A_169 : memref<10000x64xf32, #tpu.memory_space<vmem_shared>>)
      %dma_wait3A_170 = arith.constant 0 : i32
      %dma_wait3A_171 = arith.constant 0 : i32
      %dma_wait3A_172 = tpu.memref_slice %arg10[%dma_wait3A_170, %dma_wait3A_171] : memref<80x125xi32, #tpu.memory_space<vmem>> -> memref<1x125xi32, #tpu.memory_space<vmem>>
      %dma_wait3A_173 = tpu.memref_squeeze %dma_wait3A_172 : memref<1x125xi32, #tpu.memory_space<vmem>> -> memref<125xi32, #tpu.memory_space<vmem>>
      %dma_wait3A_174 = arith.constant 0 : i32
      %dma_wait3A_175 = arith.constant 0 : i32
      %dma_wait3A_176 = tpu.memref_slice %arg17[%dma_wait3A_174, %dma_wait3A_175] : memref<10000x64xf32, #tpu.memory_space<vmem_shared>> -> memref<10000x64xf32, #tpu.memory_space<vmem_shared>>
      tpu.wait_indirect_dma semaphore(%arg25 : memref<!tpu.dma_semaphore, #tpu.memory_space<semaphore_mem>>) src(%arg13 : memref<125x64xf32, #tpu.memory_space<vmem>>) dst(%dma_wait3A_176 : memref<10000x64xf32, #tpu.memory_space<vmem_shared>>)
      %dma_wait3A_177 = arith.constant 0 : i32
      %dma_wait3A_178 = arith.constant 0 : i32
      %dma_wait3A_179 = tpu.memref_slice %arg10[%dma_wait3A_177, %dma_wait3A_178] : memref<80x125xi32, #tpu.memory_space<vmem>> -> memref<1x125xi32, #tpu.memory_space<vmem>>
      %dma_wait3A_180 = tpu.memref_squeeze %dma_wait3A_179 : memref<1x125xi32, #tpu.memory_space<vmem>> -> memref<125xi32, #tpu.memory_space<vmem>>
      %dma_wait3A_181 = arith.constant 0 : i32
      %dma_wait3A_182 = arith.constant 0 : i32
      %dma_wait3A_183 = tpu.memref_slice %arg17[%dma_wait3A_181, %dma_wait3A_182] : memref<10000x64xf32, #tpu.memory_space<vmem_shared>> -> memref<10000x64xf32, #tpu.memory_space<vmem_shared>>
      tpu.wait_indirect_dma semaphore(%arg26 : memref<!tpu.dma_semaphore, #tpu.memory_space<semaphore_mem>>) src(%arg14 : memref<125x64xf32, #tpu.memory_space<vmem>>) dst(%dma_wait3A_183 : memref<10000x64xf32, #tpu.memory_space<vmem_shared>>)
      %barrier3A_184 = arith.constant 0 : index
      tpu.barrier barrier_id(%barrier3A_184)
      %mul3A_185 = arith.constant 624 : i32
      %mul3A_186 = arith.muli %arg1, %mul3A_185 : i32
      %mul3A_187 = arith.constant 624 : i32
      %mul3A_188 = arith.muli %arg1, %mul3A_187 : i32
      %add3A_189 = arith.constant 30000 : i32
      %add3A_190 = arith.addi %add3A_189, %mul3A_188 : i32
      "tpu.region"() ({
        %run_scoped3A_197 = tpu.sem_alloc : memref<!tpu.dma_semaphore, #tpu.memory_space<semaphore_mem>>
        %dma_start3A_198 = arith.constant 0 : i32
        %dma_start3A_199 = tpu.memref_slice %arg7[%add3A_190, %dma_start3A_198] : memref<40000x64xf32, #tpu.memory_space<hbm>> -> memref<624x64xf32, #tpu.memory_space<hbm>>
        %dma_start3A_200 = arith.constant 0 : i32
        %dma_start3A_201 = tpu.memref_slice %arg17[%mul3A_186, %dma_start3A_200] : memref<10000x64xf32, #tpu.memory_space<vmem_shared>> -> memref<624x64xf32, #tpu.memory_space<vmem_shared>>
        tpu.enqueue_dma source(%dma_start3A_201 : memref<624x64xf32, #tpu.memory_space<vmem_shared>>) target(%dma_start3A_199 : memref<624x64xf32, #tpu.memory_space<hbm>>) target_semaphore(%run_scoped3A_197 : memref<!tpu.dma_semaphore, #tpu.memory_space<semaphore_mem>>)
        %dma_wait3A_202 = arith.constant 0 : i32
        %dma_wait3A_203 = tpu.memref_slice %arg7[%add3A_190, %dma_wait3A_202] : memref<40000x64xf32, #tpu.memory_space<hbm>> -> memref<624x64xf32, #tpu.memory_space<hbm>>
        %dma_wait3A_204 = arith.constant 0 : i32
        %dma_wait3A_205 = tpu.memref_slice %arg17[%mul3A_186, %dma_wait3A_204] : memref<10000x64xf32, #tpu.memory_space<vmem_shared>> -> memref<624x64xf32, #tpu.memory_space<vmem_shared>>
        tpu.wait_dma2 semaphore(%run_scoped3A_197 : memref<!tpu.dma_semaphore, #tpu.memory_space<semaphore_mem>>) src(%dma_wait3A_205 : memref<624x64xf32, #tpu.memory_space<vmem_shared>>) dst(%dma_wait3A_203 : memref<624x64xf32, #tpu.memory_space<hbm>>)
        tpu.yield
      }) : () -> ()
      %eq3A_191 = arith.constant 0 : i32
      %eq3A_192 = arith.cmpi eq, %arg1, %eq3A_191 : i32
      %convert_element_type3A_193 = arith.extui %eq3A_192 : i1 to i32
      %cond3A_194 = arith.constant 0 : i32
      %cond3A_195 = arith.cmpi ne, %convert_element_type3A_193, %cond3A_194 : i32
      scf.if %cond3A_195 {
        "tpu.region"() ({
          %run_scoped3A_197 = tpu.sem_alloc : memref<!tpu.dma_semaphore, #tpu.memory_space<semaphore_mem>>
          %dma_start3A_198 = arith.constant 39984 : i32
          %dma_start3A_199 = arith.constant 0 : i32
          %dma_start3A_200 = tpu.memref_slice %arg7[%dma_start3A_198, %dma_start3A_199] : memref<40000x64xf32, #tpu.memory_space<hbm>> -> memref<16x64xf32, #tpu.memory_space<hbm>>
          %dma_start3A_201 = arith.constant 9984 : i32
          %dma_start3A_202 = arith.constant 0 : i32
          %dma_start3A_203 = tpu.memref_slice %arg17[%dma_start3A_201, %dma_start3A_202] : memref<10000x64xf32, #tpu.memory_space<vmem_shared>> -> memref<16x64xf32, #tpu.memory_space<vmem_shared>>
          tpu.enqueue_dma source(%dma_start3A_203 : memref<16x64xf32, #tpu.memory_space<vmem_shared>>) target(%dma_start3A_200 : memref<16x64xf32, #tpu.memory_space<hbm>>) target_semaphore(%run_scoped3A_197 : memref<!tpu.dma_semaphore, #tpu.memory_space<semaphore_mem>>)
          %dma_wait3A_204 = arith.constant 39984 : i32
          %dma_wait3A_205 = arith.constant 0 : i32
          %dma_wait3A_206 = tpu.memref_slice %arg7[%dma_wait3A_204, %dma_wait3A_205] : memref<40000x64xf32, #tpu.memory_space<hbm>> -> memref<16x64xf32, #tpu.memory_space<hbm>>
          %dma_wait3A_207 = arith.constant 9984 : i32
          %dma_wait3A_208 = arith.constant 0 : i32
          %dma_wait3A_209 = tpu.memref_slice %arg17[%dma_wait3A_207, %dma_wait3A_208] : memref<10000x64xf32, #tpu.memory_space<vmem_shared>> -> memref<16x64xf32, #tpu.memory_space<vmem_shared>>
          tpu.wait_dma2 semaphore(%run_scoped3A_197 : memref<!tpu.dma_semaphore, #tpu.memory_space<semaphore_mem>>) src(%dma_wait3A_209 : memref<16x64xf32, #tpu.memory_space<vmem_shared>>) dst(%dma_wait3A_206 : memref<16x64xf32, #tpu.memory_space<hbm>>)
          tpu.yield
        }) : () -> ()
      } else {
      }
      %barrier3A_196 = arith.constant 0 : index
      tpu.barrier barrier_id(%barrier3A_196)
    } else {
    }
    %eq3A_23 = arith.constant 0 : i32
    %eq3A_24 = arith.cmpi eq, %arg0, %eq3A_23 : i32
    %convert_element_type3A_25 = arith.extui %eq3A_24 : i1 to i32
    %cond3A_26 = arith.constant 0 : i32
    %cond3A_27 = arith.cmpi ne, %convert_element_type3A_25, %cond3A_26 : i32
    scf.if %cond3A_27 {
      %mul3A_36 = arith.constant 624 : i32
      %mul3A_37 = arith.muli %arg1, %mul3A_36 : i32
      %mul3A_38 = arith.constant 624 : i32
      %mul3A_39 = arith.muli %arg1, %mul3A_38 : i32
      "tpu.region"() ({
        %run_scoped3A_40 = tpu.sem_alloc : memref<!tpu.dma_semaphore, #tpu.memory_space<semaphore_mem>>
        %dma_start3A = arith.constant 0 : i32
        %dma_start3A_41 = tpu.memref_slice %arg8[%mul3A_39, %dma_start3A] : memref<10000x16xf32, #tpu.memory_space<hbm>> -> memref<624x16xf32, #tpu.memory_space<hbm>>
        %dma_start3A_42 = arith.constant 0 : i32
        %dma_start3A_43 = tpu.memref_slice %arg18[%mul3A_37, %dma_start3A_42] : memref<10000x16xf32, #tpu.memory_space<vmem_shared>> -> memref<624x16xf32, #tpu.memory_space<vmem_shared>>
        tpu.enqueue_dma source(%dma_start3A_43 : memref<624x16xf32, #tpu.memory_space<vmem_shared>>) target(%dma_start3A_41 : memref<624x16xf32, #tpu.memory_space<hbm>>) target_semaphore(%run_scoped3A_40 : memref<!tpu.dma_semaphore, #tpu.memory_space<semaphore_mem>>)
        %dma_wait3A = arith.constant 0 : i32
        %dma_wait3A_44 = tpu.memref_slice %arg8[%mul3A_39, %dma_wait3A] : memref<10000x16xf32, #tpu.memory_space<hbm>> -> memref<624x16xf32, #tpu.memory_space<hbm>>
        %dma_wait3A_45 = arith.constant 0 : i32
        %dma_wait3A_46 = tpu.memref_slice %arg18[%mul3A_37, %dma_wait3A_45] : memref<10000x16xf32, #tpu.memory_space<vmem_shared>> -> memref<624x16xf32, #tpu.memory_space<vmem_shared>>
        tpu.wait_dma2 semaphore(%run_scoped3A_40 : memref<!tpu.dma_semaphore, #tpu.memory_space<semaphore_mem>>) src(%dma_wait3A_46 : memref<624x16xf32, #tpu.memory_space<vmem_shared>>) dst(%dma_wait3A_44 : memref<624x16xf32, #tpu.memory_space<hbm>>)
        tpu.yield
      }) : () -> ()
    } else {
    }
    %eq3A_28 = arith.constant 0 : i32
    %eq3A_29 = arith.cmpi eq, %arg0, %eq3A_28 : i32
    %eq3A_30 = arith.constant 0 : i32
    %eq3A_31 = arith.cmpi eq, %arg1, %eq3A_30 : i32
    %and3A_32 = arith.andi %eq3A_29, %eq3A_31 : i1
    %convert_element_type3A_33 = arith.extui %and3A_32 : i1 to i32
    %cond3A_34 = arith.constant 0 : i32
    %cond3A_35 = arith.cmpi ne, %convert_element_type3A_33, %cond3A_34 : i32
    scf.if %cond3A_35 {
      "tpu.region"() ({
        %run_scoped3A_36 = tpu.sem_alloc : memref<!tpu.dma_semaphore, #tpu.memory_space<semaphore_mem>>
        %dma_start3A = arith.constant 9984 : i32
        %dma_start3A_37 = arith.constant 0 : i32
        %dma_start3A_38 = tpu.memref_slice %arg8[%dma_start3A, %dma_start3A_37] : memref<10000x16xf32, #tpu.memory_space<hbm>> -> memref<16x16xf32, #tpu.memory_space<hbm>>
        %dma_start3A_39 = arith.constant 9984 : i32
        %dma_start3A_40 = arith.constant 0 : i32
        %dma_start3A_41 = tpu.memref_slice %arg18[%dma_start3A_39, %dma_start3A_40] : memref<10000x16xf32, #tpu.memory_space<vmem_shared>> -> memref<16x16xf32, #tpu.memory_space<vmem_shared>>
        tpu.enqueue_dma source(%dma_start3A_41 : memref<16x16xf32, #tpu.memory_space<vmem_shared>>) target(%dma_start3A_38 : memref<16x16xf32, #tpu.memory_space<hbm>>) target_semaphore(%run_scoped3A_36 : memref<!tpu.dma_semaphore, #tpu.memory_space<semaphore_mem>>)
        %dma_wait3A = arith.constant 9984 : i32
        %dma_wait3A_42 = arith.constant 0 : i32
        %dma_wait3A_43 = tpu.memref_slice %arg8[%dma_wait3A, %dma_wait3A_42] : memref<10000x16xf32, #tpu.memory_space<hbm>> -> memref<16x16xf32, #tpu.memory_space<hbm>>
        %dma_wait3A_44 = arith.constant 9984 : i32
        %dma_wait3A_45 = arith.constant 0 : i32
        %dma_wait3A_46 = tpu.memref_slice %arg18[%dma_wait3A_44, %dma_wait3A_45] : memref<10000x16xf32, #tpu.memory_space<vmem_shared>> -> memref<16x16xf32, #tpu.memory_space<vmem_shared>>
        tpu.wait_dma2 semaphore(%run_scoped3A_36 : memref<!tpu.dma_semaphore, #tpu.memory_space<semaphore_mem>>) src(%dma_wait3A_46 : memref<16x16xf32, #tpu.memory_space<vmem_shared>>) dst(%dma_wait3A_43 : memref<16x16xf32, #tpu.memory_space<hbm>>)
        tpu.yield
      }) : () -> ()
    } else {
    }
    return
  }
}

#map = affine_map<(d0, d1) -> (0, 0)>
#map1 = affine_map<(d0, d1) -> (0, 0, 0)>
module attributes {stable_mosaic.version = 14 : i64} {
  func.func @_sc_l2(%arg0: i32, %arg1: i32, %arg2: memref<10000x64xf32, #tpu.memory_space<hbm>>, %arg3: memref<2x1280x125xi32, #tpu.memory_space<hbm>>, %arg4: memref<20000x64xf32, #tpu.memory_space<hbm>>, %arg5: memref<40x125xi32, #tpu.memory_space<vmem>>, %arg6: memref<40x125xi32, #tpu.memory_space<vmem>>, %arg7: memref<125x64xf32, #tpu.memory_space<vmem>>, %arg8: memref<125x64xf32, #tpu.memory_space<vmem>>, %arg9: memref<125x64xf32, #tpu.memory_space<vmem>>, %arg10: memref<125x64xf32, #tpu.memory_space<vmem>>, %arg11: memref<10000x64xf32, #tpu.memory_space<vmem_shared>>, %arg12: memref<!tpu.dma_semaphore, #tpu.memory_space<semaphore_mem>>, %arg13: memref<!tpu.dma_semaphore, #tpu.memory_space<semaphore_mem>>, %arg14: memref<!tpu.dma_semaphore, #tpu.memory_space<semaphore_mem>>, %arg15: memref<!tpu.dma_semaphore, #tpu.memory_space<semaphore_mem>>, %arg16: memref<!tpu.dma_semaphore, #tpu.memory_space<semaphore_mem>>, %arg17: memref<!tpu.dma_semaphore, #tpu.memory_space<semaphore_mem>>, %arg18: memref<!tpu.dma_semaphore, #tpu.memory_space<semaphore_mem>>, %arg19: memref<!tpu.dma_semaphore, #tpu.memory_space<semaphore_mem>>) attributes {dimension_semantics = [#tpu.dimension_semantics<core_parallel>, #tpu.dimension_semantics<subcore_parallel>], iteration_bounds = array<i64: 2, 16>, scalar_prefetch = 0 : i64, scratch_operands = 15 : i64, tpu.core_type = #tpu.core_type<sc_vector_subcore>, window_params = [{transform_indices = #map}, {transform_indices = #map1}, {transform_indices = #map}]} {
    %mul3A = arith.constant 2 : i32
    %mul3A_0 = arith.muli %arg1, %mul3A : i32
    %add3A = arith.addi %mul3A_0, %arg0 : i32
    %scan3A = arith.constant 0 : i32
    %scan3A_1 = arith.constant 0 : i32
    %scan3A_2 = arith.constant 125 : i32
    %scan3A_3 = arith.addi %scan3A_1, %scan3A_2 : i32
    %scan3A_4 = arith.constant 1 : i32
    scf.for %scan3A_82 = %scan3A_1 to %scan3A_3 step %scan3A_4  : i32 {
      %scan3A_83 = arith.constant 0 : i32
      %scan3A_84 = arith.constant 0 : i32
      %scan3A_85 = arith.constant 4 : i32
      %scan3A_86 = arith.addi %scan3A_84, %scan3A_85 : i32
      %scan3A_87 = arith.constant 1 : i32
      scf.for %scan3A_89 = %scan3A_84 to %scan3A_86 step %scan3A_87  : i32 {
        %broadcast_in_dim3A = arith.constant 0.000000e+00 : f32
        %broadcast_in_dim3A_90 = vector.broadcast %broadcast_in_dim3A : f32 to vector<16xf32>
        %mul3A_91 = arith.constant 16 : i32
        %mul3A_92 = arith.muli %scan3A_89, %mul3A_91 : i32
        %swap3A = arith.index_cast %scan3A_82 : i32 to index
        %swap3A_93 = arith.index_cast %mul3A_92 : i32 to index
        %swap3A_94 = tpu.vector_load %arg7[%swap3A, %swap3A_93] {strides = array<i32>} : memref<125x64xf32, #tpu.memory_space<vmem>>, vector<1x16xf32>,
        %swap3A_95 = vector.shape_cast %swap3A_94 : vector<1x16xf32> to vector<16xf32>
        %swap3A_96 = vector.shape_cast %broadcast_in_dim3A_90 : vector<16xf32> to vector<1x16xf32>
        tpu.vector_store %arg7[%swap3A, %swap3A_93], %swap3A_96 {strides = array<i32>} : memref<125x64xf32, #tpu.memory_space<vmem>>, vector<1x16xf32>,
      }
      %scan3A_88 = arith.constant 4 : i32
    }
    %scan3A_5 = arith.constant 125 : i32
    %mul3A_6 = arith.constant 624 : i32
    %mul3A_7 = arith.muli %arg1, %mul3A_6 : i32
    %scan3A_8 = arith.constant 0 : i32
    %scan3A_9 = arith.constant 0 : i32
    %scan3A_10 = arith.constant 4 : i32
    %scan3A_11 = arith.addi %scan3A_9, %scan3A_10 : i32
    %scan3A_12 = arith.constant 1 : i32
    scf.for %scan3A_82 = %scan3A_9 to %scan3A_11 step %scan3A_12  : i32 {
      %mul3A_83 = arith.constant 125 : i32
      %mul3A_84 = arith.muli %scan3A_82, %mul3A_83 : i32
      %add3A_85 = arith.addi %mul3A_7, %mul3A_84 : i32
      "tpu.region"() ({
        %run_scoped3A_86 = tpu.sem_alloc : memref<!tpu.dma_semaphore, #tpu.memory_space<semaphore_mem>>
        %dma_start3A_87 = arith.constant 0 : i32
        %dma_start3A_88 = tpu.memref_slice %arg11[%add3A_85, %dma_start3A_87] : memref<10000x64xf32, #tpu.memory_space<vmem_shared>> -> memref<125x64xf32, #tpu.memory_space<vmem_shared>>
        %dma_start3A_89 = arith.constant 0 : i32
        %dma_start3A_90 = tpu.memref_slice %arg11[%add3A_85, %dma_start3A_89] : memref<10000x64xf32, #tpu.memory_space<vmem_shared>> -> memref<125x64xf32, #tpu.memory_space<vmem_shared>>
        tpu.enqueue_dma source(%arg7 : memref<125x64xf32, #tpu.memory_space<vmem>>) target(%dma_start3A_90 : memref<125x64xf32, #tpu.memory_space<vmem_shared>>) target_semaphore(%run_scoped3A_86 : memref<!tpu.dma_semaphore, #tpu.memory_space<semaphore_mem>>)
        %dma_wait3A_91 = arith.constant 0 : i32
        %dma_wait3A_92 = tpu.memref_slice %arg11[%add3A_85, %dma_wait3A_91] : memref<10000x64xf32, #tpu.memory_space<vmem_shared>> -> memref<125x64xf32, #tpu.memory_space<vmem_shared>>
        %dma_wait3A_93 = arith.constant 0 : i32
        %dma_wait3A_94 = tpu.memref_slice %arg11[%add3A_85, %dma_wait3A_93] : memref<10000x64xf32, #tpu.memory_space<vmem_shared>> -> memref<125x64xf32, #tpu.memory_space<vmem_shared>>
        tpu.wait_dma2 semaphore(%run_scoped3A_86 : memref<!tpu.dma_semaphore, #tpu.memory_space<semaphore_mem>>) src(%arg7 : memref<125x64xf32, #tpu.memory_space<vmem>>) dst(%dma_wait3A_94 : memref<125x64xf32, #tpu.memory_space<vmem_shared>>)
        tpu.yield
      }) : () -> ()
    }
    %scan3A_13 = arith.constant 4 : i32
    %add3A_14 = arith.constant 500 : i32
    %add3A_15 = arith.addi %mul3A_7, %add3A_14 : i32
    "tpu.region"() ({
      %run_scoped3A_82 = tpu.sem_alloc : memref<!tpu.dma_semaphore, #tpu.memory_space<semaphore_mem>>
      %dma_start3A_83 = arith.constant 0 : i32
      %dma_start3A_84 = arith.constant 0 : i32
      %dma_start3A_85 = tpu.memref_slice %arg7[%dma_start3A_83, %dma_start3A_84] : memref<125x64xf32, #tpu.memory_space<vmem>> -> memref<124x64xf32, #tpu.memory_space<vmem>>
      %dma_start3A_86 = arith.constant 0 : i32
      %dma_start3A_87 = tpu.memref_slice %arg11[%add3A_15, %dma_start3A_86] : memref<10000x64xf32, #tpu.memory_space<vmem_shared>> -> memref<124x64xf32, #tpu.memory_space<vmem_shared>>
      %dma_start3A_88 = arith.constant 0 : i32
      %dma_start3A_89 = tpu.memref_slice %arg11[%add3A_15, %dma_start3A_88] : memref<10000x64xf32, #tpu.memory_space<vmem_shared>> -> memref<124x64xf32, #tpu.memory_space<vmem_shared>>
      %dma_start3A_90 = arith.constant 0 : i32
      %dma_start3A_91 = arith.constant 0 : i32
      %dma_start3A_92 = tpu.memref_slice %arg7[%dma_start3A_90, %dma_start3A_91] : memref<125x64xf32, #tpu.memory_space<vmem>> -> memref<124x64xf32, #tpu.memory_space<vmem>>
      tpu.enqueue_dma source(%dma_start3A_92 : memref<124x64xf32, #tpu.memory_space<vmem>>) target(%dma_start3A_89 : memref<124x64xf32, #tpu.memory_space<vmem_shared>>) target_semaphore(%run_scoped3A_82 : memref<!tpu.dma_semaphore, #tpu.memory_space<semaphore_mem>>)
      %dma_wait3A_93 = arith.constant 0 : i32
      %dma_wait3A_94 = arith.constant 0 : i32
      %dma_wait3A_95 = tpu.memref_slice %arg7[%dma_wait3A_93, %dma_wait3A_94] : memref<125x64xf32, #tpu.memory_space<vmem>> -> memref<124x64xf32, #tpu.memory_space<vmem>>
      %dma_wait3A_96 = arith.constant 0 : i32
      %dma_wait3A_97 = tpu.memref_slice %arg11[%add3A_15, %dma_wait3A_96] : memref<10000x64xf32, #tpu.memory_space<vmem_shared>> -> memref<124x64xf32, #tpu.memory_space<vmem_shared>>
      %dma_wait3A_98 = arith.constant 0 : i32
      %dma_wait3A_99 = tpu.memref_slice %arg11[%add3A_15, %dma_wait3A_98] : memref<10000x64xf32, #tpu.memory_space<vmem_shared>> -> memref<124x64xf32, #tpu.memory_space<vmem_shared>>
      %dma_wait3A_100 = arith.constant 0 : i32
      %dma_wait3A_101 = arith.constant 0 : i32
      %dma_wait3A_102 = tpu.memref_slice %arg7[%dma_wait3A_100, %dma_wait3A_101] : memref<125x64xf32, #tpu.memory_space<vmem>> -> memref<124x64xf32, #tpu.memory_space<vmem>>
      tpu.wait_dma2 semaphore(%run_scoped3A_82 : memref<!tpu.dma_semaphore, #tpu.memory_space<semaphore_mem>>) src(%dma_wait3A_102 : memref<124x64xf32, #tpu.memory_space<vmem>>) dst(%dma_wait3A_99 : memref<124x64xf32, #tpu.memory_space<vmem_shared>>)
      tpu.yield
    }) : () -> ()
    %eq3A = arith.constant 0 : i32
    %eq3A_16 = arith.cmpi eq, %arg1, %eq3A : i32
    %convert_element_type3A = arith.extui %eq3A_16 : i1 to i32
    %cond3A = arith.constant 0 : i32
    %cond3A_17 = arith.cmpi ne, %convert_element_type3A, %cond3A : i32
    scf.if %cond3A_17 {
      "tpu.region"() ({
        %run_scoped3A_82 = tpu.sem_alloc : memref<!tpu.dma_semaphore, #tpu.memory_space<semaphore_mem>>
        %dma_start3A_83 = arith.constant 0 : i32
        %dma_start3A_84 = arith.constant 0 : i32
        %dma_start3A_85 = tpu.memref_slice %arg7[%dma_start3A_83, %dma_start3A_84] : memref<125x64xf32, #tpu.memory_space<vmem>> -> memref<16x64xf32, #tpu.memory_space<vmem>>
        %dma_start3A_86 = arith.constant 9984 : i32
        %dma_start3A_87 = arith.constant 0 : i32
        %dma_start3A_88 = tpu.memref_slice %arg11[%dma_start3A_86, %dma_start3A_87] : memref<10000x64xf32, #tpu.memory_space<vmem_shared>> -> memref<16x64xf32, #tpu.memory_space<vmem_shared>>
        %dma_start3A_89 = arith.constant 9984 : i32
        %dma_start3A_90 = arith.constant 0 : i32
        %dma_start3A_91 = tpu.memref_slice %arg11[%dma_start3A_89, %dma_start3A_90] : memref<10000x64xf32, #tpu.memory_space<vmem_shared>> -> memref<16x64xf32, #tpu.memory_space<vmem_shared>>
        %dma_start3A_92 = arith.constant 0 : i32
        %dma_start3A_93 = arith.constant 0 : i32
        %dma_start3A_94 = tpu.memref_slice %arg7[%dma_start3A_92, %dma_start3A_93] : memref<125x64xf32, #tpu.memory_space<vmem>> -> memref<16x64xf32, #tpu.memory_space<vmem>>
        tpu.enqueue_dma source(%dma_start3A_94 : memref<16x64xf32, #tpu.memory_space<vmem>>) target(%dma_start3A_91 : memref<16x64xf32, #tpu.memory_space<vmem_shared>>) target_semaphore(%run_scoped3A_82 : memref<!tpu.dma_semaphore, #tpu.memory_space<semaphore_mem>>)
        %dma_wait3A_95 = arith.constant 0 : i32
        %dma_wait3A_96 = arith.constant 0 : i32
        %dma_wait3A_97 = tpu.memref_slice %arg7[%dma_wait3A_95, %dma_wait3A_96] : memref<125x64xf32, #tpu.memory_space<vmem>> -> memref<16x64xf32, #tpu.memory_space<vmem>>
        %dma_wait3A_98 = arith.constant 9984 : i32
        %dma_wait3A_99 = arith.constant 0 : i32
        %dma_wait3A_100 = tpu.memref_slice %arg11[%dma_wait3A_98, %dma_wait3A_99] : memref<10000x64xf32, #tpu.memory_space<vmem_shared>> -> memref<16x64xf32, #tpu.memory_space<vmem_shared>>
        %dma_wait3A_101 = arith.constant 9984 : i32
        %dma_wait3A_102 = arith.constant 0 : i32
        %dma_wait3A_103 = tpu.memref_slice %arg11[%dma_wait3A_101, %dma_wait3A_102] : memref<10000x64xf32, #tpu.memory_space<vmem_shared>> -> memref<16x64xf32, #tpu.memory_space<vmem_shared>>
        %dma_wait3A_104 = arith.constant 0 : i32
        %dma_wait3A_105 = arith.constant 0 : i32
        %dma_wait3A_106 = tpu.memref_slice %arg7[%dma_wait3A_104, %dma_wait3A_105] : memref<125x64xf32, #tpu.memory_space<vmem>> -> memref<16x64xf32, #tpu.memory_space<vmem>>
        tpu.wait_dma2 semaphore(%run_scoped3A_82 : memref<!tpu.dma_semaphore, #tpu.memory_space<semaphore_mem>>) src(%dma_wait3A_106 : memref<16x64xf32, #tpu.memory_space<vmem>>) dst(%dma_wait3A_103 : memref<16x64xf32, #tpu.memory_space<vmem_shared>>)
        tpu.yield
      }) : () -> ()
    } else {
    }
    %mul3A_18 = arith.constant 40 : i32
    %mul3A_19 = arith.muli %add3A, %mul3A_18 : i32
    %run_scoped3A = arith.constant 0 : i32
    "tpu.region"() ({
      %run_scoped3A_82 = tpu.sem_alloc : memref<!tpu.dma_semaphore, #tpu.memory_space<semaphore_mem>>
      %dma_start3A_83 = arith.constant 0 : i32
      %dma_start3A_84 = tpu.memref_slice %arg3[%run_scoped3A, %mul3A_19, %dma_start3A_83] : memref<2x1280x125xi32, #tpu.memory_space<hbm>> -> memref<1x40x125xi32, #tpu.memory_space<hbm>>
      %dma_start3A_85 = tpu.memref_squeeze %dma_start3A_84 : memref<1x40x125xi32, #tpu.memory_space<hbm>> -> memref<40x125xi32, #tpu.memory_space<hbm>>
      %dma_start3A_86 = arith.constant 0 : i32
      %dma_start3A_87 = tpu.memref_slice %arg3[%run_scoped3A, %mul3A_19, %dma_start3A_86] : memref<2x1280x125xi32, #tpu.memory_space<hbm>> -> memref<1x40x125xi32, #tpu.memory_space<hbm>>
      %dma_start3A_88 = tpu.memref_squeeze %dma_start3A_87 : memref<1x40x125xi32, #tpu.memory_space<hbm>> -> memref<40x125xi32, #tpu.memory_space<hbm>>
      tpu.enqueue_dma source(%dma_start3A_88 : memref<40x125xi32, #tpu.memory_space<hbm>>) target(%arg5 : memref<40x125xi32, #tpu.memory_space<vmem>>) target_semaphore(%run_scoped3A_82 : memref<!tpu.dma_semaphore, #tpu.memory_space<semaphore_mem>>)
      %dma_wait3A_89 = arith.constant 0 : i32
      %dma_wait3A_90 = tpu.memref_slice %arg3[%run_scoped3A, %mul3A_19, %dma_wait3A_89] : memref<2x1280x125xi32, #tpu.memory_space<hbm>> -> memref<1x40x125xi32, #tpu.memory_space<hbm>>
      %dma_wait3A_91 = tpu.memref_squeeze %dma_wait3A_90 : memref<1x40x125xi32, #tpu.memory_space<hbm>> -> memref<40x125xi32, #tpu.memory_space<hbm>>
      %dma_wait3A_92 = arith.constant 0 : i32
      %dma_wait3A_93 = tpu.memref_slice %arg3[%run_scoped3A, %mul3A_19, %dma_wait3A_92] : memref<2x1280x125xi32, #tpu.memory_space<hbm>> -> memref<1x40x125xi32, #tpu.memory_space<hbm>>
      %dma_wait3A_94 = tpu.memref_squeeze %dma_wait3A_93 : memref<1x40x125xi32, #tpu.memory_space<hbm>> -> memref<40x125xi32, #tpu.memory_space<hbm>>
      tpu.wait_dma2 semaphore(%run_scoped3A_82 : memref<!tpu.dma_semaphore, #tpu.memory_space<semaphore_mem>>) src(%dma_wait3A_94 : memref<40x125xi32, #tpu.memory_space<hbm>>) dst(%arg5 : memref<40x125xi32, #tpu.memory_space<vmem>>)
      tpu.yield
    }) : () -> ()
    %mul3A_20 = arith.constant 40 : i32
    %mul3A_21 = arith.muli %add3A, %mul3A_20 : i32
    %run_scoped3A_22 = arith.constant 1 : i32
    "tpu.region"() ({
      %run_scoped3A_82 = tpu.sem_alloc : memref<!tpu.dma_semaphore, #tpu.memory_space<semaphore_mem>>
      %dma_start3A_83 = arith.constant 0 : i32
      %dma_start3A_84 = tpu.memref_slice %arg3[%run_scoped3A_22, %mul3A_21, %dma_start3A_83] : memref<2x1280x125xi32, #tpu.memory_space<hbm>> -> memref<1x40x125xi32, #tpu.memory_space<hbm>>
      %dma_start3A_85 = tpu.memref_squeeze %dma_start3A_84 : memref<1x40x125xi32, #tpu.memory_space<hbm>> -> memref<40x125xi32, #tpu.memory_space<hbm>>
      %dma_start3A_86 = arith.constant 0 : i32
      %dma_start3A_87 = tpu.memref_slice %arg3[%run_scoped3A_22, %mul3A_21, %dma_start3A_86] : memref<2x1280x125xi32, #tpu.memory_space<hbm>> -> memref<1x40x125xi32, #tpu.memory_space<hbm>>
      %dma_start3A_88 = tpu.memref_squeeze %dma_start3A_87 : memref<1x40x125xi32, #tpu.memory_space<hbm>> -> memref<40x125xi32, #tpu.memory_space<hbm>>
      tpu.enqueue_dma source(%dma_start3A_88 : memref<40x125xi32, #tpu.memory_space<hbm>>) target(%arg6 : memref<40x125xi32, #tpu.memory_space<vmem>>) target_semaphore(%run_scoped3A_82 : memref<!tpu.dma_semaphore, #tpu.memory_space<semaphore_mem>>)
      %dma_wait3A_89 = arith.constant 0 : i32
      %dma_wait3A_90 = tpu.memref_slice %arg3[%run_scoped3A_22, %mul3A_21, %dma_wait3A_89] : memref<2x1280x125xi32, #tpu.memory_space<hbm>> -> memref<1x40x125xi32, #tpu.memory_space<hbm>>
      %dma_wait3A_91 = tpu.memref_squeeze %dma_wait3A_90 : memref<1x40x125xi32, #tpu.memory_space<hbm>> -> memref<40x125xi32, #tpu.memory_space<hbm>>
      %dma_wait3A_92 = arith.constant 0 : i32
      %dma_wait3A_93 = tpu.memref_slice %arg3[%run_scoped3A_22, %mul3A_21, %dma_wait3A_92] : memref<2x1280x125xi32, #tpu.memory_space<hbm>> -> memref<1x40x125xi32, #tpu.memory_space<hbm>>
      %dma_wait3A_94 = tpu.memref_squeeze %dma_wait3A_93 : memref<1x40x125xi32, #tpu.memory_space<hbm>> -> memref<40x125xi32, #tpu.memory_space<hbm>>
      tpu.wait_dma2 semaphore(%run_scoped3A_82 : memref<!tpu.dma_semaphore, #tpu.memory_space<semaphore_mem>>) src(%dma_wait3A_94 : memref<40x125xi32, #tpu.memory_space<hbm>>) dst(%arg6 : memref<40x125xi32, #tpu.memory_space<vmem>>)
      tpu.yield
    }) : () -> ()
    %barrier3A = arith.constant 0 : index
    tpu.barrier barrier_id(%barrier3A)
    %dma_start3A = arith.constant 0 : i32
    %dma_start3A_23 = arith.constant 0 : i32
    %dma_start3A_24 = tpu.memref_slice %arg5[%dma_start3A, %dma_start3A_23] : memref<40x125xi32, #tpu.memory_space<vmem>> -> memref<1x125xi32, #tpu.memory_space<vmem>>
    %dma_start3A_25 = tpu.memref_squeeze %dma_start3A_24 : memref<1x125xi32, #tpu.memory_space<vmem>> -> memref<125xi32, #tpu.memory_space<vmem>>
    %dma_start3A_26 = arith.constant 0 : i32
    %dma_start3A_27 = arith.constant 0 : i32
    %dma_start3A_28 = tpu.memref_slice %arg2[%dma_start3A_26, %dma_start3A_27] : memref<10000x64xf32, #tpu.memory_space<hbm>> -> memref<10000x64xf32, #tpu.memory_space<hbm>>
    tpu.enqueue_indirect_dma source(%dma_start3A_28 : memref<10000x64xf32, #tpu.memory_space<hbm>>) target(%arg7 : memref<125x64xf32, #tpu.memory_space<vmem>>) offsets(%dma_start3A_25 : memref<125xi32, #tpu.memory_space<vmem>>) semaphore(%arg12 : memref<!tpu.dma_semaphore, #tpu.memory_space<semaphore_mem>>)
    %dma_start3A_29 = arith.constant 1 : i32
    %dma_start3A_30 = arith.constant 0 : i32
    %dma_start3A_31 = tpu.memref_slice %arg5[%dma_start3A_29, %dma_start3A_30] : memref<40x125xi32, #tpu.memory_space<vmem>> -> memref<1x125xi32, #tpu.memory_space<vmem>>
    %dma_start3A_32 = tpu.memref_squeeze %dma_start3A_31 : memref<1x125xi32, #tpu.memory_space<vmem>> -> memref<125xi32, #tpu.memory_space<vmem>>
    %dma_start3A_33 = arith.constant 0 : i32
    %dma_start3A_34 = arith.constant 0 : i32
    %dma_start3A_35 = tpu.memref_slice %arg2[%dma_start3A_33, %dma_start3A_34] : memref<10000x64xf32, #tpu.memory_space<hbm>> -> memref<10000x64xf32, #tpu.memory_space<hbm>>
    tpu.enqueue_indirect_dma source(%dma_start3A_35 : memref<10000x64xf32, #tpu.memory_space<hbm>>) target(%arg8 : memref<125x64xf32, #tpu.memory_space<vmem>>) offsets(%dma_start3A_32 : memref<125xi32, #tpu.memory_space<vmem>>) semaphore(%arg13 : memref<!tpu.dma_semaphore, #tpu.memory_space<semaphore_mem>>)
    %scan3A_36 = arith.constant 0 : i32
    %scan3A_37 = arith.constant 0 : i32
    %scan3A_38 = arith.constant 10 : i32
    %scan3A_39 = arith.addi %scan3A_37, %scan3A_38 : i32
    %scan3A_40 = arith.constant 1 : i32
    scf.for %scan3A_82 = %scan3A_37 to %scan3A_39 step %scan3A_40  : i32 {
      %mul3A_83 = arith.constant 4 : i32
      %mul3A_84 = arith.muli %scan3A_82, %mul3A_83 : i32
      %add3A_85 = arith.constant 0 : i32
      %add3A_86 = arith.addi %mul3A_84, %add3A_85 : i32
      %add3A_87 = arith.constant 2 : i32
      %add3A_88 = arith.addi %add3A_86, %add3A_87 : i32
      %lt3A = arith.constant 40 : i32
      %lt3A_89 = arith.cmpi slt, %add3A_88, %lt3A : i32
      %convert_element_type3A_90 = arith.extui %lt3A_89 : i1 to i32
      %cond3A_91 = arith.constant 0 : i32
      %cond3A_92 = arith.cmpi ne, %convert_element_type3A_90, %cond3A_91 : i32
      scf.if %cond3A_92 {
        %ge3A = arith.constant 4 : i32
        %ge3A_168 = arith.cmpi sge, %add3A_88, %ge3A : i32
        %convert_element_type3A_169 = arith.extui %ge3A_168 : i1 to i32
        %cond3A_170 = arith.constant 0 : i32
        %cond3A_171 = arith.cmpi ne, %convert_element_type3A_169, %cond3A_170 : i32
        scf.if %cond3A_171 {
          %dma_wait3A_178 = arith.constant 0 : i32
          %dma_wait3A_179 = tpu.memref_slice %arg6[%add3A_86, %dma_wait3A_178] : memref<40x125xi32, #tpu.memory_space<vmem>> -> memref<1x125xi32, #tpu.memory_space<vmem>>
          %dma_wait3A_180 = tpu.memref_squeeze %dma_wait3A_179 : memref<1x125xi32, #tpu.memory_space<vmem>> -> memref<125xi32, #tpu.memory_space<vmem>>
          %dma_wait3A_181 = arith.constant 0 : i32
          %dma_wait3A_182 = arith.constant 0 : i32
          %dma_wait3A_183 = tpu.memref_slice %arg11[%dma_wait3A_181, %dma_wait3A_182] : memref<10000x64xf32, #tpu.memory_space<vmem_shared>> -> memref<10000x64xf32, #tpu.memory_space<vmem_shared>>
          tpu.wait_indirect_dma semaphore(%arg18 : memref<!tpu.dma_semaphore, #tpu.memory_space<semaphore_mem>>) src(%arg9 : memref<125x64xf32, #tpu.memory_space<vmem>>) dst(%dma_wait3A_183 : memref<10000x64xf32, #tpu.memory_space<vmem_shared>>)
        } else {
        }
        %dma_start3A_172 = arith.constant 0 : i32
        %dma_start3A_173 = tpu.memref_slice %arg5[%add3A_88, %dma_start3A_172] : memref<40x125xi32, #tpu.memory_space<vmem>> -> memref<1x125xi32, #tpu.memory_space<vmem>>
        %dma_start3A_174 = tpu.memref_squeeze %dma_start3A_173 : memref<1x125xi32, #tpu.memory_space<vmem>> -> memref<125xi32, #tpu.memory_space<vmem>>
        %dma_start3A_175 = arith.constant 0 : i32
        %dma_start3A_176 = arith.constant 0 : i32
        %dma_start3A_177 = tpu.memref_slice %arg2[%dma_start3A_175, %dma_start3A_176] : memref<10000x64xf32, #tpu.memory_space<hbm>> -> memref<10000x64xf32, #tpu.memory_space<hbm>>
        tpu.enqueue_indirect_dma source(%dma_start3A_177 : memref<10000x64xf32, #tpu.memory_space<hbm>>) target(%arg9 : memref<125x64xf32, #tpu.memory_space<vmem>>) offsets(%dma_start3A_174 : memref<125xi32, #tpu.memory_space<vmem>>) semaphore(%arg14 : memref<!tpu.dma_semaphore, #tpu.memory_space<semaphore_mem>>)
      } else {
      }
      %dma_wait3A_93 = arith.constant 0 : i32
      %dma_wait3A_94 = tpu.memref_slice %arg5[%add3A_86, %dma_wait3A_93] : memref<40x125xi32, #tpu.memory_space<vmem>> -> memref<1x125xi32, #tpu.memory_space<vmem>>
      %dma_wait3A_95 = tpu.memref_squeeze %dma_wait3A_94 : memref<1x125xi32, #tpu.memory_space<vmem>> -> memref<125xi32, #tpu.memory_space<vmem>>
      %dma_wait3A_96 = arith.constant 0 : i32
      %dma_wait3A_97 = arith.constant 0 : i32
      %dma_wait3A_98 = tpu.memref_slice %arg2[%dma_wait3A_96, %dma_wait3A_97] : memref<10000x64xf32, #tpu.memory_space<hbm>> -> memref<10000x64xf32, #tpu.memory_space<hbm>>
      tpu.wait_indirect_dma semaphore(%arg12 : memref<!tpu.dma_semaphore, #tpu.memory_space<semaphore_mem>>) src(%dma_wait3A_98 : memref<10000x64xf32, #tpu.memory_space<hbm>>) dst(%arg7 : memref<125x64xf32, #tpu.memory_space<vmem>>)
      %dma_start3A_99 = arith.constant 0 : i32
      %dma_start3A_100 = tpu.memref_slice %arg6[%add3A_86, %dma_start3A_99] : memref<40x125xi32, #tpu.memory_space<vmem>> -> memref<1x125xi32, #tpu.memory_space<vmem>>
      %dma_start3A_101 = tpu.memref_squeeze %dma_start3A_100 : memref<1x125xi32, #tpu.memory_space<vmem>> -> memref<125xi32, #tpu.memory_space<vmem>>
      %dma_start3A_102 = arith.constant 0 : i32
      %dma_start3A_103 = arith.constant 0 : i32
      %dma_start3A_104 = tpu.memref_slice %arg11[%dma_start3A_102, %dma_start3A_103] : memref<10000x64xf32, #tpu.memory_space<vmem_shared>> -> memref<10000x64xf32, #tpu.memory_space<vmem_shared>>
      tpu.enqueue_indirect_dma source(%arg7 : memref<125x64xf32, #tpu.memory_space<vmem>>) target(%dma_start3A_104 : memref<10000x64xf32, #tpu.memory_space<vmem_shared>>) offsets(%dma_start3A_101 : memref<125xi32, #tpu.memory_space<vmem>>) semaphore(%arg16 : memref<!tpu.dma_semaphore, #tpu.memory_space<semaphore_mem>>) {add = true}
      %add3A_105 = arith.constant 1 : i32
      %add3A_106 = arith.addi %mul3A_84, %add3A_105 : i32
      %add3A_107 = arith.constant 2 : i32
      %add3A_108 = arith.addi %add3A_106, %add3A_107 : i32
      %lt3A_109 = arith.constant 40 : i32
      %lt3A_110 = arith.cmpi slt, %add3A_108, %lt3A_109 : i32
      %convert_element_type3A_111 = arith.extui %lt3A_110 : i1 to i32
      %cond3A_112 = arith.constant 0 : i32
      %cond3A_113 = arith.cmpi ne, %convert_element_type3A_111, %cond3A_112 : i32
      scf.if %cond3A_113 {
        %ge3A = arith.constant 4 : i32
        %ge3A_168 = arith.cmpi sge, %add3A_108, %ge3A : i32
        %convert_element_type3A_169 = arith.extui %ge3A_168 : i1 to i32
        %cond3A_170 = arith.constant 0 : i32
        %cond3A_171 = arith.cmpi ne, %convert_element_type3A_169, %cond3A_170 : i32
        scf.if %cond3A_171 {
          %dma_wait3A_178 = arith.constant 0 : i32
          %dma_wait3A_179 = tpu.memref_slice %arg6[%add3A_106, %dma_wait3A_178] : memref<40x125xi32, #tpu.memory_space<vmem>> -> memref<1x125xi32, #tpu.memory_space<vmem>>
          %dma_wait3A_180 = tpu.memref_squeeze %dma_wait3A_179 : memref<1x125xi32, #tpu.memory_space<vmem>> -> memref<125xi32, #tpu.memory_space<vmem>>
          %dma_wait3A_181 = arith.constant 0 : i32
          %dma_wait3A_182 = arith.constant 0 : i32
          %dma_wait3A_183 = tpu.memref_slice %arg11[%dma_wait3A_181, %dma_wait3A_182] : memref<10000x64xf32, #tpu.memory_space<vmem_shared>> -> memref<10000x64xf32, #tpu.memory_space<vmem_shared>>
          tpu.wait_indirect_dma semaphore(%arg19 : memref<!tpu.dma_semaphore, #tpu.memory_space<semaphore_mem>>) src(%arg10 : memref<125x64xf32, #tpu.memory_space<vmem>>) dst(%dma_wait3A_183 : memref<10000x64xf32, #tpu.memory_space<vmem_shared>>)
        } else {
        }
        %dma_start3A_172 = arith.constant 0 : i32
        %dma_start3A_173 = tpu.memref_slice %arg5[%add3A_108, %dma_start3A_172] : memref<40x125xi32, #tpu.memory_space<vmem>> -> memref<1x125xi32, #tpu.memory_space<vmem>>
        %dma_start3A_174 = tpu.memref_squeeze %dma_start3A_173 : memref<1x125xi32, #tpu.memory_space<vmem>> -> memref<125xi32, #tpu.memory_space<vmem>>
        %dma_start3A_175 = arith.constant 0 : i32
        %dma_start3A_176 = arith.constant 0 : i32
        %dma_start3A_177 = tpu.memref_slice %arg2[%dma_start3A_175, %dma_start3A_176] : memref<10000x64xf32, #tpu.memory_space<hbm>> -> memref<10000x64xf32, #tpu.memory_space<hbm>>
        tpu.enqueue_indirect_dma source(%dma_start3A_177 : memref<10000x64xf32, #tpu.memory_space<hbm>>) target(%arg10 : memref<125x64xf32, #tpu.memory_space<vmem>>) offsets(%dma_start3A_174 : memref<125xi32, #tpu.memory_space<vmem>>) semaphore(%arg15 : memref<!tpu.dma_semaphore, #tpu.memory_space<semaphore_mem>>)
      } else {
      }
      %dma_wait3A_114 = arith.constant 0 : i32
      %dma_wait3A_115 = tpu.memref_slice %arg5[%add3A_106, %dma_wait3A_114] : memref<40x125xi32, #tpu.memory_space<vmem>> -> memref<1x125xi32, #tpu.memory_space<vmem>>
      %dma_wait3A_116 = tpu.memref_squeeze %dma_wait3A_115 : memref<1x125xi32, #tpu.memory_space<vmem>> -> memref<125xi32, #tpu.memory_space<vmem>>
      %dma_wait3A_117 = arith.constant 0 : i32
      %dma_wait3A_118 = arith.constant 0 : i32
      %dma_wait3A_119 = tpu.memref_slice %arg2[%dma_wait3A_117, %dma_wait3A_118] : memref<10000x64xf32, #tpu.memory_space<hbm>> -> memref<10000x64xf32, #tpu.memory_space<hbm>>
      tpu.wait_indirect_dma semaphore(%arg13 : memref<!tpu.dma_semaphore, #tpu.memory_space<semaphore_mem>>) src(%dma_wait3A_119 : memref<10000x64xf32, #tpu.memory_space<hbm>>) dst(%arg8 : memref<125x64xf32, #tpu.memory_space<vmem>>)
      %dma_start3A_120 = arith.constant 0 : i32
      %dma_start3A_121 = tpu.memref_slice %arg6[%add3A_106, %dma_start3A_120] : memref<40x125xi32, #tpu.memory_space<vmem>> -> memref<1x125xi32, #tpu.memory_space<vmem>>
      %dma_start3A_122 = tpu.memref_squeeze %dma_start3A_121 : memref<1x125xi32, #tpu.memory_space<vmem>> -> memref<125xi32, #tpu.memory_space<vmem>>
      %dma_start3A_123 = arith.constant 0 : i32
      %dma_start3A_124 = arith.constant 0 : i32
      %dma_start3A_125 = tpu.memref_slice %arg11[%dma_start3A_123, %dma_start3A_124] : memref<10000x64xf32, #tpu.memory_space<vmem_shared>> -> memref<10000x64xf32, #tpu.memory_space<vmem_shared>>
      tpu.enqueue_indirect_dma source(%arg8 : memref<125x64xf32, #tpu.memory_space<vmem>>) target(%dma_start3A_125 : memref<10000x64xf32, #tpu.memory_space<vmem_shared>>) offsets(%dma_start3A_122 : memref<125xi32, #tpu.memory_space<vmem>>) semaphore(%arg17 : memref<!tpu.dma_semaphore, #tpu.memory_space<semaphore_mem>>) {add = true}
      %add3A_126 = arith.constant 2 : i32
      %add3A_127 = arith.addi %mul3A_84, %add3A_126 : i32
      %add3A_128 = arith.constant 2 : i32
      %add3A_129 = arith.addi %add3A_127, %add3A_128 : i32
      %lt3A_130 = arith.constant 40 : i32
      %lt3A_131 = arith.cmpi slt, %add3A_129, %lt3A_130 : i32
      %convert_element_type3A_132 = arith.extui %lt3A_131 : i1 to i32
      %cond3A_133 = arith.constant 0 : i32
      %cond3A_134 = arith.cmpi ne, %convert_element_type3A_132, %cond3A_133 : i32
      scf.if %cond3A_134 {
        %ge3A = arith.constant 4 : i32
        %ge3A_168 = arith.cmpi sge, %add3A_129, %ge3A : i32
        %convert_element_type3A_169 = arith.extui %ge3A_168 : i1 to i32
        %cond3A_170 = arith.constant 0 : i32
        %cond3A_171 = arith.cmpi ne, %convert_element_type3A_169, %cond3A_170 : i32
        scf.if %cond3A_171 {
          %dma_wait3A_178 = arith.constant 0 : i32
          %dma_wait3A_179 = tpu.memref_slice %arg6[%add3A_127, %dma_wait3A_178] : memref<40x125xi32, #tpu.memory_space<vmem>> -> memref<1x125xi32, #tpu.memory_space<vmem>>
          %dma_wait3A_180 = tpu.memref_squeeze %dma_wait3A_179 : memref<1x125xi32, #tpu.memory_space<vmem>> -> memref<125xi32, #tpu.memory_space<vmem>>
          %dma_wait3A_181 = arith.constant 0 : i32
          %dma_wait3A_182 = arith.constant 0 : i32
          %dma_wait3A_183 = tpu.memref_slice %arg11[%dma_wait3A_181, %dma_wait3A_182] : memref<10000x64xf32, #tpu.memory_space<vmem_shared>> -> memref<10000x64xf32, #tpu.memory_space<vmem_shared>>
          tpu.wait_indirect_dma semaphore(%arg16 : memref<!tpu.dma_semaphore, #tpu.memory_space<semaphore_mem>>) src(%arg7 : memref<125x64xf32, #tpu.memory_space<vmem>>) dst(%dma_wait3A_183 : memref<10000x64xf32, #tpu.memory_space<vmem_shared>>)
        } else {
        }
        %dma_start3A_172 = arith.constant 0 : i32
        %dma_start3A_173 = tpu.memref_slice %arg5[%add3A_129, %dma_start3A_172] : memref<40x125xi32, #tpu.memory_space<vmem>> -> memref<1x125xi32, #tpu.memory_space<vmem>>
        %dma_start3A_174 = tpu.memref_squeeze %dma_start3A_173 : memref<1x125xi32, #tpu.memory_space<vmem>> -> memref<125xi32, #tpu.memory_space<vmem>>
        %dma_start3A_175 = arith.constant 0 : i32
        %dma_start3A_176 = arith.constant 0 : i32
        %dma_start3A_177 = tpu.memref_slice %arg2[%dma_start3A_175, %dma_start3A_176] : memref<10000x64xf32, #tpu.memory_space<hbm>> -> memref<10000x64xf32, #tpu.memory_space<hbm>>
        tpu.enqueue_indirect_dma source(%dma_start3A_177 : memref<10000x64xf32, #tpu.memory_space<hbm>>) target(%arg7 : memref<125x64xf32, #tpu.memory_space<vmem>>) offsets(%dma_start3A_174 : memref<125xi32, #tpu.memory_space<vmem>>) semaphore(%arg12 : memref<!tpu.dma_semaphore, #tpu.memory_space<semaphore_mem>>)
      } else {
      }
      %dma_wait3A_135 = arith.constant 0 : i32
      %dma_wait3A_136 = tpu.memref_slice %arg5[%add3A_127, %dma_wait3A_135] : memref<40x125xi32, #tpu.memory_space<vmem>> -> memref<1x125xi32, #tpu.memory_space<vmem>>
      %dma_wait3A_137 = tpu.memref_squeeze %dma_wait3A_136 : memref<1x125xi32, #tpu.memory_space<vmem>> -> memref<125xi32, #tpu.memory_space<vmem>>
      %dma_wait3A_138 = arith.constant 0 : i32
      %dma_wait3A_139 = arith.constant 0 : i32
      %dma_wait3A_140 = tpu.memref_slice %arg2[%dma_wait3A_138, %dma_wait3A_139] : memref<10000x64xf32, #tpu.memory_space<hbm>> -> memref<10000x64xf32, #tpu.memory_space<hbm>>
      tpu.wait_indirect_dma semaphore(%arg14 : memref<!tpu.dma_semaphore, #tpu.memory_space<semaphore_mem>>) src(%dma_wait3A_140 : memref<10000x64xf32, #tpu.memory_space<hbm>>) dst(%arg9 : memref<125x64xf32, #tpu.memory_space<vmem>>)
      %dma_start3A_141 = arith.constant 0 : i32
      %dma_start3A_142 = tpu.memref_slice %arg6[%add3A_127, %dma_start3A_141] : memref<40x125xi32, #tpu.memory_space<vmem>> -> memref<1x125xi32, #tpu.memory_space<vmem>>
      %dma_start3A_143 = tpu.memref_squeeze %dma_start3A_142 : memref<1x125xi32, #tpu.memory_space<vmem>> -> memref<125xi32, #tpu.memory_space<vmem>>
      %dma_start3A_144 = arith.constant 0 : i32
      %dma_start3A_145 = arith.constant 0 : i32
      %dma_start3A_146 = tpu.memref_slice %arg11[%dma_start3A_144, %dma_start3A_145] : memref<10000x64xf32, #tpu.memory_space<vmem_shared>> -> memref<10000x64xf32, #tpu.memory_space<vmem_shared>>
      tpu.enqueue_indirect_dma source(%arg9 : memref<125x64xf32, #tpu.memory_space<vmem>>) target(%dma_start3A_146 : memref<10000x64xf32, #tpu.memory_space<vmem_shared>>) offsets(%dma_start3A_143 : memref<125xi32, #tpu.memory_space<vmem>>) semaphore(%arg18 : memref<!tpu.dma_semaphore, #tpu.memory_space<semaphore_mem>>) {add = true}
      %add3A_147 = arith.constant 3 : i32
      %add3A_148 = arith.addi %mul3A_84, %add3A_147 : i32
      %add3A_149 = arith.constant 2 : i32
      %add3A_150 = arith.addi %add3A_148, %add3A_149 : i32
      %lt3A_151 = arith.constant 40 : i32
      %lt3A_152 = arith.cmpi slt, %add3A_150, %lt3A_151 : i32
      %convert_element_type3A_153 = arith.extui %lt3A_152 : i1 to i32
      %cond3A_154 = arith.constant 0 : i32
      %cond3A_155 = arith.cmpi ne, %convert_element_type3A_153, %cond3A_154 : i32
      scf.if %cond3A_155 {
        %ge3A = arith.constant 4 : i32
        %ge3A_168 = arith.cmpi sge, %add3A_150, %ge3A : i32
        %convert_element_type3A_169 = arith.extui %ge3A_168 : i1 to i32
        %cond3A_170 = arith.constant 0 : i32
        %cond3A_171 = arith.cmpi ne, %convert_element_type3A_169, %cond3A_170 : i32
        scf.if %cond3A_171 {
          %dma_wait3A_178 = arith.constant 0 : i32
          %dma_wait3A_179 = tpu.memref_slice %arg6[%add3A_148, %dma_wait3A_178] : memref<40x125xi32, #tpu.memory_space<vmem>> -> memref<1x125xi32, #tpu.memory_space<vmem>>
          %dma_wait3A_180 = tpu.memref_squeeze %dma_wait3A_179 : memref<1x125xi32, #tpu.memory_space<vmem>> -> memref<125xi32, #tpu.memory_space<vmem>>
          %dma_wait3A_181 = arith.constant 0 : i32
          %dma_wait3A_182 = arith.constant 0 : i32
          %dma_wait3A_183 = tpu.memref_slice %arg11[%dma_wait3A_181, %dma_wait3A_182] : memref<10000x64xf32, #tpu.memory_space<vmem_shared>> -> memref<10000x64xf32, #tpu.memory_space<vmem_shared>>
          tpu.wait_indirect_dma semaphore(%arg17 : memref<!tpu.dma_semaphore, #tpu.memory_space<semaphore_mem>>) src(%arg8 : memref<125x64xf32, #tpu.memory_space<vmem>>) dst(%dma_wait3A_183 : memref<10000x64xf32, #tpu.memory_space<vmem_shared>>)
        } else {
        }
        %dma_start3A_172 = arith.constant 0 : i32
        %dma_start3A_173 = tpu.memref_slice %arg5[%add3A_150, %dma_start3A_172] : memref<40x125xi32, #tpu.memory_space<vmem>> -> memref<1x125xi32, #tpu.memory_space<vmem>>
        %dma_start3A_174 = tpu.memref_squeeze %dma_start3A_173 : memref<1x125xi32, #tpu.memory_space<vmem>> -> memref<125xi32, #tpu.memory_space<vmem>>
        %dma_start3A_175 = arith.constant 0 : i32
        %dma_start3A_176 = arith.constant 0 : i32
        %dma_start3A_177 = tpu.memref_slice %arg2[%dma_start3A_175, %dma_start3A_176] : memref<10000x64xf32, #tpu.memory_space<hbm>> -> memref<10000x64xf32, #tpu.memory_space<hbm>>
        tpu.enqueue_indirect_dma source(%dma_start3A_177 : memref<10000x64xf32, #tpu.memory_space<hbm>>) target(%arg8 : memref<125x64xf32, #tpu.memory_space<vmem>>) offsets(%dma_start3A_174 : memref<125xi32, #tpu.memory_space<vmem>>) semaphore(%arg13 : memref<!tpu.dma_semaphore, #tpu.memory_space<semaphore_mem>>)
      } else {
      }
      %dma_wait3A_156 = arith.constant 0 : i32
      %dma_wait3A_157 = tpu.memref_slice %arg5[%add3A_148, %dma_wait3A_156] : memref<40x125xi32, #tpu.memory_space<vmem>> -> memref<1x125xi32, #tpu.memory_space<vmem>>
      %dma_wait3A_158 = tpu.memref_squeeze %dma_wait3A_157 : memref<1x125xi32, #tpu.memory_space<vmem>> -> memref<125xi32, #tpu.memory_space<vmem>>
      %dma_wait3A_159 = arith.constant 0 : i32
      %dma_wait3A_160 = arith.constant 0 : i32
      %dma_wait3A_161 = tpu.memref_slice %arg2[%dma_wait3A_159, %dma_wait3A_160] : memref<10000x64xf32, #tpu.memory_space<hbm>> -> memref<10000x64xf32, #tpu.memory_space<hbm>>
      tpu.wait_indirect_dma semaphore(%arg15 : memref<!tpu.dma_semaphore, #tpu.memory_space<semaphore_mem>>) src(%dma_wait3A_161 : memref<10000x64xf32, #tpu.memory_space<hbm>>) dst(%arg10 : memref<125x64xf32, #tpu.memory_space<vmem>>)
      %dma_start3A_162 = arith.constant 0 : i32
      %dma_start3A_163 = tpu.memref_slice %arg6[%add3A_148, %dma_start3A_162] : memref<40x125xi32, #tpu.memory_space<vmem>> -> memref<1x125xi32, #tpu.memory_space<vmem>>
      %dma_start3A_164 = tpu.memref_squeeze %dma_start3A_163 : memref<1x125xi32, #tpu.memory_space<vmem>> -> memref<125xi32, #tpu.memory_space<vmem>>
      %dma_start3A_165 = arith.constant 0 : i32
      %dma_start3A_166 = arith.constant 0 : i32
      %dma_start3A_167 = tpu.memref_slice %arg11[%dma_start3A_165, %dma_start3A_166] : memref<10000x64xf32, #tpu.memory_space<vmem_shared>> -> memref<10000x64xf32, #tpu.memory_space<vmem_shared>>
      tpu.enqueue_indirect_dma source(%arg10 : memref<125x64xf32, #tpu.memory_space<vmem>>) target(%dma_start3A_167 : memref<10000x64xf32, #tpu.memory_space<vmem_shared>>) offsets(%dma_start3A_164 : memref<125xi32, #tpu.memory_space<vmem>>) semaphore(%arg19 : memref<!tpu.dma_semaphore, #tpu.memory_space<semaphore_mem>>) {add = true}
    }
    %scan3A_41 = arith.constant 10 : i32
    %dma_wait3A = arith.constant 0 : i32
    %dma_wait3A_42 = arith.constant 0 : i32
    %dma_wait3A_43 = tpu.memref_slice %arg6[%dma_wait3A, %dma_wait3A_42] : memref<40x125xi32, #tpu.memory_space<vmem>> -> memref<1x125xi32, #tpu.memory_space<vmem>>
    %dma_wait3A_44 = tpu.memref_squeeze %dma_wait3A_43 : memref<1x125xi32, #tpu.memory_space<vmem>> -> memref<125xi32, #tpu.memory_space<vmem>>
    %dma_wait3A_45 = arith.constant 0 : i32
    %dma_wait3A_46 = arith.constant 0 : i32
    %dma_wait3A_47 = tpu.memref_slice %arg11[%dma_wait3A_45, %dma_wait3A_46] : memref<10000x64xf32, #tpu.memory_space<vmem_shared>> -> memref<10000x64xf32, #tpu.memory_space<vmem_shared>>
    tpu.wait_indirect_dma semaphore(%arg16 : memref<!tpu.dma_semaphore, #tpu.memory_space<semaphore_mem>>) src(%arg7 : memref<125x64xf32, #tpu.memory_space<vmem>>) dst(%dma_wait3A_47 : memref<10000x64xf32, #tpu.memory_space<vmem_shared>>)
    %dma_wait3A_48 = arith.constant 0 : i32
    %dma_wait3A_49 = arith.constant 0 : i32
    %dma_wait3A_50 = tpu.memref_slice %arg6[%dma_wait3A_48, %dma_wait3A_49] : memref<40x125xi32, #tpu.memory_space<vmem>> -> memref<1x125xi32, #tpu.memory_space<vmem>>
    %dma_wait3A_51 = tpu.memref_squeeze %dma_wait3A_50 : memref<1x125xi32, #tpu.memory_space<vmem>> -> memref<125xi32, #tpu.memory_space<vmem>>
    %dma_wait3A_52 = arith.constant 0 : i32
    %dma_wait3A_53 = arith.constant 0 : i32
    %dma_wait3A_54 = tpu.memref_slice %arg11[%dma_wait3A_52, %dma_wait3A_53] : memref<10000x64xf32, #tpu.memory_space<vmem_shared>> -> memref<10000x64xf32, #tpu.memory_space<vmem_shared>>
    tpu.wait_indirect_dma semaphore(%arg17 : memref<!tpu.dma_semaphore, #tpu.memory_space<semaphore_mem>>) src(%arg8 : memref<125x64xf32, #tpu.memory_space<vmem>>) dst(%dma_wait3A_54 : memref<10000x64xf32, #tpu.memory_space<vmem_shared>>)
    %dma_wait3A_55 = arith.constant 0 : i32
    %dma_wait3A_56 = arith.constant 0 : i32
    %dma_wait3A_57 = tpu.memref_slice %arg6[%dma_wait3A_55, %dma_wait3A_56] : memref<40x125xi32, #tpu.memory_space<vmem>> -> memref<1x125xi32, #tpu.memory_space<vmem>>
    %dma_wait3A_58 = tpu.memref_squeeze %dma_wait3A_57 : memref<1x125xi32, #tpu.memory_space<vmem>> -> memref<125xi32, #tpu.memory_space<vmem>>
    %dma_wait3A_59 = arith.constant 0 : i32
    %dma_wait3A_60 = arith.constant 0 : i32
    %dma_wait3A_61 = tpu.memref_slice %arg11[%dma_wait3A_59, %dma_wait3A_60] : memref<10000x64xf32, #tpu.memory_space<vmem_shared>> -> memref<10000x64xf32, #tpu.memory_space<vmem_shared>>
    tpu.wait_indirect_dma semaphore(%arg18 : memref<!tpu.dma_semaphore, #tpu.memory_space<semaphore_mem>>) src(%arg9 : memref<125x64xf32, #tpu.memory_space<vmem>>) dst(%dma_wait3A_61 : memref<10000x64xf32, #tpu.memory_space<vmem_shared>>)
    %dma_wait3A_62 = arith.constant 0 : i32
    %dma_wait3A_63 = arith.constant 0 : i32
    %dma_wait3A_64 = tpu.memref_slice %arg6[%dma_wait3A_62, %dma_wait3A_63] : memref<40x125xi32, #tpu.memory_space<vmem>> -> memref<1x125xi32, #tpu.memory_space<vmem>>
    %dma_wait3A_65 = tpu.memref_squeeze %dma_wait3A_64 : memref<1x125xi32, #tpu.memory_space<vmem>> -> memref<125xi32, #tpu.memory_space<vmem>>
    %dma_wait3A_66 = arith.constant 0 : i32
    %dma_wait3A_67 = arith.constant 0 : i32
    %dma_wait3A_68 = tpu.memref_slice %arg11[%dma_wait3A_66, %dma_wait3A_67] : memref<10000x64xf32, #tpu.memory_space<vmem_shared>> -> memref<10000x64xf32, #tpu.memory_space<vmem_shared>>
    tpu.wait_indirect_dma semaphore(%arg19 : memref<!tpu.dma_semaphore, #tpu.memory_space<semaphore_mem>>) src(%arg10 : memref<125x64xf32, #tpu.memory_space<vmem>>) dst(%dma_wait3A_68 : memref<10000x64xf32, #tpu.memory_space<vmem_shared>>)
    %barrier3A_69 = arith.constant 0 : index
    tpu.barrier barrier_id(%barrier3A_69)
    %mul3A_70 = arith.constant 624 : i32
    %mul3A_71 = arith.muli %arg1, %mul3A_70 : i32
    %mul3A_72 = arith.constant 10000 : i32
    %mul3A_73 = arith.muli %arg0, %mul3A_72 : i32
    %mul3A_74 = arith.constant 624 : i32
    %mul3A_75 = arith.muli %arg1, %mul3A_74 : i32
    %add3A_76 = arith.addi %mul3A_73, %mul3A_75 : i32
    "tpu.region"() ({
      %run_scoped3A_82 = tpu.sem_alloc : memref<!tpu.dma_semaphore, #tpu.memory_space<semaphore_mem>>
      %dma_start3A_83 = arith.constant 0 : i32
      %dma_start3A_84 = tpu.memref_slice %arg4[%add3A_76, %dma_start3A_83] : memref<20000x64xf32, #tpu.memory_space<hbm>> -> memref<624x64xf32, #tpu.memory_space<hbm>>
      %dma_start3A_85 = arith.constant 0 : i32
      %dma_start3A_86 = tpu.memref_slice %arg11[%mul3A_71, %dma_start3A_85] : memref<10000x64xf32, #tpu.memory_space<vmem_shared>> -> memref<624x64xf32, #tpu.memory_space<vmem_shared>>
      tpu.enqueue_dma source(%dma_start3A_86 : memref<624x64xf32, #tpu.memory_space<vmem_shared>>) target(%dma_start3A_84 : memref<624x64xf32, #tpu.memory_space<hbm>>) target_semaphore(%run_scoped3A_82 : memref<!tpu.dma_semaphore, #tpu.memory_space<semaphore_mem>>)
      %dma_wait3A_87 = arith.constant 0 : i32
      %dma_wait3A_88 = tpu.memref_slice %arg4[%add3A_76, %dma_wait3A_87] : memref<20000x64xf32, #tpu.memory_space<hbm>> -> memref<624x64xf32, #tpu.memory_space<hbm>>
      %dma_wait3A_89 = arith.constant 0 : i32
      %dma_wait3A_90 = tpu.memref_slice %arg11[%mul3A_71, %dma_wait3A_89] : memref<10000x64xf32, #tpu.memory_space<vmem_shared>> -> memref<624x64xf32, #tpu.memory_space<vmem_shared>>
      tpu.wait_dma2 semaphore(%run_scoped3A_82 : memref<!tpu.dma_semaphore, #tpu.memory_space<semaphore_mem>>) src(%dma_wait3A_90 : memref<624x64xf32, #tpu.memory_space<vmem_shared>>) dst(%dma_wait3A_88 : memref<624x64xf32, #tpu.memory_space<hbm>>)
      tpu.yield
    }) : () -> ()
    %eq3A_77 = arith.constant 0 : i32
    %eq3A_78 = arith.cmpi eq, %arg1, %eq3A_77 : i32
    %convert_element_type3A_79 = arith.extui %eq3A_78 : i1 to i32
    %cond3A_80 = arith.constant 0 : i32
    %cond3A_81 = arith.cmpi ne, %convert_element_type3A_79, %cond3A_80 : i32
    scf.if %cond3A_81 {
      %mul3A_82 = arith.constant 10000 : i32
      %mul3A_83 = arith.muli %arg0, %mul3A_82 : i32
      %add3A_84 = arith.constant 9984 : i32
      %add3A_85 = arith.addi %mul3A_83, %add3A_84 : i32
      "tpu.region"() ({
        %run_scoped3A_86 = tpu.sem_alloc : memref<!tpu.dma_semaphore, #tpu.memory_space<semaphore_mem>>
        %dma_start3A_87 = arith.constant 0 : i32
        %dma_start3A_88 = tpu.memref_slice %arg4[%add3A_85, %dma_start3A_87] : memref<20000x64xf32, #tpu.memory_space<hbm>> -> memref<16x64xf32, #tpu.memory_space<hbm>>
        %dma_start3A_89 = arith.constant 9984 : i32
        %dma_start3A_90 = arith.constant 0 : i32
        %dma_start3A_91 = tpu.memref_slice %arg11[%dma_start3A_89, %dma_start3A_90] : memref<10000x64xf32, #tpu.memory_space<vmem_shared>> -> memref<16x64xf32, #tpu.memory_space<vmem_shared>>
        tpu.enqueue_dma source(%dma_start3A_91 : memref<16x64xf32, #tpu.memory_space<vmem_shared>>) target(%dma_start3A_88 : memref<16x64xf32, #tpu.memory_space<hbm>>) target_semaphore(%run_scoped3A_86 : memref<!tpu.dma_semaphore, #tpu.memory_space<semaphore_mem>>)
        %dma_wait3A_92 = arith.constant 0 : i32
        %dma_wait3A_93 = tpu.memref_slice %arg4[%add3A_85, %dma_wait3A_92] : memref<20000x64xf32, #tpu.memory_space<hbm>> -> memref<16x64xf32, #tpu.memory_space<hbm>>
        %dma_wait3A_94 = arith.constant 9984 : i32
        %dma_wait3A_95 = arith.constant 0 : i32
        %dma_wait3A_96 = tpu.memref_slice %arg11[%dma_wait3A_94, %dma_wait3A_95] : memref<10000x64xf32, #tpu.memory_space<vmem_shared>> -> memref<16x64xf32, #tpu.memory_space<vmem_shared>>
        tpu.wait_dma2 semaphore(%run_scoped3A_86 : memref<!tpu.dma_semaphore, #tpu.memory_space<semaphore_mem>>) src(%dma_wait3A_96 : memref<16x64xf32, #tpu.memory_space<vmem_shared>>) dst(%dma_wait3A_93 : memref<16x64xf32, #tpu.memory_space<hbm>>)
        tpu.yield
      }) : () -> ()
    } else {
    }
    return
  }
}

module attributes {stable_mosaic.version = 14 : i64} {
  func.func @_tc1(%arg0: i32, %arg1: memref<1000x256xf32, #tpu.memory_space<vmem>>, %arg2: memref<256x256xf32, #tpu.memory_space<vmem>>, %arg3: memref<256x256xf32, #tpu.memory_space<vmem>>, %arg4: memref<1000x64xf32, #tpu.memory_space<vmem>>, %arg5: memref<1000x64xf32, #tpu.memory_space<vmem>>, %arg6: memref<1000x64xf32, #tpu.memory_space<vmem>>, %arg7: memref<1000x64xf32, #tpu.memory_space<vmem>>, %arg8: memref<1000x256xf32, #tpu.memory_space<vmem>>) attributes {dimension_semantics = [#tpu.dimension_semantics<arbitrary>], iteration_bounds = array<i64: 10>, scalar_prefetch = 0 : i64, scratch_operands = 0 : i64, tpu.core_type = #tpu.core_type<tc>, window_params = [{transform_indices = @transform_0, window_bounds = array<i64: 1000, 256>}, {pipeline_mode = #tpu.pipeline_mode<synchronous>, transform_indices = @transform_1, window_bounds = array<i64: 256, 256>}, {pipeline_mode = #tpu.pipeline_mode<synchronous>, transform_indices = @transform_2, window_bounds = array<i64: 256, 256>}, {transform_indices = @transform_3, window_bounds = array<i64: 1000, 64>}, {transform_indices = @transform_4, window_bounds = array<i64: 1000, 64>}, {transform_indices = @transform_5, window_bounds = array<i64: 1000, 64>}, {transform_indices = @transform_6, window_bounds = array<i64: 1000, 64>}, {transform_indices = @transform_7, window_bounds = array<i64: 1000, 256>}]} {
    %get3A = arith.constant 0 : index
    %get3A_0 = arith.constant 0 : index
    %get3A_1 = vector.load %arg1[%get3A, %get3A_0] : memref<1000x256xf32, #tpu.memory_space<vmem>>, vector<1000x256xf32>
    %get3A_2 = arith.constant 0 : index
    %get3A_3 = arith.constant 0 : index
    %get3A_4 = vector.load %arg2[%get3A_2, %get3A_3] : memref<256x256xf32, #tpu.memory_space<vmem>>, vector<256x256xf32>
    %dot_general3A = arith.constant dense<0.000000e+00> : vector<1000x256xf32>
    %dot_general3A_5 = tpu.matmul %get3A_1, %get3A_4, %dot_general3A {dimension_numbers = #tpu.dot_dimension_numbers<[1], [0], [0], [1], [0, 0, 1, 1], [], []>, transpose_lhs_hint = false} : vector<1000x256xf32>, vector<256x256xf32>, vector<1000x256xf32> -> vector<1000x256xf32>
    %slice3A = vector.extract_strided_slice %dot_general3A_5 {offsets = [0, 0], sizes = [1000, 64], strides = [1, 1]} : vector<1000x256xf32> to vector<1000x64xf32>
    %swap3A = arith.constant 0 : index
    %swap3A_6 = arith.constant 0 : index
    %swap3A_7 = vector.load %arg4[%swap3A, %swap3A_6] : memref<1000x64xf32, #tpu.memory_space<vmem>>, vector<1000x64xf32>
    tpu.vector_store %arg4[%swap3A, %swap3A_6], %slice3A {strides = array<i32>} : memref<1000x64xf32, #tpu.memory_space<vmem>>, vector<1000x64xf32>,
    %slice3A_8 = vector.extract_strided_slice %dot_general3A_5 {offsets = [0, 64], sizes = [1000, 64], strides = [1, 1]} : vector<1000x256xf32> to vector<1000x64xf32>
    %swap3A_9 = arith.constant 0 : index
    %swap3A_10 = arith.constant 0 : index
    %swap3A_11 = vector.load %arg5[%swap3A_9, %swap3A_10] : memref<1000x64xf32, #tpu.memory_space<vmem>>, vector<1000x64xf32>
    tpu.vector_store %arg5[%swap3A_9, %swap3A_10], %slice3A_8 {strides = array<i32>} : memref<1000x64xf32, #tpu.memory_space<vmem>>, vector<1000x64xf32>,
    %slice3A_12 = vector.extract_strided_slice %dot_general3A_5 {offsets = [0, 128], sizes = [1000, 64], strides = [1, 1]} : vector<1000x256xf32> to vector<1000x64xf32>
    %swap3A_13 = arith.constant 0 : index
    %swap3A_14 = arith.constant 0 : index
    %swap3A_15 = vector.load %arg6[%swap3A_13, %swap3A_14] : memref<1000x64xf32, #tpu.memory_space<vmem>>, vector<1000x64xf32>
    tpu.vector_store %arg6[%swap3A_13, %swap3A_14], %slice3A_12 {strides = array<i32>} : memref<1000x64xf32, #tpu.memory_space<vmem>>, vector<1000x64xf32>,
    %slice3A_16 = vector.extract_strided_slice %dot_general3A_5 {offsets = [0, 192], sizes = [1000, 64], strides = [1, 1]} : vector<1000x256xf32> to vector<1000x64xf32>
    %swap3A_17 = arith.constant 0 : index
    %swap3A_18 = arith.constant 0 : index
    %swap3A_19 = vector.load %arg7[%swap3A_17, %swap3A_18] : memref<1000x64xf32, #tpu.memory_space<vmem>>, vector<1000x64xf32>
    tpu.vector_store %arg7[%swap3A_17, %swap3A_18], %slice3A_16 {strides = array<i32>} : memref<1000x64xf32, #tpu.memory_space<vmem>>, vector<1000x64xf32>,
    %get3A_20 = arith.constant 0 : index
    %get3A_21 = arith.constant 0 : index
    %get3A_22 = vector.load %arg3[%get3A_20, %get3A_21] : memref<256x256xf32, #tpu.memory_space<vmem>>, vector<256x256xf32>
    %dot_general3A_23 = arith.constant dense<0.000000e+00> : vector<1000x256xf32>
    %dot_general3A_24 = tpu.matmul %get3A_1, %get3A_22, %dot_general3A_23 {dimension_numbers = #tpu.dot_dimension_numbers<[1], [0], [0], [1], [0, 0, 1, 1], [], []>, transpose_lhs_hint = false} : vector<1000x256xf32>, vector<256x256xf32>, vector<1000x256xf32> -> vector<1000x256xf32>
    %swap3A_25 = arith.constant 0 : index
    %swap3A_26 = arith.constant 0 : index
    %swap3A_27 = vector.load %arg8[%swap3A_25, %swap3A_26] : memref<1000x256xf32, #tpu.memory_space<vmem>>, vector<1000x256xf32>
    tpu.vector_store %arg8[%swap3A_25, %swap3A_26], %dot_general3A_24 {strides = array<i32>} : memref<1000x256xf32, #tpu.memory_space<vmem>>, vector<1000x256xf32>,
    return
  }
  func.func @transform_0(%arg0: i32) -> (i32, i32) {
    %c0_i32 = arith.constant 0 : i32
    %c0_i32_0 = arith.constant 0 : i32
    return %arg0, %c0_i32 : i32, i32
  }
  func.func @transform_1(%arg0: i32) -> (i32, i32) {
    %c0_i32 = arith.constant 0 : i32
    %c0_i32_0 = arith.constant 0 : i32
    %c0_i32_1 = arith.constant 0 : i32
    return %c0_i32, %c0_i32_0 : i32, i32
  }
  func.func @transform_2(%arg0: i32) -> (i32, i32) {
    %c0_i32 = arith.constant 0 : i32
    %c0_i32_0 = arith.constant 0 : i32
    %c0_i32_1 = arith.constant 0 : i32
    return %c0_i32, %c0_i32_0 : i32, i32
  }
  func.func @transform_3(%arg0: i32) -> (i32, i32) {
    %c0_i32 = arith.constant 0 : i32
    %c0_i32_0 = arith.constant 0 : i32
    return %arg0, %c0_i32 : i32, i32
  }
  func.func @transform_4(%arg0: i32) -> (i32, i32) {
    %c0_i32 = arith.constant 0 : i32
    %c0_i32_0 = arith.constant 0 : i32
    return %arg0, %c0_i32 : i32, i32
  }
  func.func @transform_5(%arg0: i32) -> (i32, i32) {
    %c0_i32 = arith.constant 0 : i32
    %c0_i32_0 = arith.constant 0 : i32
    return %arg0, %c0_i32 : i32, i32
  }
  func.func @transform_6(%arg0: i32) -> (i32, i32) {
    %c0_i32 = arith.constant 0 : i32
    %c0_i32_0 = arith.constant 0 : i32
    return %arg0, %c0_i32 : i32, i32
  }
  func.func @transform_7(%arg0: i32) -> (i32, i32) {
    %c0_i32 = arith.constant 0 : i32
    %c0_i32_0 = arith.constant 0 : i32
    return %arg0, %c0_i32 : i32, i32
  }
}

module attributes {stable_mosaic.version = 14 : i64} {
  func.func @_tc2(%arg0: i32, %arg1: memref<1000x64xf32, #tpu.memory_space<vmem>>, %arg2: memref<1000x64xf32, #tpu.memory_space<vmem>>, %arg3: memref<1000x64xf32, #tpu.memory_space<vmem>>, %arg4: memref<1000x64xf32, #tpu.memory_space<vmem>>, %arg5: memref<1000x16xf32, #tpu.memory_space<vmem>>, %arg6: memref<1000x256xf32, #tpu.memory_space<vmem>>, %arg7: memref<1x256xf32, #tpu.memory_space<vmem>>, %arg8: memref<256x64xf32, #tpu.memory_space<vmem>>, %arg9: memref<256x64xf32, #tpu.memory_space<vmem>>, %arg10: memref<1x64xf32, #tpu.memory_space<vmem>>, %arg11: memref<1000x64xf32, #tpu.memory_space<vmem>>, %arg12: memref<1000x64xf32, #tpu.memory_space<vmem>>) attributes {dimension_semantics = [#tpu.dimension_semantics<arbitrary>], iteration_bounds = array<i64: 10>, scalar_prefetch = 0 : i64, scratch_operands = 0 : i64, tpu.core_type = #tpu.core_type<tc>, window_params = [{transform_indices = @transform_0, window_bounds = array<i64: 1000, 64>}, {transform_indices = @transform_1, window_bounds = array<i64: 1000, 64>}, {transform_indices = @transform_2, window_bounds = array<i64: 1000, 64>}, {transform_indices = @transform_3, window_bounds = array<i64: 1000, 64>}, {transform_indices = @transform_4, window_bounds = array<i64: 1000, 16>}, {transform_indices = @transform_5, window_bounds = array<i64: 1000, 256>}, {pipeline_mode = #tpu.pipeline_mode<synchronous>, transform_indices = @transform_6, window_bounds = array<i64: 1, 256>}, {pipeline_mode = #tpu.pipeline_mode<synchronous>, transform_indices = @transform_7, window_bounds = array<i64: 256, 64>}, {pipeline_mode = #tpu.pipeline_mode<synchronous>, transform_indices = @transform_8, window_bounds = array<i64: 256, 64>}, {pipeline_mode = #tpu.pipeline_mode<synchronous>, transform_indices = @transform_9, window_bounds = array<i64: 1, 64>}, {transform_indices = @transform_10, window_bounds = array<i64: 1000, 64>}, {transform_indices = @transform_11, window_bounds = array<i64: 1000, 64>}]} {
    %get3A = arith.constant 0 : index
    %get3A_0 = arith.constant 0 : index
    %get3A_1 = vector.load %arg1[%get3A, %get3A_0] : memref<1000x64xf32, #tpu.memory_space<vmem>>, vector<1000x64xf32>
    %get3A_2 = arith.constant 0 : index
    %get3A_3 = arith.constant 0 : index
    %get3A_4 = vector.load %arg2[%get3A_2, %get3A_3] : memref<1000x64xf32, #tpu.memory_space<vmem>>, vector<1000x64xf32>
    %get3A_5 = arith.constant 0 : index
    %get3A_6 = arith.constant 0 : index
    %get3A_7 = vector.load %arg3[%get3A_5, %get3A_6] : memref<1000x64xf32, #tpu.memory_space<vmem>>, vector<1000x64xf32>
    %get3A_8 = arith.constant 0 : index
    %get3A_9 = arith.constant 0 : index
    %get3A_10 = vector.load %arg4[%get3A_8, %get3A_9] : memref<1000x64xf32, #tpu.memory_space<vmem>>, vector<1000x64xf32>
    %concatenate3A = tpu.concatenate %get3A_1, %get3A_4, %get3A_7, %get3A_10 in 1 : vector<1000x64xf32>, vector<1000x64xf32>, vector<1000x64xf32>, vector<1000x64xf32> -> vector<1000x256xf32>
    %get3A_11 = arith.constant 0 : index
    %get3A_12 = arith.constant 0 : index
    %get3A_13 = vector.load %arg5[%get3A_11, %get3A_12] : memref<1000x16xf32, #tpu.memory_space<vmem>>, vector<1000x16xf32>
    %slice3A = vector.extract_strided_slice %get3A_13 {offsets = [0, 0], sizes = [1000, 1], strides = [1, 1]} : vector<1000x16xf32> to vector<1000x1xf32>
    %max3A = arith.constant 1.000000e+00 : f32
    %max3A_14 = vector.broadcast %max3A : f32 to vector<1000x1xf32>
    %max3A_15 = arith.maximumf %slice3A, %max3A_14 : vector<1000x1xf32>
    %div3A = vector.broadcast %max3A_15 : vector<1000x1xf32> to vector<1000x256xf32>
    %div3A_16 = arith.divf %concatenate3A, %div3A : vector<1000x256xf32>
    %get3A_17 = arith.constant 0 : index
    %get3A_18 = arith.constant 0 : index
    %get3A_19 = vector.load %arg6[%get3A_17, %get3A_18] : memref<1000x256xf32, #tpu.memory_space<vmem>>, vector<1000x256xf32>
    %add3A = arith.addf %div3A_16, %get3A_19 : vector<1000x256xf32>
    %get3A_20 = arith.constant 0 : index
    %get3A_21 = arith.constant 0 : index
    %get3A_22 = vector.load %arg7[%get3A_20, %get3A_21] : memref<1x256xf32, #tpu.memory_space<vmem>>, vector<1x256xf32>
    %add3A_23 = vector.broadcast %get3A_22 : vector<1x256xf32> to vector<1000x256xf32>
    %add3A_24 = arith.addf %add3A, %add3A_23 : vector<1000x256xf32>
    %max3A_25 = arith.constant 0.000000e+00 : f32
    %max3A_26 = vector.broadcast %max3A_25 : f32 to vector<1000x256xf32>
    %max3A_27 = arith.maximumf %add3A_24, %max3A_26 : vector<1000x256xf32>
    %get3A_28 = arith.constant 0 : index
    %get3A_29 = arith.constant 0 : index
    %get3A_30 = vector.load %arg8[%get3A_28, %get3A_29] : memref<256x64xf32, #tpu.memory_space<vmem>>, vector<256x64xf32>
    %dot_general3A = arith.constant dense<0.000000e+00> : vector<1000x64xf32>
    %dot_general3A_31 = tpu.matmul %max3A_27, %get3A_30, %dot_general3A {dimension_numbers = #tpu.dot_dimension_numbers<[1], [0], [0], [1], [0, 0, 1, 1], [], []>, transpose_lhs_hint = false} : vector<1000x256xf32>, vector<256x64xf32>, vector<1000x64xf32> -> vector<1000x64xf32>
    %swap3A = arith.constant 0 : index
    %swap3A_32 = arith.constant 0 : index
    %swap3A_33 = vector.load %arg11[%swap3A, %swap3A_32] : memref<1000x64xf32, #tpu.memory_space<vmem>>, vector<1000x64xf32>
    tpu.vector_store %arg11[%swap3A, %swap3A_32], %dot_general3A_31 {strides = array<i32>} : memref<1000x64xf32, #tpu.memory_space<vmem>>, vector<1000x64xf32>,
    %get3A_34 = arith.constant 0 : index
    %get3A_35 = arith.constant 0 : index
    %get3A_36 = vector.load %arg9[%get3A_34, %get3A_35] : memref<256x64xf32, #tpu.memory_space<vmem>>, vector<256x64xf32>
    %dot_general3A_37 = arith.constant dense<0.000000e+00> : vector<1000x64xf32>
    %dot_general3A_38 = tpu.matmul %max3A_27, %get3A_36, %dot_general3A_37 {dimension_numbers = #tpu.dot_dimension_numbers<[1], [0], [0], [1], [0, 0, 1, 1], [], []>, transpose_lhs_hint = false} : vector<1000x256xf32>, vector<256x64xf32>, vector<1000x64xf32> -> vector<1000x64xf32>
    %get3A_39 = arith.constant 0 : index
    %get3A_40 = arith.constant 0 : index
    %get3A_41 = vector.load %arg10[%get3A_39, %get3A_40] : memref<1x64xf32, #tpu.memory_space<vmem>>, vector<1x64xf32>
    %add3A_42 = vector.broadcast %get3A_41 : vector<1x64xf32> to vector<1000x64xf32>
    %add3A_43 = arith.addf %dot_general3A_38, %add3A_42 : vector<1000x64xf32>
    %swap3A_44 = arith.constant 0 : index
    %swap3A_45 = arith.constant 0 : index
    %swap3A_46 = vector.load %arg12[%swap3A_44, %swap3A_45] : memref<1000x64xf32, #tpu.memory_space<vmem>>, vector<1000x64xf32>
    tpu.vector_store %arg12[%swap3A_44, %swap3A_45], %add3A_43 {strides = array<i32>} : memref<1000x64xf32, #tpu.memory_space<vmem>>, vector<1000x64xf32>,
    return
  }
  func.func @transform_0(%arg0: i32) -> (i32, i32) {
    %add3A = arith.constant 0 : i32
    %add3A_0 = arith.addi %add3A, %arg0 : i32
    %c0_i32 = arith.constant 0 : i32
    %c0_i32_1 = arith.constant 0 : i32
    return %add3A_0, %c0_i32 : i32, i32
  }
  func.func @transform_1(%arg0: i32) -> (i32, i32) {
    %add3A = arith.constant 10 : i32
    %add3A_0 = arith.addi %add3A, %arg0 : i32
    %c0_i32 = arith.constant 0 : i32
    %c0_i32_1 = arith.constant 0 : i32
    return %add3A_0, %c0_i32 : i32, i32
  }
  func.func @transform_2(%arg0: i32) -> (i32, i32) {
    %add3A = arith.constant 20 : i32
    %add3A_0 = arith.addi %add3A, %arg0 : i32
    %c0_i32 = arith.constant 0 : i32
    %c0_i32_1 = arith.constant 0 : i32
    return %add3A_0, %c0_i32 : i32, i32
  }
  func.func @transform_3(%arg0: i32) -> (i32, i32) {
    %add3A = arith.constant 30 : i32
    %add3A_0 = arith.addi %add3A, %arg0 : i32
    %c0_i32 = arith.constant 0 : i32
    %c0_i32_1 = arith.constant 0 : i32
    return %add3A_0, %c0_i32 : i32, i32
  }
  func.func @transform_4(%arg0: i32) -> (i32, i32) {
    %c0_i32 = arith.constant 0 : i32
    %c0_i32_0 = arith.constant 0 : i32
    return %arg0, %c0_i32 : i32, i32
  }
  func.func @transform_5(%arg0: i32) -> (i32, i32) {
    %c0_i32 = arith.constant 0 : i32
    %c0_i32_0 = arith.constant 0 : i32
    return %arg0, %c0_i32 : i32, i32
  }
  func.func @transform_6(%arg0: i32) -> (i32, i32) {
    %c0_i32 = arith.constant 0 : i32
    %c0_i32_0 = arith.constant 0 : i32
    %c0_i32_1 = arith.constant 0 : i32
    return %c0_i32, %c0_i32_0 : i32, i32
  }
  func.func @transform_7(%arg0: i32) -> (i32, i32) {
    %c0_i32 = arith.constant 0 : i32
    %c0_i32_0 = arith.constant 0 : i32
    %c0_i32_1 = arith.constant 0 : i32
    return %c0_i32, %c0_i32_0 : i32, i32
  }
  func.func @transform_8(%arg0: i32) -> (i32, i32) {
    %c0_i32 = arith.constant 0 : i32
    %c0_i32_0 = arith.constant 0 : i32
    %c0_i32_1 = arith.constant 0 : i32
    return %c0_i32, %c0_i32_0 : i32, i32
  }
  func.func @transform_9(%arg0: i32) -> (i32, i32) {
    %c0_i32 = arith.constant 0 : i32
    %c0_i32_0 = arith.constant 0 : i32
    %c0_i32_1 = arith.constant 0 : i32
    return %c0_i32, %c0_i32_0 : i32, i32
  }
  func.func @transform_10(%arg0: i32) -> (i32, i32) {
    %c0_i32 = arith.constant 0 : i32
    %c0_i32_0 = arith.constant 0 : i32
    return %arg0, %c0_i32 : i32, i32
  }
  func.func @transform_11(%arg0: i32) -> (i32, i32) {
    %c0_i32 = arith.constant 0 : i32
    %c0_i32_0 = arith.constant 0 : i32
    return %arg0, %c0_i32 : i32, i32
  }
}

module attributes {stable_mosaic.version = 14 : i64} {
  func.func @_tc3(%arg0: i32, %arg1: memref<1000x64xf32, #tpu.memory_space<vmem>>, %arg2: memref<1000x64xf32, #tpu.memory_space<vmem>>, %arg3: memref<1000x16xf32, #tpu.memory_space<vmem>>, %arg4: memref<1000x64xf32, #tpu.memory_space<vmem>>, %arg5: memref<1000x64xf32, #tpu.memory_space<vmem>>) attributes {dimension_semantics = [#tpu.dimension_semantics<arbitrary>], iteration_bounds = array<i64: 10>, scalar_prefetch = 0 : i64, scratch_operands = 0 : i64, tpu.core_type = #tpu.core_type<tc>, window_params = [{transform_indices = @transform_0, window_bounds = array<i64: 1000, 64>}, {transform_indices = @transform_1, window_bounds = array<i64: 1000, 64>}, {transform_indices = @transform_2, window_bounds = array<i64: 1000, 16>}, {transform_indices = @transform_3, window_bounds = array<i64: 1000, 64>}, {transform_indices = @transform_4, window_bounds = array<i64: 1000, 64>}]} {
    %get3A = arith.constant 0 : index
    %get3A_0 = arith.constant 0 : index
    %get3A_1 = vector.load %arg3[%get3A, %get3A_0] : memref<1000x16xf32, #tpu.memory_space<vmem>>, vector<1000x16xf32>
    %slice3A = vector.extract_strided_slice %get3A_1 {offsets = [0, 0], sizes = [1000, 1], strides = [1, 1]} : vector<1000x16xf32> to vector<1000x1xf32>
    %max3A = arith.constant 1.000000e+00 : f32
    %max3A_2 = vector.broadcast %max3A : f32 to vector<1000x1xf32>
    %max3A_3 = arith.maximumf %slice3A, %max3A_2 : vector<1000x1xf32>
    %get3A_4 = arith.constant 0 : index
    %get3A_5 = arith.constant 0 : index
    %get3A_6 = vector.load %arg1[%get3A_4, %get3A_5] : memref<1000x64xf32, #tpu.memory_space<vmem>>, vector<1000x64xf32>
    %get3A_7 = arith.constant 0 : index
    %get3A_8 = arith.constant 0 : index
    %get3A_9 = vector.load %arg2[%get3A_7, %get3A_8] : memref<1000x64xf32, #tpu.memory_space<vmem>>, vector<1000x64xf32>
    %add3A = arith.addf %get3A_6, %get3A_9 : vector<1000x64xf32>
    %div3A = vector.broadcast %max3A_3 : vector<1000x1xf32> to vector<1000x64xf32>
    %div3A_10 = arith.divf %add3A, %div3A : vector<1000x64xf32>
    %get3A_11 = arith.constant 0 : index
    %get3A_12 = arith.constant 0 : index
    %get3A_13 = vector.load %arg4[%get3A_11, %get3A_12] : memref<1000x64xf32, #tpu.memory_space<vmem>>, vector<1000x64xf32>
    %add3A_14 = arith.addf %div3A_10, %get3A_13 : vector<1000x64xf32>
    %reduce_max3A = arith.constant dense<0xFF800000> : vector<1000xf32>
    %reduce_max3A_15 = vector.multi_reduction <maximumf>, %add3A_14, %reduce_max3A [1] : vector<1000x64xf32> to vector<1000xf32>
    %broadcast_in_dim3A = vector.shape_cast %reduce_max3A_15 : vector<1000xf32> to vector<1000x1xf32>
    %sub3A = vector.broadcast %broadcast_in_dim3A : vector<1000x1xf32> to vector<1000x64xf32>
    %sub3A_16 = arith.subf %add3A_14, %sub3A : vector<1000x64xf32>
    %exp3A = math.exp %sub3A_16 : vector<1000x64xf32>
    %reduce_sum3A = arith.constant dense<0.000000e+00> : vector<1000xf32>
    %reduce_sum3A_17 = vector.multi_reduction <add>, %exp3A, %reduce_sum3A [1] : vector<1000x64xf32> to vector<1000xf32>
    %broadcast_in_dim3A_18 = vector.shape_cast %reduce_sum3A_17 : vector<1000xf32> to vector<1000x1xf32>
    %log3A = math.log %broadcast_in_dim3A_18 : vector<1000x1xf32>
    %sub3A_19 = vector.broadcast %log3A : vector<1000x1xf32> to vector<1000x64xf32>
    %sub3A_20 = arith.subf %sub3A_16, %sub3A_19 : vector<1000x64xf32>
    %swap3A = arith.constant 0 : index
    %swap3A_21 = arith.constant 0 : index
    %swap3A_22 = vector.load %arg5[%swap3A, %swap3A_21] : memref<1000x64xf32, #tpu.memory_space<vmem>>, vector<1000x64xf32>
    tpu.vector_store %arg5[%swap3A, %swap3A_21], %sub3A_20 {strides = array<i32>} : memref<1000x64xf32, #tpu.memory_space<vmem>>, vector<1000x64xf32>,
    return
  }
  func.func @transform_0(%arg0: i32) -> (i32, i32) {
    %c0_i32 = arith.constant 0 : i32
    %c0_i32_0 = arith.constant 0 : i32
    return %arg0, %c0_i32 : i32, i32
  }
  func.func @transform_1(%arg0: i32) -> (i32, i32) {
    %add3A = arith.constant 10 : i32
    %add3A_0 = arith.addi %add3A, %arg0 : i32
    %c0_i32 = arith.constant 0 : i32
    %c0_i32_1 = arith.constant 0 : i32
    return %add3A_0, %c0_i32 : i32, i32
  }
  func.func @transform_2(%arg0: i32) -> (i32, i32) {
    %c0_i32 = arith.constant 0 : i32
    %c0_i32_0 = arith.constant 0 : i32
    return %arg0, %c0_i32 : i32, i32
  }
  func.func @transform_3(%arg0: i32) -> (i32, i32) {
    %c0_i32 = arith.constant 0 : i32
    %c0_i32_0 = arith.constant 0 : i32
    return %arg0, %c0_i32 : i32, i32
  }
  func.func @transform_4(%arg0: i32) -> (i32, i32) {
    %c0_i32 = arith.constant 0 : i32
    %c0_i32_0 = arith.constant 0 : i32
    return %arg0, %c0_i32 : i32, i32
  }
}

</mosaic_0001>

<sc_bundles>
// kernel: kernel.10.cloned.1.call-start
scs
__scs_entry_jumppad:
0x0: {  	(pc) =	sbr.rel $0x88, $3  }
0x1: {  	(tag) =	ssettag $0x0;
	lr =	simm.s32 $0x1  }
0x2: {  	[smem:$0x3F99] =	sst lr;
	_ =	strace $0xD0000000  }
0x3: {  	_ = 	snop  }
0x4: {  	_ = 	snop  }
0x5: {  	_ = 	snop  }
0x6: {  	_ = 	snop  }
0x7: {  	_ = 	snop  }
__scs_overlays_trampoline_lowered:
0x8: {  	[smem:$0x3FA8] =	sst s0  }
0x9: {  	[smem:$0x3FA9] =	sst s1  }
0xa: {  	[smem:$0x3FAA] =	sst s2  }
0xb: {  	[smem:$0x3FAB] =	sst s3  }
0xc: {  	[smem:$0x3FAC] =	sst s4  }
0xd: {  	[smem:$0x3FAD] =	sst s5  }
0xe: {  	[smem:$0x3FAE] =	sst s6  }
0xf: {  	[smem:$0x3FAF] =	sst s7  }
0x10: {  	[smem:$0x3FB0] =	sst s8  }
0x11: {  	[smem:$0x3FB1] =	sst s9;
	s0 =	simm.s32 @!p0 $0x0  }
0x12: {  	s1 =	sld [smem:$0x3F97];
	s0 =	simm.s32 @p0 $0x1  }
0x13: {  	[smem:$0x3FB2] =	sst s0;
	s0 =	simm.s32 @!p1 $0x0  }
0x14: {  	s2 =	sld [smem:$0x3F96];
	s0 =	simm.s32 @p1 $0x1  }
0x15: {  	[smem:$0x3FB3] =	sst s0;
	s0 =	simm.s32 @!p2 $0x0  }
0x16: {  	s3 =	sld [smem:$0x3FDB];
	s0 =	simm.s32 @p2 $0x1  }
0x17: {  	s4 =	simm.s32 $0x1BF5;
	[smem:$0x3FB5] =	sst s0  }
0x18: {  	s0 =	sld [smem:$0x3F98];
	_ =	swait.ge [sflag:s4], $0x0  }
0x19: {  	s7 =	sld [smem:$0x3F99]  }
0x1a: {  	s8 =	sadd.s32 $0xFFFFE003, lr  }
0x1b: {  	s9 =	sadd.s32 $0xFFFFFEF7, lr;
	s5 =	simm.s32 $0xFFFFFFFF;
	p2 =	slt.u32 s8, $0xFFFFF086  }
0x1c: {  	p1 =	slt.u32 s9, $0xF7A;
	s5 =	simm.s32 @!p2 $0x0  }
0x1d: {  	s5 =	simm.s32 @p1 $0x1;
	p0 =	seq.s32 s7, s2  }
0x1e: {  	s7 =	smul.u32 @!p0 $0xF7A, s2;
	p2 =	seq.s32 @!p0 s5, $0x0  }
0x1f: {  	s9 =	smul.u32 $0xF7A, s1;
	s8 =	simm.s32 @!p0 $0x1BF5;
	p2 =	por !p2, p0  }
0x20: {  	[sflag:s8] =	ssyncset.s32 @!p0 $0xFFFFF086;
	s6 =	sadd.s32 @!p0 s3, s7;
	s7 =	simm.s32 @!p0 $0x108  }
0x21: {  	s3 =	sadd.s32 s3, s9;
	s6 =	sadd.s32 @!p0 $0x88, s6;
	s7 =	simm.s32 @p2 $0x1082  }
0x22: {  	[simem:s7], [sflag:s8] =	dma.local @!p0 [hbm:s6], $0xF7A  }
0x23: {  	s9 =	sor.u32 $0xD0000000, s2;
	s6 =	simm.s32 $0x108;
	_ =	swait.ge @!p0 [sflag:s8], $0x0  }
0x24: {  	s3 =	sadd.s32 $0x88, s3;
	s6 =	simm.s32 @!p1 $0x1082;
	[sflag:s4] =	ssyncset.s32 $0xFFFFF086  }
0x25: {  	[simem:s6], [sflag:s4] =	dma.local [hbm:s3], $0xF7A  }
0x26: {  	[smem:$0x3F99] =	sst s1;
	(tag) =	ssettag s2;
	_ =	strace s9  }
0x27: {  	s1 =	sld [smem:$0x3FA9]  }
0x28: {  	s2 =	sld [smem:$0x3FAA]  }
0x29: {  	s4 =	sld [smem:$0x3FAC]  }
0x2a: {  	p0 =	seq.s32 s5, $0x0;
	s5 =	sld [smem:$0x3FAD]  }
0x2b: {  	s6 =	sld [smem:$0x3FAE]  }
0x2c: {  	s7 =	sld [smem:$0x3FAF]  }
0x2d: {  	s3 =	simm.s32 $0x108;
	s8 =	sld [smem:$0x3FB0]  }
0x2e: {  	s3 =	simm.s32 @!p0 $0x1082;
	s9 =	sld [smem:$0x3FB1]  }
0x2f: {  	lr =	sadd.s32 s0, s3;
	s0 =	sld [smem:$0x3FA8]  }
0x30: {  	s3 =	sld [smem:$0x3FAB]  }
0x31: {  	[smem:$0x3FB4] =	sst s10  }
0x32: {  	s10 =	sld [smem:$0x3FB2];
	_ =	sdelay $0x3  }
0x33: {  	p0 =	seq.s32 s10, $0x1;
	s10 =	sld [smem:$0x3FB4];
	_ =	sdelay $0x3  }
0x34: {  	[smem:$0x3FB4] =	sst s10  }
0x35: {  	s10 =	sld [smem:$0x3FB3];
	_ =	sdelay $0x3  }
0x36: {  	p1 =	seq.s32 s10, $0x1;
	s10 =	sld [smem:$0x3FB4];
	_ =	sdelay $0x3  }
0x37: {  	[smem:$0x3FB4] =	sst s10  }
0x38: {  	s10 =	sld [smem:$0x3FB5]  }
0x39: {  	_ = 	snop;
	(pc) =	sbr.ind lr, $3  }
0x3a: {  	_ = 	snop  }
0x3b: {  	_ = 	snop  }
0x3c: {  	p2 =	seq.s32 s10, $0x1;
	s10 =	sld [smem:$0x3FB4]  }
0x3d: {  	_ =	shalt  }
0x3e: {  	_ =	shalt  }
0x3f: {  	_ =	shalt  }
0x40: {  	_ =	shalt  }
0x41: {  	_ =	shalt  }
0x42: {  	_ =	shalt  }
0x43: {  	_ =	shalt  }
0x44: {  	_ =	shalt  }
0x45: {  	_ =	shalt  }
0x46: {  	_ =	shalt  }
0x47: {  	_ =	shalt  }
0x48: {  	_ =	shalt  }
0x49: {  	_ =	shalt  }
0x4a: {  	_ =	shalt  }
0x4b: {  	_ =	shalt  }
0x4c: {  	_ =	shalt  }
0x4d: {  	_ =	shalt  }
0x4e: {  	_ =	shalt  }
0x4f: {  	_ =	shalt  }
0x50: {  	_ =	shalt  }
0x51: {  	_ =	shalt  }
0x52: {  	_ =	shalt  }
0x53: {  	_ =	shalt  }
0x54: {  	_ =	shalt  }
0x55: {  	_ =	shalt  }
0x56: {  	_ =	shalt  }
0x57: {  	_ =	shalt  }
0x58: {  	_ =	shalt  }
0x59: {  	_ =	shalt  }
0x5a: {  	_ =	shalt  }
0x5b: {  	_ =	shalt  }
0x5c: {  	_ =	shalt  }
0x5d: {  	_ =	shalt  }
0x5e: {  	_ =	shalt  }
0x5f: {  	_ =	shalt  }
0x60: {  	_ =	shalt  }
0x61: {  	_ =	shalt  }
0x62: {  	_ =	shalt  }
0x63: {  	_ =	shalt  }
0x64: {  	_ =	shalt  }
0x65: {  	_ =	shalt  }
0x66: {  	_ =	shalt  }
0x67: {  	_ =	shalt  }
0x68: {  	_ =	shalt  }
0x69: {  	_ =	shalt  }
0x6a: {  	_ =	shalt  }
0x6b: {  	_ =	shalt  }
0x6c: {  	_ =	shalt  }
0x6d: {  	_ =	shalt  }
0x6e: {  	_ =	shalt  }
0x6f: {  	_ =	shalt  }
0x70: {  	_ =	shalt  }
0x71: {  	_ =	shalt  }
0x72: {  	_ =	shalt  }
0x73: {  	_ =	shalt  }
0x74: {  	_ =	shalt  }
0x75: {  	_ =	shalt  }
0x76: {  	_ =	shalt  }
0x77: {  	_ =	shalt  }
0x78: {  	_ =	shalt  }
0x79: {  	_ =	shalt  }
0x7a: {  	_ =	shalt  }
0x7b: {  	_ =	shalt  }
0x7c: {  	_ =	shalt  }
0x7d: {  	_ =	shalt  }
0x7e: {  	_ =	shalt  }
0x7f: {  	_ =	shalt  }
0x80: {  	_ =	shalt  }
0x81: {  	_ =	shalt  }
0x82: {  	_ =	shalt  }
0x83: {  	_ =	shalt  }
0x84: {  	_ =	shalt  }
0x85: {  	_ =	shalt  }
0x86: {  	_ =	shalt  }
0x87: {  	_ =	shalt  }
.Lfunc_end0:
.L_simem_size_0:
called_computation.1_lowered:
.L_overlay_start_0:
0x88: {  	s2 =	sld [smem:$0x3FD9]  }
0x89: {  	s3 =	sld [smem:$0x3FFE];
	_ =	sdelay $0x1  }
0x8a: {  	s1 =	srdreg.scid  }
0x8b: {  	s0 =	sand.u32 $0x1, s1  }
0x8c: {  	s17 =	sshll.u32 s0, $0xA;
	s2 =	sadd.s32 s3, s2  }
0x8d: {  	s2 =	sadd.s32 s2, s17  }
0x8e: {  	[smem:$0x3FC0] =	sst s2  }
0x8f: {  	_ = 	snop  }
0x90: {  	s2 =	sld [smem:$0x3FD0];
	(tm) =	ssettm $0x1  }
0x91: {  	s18 =	sld [smem:$0x3FFB];
	_ =	sdelay $0x3  }
0x92: {  	_ =	strace s18  }
0x93: {  	s3 =	sld [smem:$0x3FFC];
	_ =	sdelay $0x3  }
0x94: {  	_ =	strace s3  }
0x95: {  	s3 =	sld [smem:$0x3FFD];
	_ =	sdelay $0x3  }
0x96: {  	_ =	strace s3  }
0x97: {  	_ =	strace $0x8FFFFFFF  }
0x98: {  	s19 =	sld [smem:$0x3FDB];
	_ =	sdelay $0x1  }
0x99: {  	s4 =	simm.s32 $_scs_section_size  }
0x9a: {  	s5 =	simm.s32 $_size__tile_overlayer_lowered;
	s6 =	simm.s32 $_tile_overlayer_lowered  }
0x9b: {  	s22 =	simm.s32 $0x1BFF;
	s21 =	sshll.u32 s6, $0x1;
	s3 =	sadd.s32 s4, s19  }
0x9c: {  	s7 =	simm.s32 $0x0;
	s20 =	sshll.u32 s5, $0x1;
	s5 =	sadd.s32 s21, s3  }
0x9d: {  	[timem:s7], [sflag:s22] =	dma.local [hbm:s5], s20  }
0x9e: {  	_ =	swait.ge [sflag:s22], s20  }
0x9f: {  	s4 =	ssub.s32 $0x0, s20;
	[sflag:s22] =	ssyncset.done $0x0  }
0xa0: {  	[sflag:s22] =	ssyncadd.s32 s4;
	_ =	sdelay $0x1  }
0xa1: {  	s23 =	simm.s32 $0x1B8B  }
0xa2: {  	_ =	swait.ge [sflag:s23], $0x1  }
0xa3: {  	[sflag:s23] =	ssyncset.done $0x0  }
0xa4: {  	s25 =	simm.s32 $0x1B8E;
	s24 =	sld [smem:$0x3FFE];
	[sflag:s23] =	ssyncadd.s32 $0xFFFFFFFF  }
0xa5: {  	s26 =	simm.s32 $execute0_lowered;
	[smem:$0x3FD2] =	sst s25  }
0xa6: {  	s5 =	sshll.u32 s26, $0x1;
	_ =	strace $0x80000049;
	[dreg:$0x1] =	wrdreg $0xFFFFFFFF  }
0xa7: {  	s28 =	simm.s32 $_size_execute0_lowered;
	s3 =	sadd.s32 s3, s5;
	[dreg:$0x0] =	wrdreg $0x0  }
0xa8: {  	s5 =	sshll.u32 s28, $0x1;
	[dreg:$0x2] =	wrdreg s3  }
0xa9: {  	[dreg:$0x3] =	wrdreg s5  }
0xaa: {  	[dreg:$0x4] =	wrdreg $0xC0  }
0xab: {  	_ =	task [dreg:s7], $0x5FFFF  }
0xac: {  	[dreg:$0x1] =	wrdreg $0xFFFFFFFF  }
0xad: {  	[dreg:$0x0] =	wrdreg $0x60  }
0xae: {  	[dreg:$0x2] =	wrdreg s2  }
0xaf: {  	[dreg:$0x3] =	wrdreg s24  }
0xb0: {  	[dreg:$0x4] =	wrdreg $0xA5000  }
0xb1: {  	[dreg:$0x5] =	wrdreg $0x9  }
0xb2: {  	_ =	task.clear_ibuf [dreg:s7], $0x6FFFF;
	_ =	strace $0x90000049  }
0xb3: {  	s29 =	simm.s32 $0x9;
	_ =	strace $0x8000004B  }
0xb4: {  	_ =	swait.ge [sflag:s29], $0x1  }
0xb5: {  	[sflag:s29] =	ssyncadd.s32 $0xFFFFFFFF  }
0xb6: {  	_ =	strace $0x9000004B  }
0xb7: {  	_ =	sfence  }
0xb8: {  	s30 =	sld [smem:$0x0];
	_ =	sdelay $0x2  }
0xb9: {  	s31 =	sshll.u32 s1, $0xD;
	s1 =	sshrl.u32 s1, $0x2  }
0xba: {  	s3 =	sand.u32 $0x4000, s31;
	s1 =	sadd.s32 s1, s30  }
0xbb: {  	s0 =	sor.u32 s3, s0;
	s1 =	sshll.u32 s1, $0x11  }
0xbc: {  	s0 =	sor.u32 s1, s0  }
0xbd: {  	s0 =	sadd.s32 $0x8F2B, s0  }
0xbe: {  	[sflag:s0] =	ssyncadd.remote.s32 $0x1  }
0xbf: {  	_ =	sfence.sel $0xFFFF  }
0xc0: {  	[dreg:$0x0] =	wrdreg $0xFFFFFFFF;
	(pc) =	sbr.abs _section_cstart, $3  }
0xc1: {  	[dreg:$0x1] =	wrdreg $0xFFFFFFFF  }
0xc2: {  	_ =	task.clear_ibuf [dreg:s7], $0x2FFFF;
	_ =	strace $0x9FFFFFFF  }
0xc3: {  	(tm) =	ssettm $0x7FFFFFFF  }
tec
execute0_lowered:
.L_overlay_start_1:
0x0: {  	(tag) =	ssettag $0x1  }
0x1: {  	s0 =	rddreg [dreg:$0x0];
	s1 =	srdreg.scid  }
0x2: {  	s16 =	stileid.u32;
	s2 =	rddreg [dreg:$0x1]  }
0x3: {  	s3 =	rddreg [dreg:$0x2];
	s17 =	simm.s32 $0x9;
	s18 =	simm.s32 $0x1400  }
0x4: {  	s19 =	simm.s32 $0x7D;
	s21 =	simm.s32 $0x4740;
	s23 =	simm.s32 $0x6680  }
0x5: {  	s24 =	simm.s32 $0x1;
	s28 =	simm.s32 $0x2;
	s30 =	simm.s32 $0x5  }
0x6: {  	s20 =	simm.s32 $0x6;
	s31 =	simm.s32 $0x7;
	s6 =	smul.u32 $0x27000, s16  }
0x7: {  	s1 =	sand.u32 $0x1, s1;
	s4 =	sshll.u32 s16, $0x1;
	s10 =	smul.u32 $0x270, s16  }
0x8: {  	p0 =	sne.s32 s16, $0x0;
	s5 =	sor.u32 s1, s4;
	s11 =	smul.u32 $0x2710, s1  }
0x9: {  	s4 =	simm.s32 $0x0;
	s7 =	ssub.s32 $0x2, s1;
	s1 =	smul.u32 $0x9C400, s1  }
0xa: {  	s16 =	simm.s32 $0x2800;
	s5 =	smul.u32 $0x1400, s5;
	[smem:$0x7FF] =	sst s4  }
0xb: {  	s25 =	sshrl.u32 s6, $0x2;
	s26 =	sshrl.u32 s7, $0x1;
	_ =	strace $0x8000004A  }
0xc: {  	s12 =	ssub.s32 s7, s26;
	s7 =	sadd.s32 $0x9C000, s3;
	s10 =	sadd.s32 s10, s11  }
0xd: {  	s1 =	sshrl.u32 s1, $0x3;
	s26 =	simm.s32 $0x85C0;
	s5 =	sshrl.u32 s5, $0x3  }
0xe: {  	s10 =	sshll.u32 s10, $0x3;
	s12 =	smax.u32 s12, $0x1;
	s9 =	sadd.s32 s5, s2  }
0xf: {  	s2 =	sadd.s32 $0x1C00, s2;
	s5 =	sadd.s32 s25, s3;
	s25 =	simm.s32 $0x4  }
0x10: {  	s29 =	sadd.s32 $0x7D00, s5;
	s8 =	sadd.s32 $0x8AC00, s9;
	s9 =	sadd.s32 $0x8FC00, s9  }
0x11: {  	s1 =	sadd.s32 s2, s1;
	s10 =	sadd.s32 s2, s10;
	s13 =	sadd.s32 $0x1F40, s5  }
0x12: {  	s14 =	sadd.s32 $0x3E80, s5;
	s15 =	sadd.s32 $0x5DC0, s5;
	s2 =	simm.s32 $0x3  }
0x13: {  	v0 =	vimm.f32 $0.0e+00;
	[dreg:$0x4] =	wrdreg s29;
	s11 =	sadd.s32 $0x13800, s1;
	s1 =	simm.s32 $0x8  }
.LBB2_1:
0x14: {  	s29 =	simm.s32 $0x100;
	s22 =	simm.s32 $0x0  }
.LBB2_2:
0x15: {  	p1 =	sne.s32 s29, $0x7C00;
	[tilespmem:s22+$0x2830] =	vst v0;
	s6 =	smov.u32 s29;
	s29 =	sadd.s32 $0x100, s29  }
.Ltmp0:
0x16: {  	[tilespmem:s22+$0x2820] =	vst v0;
	(pc) =	sbr.rel @p1 .LBB2_2-.Ltmp0, $3  }
0x17: {  	[tilespmem:s22+$0x2800] =	vst v0  }
0x18: {  	[tilespmem:s22+$0x2810] =	vst v0;
	_ =	sdelay $0x1  }
0x19: {  	s22 =	sshra.s32 s6, $0x2  }
0x1a: {  	[tilespmem:s22+$0x2830] =	vst v0  }
0x1b: {  	[tilespmem:s22+$0x2820] =	vst v0  }
0x1c: {  	[tilespmem:s22+$0x2800] =	vst v0  }
0x1d: {  	[tilespmem:s22+$0x2810] =	vst v0  }
0x1e: {  	[spmem:s5] =	stream.linear.scatter [tilespmem:s16], [sflag:$0x9], $0x1F40, $0x38;
	[tilespmem:$0x14140] =	vst v63  }
0x1f: {  	_ =	swait.ge [sflag:s17], $0x1F40  }
0x20: {  	[sflag:s17] =	ssyncset.done $0x0  }
0x21: {  	[sflag:s17] =	ssyncadd.s32 $0xFFFFE0C0  }
0x22: {  	[spmem:s13] =	stream.linear.scatter [tilespmem:s16], [sflag:$0x9], $0x1F40, $0x38;
	[tilespmem:$0x14140] =	vst v63  }
0x23: {  	_ =	swait.ge [sflag:s17], $0x1F40  }
0x24: {  	[sflag:s17] =	ssyncset.done $0x0  }
0x25: {  	[sflag:s17] =	ssyncadd.s32 $0xFFFFE0C0  }
0x26: {  	[spmem:s14] =	stream.linear.scatter [tilespmem:s16], [sflag:$0x9], $0x1F40, $0x38;
	[tilespmem:$0x14140] =	vst v63  }
0x27: {  	_ =	swait.ge [sflag:s17], $0x1F40  }
0x28: {  	[sflag:s17] =	ssyncset.done $0x0  }
0x29: {  	[sflag:s17] =	ssyncadd.s32 $0xFFFFE0C0  }
0x2a: {  	[spmem:s15] =	stream.linear.scatter [tilespmem:s16], [sflag:$0x9], $0x1F40, $0x38;
	[tilespmem:$0x14140] =	vst v63  }
0x2b: {  	_ =	swait.ge [sflag:s17], $0x1F40  }
0x2c: {  	[sflag:s17] =	ssyncset.done $0x0  }
0x2d: {  	s6 =	rddreg [dreg:$0x4];
	[sflag:s17] =	ssyncadd.s32 $0xFFFFE0C0  }
0x2e: {  	[spmem:s6] =	stream.linear.scatter [tilespmem:s16], [sflag:$0x9], $0x1F00, $0x38;
	[tilespmem:$0x14140] =	vst v63  }
0x2f: {  	_ =	swait.ge [sflag:s17], $0x1F00  }
0x30: {  	[sflag:s17] =	ssyncset.done $0x0  }
0x31: {  	s6 =	simm.s32 @!p0 $0x2800;
	[sflag:s17] =	ssyncadd.s32 $0xFFFFE100  }
0x32: {  	[spmem:s7] =	stream.linear.scatter @!p0 [tilespmem:s6], [sflag:$0x9], $0x400, $0x38;
	[tilespmem:$0x14140] =	vst v63  }
0x33: {  	s6 =	simm.s32 @!p0 $0x9  }
0x34: {  	_ =	swait.ge @!p0 [sflag:s6], $0x400  }
0x35: {  	[sflag:s6] =	ssyncset.done @!p0 $0x0  }
0x36: {  	s22 =	simm.s32 $0x0;
	[sflag:s6] =	ssyncadd.s32 @!p0 $0xFFFFFC00  }
0x37: {  	[tilespmem:s22], [sflag:$0x9] =	stream.linear.gather [hbm4b:s8+s22], $0x1400, $0x38;
	[tilespmem:$0x14140] =	vst v63  }
0x38: {  	_ =	swait.ge [sflag:s17], $0x1400  }
0x39: {  	[sflag:s17] =	ssyncset.done $0x0  }
0x3a: {  	[sflag:s17] =	ssyncadd.s32 $0xFFFFEC00  }
0x3b: {  	[tilespmem:s18], [sflag:$0x9] =	stream.linear.gather [hbm4b:s9+s22], $0x1400, $0x38;
	[tilespmem:$0x14140] =	vst v63  }
0x3c: {  	_ =	swait.ge [sflag:s17], $0x1400  }
0x3d: {  	[sflag:s17] =	ssyncset.done $0x0  }
0x3e: {  	[sflag:s17] =	ssyncadd.s32 $0xFFFFEC00  }
0x3f: {  	[bflag:$0x0] =	sbarrier.arrive $0xFFFF  }
0x40: {  	[tilespmem:s16], [sflag:$0x1] =	stream.indirect.gather [hbm4b:s0+s19], $0x40, s22, s19, $0xb8;
	[tilespmem:$0x14140] =	vst v63  }
0x41: {  	s22 =	simm.s32 $0x80  }
0x42: {  	[tilespmem:s21], [sflag:$0x2] =	stream.indirect.gather [hbm4b:s0+s19], $0x40, s22, s19, $0xb8;
	[tilespmem:$0x14140] =	vst v63  }
0x43: {  	s22 =	simm.s32 $0x100  }
0x44: {  	[tilespmem:s23], [sflag:$0x3] =	stream.indirect.gather [hbm4b:s0+s19], $0x40, s22, s19, $0xb8;
	[tilespmem:$0x14140] =	vst v63  }
0x45: {  	_ =	swait.ge [sflag:s24], $0x1F40  }
0x46: {  	[sflag:s24] =	ssyncset.done $0x0  }
0x47: {  	[sflag:s24] =	ssyncadd.s32 $0xFFFFE0C0  }
0x48: {  	[spmem:s3] =	stream.indirect.scatter.add.f32 [tilespmem:s16], [sflag:$0x5], $0x40, s18, s19, $0xb8;
	[tilespmem:$0x14140] =	vst v63  }
0x49: {  	s22 =	simm.s32 $0x180  }
0x4a: {  	[tilespmem:s26], [sflag:$0x4] =	stream.indirect.gather [hbm4b:s0+s19], $0x40, s22, s19, $0xb8;
	[tilespmem:$0x14140] =	vst v63  }
0x4b: {  	_ =	swait.ge [sflag:s28], $0x1F40  }
0x4c: {  	[sflag:s28] =	ssyncset.done $0x0  }
0x4d: {  	s22 =	simm.s32 $0x1480;
	[sflag:s28] =	ssyncadd.s32 $0xFFFFE0C0  }
0x4e: {  	[spmem:s3] =	stream.indirect.scatter.add.f32 [tilespmem:s21], [sflag:$0x6], $0x40, s22, s19, $0xb8;
	[tilespmem:$0x14140] =	vst v63  }
0x4f: {  	_ =	swait.ge [sflag:s30], $0x1F40  }
0x50: {  	[sflag:s30] =	ssyncset.done $0x0  }
0x51: {  	s22 =	simm.s32 $0x200;
	[sflag:s30] =	ssyncadd.s32 $0xFFFFE0C0  }
0x52: {  	[tilespmem:s16], [sflag:$0x1] =	stream.indirect.gather [hbm4b:s0+s19], $0x40, s22, s19, $0xb8;
	[tilespmem:$0x14140] =	vst v63  }
0x53: {  	_ =	swait.ge [sflag:s2], $0x1F40  }
0x54: {  	[sflag:s2] =	ssyncset.done $0x0  }
0x55: {  	s22 =	simm.s32 $0x1500;
	[sflag:s2] =	ssyncadd.s32 $0xFFFFE0C0  }
0x56: {  	[spmem:s3] =	stream.indirect.scatter.add.f32 [tilespmem:s23], [sflag:$0x7], $0x40, s22, s19, $0xb8;
	[tilespmem:$0x14140] =	vst v63  }
0x57: {  	_ =	swait.ge [sflag:s20], $0x1F40  }
0x58: {  	[sflag:s20] =	ssyncset.done $0x0  }
0x59: {  	s22 =	simm.s32 $0x280;
	[sflag:s20] =	ssyncadd.s32 $0xFFFFE0C0  }
0x5a: {  	[tilespmem:s21], [sflag:$0x2] =	stream.indirect.gather [hbm4b:s0+s19], $0x40, s22, s19, $0xb8;
	[tilespmem:$0x14140] =	vst v63  }
0x5b: {  	_ =	swait.ge [sflag:s25], $0x1F40  }
0x5c: {  	[sflag:s25] =	ssyncset.done $0x0  }
0x5d: {  	s22 =	simm.s32 $0x1580;
	[sflag:s25] =	ssyncadd.s32 $0xFFFFE0C0  }
0x5e: {  	[spmem:s3] =	stream.indirect.scatter.add.f32 [tilespmem:s26], [sflag:$0x8], $0x40, s22, s19, $0xb8;
	[tilespmem:$0x14140] =	vst v63  }
0x5f: {  	_ =	swait.ge [sflag:s31], $0x1F40  }
0x60: {  	[sflag:s31] =	ssyncset.done $0x0  }
0x61: {  	s22 =	simm.s32 $0x300;
	[sflag:s31] =	ssyncadd.s32 $0xFFFFE0C0  }
0x62: {  	[tilespmem:s23], [sflag:$0x3] =	stream.indirect.gather [hbm4b:s0+s19], $0x40, s22, s19, $0xb8;
	[tilespmem:$0x14140] =	vst v63  }
0x63: {  	_ =	swait.ge [sflag:s24], $0x1F40  }
0x64: {  	[sflag:s24] =	ssyncset.done $0x0  }
0x65: {  	s22 =	simm.s32 $0x1600;
	[sflag:s24] =	ssyncadd.s32 $0xFFFFE0C0  }
0x66: {  	[spmem:s3] =	stream.indirect.scatter.add.f32 [tilespmem:s16], [sflag:$0x5], $0x40, s22, s19, $0xb8;
	[tilespmem:$0x14140] =	vst v63  }
0x67: {  	_ =	swait.ge [sflag:s1], $0x1F40  }
0x68: {  	[sflag:s1] =	ssyncset.done $0x0  }
0x69: {  	s22 =	simm.s32 $0x380;
	[sflag:s1] =	ssyncadd.s32 $0xFFFFE0C0  }
0x6a: {  	[tilespmem:s26], [sflag:$0x4] =	stream.indirect.gather [hbm4b:s0+s19], $0x40, s22, s19, $0xb8;
	[tilespmem:$0x14140] =	vst v63  }
0x6b: {  	_ =	swait.ge [sflag:s28], $0x1F40  }
0x6c: {  	[sflag:s28] =	ssyncset.done $0x0  }
0x6d: {  	s22 =	simm.s32 $0x1680;
	[sflag:s28] =	ssyncadd.s32 $0xFFFFE0C0  }
0x6e: {  	[spmem:s3] =	stream.indirect.scatter.add.f32 [tilespmem:s21], [sflag:$0x6], $0x40, s22, s19, $0xb8;
	[tilespmem:$0x14140] =	vst v63  }
0x6f: {  	_ =	swait.ge [sflag:s30], $0x1F40  }
0x70: {  	[sflag:s30] =	ssyncset.done $0x0  }
0x71: {  	s22 =	simm.s32 $0x400;
	[sflag:s30] =	ssyncadd.s32 $0xFFFFE0C0  }
0x72: {  	[tilespmem:s16], [sflag:$0x1] =	stream.indirect.gather [hbm4b:s0+s19], $0x40, s22, s19, $0xb8;
	[tilespmem:$0x14140] =	vst v63  }
0x73: {  	_ =	swait.ge [sflag:s2], $0x1F40  }
0x74: {  	[sflag:s2] =	ssyncset.done $0x0  }
0x75: {  	s22 =	simm.s32 $0x1700;
	[sflag:s2] =	ssyncadd.s32 $0xFFFFE0C0  }
0x76: {  	[spmem:s3] =	stream.indirect.scatter.add.f32 [tilespmem:s23], [sflag:$0x7], $0x40, s22, s19, $0xb8;
	[tilespmem:$0x14140] =	vst v63  }
0x77: {  	_ =	swait.ge [sflag:s20], $0x1F40  }
0x78: {  	[sflag:s20] =	ssyncset.done $0x0  }
0x79: {  	s22 =	simm.s32 $0x480;
	[sflag:s20] =	ssyncadd.s32 $0xFFFFE0C0  }
0x7a: {  	[tilespmem:s21], [sflag:$0x2] =	stream.indirect.gather [hbm4b:s0+s19], $0x40, s22, s19, $0xb8;
	[tilespmem:$0x14140] =	vst v63  }
0x7b: {  	_ =	swait.ge [sflag:s25], $0x1F40  }
0x7c: {  	[sflag:s25] =	ssyncset.done $0x0  }
0x7d: {  	s29 =	simm.s32 $0x1780;
	s22 =	simm.s32 $0x800;
	[sflag:s25] =	ssyncadd.s32 $0xFFFFE0C0  }
.LBB2_4:
0x7e: {  	[spmem:s3] =	stream.indirect.scatter.add.f32 [tilespmem:s26], [sflag:$0x8], $0x40, s29, s19, $0xb8;
	[tilespmem:$0x14140] =	vst v63  }
0x7f: {  	s6 =	smov.u32 s22  }
0x80: {  	p1 =	sne.s32 s22, $0x3800;
	s22 =	sadd.s32 $0x800, s22;
	_ =	swait.ge [sflag:s31], $0x1F40  }
0x81: {  	s29 =	sshra.s32 s6, $0x2;
	[sflag:s31] =	ssyncset.done $0x0  }
0x82: {  	s6 =	sadd.s32 $0x300, s29;
	[sflag:s31] =	ssyncadd.s32 $0xFFFFE0C0  }
0x83: {  	[tilespmem:s23], [sflag:$0x3] =	stream.indirect.gather [hbm4b:s0+s19], $0x40, s6, s19, $0xb8;
	[tilespmem:$0x14140] =	vst v63  }
0x84: {  	_ =	swait.ge [sflag:s24], $0x1F40  }
0x85: {  	[sflag:s24] =	ssyncset.done $0x0  }
0x86: {  	s6 =	sadd.s32 $0x1600, s29;
	[sflag:s24] =	ssyncadd.s32 $0xFFFFE0C0  }
0x87: {  	[spmem:s3] =	stream.indirect.scatter.add.f32 [tilespmem:s16], [sflag:$0x5], $0x40, s6, s19, $0xb8;
	[tilespmem:$0x14140] =	vst v63  }
0x88: {  	_ =	swait.ge [sflag:s1], $0x1F40  }
0x89: {  	[sflag:s1] =	ssyncset.done $0x0  }
0x8a: {  	s6 =	sadd.s32 $0x380, s29;
	[sflag:s1] =	ssyncadd.s32 $0xFFFFE0C0  }
0x8b: {  	[tilespmem:s26], [sflag:$0x4] =	stream.indirect.gather [hbm4b:s0+s19], $0x40, s6, s19, $0xb8;
	[tilespmem:$0x14140] =	vst v63  }
0x8c: {  	_ =	swait.ge [sflag:s28], $0x1F40  }
0x8d: {  	[sflag:s28] =	ssyncset.done $0x0  }
0x8e: {  	s6 =	sadd.s32 $0x1680, s29;
	[sflag:s28] =	ssyncadd.s32 $0xFFFFE0C0  }
0x8f: {  	[spmem:s3] =	stream.indirect.scatter.add.f32 [tilespmem:s21], [sflag:$0x6], $0x40, s6, s19, $0xb8;
	[tilespmem:$0x14140] =	vst v63  }
0x90: {  	_ =	swait.ge [sflag:s30], $0x1F40  }
0x91: {  	[sflag:s30] =	ssyncset.done $0x0  }
0x92: {  	s6 =	sadd.s32 $0x400, s29;
	[sflag:s30] =	ssyncadd.s32 $0xFFFFE0C0  }
0x93: {  	[tilespmem:s16], [sflag:$0x1] =	stream.indirect.gather [hbm4b:s0+s19], $0x40, s6, s19, $0xb8;
	[tilespmem:$0x14140] =	vst v63  }
0x94: {  	_ =	swait.ge [sflag:s2], $0x1F40  }
0x95: {  	[sflag:s2] =	ssyncset.done $0x0  }
0x96: {  	s6 =	sadd.s32 $0x1700, s29;
	[sflag:s2] =	ssyncadd.s32 $0xFFFFE0C0  }
0x97: {  	[spmem:s3] =	stream.indirect.scatter.add.f32 [tilespmem:s23], [sflag:$0x7], $0x40, s6, s19, $0xb8;
	[tilespmem:$0x14140] =	vst v63  }
0x98: {  	_ =	swait.ge [sflag:s20], $0x1F40  }
0x99: {  	[sflag:s20] =	ssyncset.done $0x0  }
.Ltmp1:
0x9a: {  	s6 =	sadd.s32 $0x480, s29;
	[sflag:s20] =	ssyncadd.s32 $0xFFFFE0C0;
	(pc) =	sbr.rel @p1 .LBB2_4-.Ltmp1, $4  }
0x9b: {  	[tilespmem:s21], [sflag:$0x2] =	stream.indirect.gather [hbm4b:s0+s19], $0x40, s6, s19, $0xb8;
	[tilespmem:$0x14140] =	vst v63  }
0x9c: {  	_ =	swait.ge [sflag:s25], $0x1F40  }
0x9d: {  	[sflag:s25] =	ssyncset.done $0x0  }
0x9e: {  	s29 =	sadd.s32 $0x1780, s29;
	[sflag:s25] =	ssyncadd.s32 $0xFFFFE0C0  }
0x9f: {  	[spmem:s3] =	stream.indirect.scatter.add.f32 [tilespmem:s26], [sflag:$0x8], $0x40, s29, s19, $0xb8;
	[tilespmem:$0x14140] =	vst v63  }
0xa0: {  	_ =	swait.ge [sflag:s31], $0x1F40  }
0xa1: {  	[sflag:s31] =	ssyncset.done $0x0  }
0xa2: {  	s6 =	simm.s32 $0x1300;
	[sflag:s31] =	ssyncadd.s32 $0xFFFFE0C0  }
0xa3: {  	[tilespmem:s23], [sflag:$0x3] =	stream.indirect.gather [hbm4b:s0+s19], $0x40, s6, s19, $0xb8;
	[tilespmem:$0x14140] =	vst v63  }
0xa4: {  	_ =	swait.ge [sflag:s24], $0x1F40  }
0xa5: {  	[sflag:s24] =	ssyncset.done $0x0  }
0xa6: {  	s22 =	simm.s32 $0x2600;
	[sflag:s24] =	ssyncadd.s32 $0xFFFFE0C0  }
0xa7: {  	[spmem:s3] =	stream.indirect.scatter.add.f32 [tilespmem:s16], [sflag:$0x5], $0x40, s22, s19, $0xb8;
	[tilespmem:$0x14140] =	vst v63  }
0xa8: {  	_ =	swait.ge [sflag:s1], $0x1F40  }
0xa9: {  	[sflag:s1] =	ssyncset.done $0x0  }
0xaa: {  	s29 =	simm.s32 $0x1380;
	[sflag:s1] =	ssyncadd.s32 $0xFFFFE0C0  }
0xab: {  	[tilespmem:s26], [sflag:$0x4] =	stream.indirect.gather [hbm4b:s0+s19], $0x40, s29, s19, $0xb8;
	[tilespmem:$0x14140] =	vst v63  }
0xac: {  	_ =	swait.ge [sflag:s28], $0x1F40  }
0xad: {  	[sflag:s28] =	ssyncset.done $0x0  }
0xae: {  	s22 =	simm.s32 $0x2680;
	[sflag:s28] =	ssyncadd.s32 $0xFFFFE0C0  }
0xaf: {  	[spmem:s3] =	stream.indirect.scatter.add.f32 [tilespmem:s21], [sflag:$0x6], $0x40, s22, s19, $0xb8;
	[tilespmem:$0x14140] =	vst v63  }
0xb0: {  	_ =	swait.ge [sflag:s2], $0x1F40  }
0xb1: {  	[sflag:s2] =	ssyncset.done $0x0  }
0xb2: {  	s29 =	simm.s32 $0x2700;
	[sflag:s2] =	ssyncadd.s32 $0xFFFFE0C0  }
0xb3: {  	[spmem:s3] =	stream.indirect.scatter.add.f32 [tilespmem:s23], [sflag:$0x7], $0x40, s29, s19, $0xb8;
	[tilespmem:$0x14140] =	vst v63  }
0xb4: {  	_ =	swait.ge [sflag:s25], $0x1F40  }
0xb5: {  	[sflag:s25] =	ssyncset.done $0x0  }
0xb6: {  	s22 =	simm.s32 $0x2780;
	[sflag:s25] =	ssyncadd.s32 $0xFFFFE0C0  }
0xb7: {  	[spmem:s3] =	stream.indirect.scatter.add.f32 [tilespmem:s26], [sflag:$0x8], $0x40, s22, s19, $0xb8;
	[tilespmem:$0x14140] =	vst v63  }
0xb8: {  	_ =	swait.ge [sflag:s30], $0x1F40  }
0xb9: {  	[sflag:s30] =	ssyncset.done $0x0  }
0xba: {  	[sflag:s30] =	ssyncadd.s32 $0xFFFFE0C0  }
0xbb: {  	_ =	swait.ge [sflag:s20], $0x1F40  }
0xbc: {  	[sflag:s20] =	ssyncset.done $0x0  }
0xbd: {  	[sflag:s20] =	ssyncadd.s32 $0xFFFFE0C0  }
0xbe: {  	_ =	swait.ge [sflag:s31], $0x1F40  }
0xbf: {  	[sflag:s31] =	ssyncset.done $0x0  }
0xc0: {  	[sflag:s31] =	ssyncadd.s32 $0xFFFFE0C0  }
0xc1: {  	_ =	swait.ge [sflag:s1], $0x1F40  }
0xc2: {  	s29 =	stileid.u32;
	[sflag:s1] =	ssyncset.done $0x0  }
0xc3: {  	s6 =	sshll.u32 s29, $0x6;
	[sflag:s1] =	ssyncadd.s32 $0xFFFFE0C0  }
0xc4: {  	s6 =	sor.u32 $0x1C09, s6;
	s22 =	sshrl.u32 s5, $0x3;
	[bflag:$0x0] =	sbarrier.arrive $0xFFFF  }
0xc5: {  	[hbm:s10], [sflag:s6] =	dma.local [spmem:s22], $0x1380  }
0xc6: {  	_ =	swait.ge [sflag:s17], $0x1380  }
0xc7: {  	s4 =	sadd.s32 $0x1, s4;
	[sflag:s17] =	ssyncset.done $0x0  }
0xc8: {  	p1 =	sne.s32 s4, s12;
	s22 =	sshrl.u32 @!p0 s7, $0x3;
	[sflag:s17] =	ssyncadd.s32 $0xFFFFEC80  }
0xc9: {  	[hbm:s11], [sflag:s6] =	dma.local @!p0 [spmem:s22], $0x80  }
.Ltmp2:
0xca: {  	_ = 	snop;
	(pc) =	sbr.rel @p1 .LBB2_1-.Ltmp2, $4  }
0xcb: {  	s6 =	simm.s32 @!p0 $0x9  }
0xcc: {  	_ =	swait.ge @!p0 [sflag:s6], $0x80  }
0xcd: {  	[sflag:s6] =	ssyncset.done @!p0 $0x0  }
0xce: {  	[sflag:s6] =	ssyncadd.s32 @!p0 $0xFFFFFF80  }
0xcf: {  	_ =	sfence.sel $0x180000  }
0xd0: {  	[bflag:$0x0] =	sbarrier.arrive $0xFFFF  }
0xd1: {  	_ =	strace $0x9000004A  }
0xd2: {  	[bflag:$0x2] =	sbarrier.arrive $0xFFFF  }
0xd3: {  	s0 =	rddreg [dreg:$0x3]  }
0xd4: {  	s0 =	sadd.s32 @!p0 $0x100000, s0  }
0xd5: {  	[sflag:s0] =	ssyncadd.tile.s32 @!p0 $0x1;
	_ =	shalt  }
.Lfunc_end2:
_tile_overlayer_lowered:
.L_overlay_start_2:
0xd6: {  	(tag) =	ssettag $0x2  }
0xd7: {  	s0 =	rddreg [dreg:$0x0];
	s2 =	stileid.u32  }
0xd8: {  	s1 =	rddreg [dreg:$0x1];
	p0 =	sne.s32 s2, $0x0  }
0xd9: {  	s3 =	rddreg [dreg:$0x2];
	[bflag:$0x3] =	sbarrier.arrive $0xFFFF;
	s2 =	simm.s32 @!p0 $0x1C09  }
0xda: {  	[timem:s3], [sflag:s2] =	dma.local @!p0 [hbm:s0], s1  }
0xdb: {  	s0 =	simm.s32 @!p0 $0x9  }
0xdc: {  	_ =	swait.ge @!p0 [sflag:s0], s1  }
0xdd: {  	s1 =	ssub.s32 @!p0 $0x0, s1;
	[sflag:s0] =	ssyncset.done @!p0 $0x0  }
0xde: {  	[sflag:s0] =	ssyncadd.s32 @!p0 s1  }
0xdf: {  	[bflag:$0x3] =	sbarrier.arrive $0xFFFF  }
0xe0: {  	_ =	shalt  }

// kernel: kernel.7.cloned.1.call-start
scs
__scs_entry_jumppad:
0x0: {  	(pc) =	sbr.rel $0x88, $3  }
0x1: {  	(tag) =	ssettag $0x0;
	lr =	simm.s32 $0x1  }
0x2: {  	[smem:$0x3F99] =	sst lr;
	_ =	strace $0xD0000000  }
0x3: {  	_ = 	snop  }
0x4: {  	_ = 	snop  }
0x5: {  	_ = 	snop  }
0x6: {  	_ = 	snop  }
0x7: {  	_ = 	snop  }
__scs_overlays_trampoline_lowered:
0x8: {  	[smem:$0x3FA8] =	sst s0  }
0x9: {  	[smem:$0x3FA9] =	sst s1  }
0xa: {  	[smem:$0x3FAA] =	sst s2  }
0xb: {  	[smem:$0x3FAB] =	sst s3  }
0xc: {  	[smem:$0x3FAC] =	sst s4  }
0xd: {  	[smem:$0x3FAD] =	sst s5  }
0xe: {  	[smem:$0x3FAE] =	sst s6  }
0xf: {  	[smem:$0x3FAF] =	sst s7  }
0x10: {  	[smem:$0x3FB0] =	sst s8  }
0x11: {  	[smem:$0x3FB1] =	sst s9;
	s0 =	simm.s32 @!p0 $0x0  }
0x12: {  	s1 =	sld [smem:$0x3F97];
	s0 =	simm.s32 @p0 $0x1  }
0x13: {  	[smem:$0x3FB2] =	sst s0;
	s0 =	simm.s32 @!p1 $0x0  }
0x14: {  	s2 =	sld [smem:$0x3F96];
	s0 =	simm.s32 @p1 $0x1  }
0x15: {  	[smem:$0x3FB3] =	sst s0;
	s0 =	simm.s32 @!p2 $0x0  }
0x16: {  	s3 =	sld [smem:$0x3FDB];
	s0 =	simm.s32 @p2 $0x1  }
0x17: {  	s4 =	simm.s32 $0x1BF5;
	[smem:$0x3FB5] =	sst s0  }
0x18: {  	s0 =	sld [smem:$0x3F98];
	_ =	swait.ge [sflag:s4], $0x0  }
0x19: {  	s7 =	sld [smem:$0x3F99]  }
0x1a: {  	s8 =	sadd.s32 $0xFFFFE003, lr  }
0x1b: {  	s9 =	sadd.s32 $0xFFFFFEF7, lr;
	s5 =	simm.s32 $0xFFFFFFFF;
	p2 =	slt.u32 s8, $0xFFFFF086  }
0x1c: {  	p1 =	slt.u32 s9, $0xF7A;
	s5 =	simm.s32 @!p2 $0x0  }
0x1d: {  	s5 =	simm.s32 @p1 $0x1;
	p0 =	seq.s32 s7, s2  }
0x1e: {  	s7 =	smul.u32 @!p0 $0xF7A, s2;
	p2 =	seq.s32 @!p0 s5, $0x0  }
0x1f: {  	s9 =	smul.u32 $0xF7A, s1;
	s8 =	simm.s32 @!p0 $0x1BF5;
	p2 =	por !p2, p0  }
0x20: {  	[sflag:s8] =	ssyncset.s32 @!p0 $0xFFFFF086;
	s6 =	sadd.s32 @!p0 s3, s7;
	s7 =	simm.s32 @!p0 $0x108  }
0x21: {  	s3 =	sadd.s32 s3, s9;
	s6 =	sadd.s32 @!p0 $0x88, s6;
	s7 =	simm.s32 @p2 $0x1082  }
0x22: {  	[simem:s7], [sflag:s8] =	dma.local @!p0 [hbm:s6], $0xF7A  }
0x23: {  	s9 =	sor.u32 $0xD0000000, s2;
	s6 =	simm.s32 $0x108;
	_ =	swait.ge @!p0 [sflag:s8], $0x0  }
0x24: {  	s3 =	sadd.s32 $0x88, s3;
	s6 =	simm.s32 @!p1 $0x1082;
	[sflag:s4] =	ssyncset.s32 $0xFFFFF086  }
0x25: {  	[simem:s6], [sflag:s4] =	dma.local [hbm:s3], $0xF7A  }
0x26: {  	[smem:$0x3F99] =	sst s1;
	(tag) =	ssettag s2;
	_ =	strace s9  }
0x27: {  	s1 =	sld [smem:$0x3FA9]  }
0x28: {  	s2 =	sld [smem:$0x3FAA]  }
0x29: {  	s4 =	sld [smem:$0x3FAC]  }
0x2a: {  	p0 =	seq.s32 s5, $0x0;
	s5 =	sld [smem:$0x3FAD]  }
0x2b: {  	s6 =	sld [smem:$0x3FAE]  }
0x2c: {  	s7 =	sld [smem:$0x3FAF]  }
0x2d: {  	s3 =	simm.s32 $0x108;
	s8 =	sld [smem:$0x3FB0]  }
0x2e: {  	s3 =	simm.s32 @!p0 $0x1082;
	s9 =	sld [smem:$0x3FB1]  }
0x2f: {  	lr =	sadd.s32 s0, s3;
	s0 =	sld [smem:$0x3FA8]  }
0x30: {  	s3 =	sld [smem:$0x3FAB]  }
0x31: {  	[smem:$0x3FB4] =	sst s10  }
0x32: {  	s10 =	sld [smem:$0x3FB2];
	_ =	sdelay $0x3  }
0x33: {  	p0 =	seq.s32 s10, $0x1;
	s10 =	sld [smem:$0x3FB4];
	_ =	sdelay $0x3  }
0x34: {  	[smem:$0x3FB4] =	sst s10  }
0x35: {  	s10 =	sld [smem:$0x3FB3];
	_ =	sdelay $0x3  }
0x36: {  	p1 =	seq.s32 s10, $0x1;
	s10 =	sld [smem:$0x3FB4];
	_ =	sdelay $0x3  }
0x37: {  	[smem:$0x3FB4] =	sst s10  }
0x38: {  	s10 =	sld [smem:$0x3FB5]  }
0x39: {  	_ = 	snop;
	(pc) =	sbr.ind lr, $3  }
0x3a: {  	_ = 	snop  }
0x3b: {  	_ = 	snop  }
0x3c: {  	p2 =	seq.s32 s10, $0x1;
	s10 =	sld [smem:$0x3FB4]  }
0x3d: {  	_ =	shalt  }
0x3e: {  	_ =	shalt  }
0x3f: {  	_ =	shalt  }
0x40: {  	_ =	shalt  }
0x41: {  	_ =	shalt  }
0x42: {  	_ =	shalt  }
0x43: {  	_ =	shalt  }
0x44: {  	_ =	shalt  }
0x45: {  	_ =	shalt  }
0x46: {  	_ =	shalt  }
0x47: {  	_ =	shalt  }
0x48: {  	_ =	shalt  }
0x49: {  	_ =	shalt  }
0x4a: {  	_ =	shalt  }
0x4b: {  	_ =	shalt  }
0x4c: {  	_ =	shalt  }
0x4d: {  	_ =	shalt  }
0x4e: {  	_ =	shalt  }
0x4f: {  	_ =	shalt  }
0x50: {  	_ =	shalt  }
0x51: {  	_ =	shalt  }
0x52: {  	_ =	shalt  }
0x53: {  	_ =	shalt  }
0x54: {  	_ =	shalt  }
0x55: {  	_ =	shalt  }
0x56: {  	_ =	shalt  }
0x57: {  	_ =	shalt  }
0x58: {  	_ =	shalt  }
0x59: {  	_ =	shalt  }
0x5a: {  	_ =	shalt  }
0x5b: {  	_ =	shalt  }
0x5c: {  	_ =	shalt  }
0x5d: {  	_ =	shalt  }
0x5e: {  	_ =	shalt  }
0x5f: {  	_ =	shalt  }
0x60: {  	_ =	shalt  }
0x61: {  	_ =	shalt  }
0x62: {  	_ =	shalt  }
0x63: {  	_ =	shalt  }
0x64: {  	_ =	shalt  }
0x65: {  	_ =	shalt  }
0x66: {  	_ =	shalt  }
0x67: {  	_ =	shalt  }
0x68: {  	_ =	shalt  }
0x69: {  	_ =	shalt  }
0x6a: {  	_ =	shalt  }
0x6b: {  	_ =	shalt  }
0x6c: {  	_ =	shalt  }
0x6d: {  	_ =	shalt  }
0x6e: {  	_ =	shalt  }
0x6f: {  	_ =	shalt  }
0x70: {  	_ =	shalt  }
0x71: {  	_ =	shalt  }
0x72: {  	_ =	shalt  }
0x73: {  	_ =	shalt  }
0x74: {  	_ =	shalt  }
0x75: {  	_ =	shalt  }
0x76: {  	_ =	shalt  }
0x77: {  	_ =	shalt  }
0x78: {  	_ =	shalt  }
0x79: {  	_ =	shalt  }
0x7a: {  	_ =	shalt  }
0x7b: {  	_ =	shalt  }
0x7c: {  	_ =	shalt  }
0x7d: {  	_ =	shalt  }
0x7e: {  	_ =	shalt  }
0x7f: {  	_ =	shalt  }
0x80: {  	_ =	shalt  }
0x81: {  	_ =	shalt  }
0x82: {  	_ =	shalt  }
0x83: {  	_ =	shalt  }
0x84: {  	_ =	shalt  }
0x85: {  	_ =	shalt  }
0x86: {  	_ =	shalt  }
0x87: {  	_ =	shalt  }
.Lfunc_end0:
.L_simem_size_0:
called_computation_lowered:
.L_overlay_start_0:
0x88: {  	s2 =	sld [smem:$0x3FD9]  }
0x89: {  	s3 =	sld [smem:$0x3FFE];
	_ =	sdelay $0x1  }
0x8a: {  	s1 =	srdreg.scid  }
0x8b: {  	s0 =	sand.u32 $0x1, s1  }
0x8c: {  	s17 =	sshll.u32 s0, $0xA;
	s2 =	sadd.s32 s3, s2  }
0x8d: {  	s2 =	sadd.s32 s2, s17  }
0x8e: {  	[smem:$0x3FC0] =	sst s2  }
0x8f: {  	_ = 	snop  }
0x90: {  	s2 =	sld [smem:$0x3FD0];
	(tm) =	ssettm $0x1  }
0x91: {  	s18 =	sld [smem:$0x3FFB];
	_ =	sdelay $0x3  }
0x92: {  	_ =	strace s18  }
0x93: {  	s3 =	sld [smem:$0x3FFC];
	_ =	sdelay $0x3  }
0x94: {  	_ =	strace s3  }
0x95: {  	s3 =	sld [smem:$0x3FFD];
	_ =	sdelay $0x3  }
0x96: {  	_ =	strace s3  }
0x97: {  	_ =	strace $0x8FFFFFFF  }
0x98: {  	s19 =	sld [smem:$0x3FDB];
	_ =	sdelay $0x1  }
0x99: {  	s4 =	simm.s32 $_scs_section_size  }
0x9a: {  	s5 =	simm.s32 $_size__tile_overlayer_lowered;
	s6 =	simm.s32 $_tile_overlayer_lowered  }
0x9b: {  	s22 =	simm.s32 $0x1BFF;
	s21 =	sshll.u32 s6, $0x1;
	s3 =	sadd.s32 s4, s19  }
0x9c: {  	s7 =	simm.s32 $0x0;
	s20 =	sshll.u32 s5, $0x1;
	s5 =	sadd.s32 s21, s3  }
0x9d: {  	[timem:s7], [sflag:s22] =	dma.local [hbm:s5], s20  }
0x9e: {  	_ =	swait.ge [sflag:s22], s20  }
0x9f: {  	s4 =	ssub.s32 $0x0, s20;
	[sflag:s22] =	ssyncset.done $0x0  }
0xa0: {  	[sflag:s22] =	ssyncadd.s32 s4;
	_ =	sdelay $0x1  }
0xa1: {  	s23 =	simm.s32 $0x1B8B  }
0xa2: {  	_ =	swait.ge [sflag:s23], $0x1  }
0xa3: {  	[sflag:s23] =	ssyncset.done $0x0  }
0xa4: {  	s25 =	simm.s32 $0x1B8E;
	s24 =	sld [smem:$0x3FFE];
	[sflag:s23] =	ssyncadd.s32 $0xFFFFFFFF  }
0xa5: {  	s26 =	simm.s32 $execute0_lowered;
	[smem:$0x3FD2] =	sst s25  }
0xa6: {  	s5 =	sshll.u32 s26, $0x1;
	_ =	strace $0x80000046;
	[dreg:$0x1] =	wrdreg $0xFFFFFFFF  }
0xa7: {  	s28 =	simm.s32 $_size_execute0_lowered;
	s3 =	sadd.s32 s3, s5;
	[dreg:$0x0] =	wrdreg $0x0  }
0xa8: {  	s5 =	sshll.u32 s28, $0x1;
	[dreg:$0x2] =	wrdreg s3  }
0xa9: {  	[dreg:$0x3] =	wrdreg s5  }
0xaa: {  	[dreg:$0x4] =	wrdreg $0xC0  }
0xab: {  	_ =	task [dreg:s7], $0x5FFFF  }
0xac: {  	[dreg:$0x1] =	wrdreg $0xFFFFFFFF  }
0xad: {  	[dreg:$0x0] =	wrdreg $0x60  }
0xae: {  	[dreg:$0x2] =	wrdreg s2  }
0xaf: {  	[dreg:$0x3] =	wrdreg s24  }
0xb0: {  	[dreg:$0x4] =	wrdreg $0x178E00  }
0xb1: {  	[dreg:$0x5] =	wrdreg $0xDCA00  }
0xb2: {  	[dreg:$0x6] =	wrdreg $0x9  }
0xb3: {  	_ =	task.clear_ibuf [dreg:s7], $0x7FFFF;
	_ =	strace $0x90000046  }
0xb4: {  	s29 =	simm.s32 $0x9;
	_ =	strace $0x80000048  }
0xb5: {  	_ =	swait.ge [sflag:s29], $0x1  }
0xb6: {  	[sflag:s29] =	ssyncadd.s32 $0xFFFFFFFF  }
0xb7: {  	_ =	strace $0x90000048  }
0xb8: {  	_ =	sfence  }
0xb9: {  	s30 =	sld [smem:$0x0];
	_ =	sdelay $0x2  }
0xba: {  	s31 =	sshll.u32 s1, $0xD;
	s1 =	sshrl.u32 s1, $0x2  }
0xbb: {  	s3 =	sand.u32 $0x4000, s31;
	s1 =	sadd.s32 s1, s30  }
0xbc: {  	s0 =	sor.u32 s3, s0;
	s1 =	sshll.u32 s1, $0x11  }
0xbd: {  	s0 =	sor.u32 s1, s0  }
0xbe: {  	s0 =	sadd.s32 $0x8F2B, s0  }
0xbf: {  	[sflag:s0] =	ssyncadd.remote.s32 $0x1  }
0xc0: {  	_ =	sfence.sel $0xFFFF  }
0xc1: {  	[dreg:$0x0] =	wrdreg $0xFFFFFFFF;
	(pc) =	sbr.abs _section_cstart, $3  }
0xc2: {  	[dreg:$0x1] =	wrdreg $0xFFFFFFFF  }
0xc3: {  	_ =	task.clear_ibuf [dreg:s7], $0x2FFFF;
	_ =	strace $0x9FFFFFFF  }
0xc4: {  	(tm) =	ssettm $0x7FFFFFFF  }
0xc5: {  	_ =	shalt  }
tec
execute0_lowered:
.L_overlay_start_1:
0x0: {  	(tag) =	ssettag $0x1  }
0x1: {  	s1 =	rddreg [dreg:$0x0]  }
0x2: {  	s0 =	rddreg [dreg:$0x1]  }
0x3: {  	s2 =	rddreg [dreg:$0x2]  }
0x4: {  	s3 =	rddreg [dreg:$0x3];
	s29 =	stileid.u32  }
0x5: {  	s4 =	simm.s32 $0x0;
	s11 =	srdreg.scid;
	s5 =	smul.u32 $0x2800, s29  }
0x6: {  	[smem:$0x7FF] =	sst s4;
	s6 =	sadd.s32 $0x4FE00, s0;
	s9 =	smul.u32 $0x9C00, s29  }
0x7: {  	s7 =	sadd.s32 $0x63800, s0;
	s10 =	smul.u32 $0x2700, s29;
	s8 =	sadd.s32 $0x77200, s0  }
0x8: {  	s11 =	sand.u32 $0x1, s11;
	s17 =	smul.u32 $0x27000, s29;
	s22 =	sadd.s32 $0xD4500, s0  }
0x9: {  	s24 =	sadd.s32 $0xE7D80, s0;
	_ =	strace $0x80000047;
	[dreg:$0x9] =	wrdreg s22  }
0xa: {  	s28 =	sadd.s32 $0xAD400, s0;
	s18 =	ssub.s32 $0x2, s11;
	[dreg:$0xb] =	wrdreg s24  }
0xb: {  	p0 =	sne.s32 s11, $0x0;
	[dreg:$0xe] =	wrdreg s28;
	s5 =	sshrl.u32 s5, $0x3  }
0xc: {  	s12 =	sshrl.u32 s9, $0x3;
	s13 =	sshrl.u32 s10, $0x3;
	s15 =	sshrl.u32 s18, $0x1  }
0xd: {  	s16 =	sshrl.u32 s9, $0x2;
	s26 =	sadd.s32 s9, s3;
	s5 =	sadd.s32 s5, s0  }
0xe: {  	s14 =	sadd.s32 s12, s0;
	s15 =	ssub.s32 s18, s15;
	s18 =	sadd.s32 s16, s2  }
0xf: {  	s16 =	sor.u32 s29, s11;
	[dreg:$0xd] =	wrdreg s26;
	s11 =	sadd.s32 $0xC0C80, s0  }
0x10: {  	s13 =	sadd.s32 s13, s0;
	s0 =	sadd.s32 $0x99A00, s0;
	[dreg:$0x10] =	wrdreg s11  }
0x11: {  	s20 =	sshrl.u32 s17, $0x2;
	[dreg:$0x12] =	wrdreg s0  }
0x12: {  	s12 =	sadd.s32 s20, s3;
	[dreg:$0x5] =	wrdreg s18  }
0x13: {  	s19 =	sadd.s32 $0x8AC00, s5;
	[dreg:$0x1e] =	wrdreg s12  }
0x14: {  	s31 =	simm.s32 $0x8E80;
	s5 =	sadd.s32 $0x8FC00, s5;
	[dreg:$0x6] =	wrdreg s19  }
0x15: {  	p1 =	sne.s32 s29, $0x0;
	s21 =	sadd.s32 $0xC0D00, s14;
	[dreg:$0x7] =	wrdreg s5  }
0x16: {  	s30 =	sadd.s32 $0x9C000, s3;
	s23 =	sadd.s32 $0xD4580, s14;
	[dreg:$0x8] =	wrdreg s21  }
0x17: {  	s25 =	sadd.s32 $0x99C00, s14;
	s9 =	sadd.s32 $0xAD480, s14;
	[dreg:$0xa] =	wrdreg s23  }
0x18: {  	p2 =	sne.s32 s16, $0x0;
	s14 =	sadd.s32 $0x94C00, s13;
	[dreg:$0xc] =	wrdreg s25  }
0x19: {  	s16 =	sadd.s32 s10, s2;
	s17 =	smax.u32 s15, $0x1;
	[dreg:$0xf] =	wrdreg s9  }
0x1a: {  	s20 =	sadd.s32 $0x1F40, s18;
	s22 =	sadd.s32 $0x7D0, s18;
	[dreg:$0x11] =	wrdreg s14  }
0x1b: {  	s24 =	sadd.s32 $0x1770, s18;
	s26 =	sadd.s32 $0x3E80, s12;
	[dreg:$0x13] =	wrdreg s17  }
0x1c: {  	s28 =	sadd.s32 $0x5DC0, s12;
	s0 =	simm.s32 $0x1;
	[dreg:$0x15] =	wrdreg s20  }
0x1d: {  	s13 =	simm.s32 $0xCD00;
	s10 =	simm.s32 $0xADC0;
	[dreg:$0x18] =	wrdreg s22  }
0x1e: {  	s11 =	simm.s32 $0x2;
	s19 =	sshrl.u32 s16, $0x3;
	[dreg:$0x1a] =	wrdreg s24  }
0x1f: {  	s21 =	sadd.s32 $0x7D00, s12;
	s23 =	sadd.s32 $0xFA0, s18;
	[dreg:$0x1c] =	wrdreg s26  }
0x20: {  	s25 =	sadd.s32 $0x1F40, s12;
	[dreg:$0x1d] =	wrdreg s28;
	s18 =	simm.s32 $0xA  }
0x21: {  	s12 =	simm.s32 $0x2800;
	s20 =	simm.s32 $0x5000;
	s22 =	simm.s32 $0x5  }
.Ltmp0:
0x22: {  	s26 =	simm.s32 $0x3;
	[dreg:$0x14] =	wrdreg s19;
	(pc) =	sbr.rel .LBB2_1-.Ltmp0, $4  }
0x23: {  	s24 =	simm.s32 $0x6;
	s5 =	simm.s32 $0x4;
	[dreg:$0x17] =	wrdreg s21  }
0x24: {  	s9 =	simm.s32 $0x8;
	s17 =	simm.s32 $0x9;
	[dreg:$0x19] =	wrdreg s23  }
0x25: {  	s19 =	sadd.s32 $0x27000, s2;
	[dreg:$0x1b] =	wrdreg s25;
	s21 =	simm.s32 $0x7D  }
0x26: {  	v0 =	vimm.f32 $1.000000000e+00;
	v1 =	vimm.f32 $0.0e+00;
	s25 =	simm.s32 $0x6F40;
	s23 =	simm.s32 $0x7;
	[dreg:$0x16] =	wrdreg s19  }
.LBB2_24:
0x27: {  	[spmem:s3] =	stream.indirect.scatter.add.f32 [tilespmem:s10], [sflag:$0x8], $0x40, s15, s21, $0xb8;
	[tilespmem:$0x19FF0] =	vst v63  }
0x28: {  	_ =	swait.ge [sflag:s23], $0x1F40  }
0x29: {  	[sflag:s23] =	ssyncset.done $0x0  }
0x2a: {  	s14 =	simm.s32 $0x2700;
	[sflag:s23] =	ssyncadd.s32 $0xFFFFE0C0  }
0x2b: {  	[tilespmem:s31], [sflag:$0x3] =	stream.indirect.gather [hbm4b:s8+s21], $0x40, s14, s21, $0xb8;
	[tilespmem:$0x19FF0] =	vst v63  }
0x2c: {  	_ =	swait.ge [sflag:s0], $0x1F40  }
0x2d: {  	[sflag:s0] =	ssyncset.done $0x0  }
0x2e: {  	s15 =	simm.s32 $0x4E00;
	[sflag:s0] =	ssyncadd.s32 $0xFFFFE0C0  }
0x2f: {  	[spmem:s3] =	stream.indirect.scatter.add.f32 [tilespmem:s20], [sflag:$0x5], $0x40, s15, s21, $0xb8;
	[tilespmem:$0x19FF0] =	vst v63  }
0x30: {  	_ =	swait.ge [sflag:s9], $0x1F40  }
0x31: {  	[sflag:s9] =	ssyncset.done $0x0  }
0x32: {  	s16 =	simm.s32 $0x2780;
	[sflag:s9] =	ssyncadd.s32 $0xFFFFE0C0  }
0x33: {  	[tilespmem:s10], [sflag:$0x4] =	stream.indirect.gather [hbm4b:s8+s21], $0x40, s16, s21, $0xb8;
	[tilespmem:$0x19FF0] =	vst v63  }
0x34: {  	_ =	swait.ge [sflag:s11], $0x1F40  }
0x35: {  	[sflag:s11] =	ssyncset.done $0x0  }
0x36: {  	s15 =	simm.s32 $0x4E80;
	[sflag:s11] =	ssyncadd.s32 $0xFFFFE0C0  }
0x37: {  	[spmem:s3] =	stream.indirect.scatter.add.f32 [tilespmem:s25], [sflag:$0x6], $0x40, s15, s21, $0xb8;
	[tilespmem:$0x19FF0] =	vst v63  }
0x38: {  	_ =	swait.ge [sflag:s26], $0x1F40  }
0x39: {  	[sflag:s26] =	ssyncset.done $0x0  }
0x3a: {  	s16 =	simm.s32 $0x4F00;
	[sflag:s26] =	ssyncadd.s32 $0xFFFFE0C0  }
0x3b: {  	[spmem:s3] =	stream.indirect.scatter.add.f32 [tilespmem:s31], [sflag:$0x7], $0x40, s16, s21, $0xb8;
	[tilespmem:$0x19FF0] =	vst v63  }
0x3c: {  	_ =	swait.ge [sflag:s5], $0x1F40  }
0x3d: {  	[sflag:s5] =	ssyncset.done $0x0  }
0x3e: {  	s15 =	simm.s32 $0x4F80;
	[sflag:s5] =	ssyncadd.s32 $0xFFFFE0C0  }
0x3f: {  	[spmem:s3] =	stream.indirect.scatter.add.f32 [tilespmem:s10], [sflag:$0x8], $0x40, s15, s21, $0xb8;
	[tilespmem:$0x19FF0] =	vst v63  }
0x40: {  	_ =	swait.ge [sflag:s22], $0x1F40  }
0x41: {  	[sflag:s22] =	ssyncset.done $0x0  }
0x42: {  	[sflag:s22] =	ssyncadd.s32 $0xFFFFE0C0  }
0x43: {  	_ =	swait.ge [sflag:s24], $0x1F40  }
0x44: {  	[sflag:s24] =	ssyncset.done $0x0  }
0x45: {  	[sflag:s24] =	ssyncadd.s32 $0xFFFFE0C0  }
0x46: {  	_ =	swait.ge [sflag:s23], $0x1F40  }
0x47: {  	[sflag:s23] =	ssyncset.done $0x0  }
0x48: {  	[sflag:s23] =	ssyncadd.s32 $0xFFFFE0C0  }
0x49: {  	_ =	swait.ge [sflag:s9], $0x1F40  }
0x4a: {  	[sflag:s9] =	ssyncset.done $0x0  }
0x4b: {  	[sflag:s9] =	ssyncadd.s32 $0xFFFFE0C0  }
0x4c: {  	[bflag:$0x0] =	sbarrier.arrive $0xFFFF  }
0x4d: {  	s16 =	rddreg [dreg:$0xa]  }
0x4e: {  	[hbm:s16], [sflag:s28] =	dma.local [spmem:s29], $0x1380  }
0x4f: {  	_ =	swait.ge [sflag:s18], $0x1380  }
0x50: {  	[sflag:s18] =	ssyncset.done $0x0  }
0x51: {  	s14 =	rddreg [dreg:$0xb];
	[sflag:s18] =	ssyncadd.s32 $0xFFFFEC80  }
0x52: {  	[hbm:s14], [sflag:s28] =	dma.local @!p1 [spmem:s19], $0x80  }
0x53: {  	s14 =	simm.s32 @!p1 $0xA  }
0x54: {  	_ =	swait.ge @!p1 [sflag:s14], $0x80  }
0x55: {  	[sflag:s14] =	ssyncset.done @!p1 $0x0  }
0x56: {  	[sflag:s14] =	ssyncadd.s32 @!p1 $0xFFFFFF80  }
0x57: {  	[bflag:$0x0] =	sbarrier.arrive $0xFFFF  }
.LBB2_25:
0x58: {  	s29 =	stileid.u32  }
0x59: {  	s19 =	rddreg [dreg:$0x16];
	s14 =	sshll.u32 @!p2 s29, $0x6  }
0x5a: {  	s16 =	rddreg [dreg:$0x12];
	s15 =	sshrl.u32 @!p2 s19, $0x3;
	s14 =	sor.u32 @!p2 $0x1C0A, s14  }
0x5b: {  	[hbm:s16], [sflag:s14] =	dma.local @!p2 [spmem:s15], $0x20  }
0x5c: {  	s14 =	simm.s32 @!p2 $0xA  }
0x5d: {  	_ =	swait.ge @!p2 [sflag:s14], $0x20  }
0x5e: {  	s4 =	sadd.s32 $0x1, s4;
	s28 =	rddreg [dreg:$0x13]  }
0x5f: {  	p3 =	sne.s32 s4, s28  }
.Ltmp1:
0x60: {  	_ = 	snop;
	(pc) =	sbr.rel @!p3 .LBB2_26-.Ltmp1, $3  }
0x61: {  	_ =	sdelay $0x1  }
0x62: {  	[sflag:s14] =	ssyncset.done @!p2 $0x0  }
0x63: {  	[sflag:s14] =	ssyncadd.s32 @!p2 $0xFFFFFFE0  }
.LBB2_1:
.Ltmp2:
0x64: {  	(pc) =	sbr.rel @p0 .LBB2_6-.Ltmp2, $2  }
0x65: {  	_ =	sdelay $0x2  }
0x66: {  	s14 =	simm.s32 $0x0  }
.LBB2_2:
0x67: {  	p3 =	sne.s32 s14, $0x1F00  }
.Ltmp3:
0x68: {  	_ = 	snop;
	(pc) =	sbr.rel @p3 .LBB2_2-.Ltmp3, $3  }
0x69: {  	_ =	sdelay $0x1  }
0x6a: {  	s15 =	sshra.s32 s14, $0x2  }
0x6b: {  	s14 =	sadd.s32 $0x40, s14;
	[tilespmem:s15+$0xCD00] =	vst v0  }
0x6c: {  	s14 =	simm.s32 $0x40;
	s15 =	simm.s32 $0x0  }
.LBB2_4:
0x6d: {  	p3 =	sne.s32 s14, $0x1F00;
	[tilespmem:s15+$0xD4D0] =	vst v1;
	s15 =	smov.u32 s14;
	s14 =	sadd.s32 $0x40, s14  }
.Ltmp4:
0x6e: {  	(pc) =	sbr.rel @p3 .LBB2_4-.Ltmp4, $2  }
0x6f: {  	_ =	sdelay $0x2  }
0x70: {  	s15 =	sshra.s32 s15, $0x2  }
0x71: {  	[tilespmem:s15+$0xD4D0] =	vst v1;
	s14 =	rddreg [dreg:$0x5];
	s15 =	simm.s32 $0xD4D0  }
0x72: {  	[spmem:s14] =	stream.linear.scatter [tilespmem:s15], [sflag:$0xA], $0x7D0, $0x38;
	[tilespmem:$0x19FF0] =	vst v63  }
0x73: {  	_ =	swait.ge [sflag:s18], $0x7D0  }
0x74: {  	[sflag:s18] =	ssyncset.done $0x0  }
0x75: {  	s16 =	rddreg [dreg:$0x18];
	[sflag:s18] =	ssyncadd.s32 $0xFFFFF830  }
0x76: {  	[spmem:s16] =	stream.linear.scatter [tilespmem:s15], [sflag:$0xA], $0x7D0, $0x38;
	[tilespmem:$0x19FF0] =	vst v63  }
0x77: {  	_ =	swait.ge [sflag:s18], $0x7D0  }
0x78: {  	[sflag:s18] =	ssyncset.done $0x0  }
0x79: {  	s28 =	rddreg [dreg:$0x19];
	[sflag:s18] =	ssyncadd.s32 $0xFFFFF830  }
0x7a: {  	[spmem:s28] =	stream.linear.scatter [tilespmem:s15], [sflag:$0xA], $0x7D0, $0x38;
	[tilespmem:$0x19FF0] =	vst v63  }
0x7b: {  	_ =	swait.ge [sflag:s18], $0x7D0  }
0x7c: {  	[sflag:s18] =	ssyncset.done $0x0  }
0x7d: {  	s16 =	rddreg [dreg:$0x1a];
	[sflag:s18] =	ssyncadd.s32 $0xFFFFF830  }
0x7e: {  	[spmem:s16] =	stream.linear.scatter [tilespmem:s15], [sflag:$0xA], $0x7D0, $0x38;
	[tilespmem:$0x19FF0] =	vst v63  }
0x7f: {  	_ =	swait.ge [sflag:s18], $0x7D0  }
0x80: {  	[sflag:s18] =	ssyncset.done $0x0  }
0x81: {  	s28 =	rddreg [dreg:$0x15];
	[sflag:s18] =	ssyncadd.s32 $0xFFFFF830  }
0x82: {  	[spmem:s28] =	stream.linear.scatter [tilespmem:s15], [sflag:$0xA], $0x7C0, $0x38;
	[tilespmem:$0x19FF0] =	vst v63  }
0x83: {  	_ =	swait.ge [sflag:s18], $0x7C0  }
0x84: {  	[sflag:s18] =	ssyncset.done $0x0  }
0x85: {  	[sflag:s18] =	ssyncadd.s32 $0xFFFFF840  }
.LBB2_6:
0x86: {  	s14 =	simm.s32 @!p2 $0xD4D0  }
0x87: {  	[spmem:s19] =	stream.linear.scatter @!p2 [tilespmem:s14], [sflag:$0xA], $0x100, $0x38;
	[tilespmem:$0x19FF0] =	vst v63  }
0x88: {  	s14 =	simm.s32 @!p2 $0xA  }
0x89: {  	_ =	swait.ge @!p2 [sflag:s14], $0x100  }
0x8a: {  	[sflag:s14] =	ssyncset.done @!p2 $0x0  }
0x8b: {  	s19 =	simm.s32 $0x0;
	s15 =	rddreg [dreg:$0x6];
	[sflag:s14] =	ssyncadd.s32 @!p2 $0xFFFFFF00  }
0x8c: {  	[tilespmem:s19], [sflag:$0xA] =	stream.linear.gather [hbm4b:s15+s19], $0x2800, $0x38;
	[tilespmem:$0x19FF0] =	vst v63  }
0x8d: {  	_ =	swait.ge [sflag:s18], $0x2800  }
0x8e: {  	[sflag:s18] =	ssyncset.done $0x0  }
.Ltmp5:
0x8f: {  	s28 =	rddreg [dreg:$0x7];
	[sflag:s18] =	ssyncadd.s32 $0xFFFFD800;
	(pc) =	sbr.rel @p0 .LBB2_17-.Ltmp5, $4  }
0x90: {  	[tilespmem:s12], [sflag:$0xA] =	stream.linear.gather [hbm4b:s28+s19], $0x2800, $0x38;
	[tilespmem:$0x19FF0] =	vst v63  }
0x91: {  	_ =	swait.ge [sflag:s18], $0x2800  }
0x92: {  	s14 =	simm.s32 $0x0;
	[sflag:s18] =	ssyncset.done $0x0  }
0x93: {  	s15 =	simm.s32 $0x100;
	s19 =	sshrl.u32 @!p1 s30, $0x3;
	[sflag:s18] =	ssyncadd.s32 $0xFFFFD800  }
.LBB2_7:
0x94: {  	p3 =	sne.s32 s15, $0x7C00;
	[tilespmem:s14+$0x5030] =	vst v1;
	s28 =	smov.u32 s15;
	s15 =	sadd.s32 $0x100, s15  }
.Ltmp6:
0x95: {  	[tilespmem:s14+$0x5020] =	vst v1;
	(pc) =	sbr.rel @p3 .LBB2_7-.Ltmp6, $3  }
0x96: {  	[tilespmem:s14+$0x5000] =	vst v1  }
0x97: {  	[tilespmem:s14+$0x5010] =	vst v1;
	_ =	sdelay $0x1  }
0x98: {  	s14 =	sshra.s32 s28, $0x2  }
0x99: {  	[tilespmem:s14+$0x5030] =	vst v1  }
0x9a: {  	[tilespmem:s14+$0x5020] =	vst v1  }
0x9b: {  	[tilespmem:s14+$0x5000] =	vst v1  }
0x9c: {  	[tilespmem:s14+$0x5010] =	vst v1;
	s12 =	rddreg [dreg:$0x1e]  }
0x9d: {  	[spmem:s12] =	stream.linear.scatter [tilespmem:s20], [sflag:$0xA], $0x1F40, $0x38;
	[tilespmem:$0x19FF0] =	vst v63  }
0x9e: {  	_ =	swait.ge [sflag:s18], $0x1F40  }
0x9f: {  	[sflag:s18] =	ssyncset.done $0x0  }
0xa0: {  	s12 =	rddreg [dreg:$0x1b];
	[sflag:s18] =	ssyncadd.s32 $0xFFFFE0C0  }
0xa1: {  	[spmem:s12] =	stream.linear.scatter [tilespmem:s20], [sflag:$0xA], $0x1F40, $0x38;
	[tilespmem:$0x19FF0] =	vst v63  }
0xa2: {  	_ =	swait.ge [sflag:s18], $0x1F40  }
0xa3: {  	[sflag:s18] =	ssyncset.done $0x0  }
0xa4: {  	s15 =	rddreg [dreg:$0x1c];
	[sflag:s18] =	ssyncadd.s32 $0xFFFFE0C0  }
0xa5: {  	[spmem:s15] =	stream.linear.scatter [tilespmem:s20], [sflag:$0xA], $0x1F40, $0x38;
	[tilespmem:$0x19FF0] =	vst v63  }
0xa6: {  	_ =	swait.ge [sflag:s18], $0x1F40  }
0xa7: {  	[sflag:s18] =	ssyncset.done $0x0  }
0xa8: {  	s16 =	rddreg [dreg:$0x1d];
	[sflag:s18] =	ssyncadd.s32 $0xFFFFE0C0  }
0xa9: {  	[spmem:s16] =	stream.linear.scatter [tilespmem:s20], [sflag:$0xA], $0x1F40, $0x38;
	[tilespmem:$0x19FF0] =	vst v63  }
0xaa: {  	_ =	swait.ge [sflag:s18], $0x1F40  }
0xab: {  	[sflag:s18] =	ssyncset.done $0x0  }
0xac: {  	s12 =	rddreg [dreg:$0x17];
	[sflag:s18] =	ssyncadd.s32 $0xFFFFE0C0  }
0xad: {  	[spmem:s12] =	stream.linear.scatter [tilespmem:s20], [sflag:$0xA], $0x1F00, $0x38;
	[tilespmem:$0x19FF0] =	vst v63  }
0xae: {  	_ =	swait.ge [sflag:s18], $0x1F00  }
0xaf: {  	[sflag:s18] =	ssyncset.done $0x0  }
0xb0: {  	s14 =	simm.s32 @!p1 $0x5000;
	[sflag:s18] =	ssyncadd.s32 $0xFFFFE100  }
0xb1: {  	[spmem:s30] =	stream.linear.scatter @!p1 [tilespmem:s14], [sflag:$0xA], $0x400, $0x38;
	[tilespmem:$0x19FF0] =	vst v63  }
0xb2: {  	s14 =	simm.s32 @!p1 $0xA  }
0xb3: {  	_ =	swait.ge @!p1 [sflag:s14], $0x400  }
0xb4: {  	[sflag:s14] =	ssyncset.done @!p1 $0x0  }
0xb5: {  	[sflag:s14] =	ssyncadd.s32 @!p1 $0xFFFFFC00  }
0xb6: {  	s15 =	simm.s32 $0x0;
	[bflag:$0x0] =	sbarrier.arrive $0xFFFF  }
0xb7: {  	[tilespmem:s20], [sflag:$0x1] =	stream.indirect.gather [hbm4b:s1+s21], $0x40, s15, s21, $0xb8;
	[tilespmem:$0x19FF0] =	vst v63  }
0xb8: {  	s16 =	simm.s32 $0x80  }
0xb9: {  	[tilespmem:s25], [sflag:$0x2] =	stream.indirect.gather [hbm4b:s1+s21], $0x40, s16, s21, $0xb8;
	[tilespmem:$0x19FF0] =	vst v63  }
0xba: {  	s14 =	simm.s32 $0x100  }
0xbb: {  	[tilespmem:s31], [sflag:$0x3] =	stream.indirect.gather [hbm4b:s1+s21], $0x40, s14, s21, $0xb8;
	[tilespmem:$0x19FF0] =	vst v63  }
0xbc: {  	_ =	swait.ge [sflag:s0], $0x1F40  }
0xbd: {  	[sflag:s0] =	ssyncset.done $0x0  }
0xbe: {  	s15 =	simm.s32 $0x2800;
	[sflag:s0] =	ssyncadd.s32 $0xFFFFE0C0  }
0xbf: {  	[spmem:s3] =	stream.indirect.scatter.add.f32 [tilespmem:s20], [sflag:$0x5], $0x40, s15, s21, $0xb8;
	[tilespmem:$0x19FF0] =	vst v63  }
0xc0: {  	_ = 	snop  }
0xc1: {  	[spmem:s2] =	stream.indirect.scatter.add.f32 [tilespmem:s13], [sflag:$0x9], $0x10, s15, s21, $0xb8;
	[tilespmem:$0x19FF0] =	vst v63  }
0xc2: {  	s16 =	simm.s32 $0x180  }
0xc3: {  	[tilespmem:s10], [sflag:$0x4] =	stream.indirect.gather [hbm4b:s1+s21], $0x40, s16, s21, $0xb8;
	[tilespmem:$0x19FF0] =	vst v63  }
0xc4: {  	_ =	swait.ge [sflag:s11], $0x1F40  }
0xc5: {  	[sflag:s11] =	ssyncset.done $0x0  }
0xc6: {  	s15 =	simm.s32 $0x2880;
	[sflag:s11] =	ssyncadd.s32 $0xFFFFE0C0  }
0xc7: {  	[spmem:s3] =	stream.indirect.scatter.add.f32 [tilespmem:s25], [sflag:$0x6], $0x40, s15, s21, $0xb8;
	[tilespmem:$0x19FF0] =	vst v63  }
0xc8: {  	_ = 	snop  }
0xc9: {  	[spmem:s2] =	stream.indirect.scatter.add.f32 [tilespmem:s13], [sflag:$0x9], $0x10, s15, s21, $0xb8;
	[tilespmem:$0x19FF0] =	vst v63  }
0xca: {  	_ =	swait.ge [sflag:s22], $0x1F40  }
0xcb: {  	[sflag:s22] =	ssyncset.done $0x0  }
0xcc: {  	s16 =	simm.s32 $0x200;
	[sflag:s22] =	ssyncadd.s32 $0xFFFFE0C0  }
0xcd: {  	[tilespmem:s20], [sflag:$0x1] =	stream.indirect.gather [hbm4b:s1+s21], $0x40, s16, s21, $0xb8;
	[tilespmem:$0x19FF0] =	vst v63  }
0xce: {  	_ =	swait.ge [sflag:s26], $0x1F40  }
0xcf: {  	[sflag:s26] =	ssyncset.done $0x0  }
0xd0: {  	s15 =	simm.s32 $0x2900;
	[sflag:s26] =	ssyncadd.s32 $0xFFFFE0C0  }
0xd1: {  	[spmem:s3] =	stream.indirect.scatter.add.f32 [tilespmem:s31], [sflag:$0x7], $0x40, s15, s21, $0xb8;
	[tilespmem:$0x19FF0] =	vst v63  }
0xd2: {  	_ = 	snop  }
0xd3: {  	[spmem:s2] =	stream.indirect.scatter.add.f32 [tilespmem:s13], [sflag:$0x9], $0x10, s15, s21, $0xb8;
	[tilespmem:$0x19FF0] =	vst v63  }
0xd4: {  	_ =	swait.ge [sflag:s24], $0x1F40  }
0xd5: {  	[sflag:s24] =	ssyncset.done $0x0  }
0xd6: {  	s16 =	simm.s32 $0x280;
	[sflag:s24] =	ssyncadd.s32 $0xFFFFE0C0  }
0xd7: {  	[tilespmem:s25], [sflag:$0x2] =	stream.indirect.gather [hbm4b:s1+s21], $0x40, s16, s21, $0xb8;
	[tilespmem:$0x19FF0] =	vst v63  }
0xd8: {  	_ =	swait.ge [sflag:s5], $0x1F40  }
0xd9: {  	[sflag:s5] =	ssyncset.done $0x0  }
0xda: {  	s15 =	simm.s32 $0x2980;
	[sflag:s5] =	ssyncadd.s32 $0xFFFFE0C0  }
0xdb: {  	[spmem:s3] =	stream.indirect.scatter.add.f32 [tilespmem:s10], [sflag:$0x8], $0x40, s15, s21, $0xb8;
	[tilespmem:$0x19FF0] =	vst v63  }
0xdc: {  	_ = 	snop  }
0xdd: {  	[spmem:s2] =	stream.indirect.scatter.add.f32 [tilespmem:s13], [sflag:$0x9], $0x10, s15, s21, $0xb8;
	[tilespmem:$0x19FF0] =	vst v63  }
0xde: {  	_ =	swait.ge [sflag:s23], $0x1F40  }
0xdf: {  	[sflag:s23] =	ssyncset.done $0x0  }
0xe0: {  	s16 =	simm.s32 $0x300;
	[sflag:s23] =	ssyncadd.s32 $0xFFFFE0C0  }
0xe1: {  	[tilespmem:s31], [sflag:$0x3] =	stream.indirect.gather [hbm4b:s1+s21], $0x40, s16, s21, $0xb8;
	[tilespmem:$0x19FF0] =	vst v63  }
0xe2: {  	_ =	swait.ge [sflag:s0], $0x1F40  }
0xe3: {  	[sflag:s0] =	ssyncset.done $0x0  }
0xe4: {  	s15 =	simm.s32 $0x2A00;
	[sflag:s0] =	ssyncadd.s32 $0xFFFFE0C0  }
0xe5: {  	[spmem:s3] =	stream.indirect.scatter.add.f32 [tilespmem:s20], [sflag:$0x5], $0x40, s15, s21, $0xb8;
	[tilespmem:$0x19FF0] =	vst v63  }
0xe6: {  	_ = 	snop  }
0xe7: {  	[spmem:s2] =	stream.indirect.scatter.add.f32 [tilespmem:s13], [sflag:$0x9], $0x10, s15, s21, $0xb8;
	[tilespmem:$0x19FF0] =	vst v63  }
0xe8: {  	_ =	swait.ge [sflag:s9], $0x1F40  }
0xe9: {  	[sflag:s9] =	ssyncset.done $0x0  }
0xea: {  	s16 =	simm.s32 $0x380;
	[sflag:s9] =	ssyncadd.s32 $0xFFFFE0C0  }
0xeb: {  	[tilespmem:s10], [sflag:$0x4] =	stream.indirect.gather [hbm4b:s1+s21], $0x40, s16, s21, $0xb8;
	[tilespmem:$0x19FF0] =	vst v63  }
0xec: {  	_ =	swait.ge [sflag:s11], $0x1F40  }
0xed: {  	[sflag:s11] =	ssyncset.done $0x0  }
0xee: {  	s15 =	simm.s32 $0x2A80;
	[sflag:s11] =	ssyncadd.s32 $0xFFFFE0C0  }
0xef: {  	[spmem:s3] =	stream.indirect.scatter.add.f32 [tilespmem:s25], [sflag:$0x6], $0x40, s15, s21, $0xb8;
	[tilespmem:$0x19FF0] =	vst v63  }
0xf0: {  	_ = 	snop  }
0xf1: {  	[spmem:s2] =	stream.indirect.scatter.add.f32 [tilespmem:s13], [sflag:$0x9], $0x10, s15, s21, $0xb8;
	[tilespmem:$0x19FF0] =	vst v63  }
0xf2: {  	_ =	swait.ge [sflag:s22], $0x1F40  }
0xf3: {  	[sflag:s22] =	ssyncset.done $0x0  }
0xf4: {  	s16 =	simm.s32 $0x400;
	[sflag:s22] =	ssyncadd.s32 $0xFFFFE0C0  }
0xf5: {  	[tilespmem:s20], [sflag:$0x1] =	stream.indirect.gather [hbm4b:s1+s21], $0x40, s16, s21, $0xb8;
	[tilespmem:$0x19FF0] =	vst v63  }
0xf6: {  	_ =	swait.ge [sflag:s26], $0x1F40  }
0xf7: {  	[sflag:s26] =	ssyncset.done $0x0  }
0xf8: {  	s15 =	simm.s32 $0x2B00;
	[sflag:s26] =	ssyncadd.s32 $0xFFFFE0C0  }
0xf9: {  	[spmem:s3] =	stream.indirect.scatter.add.f32 [tilespmem:s31], [sflag:$0x7], $0x40, s15, s21, $0xb8;
	[tilespmem:$0x19FF0] =	vst v63  }
0xfa: {  	_ = 	snop  }
0xfb: {  	[spmem:s2] =	stream.indirect.scatter.add.f32 [tilespmem:s13], [sflag:$0x9], $0x10, s15, s21, $0xb8;
	[tilespmem:$0x19FF0] =	vst v63  }
0xfc: {  	_ =	swait.ge [sflag:s24], $0x1F40  }
0xfd: {  	[sflag:s24] =	ssyncset.done $0x0  }
0xfe: {  	s16 =	simm.s32 $0x480;
	[sflag:s24] =	ssyncadd.s32 $0xFFFFE0C0  }
0xff: {  	[tilespmem:s25], [sflag:$0x2] =	stream.indirect.gather [hbm4b:s1+s21], $0x40, s16, s21, $0xb8;
	[tilespmem:$0x19FF0] =	vst v63  }
0x100: {  	_ =	swait.ge [sflag:s5], $0x1F40  }
0x101: {  	s28 =	simm.s32 $0x800;
	[sflag:s5] =	ssyncset.done $0x0  }
0x102: {  	s12 =	simm.s32 $0x2800;
	s14 =	simm.s32 $0x2B80;
	[sflag:s5] =	ssyncadd.s32 $0xFFFFE0C0  }
0x103: {  	[spmem:s3] =	stream.indirect.scatter.add.f32 [tilespmem:s10], [sflag:$0x8], $0x40, s14, s21, $0xb8;
	[tilespmem:$0x19FF0] =	vst v63  }
.LBB2_9:
0x104: {  	[spmem:s2] =	stream.indirect.scatter.add.f32 [tilespmem:s13], [sflag:$0x9], $0x10, s14, s21, $0xb8;
	[tilespmem:$0x19FF0] =	vst v63  }
0x105: {  	s14 =	smov.u32 s28  }
0x106: {  	p3 =	sne.s32 s28, $0x8800;
	s28 =	sadd.s32 $0x800, s28;
	_ =	swait.ge [sflag:s23], $0x1F40  }
0x107: {  	s14 =	sshra.s32 s14, $0x2;
	[sflag:s23] =	ssyncset.done $0x0  }
0x108: {  	s15 =	sadd.s32 $0x300, s14;
	[sflag:s23] =	ssyncadd.s32 $0xFFFFE0C0  }
0x109: {  	[tilespmem:s31], [sflag:$0x3] =	stream.indirect.gather [hbm4b:s1+s21], $0x40, s15, s21, $0xb8;
	[tilespmem:$0x19FF0] =	vst v63  }
0x10a: {  	_ =	swait.ge [sflag:s0], $0x1F40  }
0x10b: {  	[sflag:s0] =	ssyncset.done $0x0  }
0x10c: {  	s15 =	sadd.s32 $0x2A00, s14;
	[sflag:s0] =	ssyncadd.s32 $0xFFFFE0C0  }
0x10d: {  	[spmem:s3] =	stream.indirect.scatter.add.f32 [tilespmem:s20], [sflag:$0x5], $0x40, s15, s21, $0xb8;
	[tilespmem:$0x19FF0] =	vst v63  }
0x10e: {  	_ = 	snop  }
0x10f: {  	[spmem:s2] =	stream.indirect.scatter.add.f32 [tilespmem:s13], [sflag:$0x9], $0x10, s15, s21, $0xb8;
	[tilespmem:$0x19FF0] =	vst v63  }
0x110: {  	_ =	swait.ge [sflag:s9], $0x1F40  }
0x111: {  	[sflag:s9] =	ssyncset.done $0x0  }
0x112: {  	s15 =	sadd.s32 $0x380, s14;
	[sflag:s9] =	ssyncadd.s32 $0xFFFFE0C0  }
0x113: {  	[tilespmem:s10], [sflag:$0x4] =	stream.indirect.gather [hbm4b:s1+s21], $0x40, s15, s21, $0xb8;
	[tilespmem:$0x19FF0] =	vst v63  }
0x114: {  	_ =	swait.ge [sflag:s11], $0x1F40  }
0x115: {  	[sflag:s11] =	ssyncset.done $0x0  }
0x116: {  	s15 =	sadd.s32 $0x2A80, s14;
	[sflag:s11] =	ssyncadd.s32 $0xFFFFE0C0  }
0x117: {  	[spmem:s3] =	stream.indirect.scatter.add.f32 [tilespmem:s25], [sflag:$0x6], $0x40, s15, s21, $0xb8;
	[tilespmem:$0x19FF0] =	vst v63  }
0x118: {  	_ = 	snop  }
0x119: {  	[spmem:s2] =	stream.indirect.scatter.add.f32 [tilespmem:s13], [sflag:$0x9], $0x10, s15, s21, $0xb8;
	[tilespmem:$0x19FF0] =	vst v63  }
0x11a: {  	_ =	swait.ge [sflag:s22], $0x1F40  }
0x11b: {  	[sflag:s22] =	ssyncset.done $0x0  }
0x11c: {  	s15 =	sadd.s32 $0x400, s14;
	[sflag:s22] =	ssyncadd.s32 $0xFFFFE0C0  }
0x11d: {  	[tilespmem:s20], [sflag:$0x1] =	stream.indirect.gather [hbm4b:s1+s21], $0x40, s15, s21, $0xb8;
	[tilespmem:$0x19FF0] =	vst v63  }
0x11e: {  	_ =	swait.ge [sflag:s26], $0x1F40  }
0x11f: {  	[sflag:s26] =	ssyncset.done $0x0  }
0x120: {  	s15 =	sadd.s32 $0x2B00, s14;
	[sflag:s26] =	ssyncadd.s32 $0xFFFFE0C0  }
0x121: {  	[spmem:s3] =	stream.indirect.scatter.add.f32 [tilespmem:s31], [sflag:$0x7], $0x40, s15, s21, $0xb8;
	[tilespmem:$0x19FF0] =	vst v63  }
0x122: {  	_ = 	snop  }
0x123: {  	[spmem:s2] =	stream.indirect.scatter.add.f32 [tilespmem:s13], [sflag:$0x9], $0x10, s15, s21, $0xb8;
	[tilespmem:$0x19FF0] =	vst v63  }
0x124: {  	_ =	swait.ge [sflag:s24], $0x1F40  }
0x125: {  	[sflag:s24] =	ssyncset.done $0x0  }
0x126: {  	s15 =	sadd.s32 $0x480, s14;
	[sflag:s24] =	ssyncadd.s32 $0xFFFFE0C0  }
0x127: {  	[tilespmem:s25], [sflag:$0x2] =	stream.indirect.gather [hbm4b:s1+s21], $0x40, s15, s21, $0xb8;
	[tilespmem:$0x19FF0] =	vst v63  }
.Ltmp7:
0x128: {  	_ = 	snop;
	(pc) =	sbr.rel @p3 .LBB2_9-.Ltmp7, $4  }
0x129: {  	_ =	swait.ge [sflag:s5], $0x1F40  }
0x12a: {  	[sflag:s5] =	ssyncset.done $0x0  }
0x12b: {  	s14 =	sadd.s32 $0x2B80, s14;
	[sflag:s5] =	ssyncadd.s32 $0xFFFFE0C0  }
0x12c: {  	[spmem:s3] =	stream.indirect.scatter.add.f32 [tilespmem:s10], [sflag:$0x8], $0x40, s14, s21, $0xb8;
	[tilespmem:$0x19FF0] =	vst v63  }
0x12d: {  	[spmem:s2] =	stream.indirect.scatter.add.f32 [tilespmem:s13], [sflag:$0x9], $0x10, s14, s21, $0xb8;
	[tilespmem:$0x19FF0] =	vst v63  }
0x12e: {  	_ =	swait.ge [sflag:s23], $0x1F40  }
0x12f: {  	[sflag:s23] =	ssyncset.done $0x0  }
0x130: {  	s15 =	simm.s32 $0x2700;
	[sflag:s23] =	ssyncadd.s32 $0xFFFFE0C0  }
0x131: {  	[tilespmem:s31], [sflag:$0x3] =	stream.indirect.gather [hbm4b:s1+s21], $0x40, s15, s21, $0xb8;
	[tilespmem:$0x19FF0] =	vst v63  }
0x132: {  	_ =	swait.ge [sflag:s0], $0x1F40  }
0x133: {  	[sflag:s0] =	ssyncset.done $0x0  }
0x134: {  	s16 =	simm.s32 $0x4E00;
	[sflag:s0] =	ssyncadd.s32 $0xFFFFE0C0  }
0x135: {  	[spmem:s3] =	stream.indirect.scatter.add.f32 [tilespmem:s20], [sflag:$0x5], $0x40, s16, s21, $0xb8;
	[tilespmem:$0x19FF0] =	vst v63  }
0x136: {  	_ = 	snop  }
0x137: {  	[spmem:s2] =	stream.indirect.scatter.add.f32 [tilespmem:s13], [sflag:$0x9], $0x10, s16, s21, $0xb8;
	[tilespmem:$0x19FF0] =	vst v63  }
0x138: {  	_ =	swait.ge [sflag:s9], $0x1F40  }
0x139: {  	[sflag:s9] =	ssyncset.done $0x0  }
0x13a: {  	s28 =	simm.s32 $0x2780;
	[sflag:s9] =	ssyncadd.s32 $0xFFFFE0C0  }
0x13b: {  	[tilespmem:s10], [sflag:$0x4] =	stream.indirect.gather [hbm4b:s1+s21], $0x40, s28, s21, $0xb8;
	[tilespmem:$0x19FF0] =	vst v63  }
0x13c: {  	_ =	swait.ge [sflag:s11], $0x1F40  }
0x13d: {  	[sflag:s11] =	ssyncset.done $0x0  }
0x13e: {  	s15 =	simm.s32 $0x4E80;
	[sflag:s11] =	ssyncadd.s32 $0xFFFFE0C0  }
0x13f: {  	[spmem:s3] =	stream.indirect.scatter.add.f32 [tilespmem:s25], [sflag:$0x6], $0x40, s15, s21, $0xb8;
	[tilespmem:$0x19FF0] =	vst v63  }
0x140: {  	_ = 	snop  }
0x141: {  	[spmem:s2] =	stream.indirect.scatter.add.f32 [tilespmem:s13], [sflag:$0x9], $0x10, s15, s21, $0xb8;
	[tilespmem:$0x19FF0] =	vst v63  }
0x142: {  	_ =	swait.ge [sflag:s26], $0x1F40  }
0x143: {  	[sflag:s26] =	ssyncset.done $0x0  }
0x144: {  	s16 =	simm.s32 $0x4F00;
	[sflag:s26] =	ssyncadd.s32 $0xFFFFE0C0  }
0x145: {  	[spmem:s3] =	stream.indirect.scatter.add.f32 [tilespmem:s31], [sflag:$0x7], $0x40, s16, s21, $0xb8;
	[tilespmem:$0x19FF0] =	vst v63  }
0x146: {  	_ = 	snop  }
0x147: {  	[spmem:s2] =	stream.indirect.scatter.add.f32 [tilespmem:s13], [sflag:$0x9], $0x10, s16, s21, $0xb8;
	[tilespmem:$0x19FF0] =	vst v63  }
0x148: {  	_ =	swait.ge [sflag:s5], $0x1F40  }
0x149: {  	[sflag:s5] =	ssyncset.done $0x0  }
0x14a: {  	s28 =	simm.s32 $0x4F80;
	[sflag:s5] =	ssyncadd.s32 $0xFFFFE0C0  }
0x14b: {  	[spmem:s3] =	stream.indirect.scatter.add.f32 [tilespmem:s10], [sflag:$0x8], $0x40, s28, s21, $0xb8;
	[tilespmem:$0x19FF0] =	vst v63  }
0x14c: {  	_ = 	snop  }
0x14d: {  	[spmem:s2] =	stream.indirect.scatter.add.f32 [tilespmem:s13], [sflag:$0x9], $0x10, s28, s21, $0xb8;
	[tilespmem:$0x19FF0] =	vst v63  }
0x14e: {  	_ =	swait.ge [sflag:s22], $0x1F40  }
0x14f: {  	[sflag:s22] =	ssyncset.done $0x0  }
0x150: {  	[sflag:s22] =	ssyncadd.s32 $0xFFFFE0C0  }
0x151: {  	_ =	swait.ge [sflag:s24], $0x1F40  }
0x152: {  	[sflag:s24] =	ssyncset.done $0x0  }
0x153: {  	[sflag:s24] =	ssyncadd.s32 $0xFFFFE0C0  }
0x154: {  	_ =	swait.ge [sflag:s23], $0x1F40  }
0x155: {  	[sflag:s23] =	ssyncset.done $0x0  }
0x156: {  	[sflag:s23] =	ssyncadd.s32 $0xFFFFE0C0  }
0x157: {  	_ =	swait.ge [sflag:s9], $0x1F40  }
0x158: {  	[sflag:s9] =	ssyncset.done $0x0  }
0x159: {  	[sflag:s9] =	ssyncadd.s32 $0xFFFFE0C0  }
0x15a: {  	_ =	swait.ge [sflag:s17], $0x7D0  }
0x15b: {  	s14 =	simm.s32 $0x4F;
	[sflag:s17] =	ssyncset.done $0x0  }
.LBB2_11:
0x15c: {  	p3 =	sne.s32 s14, $0x1;
	s14 =	sadd.s32 $0xFFFFFFFF, s14;
	[sflag:s17] =	ssyncadd.s32 $0xFFFFF830  }
.Ltmp8:
0x15d: {  	(pc) =	sbr.rel @p3 .LBB2_11-.Ltmp8, $3  }
0x15e: {  	_ =	sdelay $0x1  }
0x15f: {  	_ =	swait.ge [sflag:s17], $0x7D0  }
0x160: {  	[sflag:s17] =	ssyncset.done $0x0  }
0x161: {  	[sflag:s17] =	ssyncadd.s32 $0xFFFFF830  }
0x162: {  	[bflag:$0x0] =	sbarrier.arrive $0xFFFF  }
0x163: {  	s14 =	sshll.u32 s29, $0x6;
	s15 =	rddreg [dreg:$0xd]  }
0x164: {  	s28 =	sor.u32 $0x1C0A, s14;
	s16 =	rddreg [dreg:$0xc];
	s29 =	sshrl.u32 s15, $0x3  }
0x165: {  	[hbm:s16], [sflag:s28] =	dma.local [spmem:s29], $0x1380  }
0x166: {  	_ =	swait.ge [sflag:s18], $0x1380  }
0x167: {  	[sflag:s18] =	ssyncset.done $0x0  }
0x168: {  	s14 =	rddreg [dreg:$0xe];
	[sflag:s18] =	ssyncadd.s32 $0xFFFFEC80  }
0x169: {  	[hbm:s14], [sflag:s28] =	dma.local @!p1 [spmem:s19], $0x80  }
0x16a: {  	s14 =	simm.s32 @!p1 $0xA  }
0x16b: {  	_ =	swait.ge @!p1 [sflag:s14], $0x80  }
0x16c: {  	[sflag:s14] =	ssyncset.done @!p1 $0x0  }
0x16d: {  	[sflag:s14] =	ssyncadd.s32 @!p1 $0xFFFFFF80  }
0x16e: {  	s15 =	simm.s32 $0x100;
	s14 =	simm.s32 $0x0;
	[bflag:$0x0] =	sbarrier.arrive $0xFFFF  }
.LBB2_13:
0x16f: {  	p3 =	sne.s32 s15, $0x7C00;
	[tilespmem:s14+$0x5030] =	vst v1;
	s16 =	smov.u32 s15;
	s15 =	sadd.s32 $0x100, s15  }
.Ltmp9:
0x170: {  	[tilespmem:s14+$0x5020] =	vst v1;
	(pc) =	sbr.rel @p3 .LBB2_13-.Ltmp9, $3  }
0x171: {  	[tilespmem:s14+$0x5000] =	vst v1  }
0x172: {  	[tilespmem:s14+$0x5010] =	vst v1;
	_ =	sdelay $0x1  }
0x173: {  	s14 =	sshra.s32 s16, $0x2  }
0x174: {  	[tilespmem:s14+$0x5030] =	vst v1  }
0x175: {  	[tilespmem:s14+$0x5020] =	vst v1  }
0x176: {  	[tilespmem:s14+$0x5000] =	vst v1  }
0x177: {  	[tilespmem:s14+$0x5010] =	vst v1;
	s16 =	rddreg [dreg:$0x1e]  }
0x178: {  	[spmem:s16] =	stream.linear.scatter [tilespmem:s20], [sflag:$0xA], $0x1F40, $0x38;
	[tilespmem:$0x19FF0] =	vst v63  }
0x179: {  	_ =	swait.ge [sflag:s18], $0x1F40  }
0x17a: {  	[sflag:s18] =	ssyncset.done $0x0  }
0x17b: {  	s15 =	rddreg [dreg:$0x1b];
	[sflag:s18] =	ssyncadd.s32 $0xFFFFE0C0  }
0x17c: {  	[spmem:s15] =	stream.linear.scatter [tilespmem:s20], [sflag:$0xA], $0x1F40, $0x38;
	[tilespmem:$0x19FF0] =	vst v63  }
0x17d: {  	_ =	swait.ge [sflag:s18], $0x1F40  }
0x17e: {  	[sflag:s18] =	ssyncset.done $0x0  }
0x17f: {  	s16 =	rddreg [dreg:$0x1c];
	[sflag:s18] =	ssyncadd.s32 $0xFFFFE0C0  }
0x180: {  	[spmem:s16] =	stream.linear.scatter [tilespmem:s20], [sflag:$0xA], $0x1F40, $0x38;
	[tilespmem:$0x19FF0] =	vst v63  }
0x181: {  	_ =	swait.ge [sflag:s18], $0x1F40  }
0x182: {  	[sflag:s18] =	ssyncset.done $0x0  }
0x183: {  	s15 =	rddreg [dreg:$0x1d];
	[sflag:s18] =	ssyncadd.s32 $0xFFFFE0C0  }
0x184: {  	[spmem:s15] =	stream.linear.scatter [tilespmem:s20], [sflag:$0xA], $0x1F40, $0x38;
	[tilespmem:$0x19FF0] =	vst v63  }
0x185: {  	_ =	swait.ge [sflag:s18], $0x1F40  }
0x186: {  	[sflag:s18] =	ssyncset.done $0x0  }
0x187: {  	s16 =	rddreg [dreg:$0x17];
	[sflag:s18] =	ssyncadd.s32 $0xFFFFE0C0  }
0x188: {  	[spmem:s16] =	stream.linear.scatter [tilespmem:s20], [sflag:$0xA], $0x1F00, $0x38;
	[tilespmem:$0x19FF0] =	vst v63  }
0x189: {  	_ =	swait.ge [sflag:s18], $0x1F00  }
0x18a: {  	[sflag:s18] =	ssyncset.done $0x0  }
0x18b: {  	s14 =	simm.s32 @!p1 $0x5000;
	[sflag:s18] =	ssyncadd.s32 $0xFFFFE100  }
0x18c: {  	[spmem:s30] =	stream.linear.scatter @!p1 [tilespmem:s14], [sflag:$0xA], $0x400, $0x38;
	[tilespmem:$0x19FF0] =	vst v63  }
0x18d: {  	s14 =	simm.s32 @!p1 $0xA  }
0x18e: {  	_ =	swait.ge @!p1 [sflag:s14], $0x400  }
0x18f: {  	[sflag:s14] =	ssyncset.done @!p1 $0x0  }
0x190: {  	[sflag:s14] =	ssyncadd.s32 @!p1 $0xFFFFFC00  }
0x191: {  	s15 =	simm.s32 $0x0;
	[bflag:$0x0] =	sbarrier.arrive $0xFFFF  }
0x192: {  	[tilespmem:s20], [sflag:$0x1] =	stream.indirect.gather [hbm4b:s6+s21], $0x40, s15, s21, $0xb8;
	[tilespmem:$0x19FF0] =	vst v63  }
0x193: {  	s16 =	simm.s32 $0x80  }
0x194: {  	[tilespmem:s25], [sflag:$0x2] =	stream.indirect.gather [hbm4b:s6+s21], $0x40, s16, s21, $0xb8;
	[tilespmem:$0x19FF0] =	vst v63  }
0x195: {  	s15 =	simm.s32 $0x100  }
0x196: {  	[tilespmem:s31], [sflag:$0x3] =	stream.indirect.gather [hbm4b:s6+s21], $0x40, s15, s21, $0xb8;
	[tilespmem:$0x19FF0] =	vst v63  }
0x197: {  	_ =	swait.ge [sflag:s0], $0x1F40  }
0x198: {  	[sflag:s0] =	ssyncset.done $0x0  }
0x199: {  	[sflag:s0] =	ssyncadd.s32 $0xFFFFE0C0  }
0x19a: {  	[spmem:s3] =	stream.indirect.scatter.add.f32 [tilespmem:s20], [sflag:$0x5], $0x40, s12, s21, $0xb8;
	[tilespmem:$0x19FF0] =	vst v63  }
0x19b: {  	s16 =	simm.s32 $0x180  }
0x19c: {  	[tilespmem:s10], [sflag:$0x4] =	stream.indirect.gather [hbm4b:s6+s21], $0x40, s16, s21, $0xb8;
	[tilespmem:$0x19FF0] =	vst v63  }
0x19d: {  	_ =	swait.ge [sflag:s11], $0x1F40  }
0x19e: {  	[sflag:s11] =	ssyncset.done $0x0  }
0x19f: {  	s15 =	simm.s32 $0x2880;
	[sflag:s11] =	ssyncadd.s32 $0xFFFFE0C0  }
0x1a0: {  	[spmem:s3] =	stream.indirect.scatter.add.f32 [tilespmem:s25], [sflag:$0x6], $0x40, s15, s21, $0xb8;
	[tilespmem:$0x19FF0] =	vst v63  }
0x1a1: {  	_ =	swait.ge [sflag:s22], $0x1F40  }
0x1a2: {  	[sflag:s22] =	ssyncset.done $0x0  }
0x1a3: {  	s16 =	simm.s32 $0x200;
	[sflag:s22] =	ssyncadd.s32 $0xFFFFE0C0  }
0x1a4: {  	[tilespmem:s20], [sflag:$0x1] =	stream.indirect.gather [hbm4b:s6+s21], $0x40, s16, s21, $0xb8;
	[tilespmem:$0x19FF0] =	vst v63  }
0x1a5: {  	_ =	swait.ge [sflag:s26], $0x1F40  }
0x1a6: {  	[sflag:s26] =	ssyncset.done $0x0  }
0x1a7: {  	s15 =	simm.s32 $0x2900;
	[sflag:s26] =	ssyncadd.s32 $0xFFFFE0C0  }
0x1a8: {  	[spmem:s3] =	stream.indirect.scatter.add.f32 [tilespmem:s31], [sflag:$0x7], $0x40, s15, s21, $0xb8;
	[tilespmem:$0x19FF0] =	vst v63  }
0x1a9: {  	_ =	swait.ge [sflag:s24], $0x1F40  }
0x1aa: {  	[sflag:s24] =	ssyncset.done $0x0  }
0x1ab: {  	s16 =	simm.s32 $0x280;
	[sflag:s24] =	ssyncadd.s32 $0xFFFFE0C0  }
0x1ac: {  	[tilespmem:s25], [sflag:$0x2] =	stream.indirect.gather [hbm4b:s6+s21], $0x40, s16, s21, $0xb8;
	[tilespmem:$0x19FF0] =	vst v63  }
0x1ad: {  	_ =	swait.ge [sflag:s5], $0x1F40  }
0x1ae: {  	[sflag:s5] =	ssyncset.done $0x0  }
0x1af: {  	s15 =	simm.s32 $0x2980;
	[sflag:s5] =	ssyncadd.s32 $0xFFFFE0C0  }
0x1b0: {  	[spmem:s3] =	stream.indirect.scatter.add.f32 [tilespmem:s10], [sflag:$0x8], $0x40, s15, s21, $0xb8;
	[tilespmem:$0x19FF0] =	vst v63  }
0x1b1: {  	_ =	swait.ge [sflag:s23], $0x1F40  }
0x1b2: {  	[sflag:s23] =	ssyncset.done $0x0  }
0x1b3: {  	s16 =	simm.s32 $0x300;
	[sflag:s23] =	ssyncadd.s32 $0xFFFFE0C0  }
0x1b4: {  	[tilespmem:s31], [sflag:$0x3] =	stream.indirect.gather [hbm4b:s6+s21], $0x40, s16, s21, $0xb8;
	[tilespmem:$0x19FF0] =	vst v63  }
0x1b5: {  	_ =	swait.ge [sflag:s0], $0x1F40  }
0x1b6: {  	[sflag:s0] =	ssyncset.done $0x0  }
0x1b7: {  	s15 =	simm.s32 $0x2A00;
	[sflag:s0] =	ssyncadd.s32 $0xFFFFE0C0  }
0x1b8: {  	[spmem:s3] =	stream.indirect.scatter.add.f32 [tilespmem:s20], [sflag:$0x5], $0x40, s15, s21, $0xb8;
	[tilespmem:$0x19FF0] =	vst v63  }
0x1b9: {  	_ =	swait.ge [sflag:s9], $0x1F40  }
0x1ba: {  	[sflag:s9] =	ssyncset.done $0x0  }
0x1bb: {  	s16 =	simm.s32 $0x380;
	[sflag:s9] =	ssyncadd.s32 $0xFFFFE0C0  }
0x1bc: {  	[tilespmem:s10], [sflag:$0x4] =	stream.indirect.gather [hbm4b:s6+s21], $0x40, s16, s21, $0xb8;
	[tilespmem:$0x19FF0] =	vst v63  }
0x1bd: {  	_ =	swait.ge [sflag:s11], $0x1F40  }
0x1be: {  	[sflag:s11] =	ssyncset.done $0x0  }
0x1bf: {  	s15 =	simm.s32 $0x2A80;
	[sflag:s11] =	ssyncadd.s32 $0xFFFFE0C0  }
0x1c0: {  	[spmem:s3] =	stream.indirect.scatter.add.f32 [tilespmem:s25], [sflag:$0x6], $0x40, s15, s21, $0xb8;
	[tilespmem:$0x19FF0] =	vst v63  }
0x1c1: {  	_ =	swait.ge [sflag:s22], $0x1F40  }
0x1c2: {  	[sflag:s22] =	ssyncset.done $0x0  }
0x1c3: {  	s16 =	simm.s32 $0x400;
	[sflag:s22] =	ssyncadd.s32 $0xFFFFE0C0  }
0x1c4: {  	[tilespmem:s20], [sflag:$0x1] =	stream.indirect.gather [hbm4b:s6+s21], $0x40, s16, s21, $0xb8;
	[tilespmem:$0x19FF0] =	vst v63  }
0x1c5: {  	_ =	swait.ge [sflag:s26], $0x1F40  }
0x1c6: {  	[sflag:s26] =	ssyncset.done $0x0  }
0x1c7: {  	s15 =	simm.s32 $0x2B00;
	[sflag:s26] =	ssyncadd.s32 $0xFFFFE0C0  }
0x1c8: {  	[spmem:s3] =	stream.indirect.scatter.add.f32 [tilespmem:s31], [sflag:$0x7], $0x40, s15, s21, $0xb8;
	[tilespmem:$0x19FF0] =	vst v63  }
0x1c9: {  	_ =	swait.ge [sflag:s24], $0x1F40  }
0x1ca: {  	[sflag:s24] =	ssyncset.done $0x0  }
0x1cb: {  	s16 =	simm.s32 $0x480;
	[sflag:s24] =	ssyncadd.s32 $0xFFFFE0C0  }
0x1cc: {  	[tilespmem:s25], [sflag:$0x2] =	stream.indirect.gather [hbm4b:s6+s21], $0x40, s16, s21, $0xb8;
	[tilespmem:$0x19FF0] =	vst v63  }
0x1cd: {  	_ =	swait.ge [sflag:s5], $0x1F40  }
0x1ce: {  	[sflag:s5] =	ssyncset.done $0x0  }
0x1cf: {  	s14 =	simm.s32 $0x800;
	s15 =	simm.s32 $0x2B80;
	[sflag:s5] =	ssyncadd.s32 $0xFFFFE0C0  }
.LBB2_15:
0x1d0: {  	[spmem:s3] =	stream.indirect.scatter.add.f32 [tilespmem:s10], [sflag:$0x8], $0x40, s15, s21, $0xb8;
	[tilespmem:$0x19FF0] =	vst v63  }
0x1d1: {  	s15 =	smov.u32 s14  }
0x1d2: {  	p3 =	sne.s32 s14, $0x8800;
	s14 =	sadd.s32 $0x800, s14;
	_ =	swait.ge [sflag:s23], $0x1F40  }
0x1d3: {  	s15 =	sshra.s32 s15, $0x2;
	[sflag:s23] =	ssyncset.done $0x0  }
0x1d4: {  	s16 =	sadd.s32 $0x300, s15;
	[sflag:s23] =	ssyncadd.s32 $0xFFFFE0C0  }
0x1d5: {  	[tilespmem:s31], [sflag:$0x3] =	stream.indirect.gather [hbm4b:s6+s21], $0x40, s16, s21, $0xb8;
	[tilespmem:$0x19FF0] =	vst v63  }
0x1d6: {  	_ =	swait.ge [sflag:s0], $0x1F40  }
0x1d7: {  	[sflag:s0] =	ssyncset.done $0x0  }
0x1d8: {  	s16 =	sadd.s32 $0x2A00, s15;
	[sflag:s0] =	ssyncadd.s32 $0xFFFFE0C0  }
0x1d9: {  	[spmem:s3] =	stream.indirect.scatter.add.f32 [tilespmem:s20], [sflag:$0x5], $0x40, s16, s21, $0xb8;
	[tilespmem:$0x19FF0] =	vst v63  }
0x1da: {  	_ =	swait.ge [sflag:s9], $0x1F40  }
0x1db: {  	[sflag:s9] =	ssyncset.done $0x0  }
0x1dc: {  	s16 =	sadd.s32 $0x380, s15;
	[sflag:s9] =	ssyncadd.s32 $0xFFFFE0C0  }
0x1dd: {  	[tilespmem:s10], [sflag:$0x4] =	stream.indirect.gather [hbm4b:s6+s21], $0x40, s16, s21, $0xb8;
	[tilespmem:$0x19FF0] =	vst v63  }
0x1de: {  	_ =	swait.ge [sflag:s11], $0x1F40  }
0x1df: {  	[sflag:s11] =	ssyncset.done $0x0  }
0x1e0: {  	s16 =	sadd.s32 $0x2A80, s15;
	[sflag:s11] =	ssyncadd.s32 $0xFFFFE0C0  }
0x1e1: {  	[spmem:s3] =	stream.indirect.scatter.add.f32 [tilespmem:s25], [sflag:$0x6], $0x40, s16, s21, $0xb8;
	[tilespmem:$0x19FF0] =	vst v63  }
0x1e2: {  	_ =	swait.ge [sflag:s22], $0x1F40  }
0x1e3: {  	[sflag:s22] =	ssyncset.done $0x0  }
0x1e4: {  	s16 =	sadd.s32 $0x400, s15;
	[sflag:s22] =	ssyncadd.s32 $0xFFFFE0C0  }
0x1e5: {  	[tilespmem:s20], [sflag:$0x1] =	stream.indirect.gather [hbm4b:s6+s21], $0x40, s16, s21, $0xb8;
	[tilespmem:$0x19FF0] =	vst v63  }
0x1e6: {  	_ =	swait.ge [sflag:s26], $0x1F40  }
0x1e7: {  	[sflag:s26] =	ssyncset.done $0x0  }
0x1e8: {  	s16 =	sadd.s32 $0x2B00, s15;
	[sflag:s26] =	ssyncadd.s32 $0xFFFFE0C0  }
0x1e9: {  	[spmem:s3] =	stream.indirect.scatter.add.f32 [tilespmem:s31], [sflag:$0x7], $0x40, s16, s21, $0xb8;
	[tilespmem:$0x19FF0] =	vst v63  }
0x1ea: {  	_ =	swait.ge [sflag:s24], $0x1F40  }
0x1eb: {  	[sflag:s24] =	ssyncset.done $0x0  }
.Ltmp10:
0x1ec: {  	s16 =	sadd.s32 $0x480, s15;
	[sflag:s24] =	ssyncadd.s32 $0xFFFFE0C0;
	(pc) =	sbr.rel @p3 .LBB2_15-.Ltmp10, $4  }
0x1ed: {  	[tilespmem:s25], [sflag:$0x2] =	stream.indirect.gather [hbm4b:s6+s21], $0x40, s16, s21, $0xb8;
	[tilespmem:$0x19FF0] =	vst v63  }
0x1ee: {  	_ =	swait.ge [sflag:s5], $0x1F40  }
0x1ef: {  	[sflag:s5] =	ssyncset.done $0x0  }
0x1f0: {  	s15 =	sadd.s32 $0x2B80, s15;
	[sflag:s5] =	ssyncadd.s32 $0xFFFFE0C0  }
0x1f1: {  	[spmem:s3] =	stream.indirect.scatter.add.f32 [tilespmem:s10], [sflag:$0x8], $0x40, s15, s21, $0xb8;
	[tilespmem:$0x19FF0] =	vst v63  }
0x1f2: {  	_ =	swait.ge [sflag:s23], $0x1F40  }
0x1f3: {  	[sflag:s23] =	ssyncset.done $0x0  }
0x1f4: {  	s14 =	simm.s32 $0x2700;
	[sflag:s23] =	ssyncadd.s32 $0xFFFFE0C0  }
0x1f5: {  	[tilespmem:s31], [sflag:$0x3] =	stream.indirect.gather [hbm4b:s6+s21], $0x40, s14, s21, $0xb8;
	[tilespmem:$0x19FF0] =	vst v63  }
0x1f6: {  	_ =	swait.ge [sflag:s0], $0x1F40  }
0x1f7: {  	[sflag:s0] =	ssyncset.done $0x0  }
0x1f8: {  	s15 =	simm.s32 $0x4E00;
	[sflag:s0] =	ssyncadd.s32 $0xFFFFE0C0  }
0x1f9: {  	[spmem:s3] =	stream.indirect.scatter.add.f32 [tilespmem:s20], [sflag:$0x5], $0x40, s15, s21, $0xb8;
	[tilespmem:$0x19FF0] =	vst v63  }
0x1fa: {  	_ =	swait.ge [sflag:s9], $0x1F40  }
0x1fb: {  	[sflag:s9] =	ssyncset.done $0x0  }
0x1fc: {  	s16 =	simm.s32 $0x2780;
	[sflag:s9] =	ssyncadd.s32 $0xFFFFE0C0  }
0x1fd: {  	[tilespmem:s10], [sflag:$0x4] =	stream.indirect.gather [hbm4b:s6+s21], $0x40, s16, s21, $0xb8;
	[tilespmem:$0x19FF0] =	vst v63  }
0x1fe: {  	_ =	swait.ge [sflag:s11], $0x1F40  }
0x1ff: {  	[sflag:s11] =	ssyncset.done $0x0  }
0x200: {  	s15 =	simm.s32 $0x4E80;
	[sflag:s11] =	ssyncadd.s32 $0xFFFFE0C0  }
0x201: {  	[spmem:s3] =	stream.indirect.scatter.add.f32 [tilespmem:s25], [sflag:$0x6], $0x40, s15, s21, $0xb8;
	[tilespmem:$0x19FF0] =	vst v63  }
0x202: {  	_ =	swait.ge [sflag:s26], $0x1F40  }
0x203: {  	[sflag:s26] =	ssyncset.done $0x0  }
0x204: {  	s16 =	simm.s32 $0x4F00;
	[sflag:s26] =	ssyncadd.s32 $0xFFFFE0C0  }
0x205: {  	[spmem:s3] =	stream.indirect.scatter.add.f32 [tilespmem:s31], [sflag:$0x7], $0x40, s16, s21, $0xb8;
	[tilespmem:$0x19FF0] =	vst v63  }
0x206: {  	_ =	swait.ge [sflag:s5], $0x1F40  }
0x207: {  	[sflag:s5] =	ssyncset.done $0x0  }
0x208: {  	s15 =	simm.s32 $0x4F80;
	[sflag:s5] =	ssyncadd.s32 $0xFFFFE0C0  }
0x209: {  	[spmem:s3] =	stream.indirect.scatter.add.f32 [tilespmem:s10], [sflag:$0x8], $0x40, s15, s21, $0xb8;
	[tilespmem:$0x19FF0] =	vst v63  }
0x20a: {  	_ =	swait.ge [sflag:s22], $0x1F40  }
0x20b: {  	[sflag:s22] =	ssyncset.done $0x0  }
0x20c: {  	[sflag:s22] =	ssyncadd.s32 $0xFFFFE0C0  }
0x20d: {  	_ =	swait.ge [sflag:s24], $0x1F40  }
0x20e: {  	[sflag:s24] =	ssyncset.done $0x0  }
0x20f: {  	[sflag:s24] =	ssyncadd.s32 $0xFFFFE0C0  }
0x210: {  	_ =	swait.ge [sflag:s23], $0x1F40  }
0x211: {  	[sflag:s23] =	ssyncset.done $0x0  }
0x212: {  	[sflag:s23] =	ssyncadd.s32 $0xFFFFE0C0  }
0x213: {  	_ =	swait.ge [sflag:s9], $0x1F40  }
0x214: {  	[sflag:s9] =	ssyncset.done $0x0  }
0x215: {  	[sflag:s9] =	ssyncadd.s32 $0xFFFFE0C0  }
0x216: {  	[bflag:$0x0] =	sbarrier.arrive $0xFFFF  }
0x217: {  	s16 =	rddreg [dreg:$0xf]  }
0x218: {  	[hbm:s16], [sflag:s28] =	dma.local [spmem:s29], $0x1380  }
0x219: {  	_ =	swait.ge [sflag:s18], $0x1380  }
0x21a: {  	[sflag:s18] =	ssyncset.done $0x0  }
0x21b: {  	s14 =	rddreg [dreg:$0x10];
	[sflag:s18] =	ssyncadd.s32 $0xFFFFEC80  }
0x21c: {  	[hbm:s14], [sflag:s28] =	dma.local @!p1 [spmem:s19], $0x80  }
0x21d: {  	s14 =	simm.s32 @!p1 $0xA  }
0x21e: {  	_ =	swait.ge @!p1 [sflag:s14], $0x80  }
0x21f: {  	[sflag:s14] =	ssyncset.done @!p1 $0x0  }
0x220: {  	[sflag:s14] =	ssyncadd.s32 @!p1 $0xFFFFFF80  }
0x221: {  	[bflag:$0x0] =	sbarrier.arrive $0xFFFF  }
0x222: {  	s19 =	rddreg [dreg:$0x11]  }
.Ltmp11:
0x223: {  	s29 =	rddreg [dreg:$0x14];
	(pc) =	sbr.rel .LBB2_25-.Ltmp11, $4  }
0x224: {  	[hbm:s19], [sflag:s28] =	dma.local [spmem:s29], $0x4E0  }
0x225: {  	_ =	swait.ge [sflag:s18], $0x4E0  }
0x226: {  	[sflag:s18] =	ssyncset.done $0x0  }
0x227: {  	[sflag:s18] =	ssyncadd.s32 $0xFFFFFB20  }
.LBB2_17:
0x228: {  	p3 =	sne.s32 s15, $0x7C00;
	[tilespmem:s14+$0x5030] =	vst v1;
	s16 =	smov.u32 s15;
	s15 =	sadd.s32 $0x100, s15  }
.Ltmp12:
0x229: {  	[tilespmem:s14+$0x5020] =	vst v1;
	(pc) =	sbr.rel @p3 .LBB2_17-.Ltmp12, $3  }
0x22a: {  	[tilespmem:s14+$0x5000] =	vst v1  }
0x22b: {  	[tilespmem:s14+$0x5010] =	vst v1;
	_ =	sdelay $0x1  }
0x22c: {  	s14 =	sshra.s32 s16, $0x2  }
0x22d: {  	[tilespmem:s14+$0x5030] =	vst v1  }
0x22e: {  	[tilespmem:s14+$0x5020] =	vst v1  }
0x22f: {  	[tilespmem:s14+$0x5000] =	vst v1  }
0x230: {  	[tilespmem:s14+$0x5010] =	vst v1;
	s15 =	rddreg [dreg:$0x1e]  }
0x231: {  	[spmem:s15] =	stream.linear.scatter [tilespmem:s20], [sflag:$0xA], $0x1F40, $0x38;
	[tilespmem:$0x19FF0] =	vst v63  }
0x232: {  	_ =	swait.ge [sflag:s18], $0x1F40  }
0x233: {  	[sflag:s18] =	ssyncset.done $0x0  }
0x234: {  	s16 =	rddreg [dreg:$0x1b];
	[sflag:s18] =	ssyncadd.s32 $0xFFFFE0C0  }
0x235: {  	[spmem:s16] =	stream.linear.scatter [tilespmem:s20], [sflag:$0xA], $0x1F40, $0x38;
	[tilespmem:$0x19FF0] =	vst v63  }
0x236: {  	_ =	swait.ge [sflag:s18], $0x1F40  }
0x237: {  	[sflag:s18] =	ssyncset.done $0x0  }
0x238: {  	s28 =	rddreg [dreg:$0x1c];
	[sflag:s18] =	ssyncadd.s32 $0xFFFFE0C0  }
0x239: {  	[spmem:s28] =	stream.linear.scatter [tilespmem:s20], [sflag:$0xA], $0x1F40, $0x38;
	[tilespmem:$0x19FF0] =	vst v63  }
0x23a: {  	_ =	swait.ge [sflag:s18], $0x1F40  }
0x23b: {  	[sflag:s18] =	ssyncset.done $0x0  }
0x23c: {  	s15 =	rddreg [dreg:$0x1d];
	[sflag:s18] =	ssyncadd.s32 $0xFFFFE0C0  }
0x23d: {  	[spmem:s15] =	stream.linear.scatter [tilespmem:s20], [sflag:$0xA], $0x1F40, $0x38;
	[tilespmem:$0x19FF0] =	vst v63  }
0x23e: {  	_ =	swait.ge [sflag:s18], $0x1F40  }
0x23f: {  	[sflag:s18] =	ssyncset.done $0x0  }
0x240: {  	s16 =	rddreg [dreg:$0x17];
	[sflag:s18] =	ssyncadd.s32 $0xFFFFE0C0  }
0x241: {  	[spmem:s16] =	stream.linear.scatter [tilespmem:s20], [sflag:$0xA], $0x1F00, $0x38;
	[tilespmem:$0x19FF0] =	vst v63  }
0x242: {  	_ =	swait.ge [sflag:s18], $0x1F00  }
0x243: {  	[sflag:s18] =	ssyncset.done $0x0  }
0x244: {  	s14 =	simm.s32 @!p1 $0x5000;
	[sflag:s18] =	ssyncadd.s32 $0xFFFFE100  }
0x245: {  	[spmem:s30] =	stream.linear.scatter @!p1 [tilespmem:s14], [sflag:$0xA], $0x400, $0x38;
	[tilespmem:$0x19FF0] =	vst v63  }
0x246: {  	s14 =	simm.s32 @!p1 $0xA  }
0x247: {  	_ =	swait.ge @!p1 [sflag:s14], $0x400  }
0x248: {  	[sflag:s14] =	ssyncset.done @!p1 $0x0  }
0x249: {  	[sflag:s14] =	ssyncadd.s32 @!p1 $0xFFFFFC00  }
0x24a: {  	s28 =	simm.s32 $0x0;
	[bflag:$0x0] =	sbarrier.arrive $0xFFFF  }
0x24b: {  	[tilespmem:s20], [sflag:$0x1] =	stream.indirect.gather [hbm4b:s7+s21], $0x40, s28, s21, $0xb8;
	[tilespmem:$0x19FF0] =	vst v63  }
0x24c: {  	s15 =	simm.s32 $0x80  }
0x24d: {  	[tilespmem:s25], [sflag:$0x2] =	stream.indirect.gather [hbm4b:s7+s21], $0x40, s15, s21, $0xb8;
	[tilespmem:$0x19FF0] =	vst v63  }
0x24e: {  	s16 =	simm.s32 $0x100  }
0x24f: {  	[tilespmem:s31], [sflag:$0x3] =	stream.indirect.gather [hbm4b:s7+s21], $0x40, s16, s21, $0xb8;
	[tilespmem:$0x19FF0] =	vst v63  }
0x250: {  	_ =	swait.ge [sflag:s0], $0x1F40  }
0x251: {  	[sflag:s0] =	ssyncset.done $0x0  }
0x252: {  	[sflag:s0] =	ssyncadd.s32 $0xFFFFE0C0  }
0x253: {  	[spmem:s3] =	stream.indirect.scatter.add.f32 [tilespmem:s20], [sflag:$0x5], $0x40, s12, s21, $0xb8;
	[tilespmem:$0x19FF0] =	vst v63  }
0x254: {  	s28 =	simm.s32 $0x180  }
0x255: {  	[tilespmem:s10], [sflag:$0x4] =	stream.indirect.gather [hbm4b:s7+s21], $0x40, s28, s21, $0xb8;
	[tilespmem:$0x19FF0] =	vst v63  }
0x256: {  	_ =	swait.ge [sflag:s11], $0x1F40  }
0x257: {  	[sflag:s11] =	ssyncset.done $0x0  }
0x258: {  	s15 =	simm.s32 $0x2880;
	[sflag:s11] =	ssyncadd.s32 $0xFFFFE0C0  }
0x259: {  	[spmem:s3] =	stream.indirect.scatter.add.f32 [tilespmem:s25], [sflag:$0x6], $0x40, s15, s21, $0xb8;
	[tilespmem:$0x19FF0] =	vst v63  }
0x25a: {  	_ =	swait.ge [sflag:s22], $0x1F40  }
0x25b: {  	[sflag:s22] =	ssyncset.done $0x0  }
0x25c: {  	s16 =	simm.s32 $0x200;
	[sflag:s22] =	ssyncadd.s32 $0xFFFFE0C0  }
0x25d: {  	[tilespmem:s20], [sflag:$0x1] =	stream.indirect.gather [hbm4b:s7+s21], $0x40, s16, s21, $0xb8;
	[tilespmem:$0x19FF0] =	vst v63  }
0x25e: {  	_ =	swait.ge [sflag:s26], $0x1F40  }
0x25f: {  	[sflag:s26] =	ssyncset.done $0x0  }
0x260: {  	s28 =	simm.s32 $0x2900;
	[sflag:s26] =	ssyncadd.s32 $0xFFFFE0C0  }
0x261: {  	[spmem:s3] =	stream.indirect.scatter.add.f32 [tilespmem:s31], [sflag:$0x7], $0x40, s28, s21, $0xb8;
	[tilespmem:$0x19FF0] =	vst v63  }
0x262: {  	_ =	swait.ge [sflag:s24], $0x1F40  }
0x263: {  	[sflag:s24] =	ssyncset.done $0x0  }
0x264: {  	s15 =	simm.s32 $0x280;
	[sflag:s24] =	ssyncadd.s32 $0xFFFFE0C0  }
0x265: {  	[tilespmem:s25], [sflag:$0x2] =	stream.indirect.gather [hbm4b:s7+s21], $0x40, s15, s21, $0xb8;
	[tilespmem:$0x19FF0] =	vst v63  }
0x266: {  	_ =	swait.ge [sflag:s5], $0x1F40  }
0x267: {  	[sflag:s5] =	ssyncset.done $0x0  }
0x268: {  	s16 =	simm.s32 $0x2980;
	[sflag:s5] =	ssyncadd.s32 $0xFFFFE0C0  }
0x269: {  	[spmem:s3] =	stream.indirect.scatter.add.f32 [tilespmem:s10], [sflag:$0x8], $0x40, s16, s21, $0xb8;
	[tilespmem:$0x19FF0] =	vst v63  }
0x26a: {  	_ =	swait.ge [sflag:s23], $0x1F40  }
0x26b: {  	[sflag:s23] =	ssyncset.done $0x0  }
0x26c: {  	s28 =	simm.s32 $0x300;
	[sflag:s23] =	ssyncadd.s32 $0xFFFFE0C0  }
0x26d: {  	[tilespmem:s31], [sflag:$0x3] =	stream.indirect.gather [hbm4b:s7+s21], $0x40, s28, s21, $0xb8;
	[tilespmem:$0x19FF0] =	vst v63  }
0x26e: {  	_ =	swait.ge [sflag:s0], $0x1F40  }
0x26f: {  	[sflag:s0] =	ssyncset.done $0x0  }
0x270: {  	s15 =	simm.s32 $0x2A00;
	[sflag:s0] =	ssyncadd.s32 $0xFFFFE0C0  }
0x271: {  	[spmem:s3] =	stream.indirect.scatter.add.f32 [tilespmem:s20], [sflag:$0x5], $0x40, s15, s21, $0xb8;
	[tilespmem:$0x19FF0] =	vst v63  }
0x272: {  	_ =	swait.ge [sflag:s9], $0x1F40  }
0x273: {  	[sflag:s9] =	ssyncset.done $0x0  }
0x274: {  	s16 =	simm.s32 $0x380;
	[sflag:s9] =	ssyncadd.s32 $0xFFFFE0C0  }
0x275: {  	[tilespmem:s10], [sflag:$0x4] =	stream.indirect.gather [hbm4b:s7+s21], $0x40, s16, s21, $0xb8;
	[tilespmem:$0x19FF0] =	vst v63  }
0x276: {  	_ =	swait.ge [sflag:s11], $0x1F40  }
0x277: {  	[sflag:s11] =	ssyncset.done $0x0  }
0x278: {  	s28 =	simm.s32 $0x2A80;
	[sflag:s11] =	ssyncadd.s32 $0xFFFFE0C0  }
0x279: {  	[spmem:s3] =	stream.indirect.scatter.add.f32 [tilespmem:s25], [sflag:$0x6], $0x40, s28, s21, $0xb8;
	[tilespmem:$0x19FF0] =	vst v63  }
0x27a: {  	_ =	swait.ge [sflag:s22], $0x1F40  }
0x27b: {  	[sflag:s22] =	ssyncset.done $0x0  }
0x27c: {  	s15 =	simm.s32 $0x400;
	[sflag:s22] =	ssyncadd.s32 $0xFFFFE0C0  }
0x27d: {  	[tilespmem:s20], [sflag:$0x1] =	stream.indirect.gather [hbm4b:s7+s21], $0x40, s15, s21, $0xb8;
	[tilespmem:$0x19FF0] =	vst v63  }
0x27e: {  	_ =	swait.ge [sflag:s26], $0x1F40  }
0x27f: {  	[sflag:s26] =	ssyncset.done $0x0  }
0x280: {  	s16 =	simm.s32 $0x2B00;
	[sflag:s26] =	ssyncadd.s32 $0xFFFFE0C0  }
0x281: {  	[spmem:s3] =	stream.indirect.scatter.add.f32 [tilespmem:s31], [sflag:$0x7], $0x40, s16, s21, $0xb8;
	[tilespmem:$0x19FF0] =	vst v63  }
0x282: {  	_ =	swait.ge [sflag:s24], $0x1F40  }
0x283: {  	[sflag:s24] =	ssyncset.done $0x0  }
0x284: {  	s28 =	simm.s32 $0x480;
	[sflag:s24] =	ssyncadd.s32 $0xFFFFE0C0  }
0x285: {  	[tilespmem:s25], [sflag:$0x2] =	stream.indirect.gather [hbm4b:s7+s21], $0x40, s28, s21, $0xb8;
	[tilespmem:$0x19FF0] =	vst v63  }
0x286: {  	_ =	swait.ge [sflag:s5], $0x1F40  }
0x287: {  	[sflag:s5] =	ssyncset.done $0x0  }
0x288: {  	s14 =	simm.s32 $0x800;
	s15 =	simm.s32 $0x2B80;
	[sflag:s5] =	ssyncadd.s32 $0xFFFFE0C0  }
.LBB2_19:
0x289: {  	[spmem:s3] =	stream.indirect.scatter.add.f32 [tilespmem:s10], [sflag:$0x8], $0x40, s15, s21, $0xb8;
	[tilespmem:$0x19FF0] =	vst v63  }
0x28a: {  	s15 =	smov.u32 s14  }
0x28b: {  	p3 =	sne.s32 s14, $0x8800;
	s14 =	sadd.s32 $0x800, s14;
	_ =	swait.ge [sflag:s23], $0x1F40  }
0x28c: {  	s28 =	sshra.s32 s15, $0x2;
	[sflag:s23] =	ssyncset.done $0x0  }
0x28d: {  	s15 =	sadd.s32 $0x300, s28;
	[sflag:s23] =	ssyncadd.s32 $0xFFFFE0C0  }
0x28e: {  	[tilespmem:s31], [sflag:$0x3] =	stream.indirect.gather [hbm4b:s7+s21], $0x40, s15, s21, $0xb8;
	[tilespmem:$0x19FF0] =	vst v63  }
0x28f: {  	_ =	swait.ge [sflag:s0], $0x1F40  }
0x290: {  	[sflag:s0] =	ssyncset.done $0x0  }
0x291: {  	s15 =	sadd.s32 $0x2A00, s28;
	[sflag:s0] =	ssyncadd.s32 $0xFFFFE0C0  }
0x292: {  	[spmem:s3] =	stream.indirect.scatter.add.f32 [tilespmem:s20], [sflag:$0x5], $0x40, s15, s21, $0xb8;
	[tilespmem:$0x19FF0] =	vst v63  }
0x293: {  	_ =	swait.ge [sflag:s9], $0x1F40  }
0x294: {  	[sflag:s9] =	ssyncset.done $0x0  }
0x295: {  	s15 =	sadd.s32 $0x380, s28;
	[sflag:s9] =	ssyncadd.s32 $0xFFFFE0C0  }
0x296: {  	[tilespmem:s10], [sflag:$0x4] =	stream.indirect.gather [hbm4b:s7+s21], $0x40, s15, s21, $0xb8;
	[tilespmem:$0x19FF0] =	vst v63  }
0x297: {  	_ =	swait.ge [sflag:s11], $0x1F40  }
0x298: {  	[sflag:s11] =	ssyncset.done $0x0  }
0x299: {  	s15 =	sadd.s32 $0x2A80, s28;
	[sflag:s11] =	ssyncadd.s32 $0xFFFFE0C0  }
0x29a: {  	[spmem:s3] =	stream.indirect.scatter.add.f32 [tilespmem:s25], [sflag:$0x6], $0x40, s15, s21, $0xb8;
	[tilespmem:$0x19FF0] =	vst v63  }
0x29b: {  	_ =	swait.ge [sflag:s22], $0x1F40  }
0x29c: {  	[sflag:s22] =	ssyncset.done $0x0  }
0x29d: {  	s15 =	sadd.s32 $0x400, s28;
	[sflag:s22] =	ssyncadd.s32 $0xFFFFE0C0  }
0x29e: {  	[tilespmem:s20], [sflag:$0x1] =	stream.indirect.gather [hbm4b:s7+s21], $0x40, s15, s21, $0xb8;
	[tilespmem:$0x19FF0] =	vst v63  }
0x29f: {  	_ =	swait.ge [sflag:s26], $0x1F40  }
0x2a0: {  	[sflag:s26] =	ssyncset.done $0x0  }
0x2a1: {  	s15 =	sadd.s32 $0x2B00, s28;
	[sflag:s26] =	ssyncadd.s32 $0xFFFFE0C0  }
0x2a2: {  	[spmem:s3] =	stream.indirect.scatter.add.f32 [tilespmem:s31], [sflag:$0x7], $0x40, s15, s21, $0xb8;
	[tilespmem:$0x19FF0] =	vst v63  }
0x2a3: {  	_ =	swait.ge [sflag:s24], $0x1F40  }
0x2a4: {  	[sflag:s24] =	ssyncset.done $0x0  }
.Ltmp13:
0x2a5: {  	s15 =	sadd.s32 $0x480, s28;
	[sflag:s24] =	ssyncadd.s32 $0xFFFFE0C0;
	(pc) =	sbr.rel @p3 .LBB2_19-.Ltmp13, $4  }
0x2a6: {  	[tilespmem:s25], [sflag:$0x2] =	stream.indirect.gather [hbm4b:s7+s21], $0x40, s15, s21, $0xb8;
	[tilespmem:$0x19FF0] =	vst v63  }
0x2a7: {  	_ =	swait.ge [sflag:s5], $0x1F40  }
0x2a8: {  	[sflag:s5] =	ssyncset.done $0x0  }
0x2a9: {  	s15 =	sadd.s32 $0x2B80, s28;
	[sflag:s5] =	ssyncadd.s32 $0xFFFFE0C0  }
0x2aa: {  	[spmem:s3] =	stream.indirect.scatter.add.f32 [tilespmem:s10], [sflag:$0x8], $0x40, s15, s21, $0xb8;
	[tilespmem:$0x19FF0] =	vst v63  }
0x2ab: {  	_ =	swait.ge [sflag:s23], $0x1F40  }
0x2ac: {  	[sflag:s23] =	ssyncset.done $0x0  }
0x2ad: {  	s14 =	simm.s32 $0x2700;
	[sflag:s23] =	ssyncadd.s32 $0xFFFFE0C0  }
0x2ae: {  	[tilespmem:s31], [sflag:$0x3] =	stream.indirect.gather [hbm4b:s7+s21], $0x40, s14, s21, $0xb8;
	[tilespmem:$0x19FF0] =	vst v63  }
0x2af: {  	_ =	swait.ge [sflag:s0], $0x1F40  }
0x2b0: {  	[sflag:s0] =	ssyncset.done $0x0  }
0x2b1: {  	s15 =	simm.s32 $0x4E00;
	[sflag:s0] =	ssyncadd.s32 $0xFFFFE0C0  }
0x2b2: {  	[spmem:s3] =	stream.indirect.scatter.add.f32 [tilespmem:s20], [sflag:$0x5], $0x40, s15, s21, $0xb8;
	[tilespmem:$0x19FF0] =	vst v63  }
0x2b3: {  	_ =	swait.ge [sflag:s9], $0x1F40  }
0x2b4: {  	[sflag:s9] =	ssyncset.done $0x0  }
0x2b5: {  	s16 =	simm.s32 $0x2780;
	[sflag:s9] =	ssyncadd.s32 $0xFFFFE0C0  }
0x2b6: {  	[tilespmem:s10], [sflag:$0x4] =	stream.indirect.gather [hbm4b:s7+s21], $0x40, s16, s21, $0xb8;
	[tilespmem:$0x19FF0] =	vst v63  }
0x2b7: {  	_ =	swait.ge [sflag:s11], $0x1F40  }
0x2b8: {  	[sflag:s11] =	ssyncset.done $0x0  }
0x2b9: {  	s15 =	simm.s32 $0x4E80;
	[sflag:s11] =	ssyncadd.s32 $0xFFFFE0C0  }
0x2ba: {  	[spmem:s3] =	stream.indirect.scatter.add.f32 [tilespmem:s25], [sflag:$0x6], $0x40, s15, s21, $0xb8;
	[tilespmem:$0x19FF0] =	vst v63  }
0x2bb: {  	_ =	swait.ge [sflag:s26], $0x1F40  }
0x2bc: {  	[sflag:s26] =	ssyncset.done $0x0  }
0x2bd: {  	s16 =	simm.s32 $0x4F00;
	[sflag:s26] =	ssyncadd.s32 $0xFFFFE0C0  }
0x2be: {  	[spmem:s3] =	stream.indirect.scatter.add.f32 [tilespmem:s31], [sflag:$0x7], $0x40, s16, s21, $0xb8;
	[tilespmem:$0x19FF0] =	vst v63  }
0x2bf: {  	_ =	swait.ge [sflag:s5], $0x1F40  }
0x2c0: {  	[sflag:s5] =	ssyncset.done $0x0  }
0x2c1: {  	s15 =	simm.s32 $0x4F80;
	[sflag:s5] =	ssyncadd.s32 $0xFFFFE0C0  }
0x2c2: {  	[spmem:s3] =	stream.indirect.scatter.add.f32 [tilespmem:s10], [sflag:$0x8], $0x40, s15, s21, $0xb8;
	[tilespmem:$0x19FF0] =	vst v63  }
0x2c3: {  	_ =	swait.ge [sflag:s22], $0x1F40  }
0x2c4: {  	[sflag:s22] =	ssyncset.done $0x0  }
0x2c5: {  	[sflag:s22] =	ssyncadd.s32 $0xFFFFE0C0  }
0x2c6: {  	_ =	swait.ge [sflag:s24], $0x1F40  }
0x2c7: {  	[sflag:s24] =	ssyncset.done $0x0  }
0x2c8: {  	[sflag:s24] =	ssyncadd.s32 $0xFFFFE0C0  }
0x2c9: {  	_ =	swait.ge [sflag:s23], $0x1F40  }
0x2ca: {  	[sflag:s23] =	ssyncset.done $0x0  }
0x2cb: {  	[sflag:s23] =	ssyncadd.s32 $0xFFFFE0C0  }
0x2cc: {  	_ =	swait.ge [sflag:s9], $0x1F40  }
0x2cd: {  	[sflag:s9] =	ssyncset.done $0x0  }
0x2ce: {  	[sflag:s9] =	ssyncadd.s32 $0xFFFFE0C0  }
0x2cf: {  	[bflag:$0x0] =	sbarrier.arrive $0xFFFF  }
0x2d0: {  	s16 =	sshll.u32 s29, $0x6;
	s15 =	rddreg [dreg:$0x1e]  }
0x2d1: {  	s28 =	sor.u32 $0x1C0A, s16;
	s16 =	rddreg [dreg:$0x8];
	s29 =	sshrl.u32 s15, $0x3  }
0x2d2: {  	[hbm:s16], [sflag:s28] =	dma.local [spmem:s29], $0x1380  }
0x2d3: {  	_ =	swait.ge [sflag:s18], $0x1380  }
0x2d4: {  	[sflag:s18] =	ssyncset.done $0x0  }
0x2d5: {  	s14 =	rddreg [dreg:$0x9];
	[sflag:s18] =	ssyncadd.s32 $0xFFFFEC80  }
0x2d6: {  	[hbm:s14], [sflag:s28] =	dma.local @!p1 [spmem:s19], $0x80  }
0x2d7: {  	s14 =	simm.s32 @!p1 $0xA  }
0x2d8: {  	_ =	swait.ge @!p1 [sflag:s14], $0x80  }
0x2d9: {  	[sflag:s14] =	ssyncset.done @!p1 $0x0  }
0x2da: {  	[sflag:s14] =	ssyncadd.s32 @!p1 $0xFFFFFF80  }
0x2db: {  	s15 =	simm.s32 $0x100;
	s14 =	simm.s32 $0x0;
	[bflag:$0x0] =	sbarrier.arrive $0xFFFF  }
.LBB2_21:
0x2dc: {  	p3 =	sne.s32 s15, $0x7C00;
	[tilespmem:s14+$0x5030] =	vst v1;
	s16 =	smov.u32 s15;
	s15 =	sadd.s32 $0x100, s15  }
.Ltmp14:
0x2dd: {  	[tilespmem:s14+$0x5020] =	vst v1;
	(pc) =	sbr.rel @p3 .LBB2_21-.Ltmp14, $3  }
0x2de: {  	[tilespmem:s14+$0x5000] =	vst v1  }
0x2df: {  	[tilespmem:s14+$0x5010] =	vst v1;
	_ =	sdelay $0x1  }
0x2e0: {  	s14 =	sshra.s32 s16, $0x2  }
0x2e1: {  	[tilespmem:s14+$0x5030] =	vst v1  }
0x2e2: {  	[tilespmem:s14+$0x5020] =	vst v1  }
0x2e3: {  	[tilespmem:s14+$0x5000] =	vst v1  }
0x2e4: {  	[tilespmem:s14+$0x5010] =	vst v1;
	s16 =	rddreg [dreg:$0x1e]  }
0x2e5: {  	[spmem:s16] =	stream.linear.scatter [tilespmem:s20], [sflag:$0xA], $0x1F40, $0x38;
	[tilespmem:$0x19FF0] =	vst v63  }
0x2e6: {  	_ =	swait.ge [sflag:s18], $0x1F40  }
0x2e7: {  	[sflag:s18] =	ssyncset.done $0x0  }
0x2e8: {  	s15 =	rddreg [dreg:$0x1b];
	[sflag:s18] =	ssyncadd.s32 $0xFFFFE0C0  }
0x2e9: {  	[spmem:s15] =	stream.linear.scatter [tilespmem:s20], [sflag:$0xA], $0x1F40, $0x38;
	[tilespmem:$0x19FF0] =	vst v63  }
0x2ea: {  	_ =	swait.ge [sflag:s18], $0x1F40  }
0x2eb: {  	[sflag:s18] =	ssyncset.done $0x0  }
0x2ec: {  	s16 =	rddreg [dreg:$0x1c];
	[sflag:s18] =	ssyncadd.s32 $0xFFFFE0C0  }
0x2ed: {  	[spmem:s16] =	stream.linear.scatter [tilespmem:s20], [sflag:$0xA], $0x1F40, $0x38;
	[tilespmem:$0x19FF0] =	vst v63  }
0x2ee: {  	_ =	swait.ge [sflag:s18], $0x1F40  }
0x2ef: {  	[sflag:s18] =	ssyncset.done $0x0  }
0x2f0: {  	s15 =	rddreg [dreg:$0x1d];
	[sflag:s18] =	ssyncadd.s32 $0xFFFFE0C0  }
0x2f1: {  	[spmem:s15] =	stream.linear.scatter [tilespmem:s20], [sflag:$0xA], $0x1F40, $0x38;
	[tilespmem:$0x19FF0] =	vst v63  }
0x2f2: {  	_ =	swait.ge [sflag:s18], $0x1F40  }
0x2f3: {  	[sflag:s18] =	ssyncset.done $0x0  }
0x2f4: {  	s16 =	rddreg [dreg:$0x17];
	[sflag:s18] =	ssyncadd.s32 $0xFFFFE0C0  }
0x2f5: {  	[spmem:s16] =	stream.linear.scatter [tilespmem:s20], [sflag:$0xA], $0x1F00, $0x38;
	[tilespmem:$0x19FF0] =	vst v63  }
0x2f6: {  	_ =	swait.ge [sflag:s18], $0x1F00  }
0x2f7: {  	[sflag:s18] =	ssyncset.done $0x0  }
0x2f8: {  	s14 =	simm.s32 @!p1 $0x5000;
	[sflag:s18] =	ssyncadd.s32 $0xFFFFE100  }
0x2f9: {  	[spmem:s30] =	stream.linear.scatter @!p1 [tilespmem:s14], [sflag:$0xA], $0x400, $0x38;
	[tilespmem:$0x19FF0] =	vst v63  }
0x2fa: {  	s14 =	simm.s32 @!p1 $0xA  }
0x2fb: {  	_ =	swait.ge @!p1 [sflag:s14], $0x400  }
0x2fc: {  	[sflag:s14] =	ssyncset.done @!p1 $0x0  }
0x2fd: {  	[sflag:s14] =	ssyncadd.s32 @!p1 $0xFFFFFC00  }
0x2fe: {  	s15 =	simm.s32 $0x0;
	[bflag:$0x0] =	sbarrier.arrive $0xFFFF  }
0x2ff: {  	[tilespmem:s20], [sflag:$0x1] =	stream.indirect.gather [hbm4b:s8+s21], $0x40, s15, s21, $0xb8;
	[tilespmem:$0x19FF0] =	vst v63  }
0x300: {  	s16 =	simm.s32 $0x80  }
0x301: {  	[tilespmem:s25], [sflag:$0x2] =	stream.indirect.gather [hbm4b:s8+s21], $0x40, s16, s21, $0xb8;
	[tilespmem:$0x19FF0] =	vst v63  }
0x302: {  	s15 =	simm.s32 $0x100  }
0x303: {  	[tilespmem:s31], [sflag:$0x3] =	stream.indirect.gather [hbm4b:s8+s21], $0x40, s15, s21, $0xb8;
	[tilespmem:$0x19FF0] =	vst v63  }
0x304: {  	_ =	swait.ge [sflag:s0], $0x1F40  }
0x305: {  	[sflag:s0] =	ssyncset.done $0x0  }
0x306: {  	[sflag:s0] =	ssyncadd.s32 $0xFFFFE0C0  }
0x307: {  	[spmem:s3] =	stream.indirect.scatter.add.f32 [tilespmem:s20], [sflag:$0x5], $0x40, s12, s21, $0xb8;
	[tilespmem:$0x19FF0] =	vst v63  }
0x308: {  	s16 =	simm.s32 $0x180  }
0x309: {  	[tilespmem:s10], [sflag:$0x4] =	stream.indirect.gather [hbm4b:s8+s21], $0x40, s16, s21, $0xb8;
	[tilespmem:$0x19FF0] =	vst v63  }
0x30a: {  	_ =	swait.ge [sflag:s11], $0x1F40  }
0x30b: {  	[sflag:s11] =	ssyncset.done $0x0  }
0x30c: {  	s15 =	simm.s32 $0x2880;
	[sflag:s11] =	ssyncadd.s32 $0xFFFFE0C0  }
0x30d: {  	[spmem:s3] =	stream.indirect.scatter.add.f32 [tilespmem:s25], [sflag:$0x6], $0x40, s15, s21, $0xb8;
	[tilespmem:$0x19FF0] =	vst v63  }
0x30e: {  	_ =	swait.ge [sflag:s22], $0x1F40  }
0x30f: {  	[sflag:s22] =	ssyncset.done $0x0  }
0x310: {  	s16 =	simm.s32 $0x200;
	[sflag:s22] =	ssyncadd.s32 $0xFFFFE0C0  }
0x311: {  	[tilespmem:s20], [sflag:$0x1] =	stream.indirect.gather [hbm4b:s8+s21], $0x40, s16, s21, $0xb8;
	[tilespmem:$0x19FF0] =	vst v63  }
0x312: {  	_ =	swait.ge [sflag:s26], $0x1F40  }
0x313: {  	[sflag:s26] =	ssyncset.done $0x0  }
0x314: {  	s15 =	simm.s32 $0x2900;
	[sflag:s26] =	ssyncadd.s32 $0xFFFFE0C0  }
0x315: {  	[spmem:s3] =	stream.indirect.scatter.add.f32 [tilespmem:s31], [sflag:$0x7], $0x40, s15, s21, $0xb8;
	[tilespmem:$0x19FF0] =	vst v63  }
0x316: {  	_ =	swait.ge [sflag:s24], $0x1F40  }
0x317: {  	[sflag:s24] =	ssyncset.done $0x0  }
0x318: {  	s16 =	simm.s32 $0x280;
	[sflag:s24] =	ssyncadd.s32 $0xFFFFE0C0  }
0x319: {  	[tilespmem:s25], [sflag:$0x2] =	stream.indirect.gather [hbm4b:s8+s21], $0x40, s16, s21, $0xb8;
	[tilespmem:$0x19FF0] =	vst v63  }
0x31a: {  	_ =	swait.ge [sflag:s5], $0x1F40  }
0x31b: {  	[sflag:s5] =	ssyncset.done $0x0  }
0x31c: {  	s15 =	simm.s32 $0x2980;
	[sflag:s5] =	ssyncadd.s32 $0xFFFFE0C0  }
0x31d: {  	[spmem:s3] =	stream.indirect.scatter.add.f32 [tilespmem:s10], [sflag:$0x8], $0x40, s15, s21, $0xb8;
	[tilespmem:$0x19FF0] =	vst v63  }
0x31e: {  	_ =	swait.ge [sflag:s23], $0x1F40  }
0x31f: {  	[sflag:s23] =	ssyncset.done $0x0  }
0x320: {  	s16 =	simm.s32 $0x300;
	[sflag:s23] =	ssyncadd.s32 $0xFFFFE0C0  }
0x321: {  	[tilespmem:s31], [sflag:$0x3] =	stream.indirect.gather [hbm4b:s8+s21], $0x40, s16, s21, $0xb8;
	[tilespmem:$0x19FF0] =	vst v63  }
0x322: {  	_ =	swait.ge [sflag:s0], $0x1F40  }
0x323: {  	[sflag:s0] =	ssyncset.done $0x0  }
0x324: {  	s15 =	simm.s32 $0x2A00;
	[sflag:s0] =	ssyncadd.s32 $0xFFFFE0C0  }
0x325: {  	[spmem:s3] =	stream.indirect.scatter.add.f32 [tilespmem:s20], [sflag:$0x5], $0x40, s15, s21, $0xb8;
	[tilespmem:$0x19FF0] =	vst v63  }
0x326: {  	_ =	swait.ge [sflag:s9], $0x1F40  }
0x327: {  	[sflag:s9] =	ssyncset.done $0x0  }
0x328: {  	s16 =	simm.s32 $0x380;
	[sflag:s9] =	ssyncadd.s32 $0xFFFFE0C0  }
0x329: {  	[tilespmem:s10], [sflag:$0x4] =	stream.indirect.gather [hbm4b:s8+s21], $0x40, s16, s21, $0xb8;
	[tilespmem:$0x19FF0] =	vst v63  }
0x32a: {  	_ =	swait.ge [sflag:s11], $0x1F40  }
0x32b: {  	[sflag:s11] =	ssyncset.done $0x0  }
0x32c: {  	s15 =	simm.s32 $0x2A80;
	[sflag:s11] =	ssyncadd.s32 $0xFFFFE0C0  }
0x32d: {  	[spmem:s3] =	stream.indirect.scatter.add.f32 [tilespmem:s25], [sflag:$0x6], $0x40, s15, s21, $0xb8;
	[tilespmem:$0x19FF0] =	vst v63  }
0x32e: {  	_ =	swait.ge [sflag:s22], $0x1F40  }
0x32f: {  	[sflag:s22] =	ssyncset.done $0x0  }
0x330: {  	s16 =	simm.s32 $0x400;
	[sflag:s22] =	ssyncadd.s32 $0xFFFFE0C0  }
0x331: {  	[tilespmem:s20], [sflag:$0x1] =	stream.indirect.gather [hbm4b:s8+s21], $0x40, s16, s21, $0xb8;
	[tilespmem:$0x19FF0] =	vst v63  }
0x332: {  	_ =	swait.ge [sflag:s26], $0x1F40  }
0x333: {  	[sflag:s26] =	ssyncset.done $0x0  }
0x334: {  	s15 =	simm.s32 $0x2B00;
	[sflag:s26] =	ssyncadd.s32 $0xFFFFE0C0  }
0x335: {  	[spmem:s3] =	stream.indirect.scatter.add.f32 [tilespmem:s31], [sflag:$0x7], $0x40, s15, s21, $0xb8;
	[tilespmem:$0x19FF0] =	vst v63  }
0x336: {  	_ =	swait.ge [sflag:s24], $0x1F40  }
0x337: {  	[sflag:s24] =	ssyncset.done $0x0  }
0x338: {  	s16 =	simm.s32 $0x480;
	[sflag:s24] =	ssyncadd.s32 $0xFFFFE0C0  }
0x339: {  	[tilespmem:s25], [sflag:$0x2] =	stream.indirect.gather [hbm4b:s8+s21], $0x40, s16, s21, $0xb8;
	[tilespmem:$0x19FF0] =	vst v63  }
0x33a: {  	_ =	swait.ge [sflag:s5], $0x1F40  }
0x33b: {  	[sflag:s5] =	ssyncset.done $0x0  }
0x33c: {  	s14 =	simm.s32 $0x800;
	s15 =	simm.s32 $0x2B80;
	[sflag:s5] =	ssyncadd.s32 $0xFFFFE0C0  }
.LBB2_23:
0x33d: {  	[spmem:s3] =	stream.indirect.scatter.add.f32 [tilespmem:s10], [sflag:$0x8], $0x40, s15, s21, $0xb8;
	[tilespmem:$0x19FF0] =	vst v63  }
0x33e: {  	s15 =	smov.u32 s14  }
0x33f: {  	p3 =	sne.s32 s14, $0x8800;
	s14 =	sadd.s32 $0x800, s14;
	_ =	swait.ge [sflag:s23], $0x1F40  }
0x340: {  	s15 =	sshra.s32 s15, $0x2;
	[sflag:s23] =	ssyncset.done $0x0  }
0x341: {  	s16 =	sadd.s32 $0x300, s15;
	[sflag:s23] =	ssyncadd.s32 $0xFFFFE0C0  }
0x342: {  	[tilespmem:s31], [sflag:$0x3] =	stream.indirect.gather [hbm4b:s8+s21], $0x40, s16, s21, $0xb8;
	[tilespmem:$0x19FF0] =	vst v63  }
0x343: {  	_ =	swait.ge [sflag:s0], $0x1F40  }
0x344: {  	[sflag:s0] =	ssyncset.done $0x0  }
0x345: {  	s16 =	sadd.s32 $0x2A00, s15;
	[sflag:s0] =	ssyncadd.s32 $0xFFFFE0C0  }
0x346: {  	[spmem:s3] =	stream.indirect.scatter.add.f32 [tilespmem:s20], [sflag:$0x5], $0x40, s16, s21, $0xb8;
	[tilespmem:$0x19FF0] =	vst v63  }
0x347: {  	_ =	swait.ge [sflag:s9], $0x1F40  }
0x348: {  	[sflag:s9] =	ssyncset.done $0x0  }
0x349: {  	s16 =	sadd.s32 $0x380, s15;
	[sflag:s9] =	ssyncadd.s32 $0xFFFFE0C0  }
0x34a: {  	[tilespmem:s10], [sflag:$0x4] =	stream.indirect.gather [hbm4b:s8+s21], $0x40, s16, s21, $0xb8;
	[tilespmem:$0x19FF0] =	vst v63  }
0x34b: {  	_ =	swait.ge [sflag:s11], $0x1F40  }
0x34c: {  	[sflag:s11] =	ssyncset.done $0x0  }
0x34d: {  	s16 =	sadd.s32 $0x2A80, s15;
	[sflag:s11] =	ssyncadd.s32 $0xFFFFE0C0  }
0x34e: {  	[spmem:s3] =	stream.indirect.scatter.add.f32 [tilespmem:s25], [sflag:$0x6], $0x40, s16, s21, $0xb8;
	[tilespmem:$0x19FF0] =	vst v63  }
0x34f: {  	_ =	swait.ge [sflag:s22], $0x1F40  }
0x350: {  	[sflag:s22] =	ssyncset.done $0x0  }
0x351: {  	s16 =	sadd.s32 $0x400, s15;
	[sflag:s22] =	ssyncadd.s32 $0xFFFFE0C0  }
0x352: {  	[tilespmem:s20], [sflag:$0x1] =	stream.indirect.gather [hbm4b:s8+s21], $0x40, s16, s21, $0xb8;
	[tilespmem:$0x19FF0] =	vst v63  }
0x353: {  	_ =	swait.ge [sflag:s26], $0x1F40  }
0x354: {  	[sflag:s26] =	ssyncset.done $0x0  }
0x355: {  	s16 =	sadd.s32 $0x2B00, s15;
	[sflag:s26] =	ssyncadd.s32 $0xFFFFE0C0  }
0x356: {  	[spmem:s3] =	stream.indirect.scatter.add.f32 [tilespmem:s31], [sflag:$0x7], $0x40, s16, s21, $0xb8;
	[tilespmem:$0x19FF0] =	vst v63  }
0x357: {  	_ =	swait.ge [sflag:s24], $0x1F40  }
0x358: {  	[sflag:s24] =	ssyncset.done $0x0  }
.Ltmp15:
0x359: {  	s16 =	sadd.s32 $0x480, s15;
	[sflag:s24] =	ssyncadd.s32 $0xFFFFE0C0;
	(pc) =	sbr.rel @p3 .LBB2_23-.Ltmp15, $4  }
0x35a: {  	[tilespmem:s25], [sflag:$0x2] =	stream.indirect.gather [hbm4b:s8+s21], $0x40, s16, s21, $0xb8;
	[tilespmem:$0x19FF0] =	vst v63  }
0x35b: {  	_ =	swait.ge [sflag:s5], $0x1F40  }
0x35c: {  	[sflag:s5] =	ssyncset.done $0x0  }
0x35d: {  	s15 =	sadd.s32 $0x2B80, s15;
	[sflag:s5] =	ssyncadd.s32 $0xFFFFE0C0  }
.Ltmp16:
0x35e: {  	_ = 	snop;
	(pc) =	sbr.rel .LBB2_24-.Ltmp16, $1  }
0x35f: {  	_ =	sdelay $0x3  }
.LBB2_26:
0x360: {  	_ =	sfence.sel $0x180000  }
0x361: {  	[bflag:$0x0] =	sbarrier.arrive $0xFFFF  }
0x362: {  	_ =	strace $0x90000047  }
0x363: {  	[bflag:$0x2] =	sbarrier.arrive $0xFFFF  }
0x364: {  	s0 =	rddreg [dreg:$0x4]  }
0x365: {  	s0 =	sadd.s32 @!p1 $0x100000, s0  }
0x366: {  	[sflag:s0] =	ssyncadd.tile.s32 @!p1 $0x1;
	_ =	shalt  }
.Lfunc_end2:
_tile_overlayer_lowered:
.L_overlay_start_2:
0x367: {  	(tag) =	ssettag $0x2  }
0x368: {  	s0 =	rddreg [dreg:$0x0];
	s2 =	stileid.u32  }
0x369: {  	s1 =	rddreg [dreg:$0x1];
	p0 =	sne.s32 s2, $0x0  }
0x36a: {  	s3 =	rddreg [dreg:$0x2];
	[bflag:$0x3] =	sbarrier.arrive $0xFFFF;
	s2 =	simm.s32 @!p0 $0x1C0A  }
0x36b: {  	[timem:s3], [sflag:s2] =	dma.local @!p0 [hbm:s0], s1  }
0x36c: {  	s0 =	simm.s32 @!p0 $0xA  }
0x36d: {  	_ =	swait.ge @!p0 [sflag:s0], s1  }
0x36e: {  	s1 =	ssub.s32 @!p0 $0x0, s1;
	[sflag:s0] =	ssyncset.done @!p0 $0x0  }
0x36f: {  	[sflag:s0] =	ssyncadd.s32 @!p0 s1  }
0x370: {  	[bflag:$0x3] =	sbarrier.arrive $0xFFFF  }
0x371: {  	_ =	shalt  }

</sc_bundles>
